<compile_context>
chip_gen: v7x
topology: tpu7x:2x2x1
jax: 0.10.2.dev20260603
libtpu: 0.0.44.dev20260713+nightly
codegen_flags: <defaults>
</compile_context>

<pallas_src>
import functools

import jax
import jax.numpy as jnp
from jax import lax
from jax.experimental import pallas as pl
from jax.experimental.pallas import tpu as pltpu
from jax.experimental.pallas import tpu_sc as plsc

N = 10000
E = 320000
D_IN = 128
D_OUT = 32
NC = 2
NS = 16
NW = NC * NS
EPT = E // NW
CH = 80
NCH = EPT // CH
RING = 5
NOUT = NCH // RING
SPAD = 10240


def _proj_body(hs_ref, hd_ref, wfc_ref, wa_ref, ps_ref, pd_ref, as_ref, ad_ref):
    wfc_t = wfc_ref[...].T
    ps = jnp.dot(hs_ref[...], wfc_t, preferred_element_type=jnp.float32)
    pd = jnp.dot(hd_ref[...], wfc_t, preferred_element_type=jnp.float32)
    ps_ref[...] = ps
    pd_ref[...] = pd
    wa_t = wa_ref[...].T
    as_ref[...] = jnp.dot(ps, wa_t, preferred_element_type=jnp.float32)
    ad_ref[...] = jnp.dot(pd, wa_t, preferred_element_type=jnp.float32)


_proj = pl.pallas_call(
    _proj_body,
    out_shape=(
        jax.ShapeDtypeStruct((N, D_OUT), jnp.float32),
        jax.ShapeDtypeStruct((N, D_OUT), jnp.float32),
        jax.ShapeDtypeStruct((N, 1), jnp.float32),
        jax.ShapeDtypeStruct((N, 1), jnp.float32),
    ),
)


def _edge_body(src_hbm, dst_hbm, psrc_hbm, asrc_hbm, adst_hbm,
               acc_out, s_out,
               a_s, a_d, s_loc, src_l, dst_l,
               r0, r1, r2, r3, r4, q0, q1, q2, q3, q4,
               d0, d1, d2, d3, d4,
               sg0, sg1, sg2, sg3, sg4, ss0, ss1, ss2, ss3, ss4,
               acc_sh):
    rows = (r0, r1, r2, r3, r4)
    rows2 = (q0, q1, q2, q3, q4)
    dis = (d0, d1, d2, d3, d4)
    sg = (sg0, sg1, sg2, sg3, sg4)
    ss = (ss0, ss1, ss2, ss3, ss4)
    cid = lax.axis_index("c")
    sid = lax.axis_index("s")
    wid = sid * NC + cid

    pltpu.sync_copy(asrc_hbm, a_s)
    pltpu.sync_copy(adst_hbm, a_d)
    pltpu.sync_copy(src_hbm.at[wid], src_l)
    pltpu.sync_copy(dst_hbm.at[wid], dst_l)

    zero16 = jnp.zeros((16,), jnp.float32)

    def _zs(i, carry):
        s_loc[pl.ds(i * 16, 16)] = zero16
        return carry

    lax.fori_loop(0, N // 16, _zs, 0)

    def _zr(i, carry):
        r0[i, pl.ds(0, 16)] = zero16
        r0[i, pl.ds(16, 16)] = zero16
        return carry

    lax.fori_loop(0, CH, _zr, 0)

    @pl.when(sid == 0)
    def _zero0():
        for j in range(8):
            pltpu.sync_copy(r0.at[pl.ds(0, CH)],
                            acc_sh.at[pl.ds(j * CH, CH)])

    @pl.when(sid != 0)
    def _zeros():
        off = pl.multiple_of(16 + 624 * sid, 8)
        for j in range(7):
            pltpu.sync_copy(r0.at[pl.ds(0, CH)],
                            acc_sh.at[pl.ds(pl.multiple_of(off + j * CH, 8),
                                            CH)])
        pltpu.sync_copy(r0.at[pl.ds(0, 64)],
                        acc_sh.at[pl.ds(pl.multiple_of(off + 560, 8), 64)])

    plsc.subcore_barrier()

    lane = lax.iota(jnp.int32, 16)

    def _gfire(c, b):
        pltpu.async_copy(psrc_hbm.at[src_l.at[c]], rows[b], sg[b])

    def _gwait(b):
        pltpu.make_async_copy(psrc_hbm.at[pl.ds(0, CH)], rows[b],
                              sg[b]).wait()

    def _sfire(b):
        pltpu.async_copy(rows2[b], acc_sh.at[dis[b]], ss[b], add=True)

    def _swait(b):
        pltpu.make_async_copy(rows2[b], acc_sh.at[pl.ds(0, CH)],
                              ss[b]).wait()

    _gfire(0, 0)
    _gfire(1, 1)
    _gfire(2, 2)

    def _outer(G, carry):
        for b in range(RING):
            c = G * RING + b
            _gwait(b)
            b2 = (b + 3) % RING
            cn = c + 3

            @pl.when(jnp.logical_and(cn >= RING, cn < NCH))
            def _steady():
                _swait(b2)
                _gfire(cn, b2)

            @pl.when(cn < RING)
            def _warmup():
                _gfire(cn, b2)

            ws = []
            for g in range(CH // 16):
                s16 = src_l[c, pl.ds(g * 16, 16)]
                d16 = dst_l[c, pl.ds(g * 16, 16)]
                dis[b][pl.ds(g * 16, 16)] = d16
                x = plsc.load_gather(a_d, [d16]) - plsc.load_gather(a_s, [s16])
                t = 1.0 - 2.0 / (jnp.exp(2.0 * x) + 1.0)
                w = jnp.exp(t)
                plsc.addupdate_scatter(s_loc, [d16], w)
                ws.append(w)
            kvs = [lane + g * 16 for g in range(CH // 16)]
            rb = rows[b]
            qb = rows2[b]

            @plsc.parallel_loop(0, D_OUT, 1, unroll=4)
            def _scale(col):
                cvec = jnp.full((16,), col, jnp.int32)
                for g in range(CH // 16):
                    v = plsc.load_gather(rb, [kvs[g], cvec])
                    plsc.store_scatter(qb, [kvs[g], cvec], v * ws[g])

            _sfire(b)

        return carry

    lax.fori_loop(0, NOUT, _outer, 0)
    for b in range(RING):
        _swait(b)

    plsc.subcore_barrier()
    pltpu.sync_copy(s_loc, s_out.at[pl.ds(pl.multiple_of(wid * SPAD, 8), N)])

    @pl.when(sid == 0)
    def _drain0():
        pltpu.sync_copy(acc_sh.at[pl.ds(0, 640)],
                        acc_out.at[cid, pl.ds(0, 640)])

    @pl.when(sid != 0)
    def _drains():
        off = pl.multiple_of(16 + 624 * sid, 8)
        pltpu.sync_copy(acc_sh.at[pl.ds(off, 624)],
                        acc_out.at[cid, pl.ds(off, 624)])


_edge = functools.partial(
    pl.kernel,
    out_type=(
        jax.ShapeDtypeStruct((NC, N, D_OUT), jnp.float32),
        jax.ShapeDtypeStruct((NW * SPAD,), jnp.float32),
    ),
    mesh=plsc.VectorSubcoreMesh(core_axis_name="c", subcore_axis_name="s",
                                num_cores=NC, num_subcores=NS),
    scratch_types=(
        [
            pltpu.VMEM((N,), jnp.float32),
            pltpu.VMEM((N,), jnp.float32),
            pltpu.VMEM((N,), jnp.float32),
            pltpu.VMEM((NCH, CH), jnp.int32),
            pltpu.VMEM((NCH, CH), jnp.int32),
        ]
        + [pltpu.VMEM((CH, D_OUT), jnp.float32) for _ in range(2 * RING)]
        + [pltpu.VMEM((CH,), jnp.int32) for _ in range(RING)]
        + [pltpu.SemaphoreType.DMA for _ in range(2 * RING)]
        + [pltpu.VMEM_SHARED((N, D_OUT), jnp.float32)]
    ),
    compiler_params=pltpu.CompilerParams(needs_layout_passes=False,
                                         use_tc_tiling_on_sc=False),
)(_edge_body)


def _combine_body(acc_ref, sp_ref, pd_ref, out_ref):
    v = acc_ref[0] + acc_ref[1]
    s = jnp.sum(sp_ref[...][:, :N], axis=0)[:, None]
    h = pd_ref[...] - v / s
    h = jnp.where(s > 0.0, h, 0.0)
    out_ref[...] = jnp.where(h > 0.0, h, jnp.exp(jnp.minimum(h, 0.0)) - 1.0)


_combine = pl.pallas_call(
    _combine_body,
    out_shape=jax.ShapeDtypeStruct((N, D_OUT), jnp.float32),
)


def kernel(h_src, h_dst, edge_index, W_fc, W_attn):
    p_src, p_dst, a_src, a_dst = _proj(h_src, h_dst, W_fc, W_attn)
    src = edge_index[0].reshape(NW, NCH, CH)
    dst = edge_index[1].reshape(NW, NCH, CH)
    acc, s_parts = _edge(src, dst, p_src,
                         a_src.reshape(N), a_dst.reshape(N))
    return _combine(acc, s_parts.reshape(NW, SPAD), p_dst)

# --- scband reference (transcript-rebuilt; emitter-appended) ---
"""Pipeline reference for scband-diff-attention-6914897347196 (READ-ONLY COPY).

The authoritative reference and input builder live on the scoring server;
editing this copy changes nothing except your own understanding.
"""

import jax, jax.numpy as jnp
import numpy as np

N = 10000
E = 320000
D_IN = 128
D_OUT = 32


def setup_inputs(seed: int = 0) -> dict:
    key = jax.random.key(seed)
    k1, k2, k3, k4, k5 = jax.random.split(key, 5)
    h_src = jax.random.normal(k1, (N, D_IN), dtype=jnp.float32)
    h_dst = jax.random.normal(k2, (N, D_IN), dtype=jnp.float32)
    edge_index = jax.random.randint(k3, (2, E), 0, N, dtype=jnp.int32)
    # xavier_uniform with gain=1.414, torch Linear weight layout [out, in]
    gain = 1.414
    limit_fc = gain * np.sqrt(6.0 / (D_IN + D_OUT))
    W_fc = jax.random.uniform(k4, (D_OUT, D_IN), minval=-limit_fc, maxval=limit_fc, dtype=jnp.float32)
    limit_a = gain * np.sqrt(6.0 / (D_OUT + 1))
    W_attn = jax.random.uniform(k5, (1, D_OUT), minval=-limit_a, maxval=limit_a, dtype=jnp.float32)
    return {"h_src": h_src, "h_dst": h_dst, "edge_index": edge_index, "W_fc": W_fc, "W_attn": W_attn}


def reference(h_src, h_dst, edge_index, W_fc, W_attn):
    # DGL DiffAttention forward (dropout p=0 -> identity):
    # per-edge: diff = h_dst[v] - h_src[u]; diff = fc(diff); e = tanh(attn_fc(diff))
    # per-dst-node: alpha = softmax(e over incoming edges); h_diff = sum(alpha * diff); out = elu(h_diff)
    src = edge_index[0]
    dst = edge_index[1]
    n = h_dst.shape[0]
    diff = h_dst[dst] - h_src[src]              # gather: [E, D_IN]
    diff = diff @ W_fc.T                         # [E, D_OUT]
    e = jnp.tanh(diff @ W_attn.T)[:, 0]          # [E]
    # segment softmax over incoming edges of each dst node
    e_max = jax.lax.stop_gradient(jax.ops.segment_max(e, dst, num_segments=n))
    e_exp = jnp.exp(e - e_max[dst])
    denom = jax.ops.segment_sum(e_exp, dst, num_segments=n)
    alpha = e_exp / denom[dst]
    h_diff = jax.ops.segment_sum(alpha[:, None] * diff, dst, num_segments=n)  # scatter-add: [N, D_OUT]
    return jax.nn.elu(h_diff)

if __name__ == "__main__":
    import jax
    _d = setup_inputs()
    print(jax.jit(kernel)(*tuple(_d.values())))

</pallas_src>

<mosaic_0001>
#map = affine_map<(d0, d1) -> (0, 0, 0)>
#map1 = affine_map<(d0, d1) -> (0, 0)>
#map2 = affine_map<(d0, d1) -> (0)>
module attributes {stable_mosaic.version = 14 : i64} {
  func.func @_edge_body(%arg0: i32, %arg1: i32, %arg2: memref<32x125x80xi32, #tpu.memory_space<hbm>>, %arg3: memref<32x125x80xi32, #tpu.memory_space<hbm>>, %arg4: memref<10000x32xf32, #tpu.memory_space<hbm>>, %arg5: memref<10000xf32, #tpu.memory_space<hbm>>, %arg6: memref<10000xf32, #tpu.memory_space<hbm>>, %arg7: memref<2x10000x32xf32, #tpu.memory_space<hbm>>, %arg8: memref<327680xf32, #tpu.memory_space<hbm>>, %arg9: memref<10000xf32, #tpu.memory_space<vmem>>, %arg10: memref<10000xf32, #tpu.memory_space<vmem>>, %arg11: memref<10000xf32, #tpu.memory_space<vmem>>, %arg12: memref<125x80xi32, #tpu.memory_space<vmem>>, %arg13: memref<125x80xi32, #tpu.memory_space<vmem>>, %arg14: memref<80x32xf32, #tpu.memory_space<vmem>>, %arg15: memref<80x32xf32, #tpu.memory_space<vmem>>, %arg16: memref<80x32xf32, #tpu.memory_space<vmem>>, %arg17: memref<80x32xf32, #tpu.memory_space<vmem>>, %arg18: memref<80x32xf32, #tpu.memory_space<vmem>>, %arg19: memref<80x32xf32, #tpu.memory_space<vmem>>, %arg20: memref<80x32xf32, #tpu.memory_space<vmem>>, %arg21: memref<80x32xf32, #tpu.memory_space<vmem>>, %arg22: memref<80x32xf32, #tpu.memory_space<vmem>>, %arg23: memref<80x32xf32, #tpu.memory_space<vmem>>, %arg24: memref<80xi32, #tpu.memory_space<vmem>>, %arg25: memref<80xi32, #tpu.memory_space<vmem>>, %arg26: memref<80xi32, #tpu.memory_space<vmem>>, %arg27: memref<80xi32, #tpu.memory_space<vmem>>, %arg28: memref<80xi32, #tpu.memory_space<vmem>>, %arg29: memref<!tpu.dma_semaphore, #tpu.memory_space<semaphore_mem>>, %arg30: memref<!tpu.dma_semaphore, #tpu.memory_space<semaphore_mem>>, %arg31: memref<!tpu.dma_semaphore, #tpu.memory_space<semaphore_mem>>, %arg32: memref<!tpu.dma_semaphore, #tpu.memory_space<semaphore_mem>>, %arg33: memref<!tpu.dma_semaphore, #tpu.memory_space<semaphore_mem>>, %arg34: memref<!tpu.dma_semaphore, #tpu.memory_space<semaphore_mem>>, %arg35: memref<!tpu.dma_semaphore, #tpu.memory_space<semaphore_mem>>, %arg36: memref<!tpu.dma_semaphore, #tpu.memory_space<semaphore_mem>>, %arg37: memref<!tpu.dma_semaphore, #tpu.memory_space<semaphore_mem>>, %arg38: memref<!tpu.dma_semaphore, #tpu.memory_space<semaphore_mem>>, %arg39: memref<10000x32xf32, #tpu.memory_space<vmem_shared>>) attributes {dimension_semantics = [#tpu.dimension_semantics<core_parallel>, #tpu.dimension_semantics<subcore_parallel>], iteration_bounds = array<i64: 2, 16>, scalar_prefetch = 0 : i64, scratch_operands = 31 : i64, tpu.core_type = #tpu.core_type<sc_vector_subcore>, window_params = [{transform_indices = #map}, {transform_indices = #map}, {transform_indices = #map1}, {transform_indices = #map2}, {transform_indices = #map2}, {transform_indices = #map}, {transform_indices = #map2}]} {
    %mul3A = arith.constant 2 : i32
    %mul3A_0 = arith.muli %arg1, %mul3A : i32
    %add3A = arith.addi %mul3A_0, %arg0 : i32
    "tpu.region"() ({
      %run_scoped3A = tpu.sem_alloc : memref<!tpu.dma_semaphore, #tpu.memory_space<semaphore_mem>>
      tpu.enqueue_dma source(%arg5 : memref<10000xf32, #tpu.memory_space<hbm>>) target(%arg9 : memref<10000xf32, #tpu.memory_space<vmem>>) target_semaphore(%run_scoped3A : memref<!tpu.dma_semaphore, #tpu.memory_space<semaphore_mem>>)
      tpu.wait_dma2 semaphore(%run_scoped3A : memref<!tpu.dma_semaphore, #tpu.memory_space<semaphore_mem>>) src(%arg5 : memref<10000xf32, #tpu.memory_space<hbm>>) dst(%arg9 : memref<10000xf32, #tpu.memory_space<vmem>>)
      tpu.yield
    }) : () -> ()
    "tpu.region"() ({
      %run_scoped3A = tpu.sem_alloc : memref<!tpu.dma_semaphore, #tpu.memory_space<semaphore_mem>>
      tpu.enqueue_dma source(%arg6 : memref<10000xf32, #tpu.memory_space<hbm>>) target(%arg10 : memref<10000xf32, #tpu.memory_space<vmem>>) target_semaphore(%run_scoped3A : memref<!tpu.dma_semaphore, #tpu.memory_space<semaphore_mem>>)
      tpu.wait_dma2 semaphore(%run_scoped3A : memref<!tpu.dma_semaphore, #tpu.memory_space<semaphore_mem>>) src(%arg6 : memref<10000xf32, #tpu.memory_space<hbm>>) dst(%arg10 : memref<10000xf32, #tpu.memory_space<vmem>>)
      tpu.yield
    }) : () -> ()
    "tpu.region"() ({
      %run_scoped3A = tpu.sem_alloc : memref<!tpu.dma_semaphore, #tpu.memory_space<semaphore_mem>>
      %dma_start3A_87 = arith.constant 0 : i32
      %dma_start3A_88 = arith.constant 0 : i32
      %dma_start3A_89 = tpu.memref_slice %arg2[%add3A, %dma_start3A_87, %dma_start3A_88] : memref<32x125x80xi32, #tpu.memory_space<hbm>> -> memref<1x125x80xi32, #tpu.memory_space<hbm>>
      %dma_start3A_90 = tpu.memref_squeeze %dma_start3A_89 : memref<1x125x80xi32, #tpu.memory_space<hbm>> -> memref<125x80xi32, #tpu.memory_space<hbm>>
      %dma_start3A_91 = arith.constant 0 : i32
      %dma_start3A_92 = arith.constant 0 : i32
      %dma_start3A_93 = tpu.memref_slice %arg2[%add3A, %dma_start3A_91, %dma_start3A_92] : memref<32x125x80xi32, #tpu.memory_space<hbm>> -> memref<1x125x80xi32, #tpu.memory_space<hbm>>
      %dma_start3A_94 = tpu.memref_squeeze %dma_start3A_93 : memref<1x125x80xi32, #tpu.memory_space<hbm>> -> memref<125x80xi32, #tpu.memory_space<hbm>>
      tpu.enqueue_dma source(%dma_start3A_94 : memref<125x80xi32, #tpu.memory_space<hbm>>) target(%arg12 : memref<125x80xi32, #tpu.memory_space<vmem>>) target_semaphore(%run_scoped3A : memref<!tpu.dma_semaphore, #tpu.memory_space<semaphore_mem>>)
      %dma_wait3A_95 = arith.constant 0 : i32
      %dma_wait3A_96 = arith.constant 0 : i32
      %dma_wait3A_97 = tpu.memref_slice %arg2[%add3A, %dma_wait3A_95, %dma_wait3A_96] : memref<32x125x80xi32, #tpu.memory_space<hbm>> -> memref<1x125x80xi32, #tpu.memory_space<hbm>>
      %dma_wait3A_98 = tpu.memref_squeeze %dma_wait3A_97 : memref<1x125x80xi32, #tpu.memory_space<hbm>> -> memref<125x80xi32, #tpu.memory_space<hbm>>
      %dma_wait3A_99 = arith.constant 0 : i32
      %dma_wait3A_100 = arith.constant 0 : i32
      %dma_wait3A_101 = tpu.memref_slice %arg2[%add3A, %dma_wait3A_99, %dma_wait3A_100] : memref<32x125x80xi32, #tpu.memory_space<hbm>> -> memref<1x125x80xi32, #tpu.memory_space<hbm>>
      %dma_wait3A_102 = tpu.memref_squeeze %dma_wait3A_101 : memref<1x125x80xi32, #tpu.memory_space<hbm>> -> memref<125x80xi32, #tpu.memory_space<hbm>>
      tpu.wait_dma2 semaphore(%run_scoped3A : memref<!tpu.dma_semaphore, #tpu.memory_space<semaphore_mem>>) src(%dma_wait3A_102 : memref<125x80xi32, #tpu.memory_space<hbm>>) dst(%arg12 : memref<125x80xi32, #tpu.memory_space<vmem>>)
      tpu.yield
    }) : () -> ()
    "tpu.region"() ({
      %run_scoped3A = tpu.sem_alloc : memref<!tpu.dma_semaphore, #tpu.memory_space<semaphore_mem>>
      %dma_start3A_87 = arith.constant 0 : i32
      %dma_start3A_88 = arith.constant 0 : i32
      %dma_start3A_89 = tpu.memref_slice %arg3[%add3A, %dma_start3A_87, %dma_start3A_88] : memref<32x125x80xi32, #tpu.memory_space<hbm>> -> memref<1x125x80xi32, #tpu.memory_space<hbm>>
      %dma_start3A_90 = tpu.memref_squeeze %dma_start3A_89 : memref<1x125x80xi32, #tpu.memory_space<hbm>> -> memref<125x80xi32, #tpu.memory_space<hbm>>
      %dma_start3A_91 = arith.constant 0 : i32
      %dma_start3A_92 = arith.constant 0 : i32
      %dma_start3A_93 = tpu.memref_slice %arg3[%add3A, %dma_start3A_91, %dma_start3A_92] : memref<32x125x80xi32, #tpu.memory_space<hbm>> -> memref<1x125x80xi32, #tpu.memory_space<hbm>>
      %dma_start3A_94 = tpu.memref_squeeze %dma_start3A_93 : memref<1x125x80xi32, #tpu.memory_space<hbm>> -> memref<125x80xi32, #tpu.memory_space<hbm>>
      tpu.enqueue_dma source(%dma_start3A_94 : memref<125x80xi32, #tpu.memory_space<hbm>>) target(%arg13 : memref<125x80xi32, #tpu.memory_space<vmem>>) target_semaphore(%run_scoped3A : memref<!tpu.dma_semaphore, #tpu.memory_space<semaphore_mem>>)
      %dma_wait3A_95 = arith.constant 0 : i32
      %dma_wait3A_96 = arith.constant 0 : i32
      %dma_wait3A_97 = tpu.memref_slice %arg3[%add3A, %dma_wait3A_95, %dma_wait3A_96] : memref<32x125x80xi32, #tpu.memory_space<hbm>> -> memref<1x125x80xi32, #tpu.memory_space<hbm>>
      %dma_wait3A_98 = tpu.memref_squeeze %dma_wait3A_97 : memref<1x125x80xi32, #tpu.memory_space<hbm>> -> memref<125x80xi32, #tpu.memory_space<hbm>>
      %dma_wait3A_99 = arith.constant 0 : i32
      %dma_wait3A_100 = arith.constant 0 : i32
      %dma_wait3A_101 = tpu.memref_slice %arg3[%add3A, %dma_wait3A_99, %dma_wait3A_100] : memref<32x125x80xi32, #tpu.memory_space<hbm>> -> memref<1x125x80xi32, #tpu.memory_space<hbm>>
      %dma_wait3A_102 = tpu.memref_squeeze %dma_wait3A_101 : memref<1x125x80xi32, #tpu.memory_space<hbm>> -> memref<125x80xi32, #tpu.memory_space<hbm>>
      tpu.wait_dma2 semaphore(%run_scoped3A : memref<!tpu.dma_semaphore, #tpu.memory_space<semaphore_mem>>) src(%dma_wait3A_102 : memref<125x80xi32, #tpu.memory_space<hbm>>) dst(%arg13 : memref<125x80xi32, #tpu.memory_space<vmem>>)
      tpu.yield
    }) : () -> ()
    %broadcast_in_dim3A = arith.constant 0.000000e+00 : f32
    %broadcast_in_dim3A_1 = vector.broadcast %broadcast_in_dim3A : f32 to vector<16xf32>
    %scan3A = arith.constant 0 : i32
    %scan3A_2 = arith.constant 0 : i32
    %scan3A_3 = arith.constant 625 : i32
    %scan3A_4 = arith.addi %scan3A_2, %scan3A_3 : i32
    %scan3A_5 = arith.constant 1 : i32
    scf.for %scan3A_87 = %scan3A_2 to %scan3A_4 step %scan3A_5  : i32 {
      %mul3A_88 = arith.constant 16 : i32
      %mul3A_89 = arith.muli %scan3A_87, %mul3A_88 : i32
      %swap3A = arith.index_cast %mul3A_89 : i32 to index
      %swap3A_90 = tpu.vector_load %arg11[%swap3A] {strides = array<i32>} : memref<10000xf32, #tpu.memory_space<vmem>>, vector<16xf32>,
      tpu.vector_store %arg11[%swap3A], %broadcast_in_dim3A_1 {strides = array<i32>} : memref<10000xf32, #tpu.memory_space<vmem>>, vector<16xf32>,
    }
    %scan3A_6 = arith.constant 625 : i32
    %scan3A_7 = arith.constant 0 : i32
    %scan3A_8 = arith.constant 0 : i32
    %scan3A_9 = arith.constant 80 : i32
    %scan3A_10 = arith.addi %scan3A_8, %scan3A_9 : i32
    %scan3A_11 = arith.constant 1 : i32
    scf.for %scan3A_87 = %scan3A_8 to %scan3A_10 step %scan3A_11  : i32 {
      %swap3A = arith.index_cast %scan3A_87 : i32 to index
      %swap3A_88 = arith.constant 0 : index
      %swap3A_89 = tpu.vector_load %arg14[%swap3A, %swap3A_88] {strides = array<i32>} : memref<80x32xf32, #tpu.memory_space<vmem>>, vector<16xf32>,
      tpu.vector_store %arg14[%swap3A, %swap3A_88], %broadcast_in_dim3A_1 {strides = array<i32>} : memref<80x32xf32, #tpu.memory_space<vmem>>, vector<16xf32>,
      %swap3A_90 = arith.index_cast %scan3A_87 : i32 to index
      %swap3A_91 = arith.constant 16 : index
      %swap3A_92 = tpu.vector_load %arg14[%swap3A_90, %swap3A_91] {strides = array<i32>} : memref<80x32xf32, #tpu.memory_space<vmem>>, vector<16xf32>,
      tpu.vector_store %arg14[%swap3A_90, %swap3A_91], %broadcast_in_dim3A_1 {strides = array<i32>} : memref<80x32xf32, #tpu.memory_space<vmem>>, vector<16xf32>,
    }
    %scan3A_12 = arith.constant 80 : i32
    %eq3A = arith.constant 0 : i32
    %eq3A_13 = arith.cmpi eq, %arg1, %eq3A : i32
    %convert_element_type3A = arith.extui %eq3A_13 : i1 to i32
    %cond3A = arith.constant 0 : i32
    %cond3A_14 = arith.cmpi ne, %convert_element_type3A, %cond3A : i32
    scf.if %cond3A_14 {
      "tpu.region"() ({
        %run_scoped3A = tpu.sem_alloc : memref<!tpu.dma_semaphore, #tpu.memory_space<semaphore_mem>>
        %dma_start3A_87 = arith.constant 0 : i32
        %dma_start3A_88 = arith.constant 0 : i32
        %dma_start3A_89 = tpu.memref_slice %arg14[%dma_start3A_87, %dma_start3A_88] : memref<80x32xf32, #tpu.memory_space<vmem>> -> memref<80x32xf32, #tpu.memory_space<vmem>>
        %dma_start3A_90 = arith.constant 0 : i32
        %dma_start3A_91 = arith.constant 0 : i32
        %dma_start3A_92 = tpu.memref_slice %arg39[%dma_start3A_90, %dma_start3A_91] : memref<10000x32xf32, #tpu.memory_space<vmem_shared>> -> memref<80x32xf32, #tpu.memory_space<vmem_shared>>
        %dma_start3A_93 = arith.constant 0 : i32
        %dma_start3A_94 = arith.constant 0 : i32
        %dma_start3A_95 = tpu.memref_slice %arg39[%dma_start3A_93, %dma_start3A_94] : memref<10000x32xf32, #tpu.memory_space<vmem_shared>> -> memref<80x32xf32, #tpu.memory_space<vmem_shared>>
        %dma_start3A_96 = arith.constant 0 : i32
        %dma_start3A_97 = arith.constant 0 : i32
        %dma_start3A_98 = tpu.memref_slice %arg14[%dma_start3A_96, %dma_start3A_97] : memref<80x32xf32, #tpu.memory_space<vmem>> -> memref<80x32xf32, #tpu.memory_space<vmem>>
        tpu.enqueue_dma source(%dma_start3A_98 : memref<80x32xf32, #tpu.memory_space<vmem>>) target(%dma_start3A_95 : memref<80x32xf32, #tpu.memory_space<vmem_shared>>) target_semaphore(%run_scoped3A : memref<!tpu.dma_semaphore, #tpu.memory_space<semaphore_mem>>)
        %dma_wait3A_99 = arith.constant 0 : i32
        %dma_wait3A_100 = arith.constant 0 : i32
        %dma_wait3A_101 = tpu.memref_slice %arg14[%dma_wait3A_99, %dma_wait3A_100] : memref<80x32xf32, #tpu.memory_space<vmem>> -> memref<80x32xf32, #tpu.memory_space<vmem>>
        %dma_wait3A_102 = arith.constant 0 : i32
        %dma_wait3A_103 = arith.constant 0 : i32
        %dma_wait3A_104 = tpu.memref_slice %arg39[%dma_wait3A_102, %dma_wait3A_103] : memref<10000x32xf32, #tpu.memory_space<vmem_shared>> -> memref<80x32xf32, #tpu.memory_space<vmem_shared>>
        %dma_wait3A_105 = arith.constant 0 : i32
        %dma_wait3A_106 = arith.constant 0 : i32
        %dma_wait3A_107 = tpu.memref_slice %arg39[%dma_wait3A_105, %dma_wait3A_106] : memref<10000x32xf32, #tpu.memory_space<vmem_shared>> -> memref<80x32xf32, #tpu.memory_space<vmem_shared>>
        %dma_wait3A_108 = arith.constant 0 : i32
        %dma_wait3A_109 = arith.constant 0 : i32
        %dma_wait3A_110 = tpu.memref_slice %arg14[%dma_wait3A_108, %dma_wait3A_109] : memref<80x32xf32, #tpu.memory_space<vmem>> -> memref<80x32xf32, #tpu.memory_space<vmem>>
        tpu.wait_dma2 semaphore(%run_scoped3A : memref<!tpu.dma_semaphore, #tpu.memory_space<semaphore_mem>>) src(%dma_wait3A_110 : memref<80x32xf32, #tpu.memory_space<vmem>>) dst(%dma_wait3A_107 : memref<80x32xf32, #tpu.memory_space<vmem_shared>>)
        tpu.yield
      }) : () -> ()
      "tpu.region"() ({
        %run_scoped3A = tpu.sem_alloc : memref<!tpu.dma_semaphore, #tpu.memory_space<semaphore_mem>>
        %dma_start3A_87 = arith.constant 0 : i32
        %dma_start3A_88 = arith.constant 0 : i32
        %dma_start3A_89 = tpu.memref_slice %arg14[%dma_start3A_87, %dma_start3A_88] : memref<80x32xf32, #tpu.memory_space<vmem>> -> memref<80x32xf32, #tpu.memory_space<vmem>>
        %dma_start3A_90 = arith.constant 80 : i32
        %dma_start3A_91 = arith.constant 0 : i32
        %dma_start3A_92 = tpu.memref_slice %arg39[%dma_start3A_90, %dma_start3A_91] : memref<10000x32xf32, #tpu.memory_space<vmem_shared>> -> memref<80x32xf32, #tpu.memory_space<vmem_shared>>
        %dma_start3A_93 = arith.constant 80 : i32
        %dma_start3A_94 = arith.constant 0 : i32
        %dma_start3A_95 = tpu.memref_slice %arg39[%dma_start3A_93, %dma_start3A_94] : memref<10000x32xf32, #tpu.memory_space<vmem_shared>> -> memref<80x32xf32, #tpu.memory_space<vmem_shared>>
        %dma_start3A_96 = arith.constant 0 : i32
        %dma_start3A_97 = arith.constant 0 : i32
        %dma_start3A_98 = tpu.memref_slice %arg14[%dma_start3A_96, %dma_start3A_97] : memref<80x32xf32, #tpu.memory_space<vmem>> -> memref<80x32xf32, #tpu.memory_space<vmem>>
        tpu.enqueue_dma source(%dma_start3A_98 : memref<80x32xf32, #tpu.memory_space<vmem>>) target(%dma_start3A_95 : memref<80x32xf32, #tpu.memory_space<vmem_shared>>) target_semaphore(%run_scoped3A : memref<!tpu.dma_semaphore, #tpu.memory_space<semaphore_mem>>)
        %dma_wait3A_99 = arith.constant 0 : i32
        %dma_wait3A_100 = arith.constant 0 : i32
        %dma_wait3A_101 = tpu.memref_slice %arg14[%dma_wait3A_99, %dma_wait3A_100] : memref<80x32xf32, #tpu.memory_space<vmem>> -> memref<80x32xf32, #tpu.memory_space<vmem>>
        %dma_wait3A_102 = arith.constant 80 : i32
        %dma_wait3A_103 = arith.constant 0 : i32
        %dma_wait3A_104 = tpu.memref_slice %arg39[%dma_wait3A_102, %dma_wait3A_103] : memref<10000x32xf32, #tpu.memory_space<vmem_shared>> -> memref<80x32xf32, #tpu.memory_space<vmem_shared>>
        %dma_wait3A_105 = arith.constant 80 : i32
        %dma_wait3A_106 = arith.constant 0 : i32
        %dma_wait3A_107 = tpu.memref_slice %arg39[%dma_wait3A_105, %dma_wait3A_106] : memref<10000x32xf32, #tpu.memory_space<vmem_shared>> -> memref<80x32xf32, #tpu.memory_space<vmem_shared>>
        %dma_wait3A_108 = arith.constant 0 : i32
        %dma_wait3A_109 = arith.constant 0 : i32
        %dma_wait3A_110 = tpu.memref_slice %arg14[%dma_wait3A_108, %dma_wait3A_109] : memref<80x32xf32, #tpu.memory_space<vmem>> -> memref<80x32xf32, #tpu.memory_space<vmem>>
        tpu.wait_dma2 semaphore(%run_scoped3A : memref<!tpu.dma_semaphore, #tpu.memory_space<semaphore_mem>>) src(%dma_wait3A_110 : memref<80x32xf32, #tpu.memory_space<vmem>>) dst(%dma_wait3A_107 : memref<80x32xf32, #tpu.memory_space<vmem_shared>>)
        tpu.yield
      }) : () -> ()
      "tpu.region"() ({
        %run_scoped3A = tpu.sem_alloc : memref<!tpu.dma_semaphore, #tpu.memory_space<semaphore_mem>>
        %dma_start3A_87 = arith.constant 0 : i32
        %dma_start3A_88 = arith.constant 0 : i32
        %dma_start3A_89 = tpu.memref_slice %arg14[%dma_start3A_87, %dma_start3A_88] : memref<80x32xf32, #tpu.memory_space<vmem>> -> memref<80x32xf32, #tpu.memory_space<vmem>>
        %dma_start3A_90 = arith.constant 160 : i32
        %dma_start3A_91 = arith.constant 0 : i32
        %dma_start3A_92 = tpu.memref_slice %arg39[%dma_start3A_90, %dma_start3A_91] : memref<10000x32xf32, #tpu.memory_space<vmem_shared>> -> memref<80x32xf32, #tpu.memory_space<vmem_shared>>
        %dma_start3A_93 = arith.constant 160 : i32
        %dma_start3A_94 = arith.constant 0 : i32
        %dma_start3A_95 = tpu.memref_slice %arg39[%dma_start3A_93, %dma_start3A_94] : memref<10000x32xf32, #tpu.memory_space<vmem_shared>> -> memref<80x32xf32, #tpu.memory_space<vmem_shared>>
        %dma_start3A_96 = arith.constant 0 : i32
        %dma_start3A_97 = arith.constant 0 : i32
        %dma_start3A_98 = tpu.memref_slice %arg14[%dma_start3A_96, %dma_start3A_97] : memref<80x32xf32, #tpu.memory_space<vmem>> -> memref<80x32xf32, #tpu.memory_space<vmem>>
        tpu.enqueue_dma source(%dma_start3A_98 : memref<80x32xf32, #tpu.memory_space<vmem>>) target(%dma_start3A_95 : memref<80x32xf32, #tpu.memory_space<vmem_shared>>) target_semaphore(%run_scoped3A : memref<!tpu.dma_semaphore, #tpu.memory_space<semaphore_mem>>)
        %dma_wait3A_99 = arith.constant 0 : i32
        %dma_wait3A_100 = arith.constant 0 : i32
        %dma_wait3A_101 = tpu.memref_slice %arg14[%dma_wait3A_99, %dma_wait3A_100] : memref<80x32xf32, #tpu.memory_space<vmem>> -> memref<80x32xf32, #tpu.memory_space<vmem>>
        %dma_wait3A_102 = arith.constant 160 : i32
        %dma_wait3A_103 = arith.constant 0 : i32
        %dma_wait3A_104 = tpu.memref_slice %arg39[%dma_wait3A_102, %dma_wait3A_103] : memref<10000x32xf32, #tpu.memory_space<vmem_shared>> -> memref<80x32xf32, #tpu.memory_space<vmem_shared>>
        %dma_wait3A_105 = arith.constant 160 : i32
        %dma_wait3A_106 = arith.constant 0 : i32
        %dma_wait3A_107 = tpu.memref_slice %arg39[%dma_wait3A_105, %dma_wait3A_106] : memref<10000x32xf32, #tpu.memory_space<vmem_shared>> -> memref<80x32xf32, #tpu.memory_space<vmem_shared>>
        %dma_wait3A_108 = arith.constant 0 : i32
        %dma_wait3A_109 = arith.constant 0 : i32
        %dma_wait3A_110 = tpu.memref_slice %arg14[%dma_wait3A_108, %dma_wait3A_109] : memref<80x32xf32, #tpu.memory_space<vmem>> -> memref<80x32xf32, #tpu.memory_space<vmem>>
        tpu.wait_dma2 semaphore(%run_scoped3A : memref<!tpu.dma_semaphore, #tpu.memory_space<semaphore_mem>>) src(%dma_wait3A_110 : memref<80x32xf32, #tpu.memory_space<vmem>>) dst(%dma_wait3A_107 : memref<80x32xf32, #tpu.memory_space<vmem_shared>>)
        tpu.yield
      }) : () -> ()
      "tpu.region"() ({
        %run_scoped3A = tpu.sem_alloc : memref<!tpu.dma_semaphore, #tpu.memory_space<semaphore_mem>>
        %dma_start3A_87 = arith.constant 0 : i32
        %dma_start3A_88 = arith.constant 0 : i32
        %dma_start3A_89 = tpu.memref_slice %arg14[%dma_start3A_87, %dma_start3A_88] : memref<80x32xf32, #tpu.memory_space<vmem>> -> memref<80x32xf32, #tpu.memory_space<vmem>>
        %dma_start3A_90 = arith.constant 240 : i32
        %dma_start3A_91 = arith.constant 0 : i32
        %dma_start3A_92 = tpu.memref_slice %arg39[%dma_start3A_90, %dma_start3A_91] : memref<10000x32xf32, #tpu.memory_space<vmem_shared>> -> memref<80x32xf32, #tpu.memory_space<vmem_shared>>
        %dma_start3A_93 = arith.constant 240 : i32
        %dma_start3A_94 = arith.constant 0 : i32
        %dma_start3A_95 = tpu.memref_slice %arg39[%dma_start3A_93, %dma_start3A_94] : memref<10000x32xf32, #tpu.memory_space<vmem_shared>> -> memref<80x32xf32, #tpu.memory_space<vmem_shared>>
        %dma_start3A_96 = arith.constant 0 : i32
        %dma_start3A_97 = arith.constant 0 : i32
        %dma_start3A_98 = tpu.memref_slice %arg14[%dma_start3A_96, %dma_start3A_97] : memref<80x32xf32, #tpu.memory_space<vmem>> -> memref<80x32xf32, #tpu.memory_space<vmem>>
        tpu.enqueue_dma source(%dma_start3A_98 : memref<80x32xf32, #tpu.memory_space<vmem>>) target(%dma_start3A_95 : memref<80x32xf32, #tpu.memory_space<vmem_shared>>) target_semaphore(%run_scoped3A : memref<!tpu.dma_semaphore, #tpu.memory_space<semaphore_mem>>)
        %dma_wait3A_99 = arith.constant 0 : i32
        %dma_wait3A_100 = arith.constant 0 : i32
        %dma_wait3A_101 = tpu.memref_slice %arg14[%dma_wait3A_99, %dma_wait3A_100] : memref<80x32xf32, #tpu.memory_space<vmem>> -> memref<80x32xf32, #tpu.memory_space<vmem>>
        %dma_wait3A_102 = arith.constant 240 : i32
        %dma_wait3A_103 = arith.constant 0 : i32
        %dma_wait3A_104 = tpu.memref_slice %arg39[%dma_wait3A_102, %dma_wait3A_103] : memref<10000x32xf32, #tpu.memory_space<vmem_shared>> -> memref<80x32xf32, #tpu.memory_space<vmem_shared>>
        %dma_wait3A_105 = arith.constant 240 : i32
        %dma_wait3A_106 = arith.constant 0 : i32
        %dma_wait3A_107 = tpu.memref_slice %arg39[%dma_wait3A_105, %dma_wait3A_106] : memref<10000x32xf32, #tpu.memory_space<vmem_shared>> -> memref<80x32xf32, #tpu.memory_space<vmem_shared>>
        %dma_wait3A_108 = arith.constant 0 : i32
        %dma_wait3A_109 = arith.constant 0 : i32
        %dma_wait3A_110 = tpu.memref_slice %arg14[%dma_wait3A_108, %dma_wait3A_109] : memref<80x32xf32, #tpu.memory_space<vmem>> -> memref<80x32xf32, #tpu.memory_space<vmem>>
        tpu.wait_dma2 semaphore(%run_scoped3A : memref<!tpu.dma_semaphore, #tpu.memory_space<semaphore_mem>>) src(%dma_wait3A_110 : memref<80x32xf32, #tpu.memory_space<vmem>>) dst(%dma_wait3A_107 : memref<80x32xf32, #tpu.memory_space<vmem_shared>>)
        tpu.yield
      }) : () -> ()
      "tpu.region"() ({
        %run_scoped3A = tpu.sem_alloc : memref<!tpu.dma_semaphore, #tpu.memory_space<semaphore_mem>>
        %dma_start3A_87 = arith.constant 0 : i32
        %dma_start3A_88 = arith.constant 0 : i32
        %dma_start3A_89 = tpu.memref_slice %arg14[%dma_start3A_87, %dma_start3A_88] : memref<80x32xf32, #tpu.memory_space<vmem>> -> memref<80x32xf32, #tpu.memory_space<vmem>>
        %dma_start3A_90 = arith.constant 320 : i32
        %dma_start3A_91 = arith.constant 0 : i32
        %dma_start3A_92 = tpu.memref_slice %arg39[%dma_start3A_90, %dma_start3A_91] : memref<10000x32xf32, #tpu.memory_space<vmem_shared>> -> memref<80x32xf32, #tpu.memory_space<vmem_shared>>
        %dma_start3A_93 = arith.constant 320 : i32
        %dma_start3A_94 = arith.constant 0 : i32
        %dma_start3A_95 = tpu.memref_slice %arg39[%dma_start3A_93, %dma_start3A_94] : memref<10000x32xf32, #tpu.memory_space<vmem_shared>> -> memref<80x32xf32, #tpu.memory_space<vmem_shared>>
        %dma_start3A_96 = arith.constant 0 : i32
        %dma_start3A_97 = arith.constant 0 : i32
        %dma_start3A_98 = tpu.memref_slice %arg14[%dma_start3A_96, %dma_start3A_97] : memref<80x32xf32, #tpu.memory_space<vmem>> -> memref<80x32xf32, #tpu.memory_space<vmem>>
        tpu.enqueue_dma source(%dma_start3A_98 : memref<80x32xf32, #tpu.memory_space<vmem>>) target(%dma_start3A_95 : memref<80x32xf32, #tpu.memory_space<vmem_shared>>) target_semaphore(%run_scoped3A : memref<!tpu.dma_semaphore, #tpu.memory_space<semaphore_mem>>)
        %dma_wait3A_99 = arith.constant 0 : i32
        %dma_wait3A_100 = arith.constant 0 : i32
        %dma_wait3A_101 = tpu.memref_slice %arg14[%dma_wait3A_99, %dma_wait3A_100] : memref<80x32xf32, #tpu.memory_space<vmem>> -> memref<80x32xf32, #tpu.memory_space<vmem>>
        %dma_wait3A_102 = arith.constant 320 : i32
        %dma_wait3A_103 = arith.constant 0 : i32
        %dma_wait3A_104 = tpu.memref_slice %arg39[%dma_wait3A_102, %dma_wait3A_103] : memref<10000x32xf32, #tpu.memory_space<vmem_shared>> -> memref<80x32xf32, #tpu.memory_space<vmem_shared>>
        %dma_wait3A_105 = arith.constant 320 : i32
        %dma_wait3A_106 = arith.constant 0 : i32
        %dma_wait3A_107 = tpu.memref_slice %arg39[%dma_wait3A_105, %dma_wait3A_106] : memref<10000x32xf32, #tpu.memory_space<vmem_shared>> -> memref<80x32xf32, #tpu.memory_space<vmem_shared>>
        %dma_wait3A_108 = arith.constant 0 : i32
        %dma_wait3A_109 = arith.constant 0 : i32
        %dma_wait3A_110 = tpu.memref_slice %arg14[%dma_wait3A_108, %dma_wait3A_109] : memref<80x32xf32, #tpu.memory_space<vmem>> -> memref<80x32xf32, #tpu.memory_space<vmem>>
        tpu.wait_dma2 semaphore(%run_scoped3A : memref<!tpu.dma_semaphore, #tpu.memory_space<semaphore_mem>>) src(%dma_wait3A_110 : memref<80x32xf32, #tpu.memory_space<vmem>>) dst(%dma_wait3A_107 : memref<80x32xf32, #tpu.memory_space<vmem_shared>>)
        tpu.yield
      }) : () -> ()
      "tpu.region"() ({
        %run_scoped3A = tpu.sem_alloc : memref<!tpu.dma_semaphore, #tpu.memory_space<semaphore_mem>>
        %dma_start3A_87 = arith.constant 0 : i32
        %dma_start3A_88 = arith.constant 0 : i32
        %dma_start3A_89 = tpu.memref_slice %arg14[%dma_start3A_87, %dma_start3A_88] : memref<80x32xf32, #tpu.memory_space<vmem>> -> memref<80x32xf32, #tpu.memory_space<vmem>>
        %dma_start3A_90 = arith.constant 400 : i32
        %dma_start3A_91 = arith.constant 0 : i32
        %dma_start3A_92 = tpu.memref_slice %arg39[%dma_start3A_90, %dma_start3A_91] : memref<10000x32xf32, #tpu.memory_space<vmem_shared>> -> memref<80x32xf32, #tpu.memory_space<vmem_shared>>
        %dma_start3A_93 = arith.constant 400 : i32
        %dma_start3A_94 = arith.constant 0 : i32
        %dma_start3A_95 = tpu.memref_slice %arg39[%dma_start3A_93, %dma_start3A_94] : memref<10000x32xf32, #tpu.memory_space<vmem_shared>> -> memref<80x32xf32, #tpu.memory_space<vmem_shared>>
        %dma_start3A_96 = arith.constant 0 : i32
        %dma_start3A_97 = arith.constant 0 : i32
        %dma_start3A_98 = tpu.memref_slice %arg14[%dma_start3A_96, %dma_start3A_97] : memref<80x32xf32, #tpu.memory_space<vmem>> -> memref<80x32xf32, #tpu.memory_space<vmem>>
        tpu.enqueue_dma source(%dma_start3A_98 : memref<80x32xf32, #tpu.memory_space<vmem>>) target(%dma_start3A_95 : memref<80x32xf32, #tpu.memory_space<vmem_shared>>) target_semaphore(%run_scoped3A : memref<!tpu.dma_semaphore, #tpu.memory_space<semaphore_mem>>)
        %dma_wait3A_99 = arith.constant 0 : i32
        %dma_wait3A_100 = arith.constant 0 : i32
        %dma_wait3A_101 = tpu.memref_slice %arg14[%dma_wait3A_99, %dma_wait3A_100] : memref<80x32xf32, #tpu.memory_space<vmem>> -> memref<80x32xf32, #tpu.memory_space<vmem>>
        %dma_wait3A_102 = arith.constant 400 : i32
        %dma_wait3A_103 = arith.constant 0 : i32
        %dma_wait3A_104 = tpu.memref_slice %arg39[%dma_wait3A_102, %dma_wait3A_103] : memref<10000x32xf32, #tpu.memory_space<vmem_shared>> -> memref<80x32xf32, #tpu.memory_space<vmem_shared>>
        %dma_wait3A_105 = arith.constant 400 : i32
        %dma_wait3A_106 = arith.constant 0 : i32
        %dma_wait3A_107 = tpu.memref_slice %arg39[%dma_wait3A_105, %dma_wait3A_106] : memref<10000x32xf32, #tpu.memory_space<vmem_shared>> -> memref<80x32xf32, #tpu.memory_space<vmem_shared>>
        %dma_wait3A_108 = arith.constant 0 : i32
        %dma_wait3A_109 = arith.constant 0 : i32
        %dma_wait3A_110 = tpu.memref_slice %arg14[%dma_wait3A_108, %dma_wait3A_109] : memref<80x32xf32, #tpu.memory_space<vmem>> -> memref<80x32xf32, #tpu.memory_space<vmem>>
        tpu.wait_dma2 semaphore(%run_scoped3A : memref<!tpu.dma_semaphore, #tpu.memory_space<semaphore_mem>>) src(%dma_wait3A_110 : memref<80x32xf32, #tpu.memory_space<vmem>>) dst(%dma_wait3A_107 : memref<80x32xf32, #tpu.memory_space<vmem_shared>>)
        tpu.yield
      }) : () -> ()
      "tpu.region"() ({
        %run_scoped3A = tpu.sem_alloc : memref<!tpu.dma_semaphore, #tpu.memory_space<semaphore_mem>>
        %dma_start3A_87 = arith.constant 0 : i32
        %dma_start3A_88 = arith.constant 0 : i32
        %dma_start3A_89 = tpu.memref_slice %arg14[%dma_start3A_87, %dma_start3A_88] : memref<80x32xf32, #tpu.memory_space<vmem>> -> memref<80x32xf32, #tpu.memory_space<vmem>>
        %dma_start3A_90 = arith.constant 480 : i32
        %dma_start3A_91 = arith.constant 0 : i32
        %dma_start3A_92 = tpu.memref_slice %arg39[%dma_start3A_90, %dma_start3A_91] : memref<10000x32xf32, #tpu.memory_space<vmem_shared>> -> memref<80x32xf32, #tpu.memory_space<vmem_shared>>
        %dma_start3A_93 = arith.constant 480 : i32
        %dma_start3A_94 = arith.constant 0 : i32
        %dma_start3A_95 = tpu.memref_slice %arg39[%dma_start3A_93, %dma_start3A_94] : memref<10000x32xf32, #tpu.memory_space<vmem_shared>> -> memref<80x32xf32, #tpu.memory_space<vmem_shared>>
        %dma_start3A_96 = arith.constant 0 : i32
        %dma_start3A_97 = arith.constant 0 : i32
        %dma_start3A_98 = tpu.memref_slice %arg14[%dma_start3A_96, %dma_start3A_97] : memref<80x32xf32, #tpu.memory_space<vmem>> -> memref<80x32xf32, #tpu.memory_space<vmem>>
        tpu.enqueue_dma source(%dma_start3A_98 : memref<80x32xf32, #tpu.memory_space<vmem>>) target(%dma_start3A_95 : memref<80x32xf32, #tpu.memory_space<vmem_shared>>) target_semaphore(%run_scoped3A : memref<!tpu.dma_semaphore, #tpu.memory_space<semaphore_mem>>)
        %dma_wait3A_99 = arith.constant 0 : i32
        %dma_wait3A_100 = arith.constant 0 : i32
        %dma_wait3A_101 = tpu.memref_slice %arg14[%dma_wait3A_99, %dma_wait3A_100] : memref<80x32xf32, #tpu.memory_space<vmem>> -> memref<80x32xf32, #tpu.memory_space<vmem>>
        %dma_wait3A_102 = arith.constant 480 : i32
        %dma_wait3A_103 = arith.constant 0 : i32
        %dma_wait3A_104 = tpu.memref_slice %arg39[%dma_wait3A_102, %dma_wait3A_103] : memref<10000x32xf32, #tpu.memory_space<vmem_shared>> -> memref<80x32xf32, #tpu.memory_space<vmem_shared>>
        %dma_wait3A_105 = arith.constant 480 : i32
        %dma_wait3A_106 = arith.constant 0 : i32
        %dma_wait3A_107 = tpu.memref_slice %arg39[%dma_wait3A_105, %dma_wait3A_106] : memref<10000x32xf32, #tpu.memory_space<vmem_shared>> -> memref<80x32xf32, #tpu.memory_space<vmem_shared>>
        %dma_wait3A_108 = arith.constant 0 : i32
        %dma_wait3A_109 = arith.constant 0 : i32
        %dma_wait3A_110 = tpu.memref_slice %arg14[%dma_wait3A_108, %dma_wait3A_109] : memref<80x32xf32, #tpu.memory_space<vmem>> -> memref<80x32xf32, #tpu.memory_space<vmem>>
        tpu.wait_dma2 semaphore(%run_scoped3A : memref<!tpu.dma_semaphore, #tpu.memory_space<semaphore_mem>>) src(%dma_wait3A_110 : memref<80x32xf32, #tpu.memory_space<vmem>>) dst(%dma_wait3A_107 : memref<80x32xf32, #tpu.memory_space<vmem_shared>>)
        tpu.yield
      }) : () -> ()
      "tpu.region"() ({
        %run_scoped3A = tpu.sem_alloc : memref<!tpu.dma_semaphore, #tpu.memory_space<semaphore_mem>>
        %dma_start3A_87 = arith.constant 0 : i32
        %dma_start3A_88 = arith.constant 0 : i32
        %dma_start3A_89 = tpu.memref_slice %arg14[%dma_start3A_87, %dma_start3A_88] : memref<80x32xf32, #tpu.memory_space<vmem>> -> memref<80x32xf32, #tpu.memory_space<vmem>>
        %dma_start3A_90 = arith.constant 560 : i32
        %dma_start3A_91 = arith.constant 0 : i32
        %dma_start3A_92 = tpu.memref_slice %arg39[%dma_start3A_90, %dma_start3A_91] : memref<10000x32xf32, #tpu.memory_space<vmem_shared>> -> memref<80x32xf32, #tpu.memory_space<vmem_shared>>
        %dma_start3A_93 = arith.constant 560 : i32
        %dma_start3A_94 = arith.constant 0 : i32
        %dma_start3A_95 = tpu.memref_slice %arg39[%dma_start3A_93, %dma_start3A_94] : memref<10000x32xf32, #tpu.memory_space<vmem_shared>> -> memref<80x32xf32, #tpu.memory_space<vmem_shared>>
        %dma_start3A_96 = arith.constant 0 : i32
        %dma_start3A_97 = arith.constant 0 : i32
        %dma_start3A_98 = tpu.memref_slice %arg14[%dma_start3A_96, %dma_start3A_97] : memref<80x32xf32, #tpu.memory_space<vmem>> -> memref<80x32xf32, #tpu.memory_space<vmem>>
        tpu.enqueue_dma source(%dma_start3A_98 : memref<80x32xf32, #tpu.memory_space<vmem>>) target(%dma_start3A_95 : memref<80x32xf32, #tpu.memory_space<vmem_shared>>) target_semaphore(%run_scoped3A : memref<!tpu.dma_semaphore, #tpu.memory_space<semaphore_mem>>)
        %dma_wait3A_99 = arith.constant 0 : i32
        %dma_wait3A_100 = arith.constant 0 : i32
        %dma_wait3A_101 = tpu.memref_slice %arg14[%dma_wait3A_99, %dma_wait3A_100] : memref<80x32xf32, #tpu.memory_space<vmem>> -> memref<80x32xf32, #tpu.memory_space<vmem>>
        %dma_wait3A_102 = arith.constant 560 : i32
        %dma_wait3A_103 = arith.constant 0 : i32
        %dma_wait3A_104 = tpu.memref_slice %arg39[%dma_wait3A_102, %dma_wait3A_103] : memref<10000x32xf32, #tpu.memory_space<vmem_shared>> -> memref<80x32xf32, #tpu.memory_space<vmem_shared>>
        %dma_wait3A_105 = arith.constant 560 : i32
        %dma_wait3A_106 = arith.constant 0 : i32
        %dma_wait3A_107 = tpu.memref_slice %arg39[%dma_wait3A_105, %dma_wait3A_106] : memref<10000x32xf32, #tpu.memory_space<vmem_shared>> -> memref<80x32xf32, #tpu.memory_space<vmem_shared>>
        %dma_wait3A_108 = arith.constant 0 : i32
        %dma_wait3A_109 = arith.constant 0 : i32
        %dma_wait3A_110 = tpu.memref_slice %arg14[%dma_wait3A_108, %dma_wait3A_109] : memref<80x32xf32, #tpu.memory_space<vmem>> -> memref<80x32xf32, #tpu.memory_space<vmem>>
        tpu.wait_dma2 semaphore(%run_scoped3A : memref<!tpu.dma_semaphore, #tpu.memory_space<semaphore_mem>>) src(%dma_wait3A_110 : memref<80x32xf32, #tpu.memory_space<vmem>>) dst(%dma_wait3A_107 : memref<80x32xf32, #tpu.memory_space<vmem_shared>>)
        tpu.yield
      }) : () -> ()
    } else {
    }
    %ne3A = arith.constant 0 : i32
    %ne3A_15 = arith.cmpi ne, %arg1, %ne3A : i32
    %convert_element_type3A_16 = arith.extui %ne3A_15 : i1 to i32
    %cond3A_17 = arith.constant 0 : i32
    %cond3A_18 = arith.cmpi ne, %convert_element_type3A_16, %cond3A_17 : i32
    scf.if %cond3A_18 {
      %mul3A_87 = arith.constant 624 : i32
      %mul3A_88 = arith.muli %mul3A_87, %arg1 : i32
      %add3A_89 = arith.constant 16 : i32
      %add3A_90 = arith.addi %add3A_89, %mul3A_88 : i32
      %multiple_of3A_91 = tpu.assume_multiple %add3A_90, 8 : i32
      %add3A_92 = arith.constant 0 : i32
      %add3A_93 = arith.addi %multiple_of3A_91, %add3A_92 : i32
      %multiple_of3A_94 = tpu.assume_multiple %add3A_93, 8 : i32
      "tpu.region"() ({
        %run_scoped3A = tpu.sem_alloc : memref<!tpu.dma_semaphore, #tpu.memory_space<semaphore_mem>>
        %dma_start3A_116 = arith.constant 0 : i32
        %dma_start3A_117 = arith.constant 0 : i32
        %dma_start3A_118 = tpu.memref_slice %arg14[%dma_start3A_116, %dma_start3A_117] : memref<80x32xf32, #tpu.memory_space<vmem>> -> memref<80x32xf32, #tpu.memory_space<vmem>>
        %dma_start3A_119 = arith.constant 0 : i32
        %dma_start3A_120 = tpu.memref_slice %arg39[%multiple_of3A_94, %dma_start3A_119] : memref<10000x32xf32, #tpu.memory_space<vmem_shared>> -> memref<80x32xf32, #tpu.memory_space<vmem_shared>>
        %dma_start3A_121 = arith.constant 0 : i32
        %dma_start3A_122 = tpu.memref_slice %arg39[%multiple_of3A_94, %dma_start3A_121] : memref<10000x32xf32, #tpu.memory_space<vmem_shared>> -> memref<80x32xf32, #tpu.memory_space<vmem_shared>>
        %dma_start3A_123 = arith.constant 0 : i32
        %dma_start3A_124 = arith.constant 0 : i32
        %dma_start3A_125 = tpu.memref_slice %arg14[%dma_start3A_123, %dma_start3A_124] : memref<80x32xf32, #tpu.memory_space<vmem>> -> memref<80x32xf32, #tpu.memory_space<vmem>>
        tpu.enqueue_dma source(%dma_start3A_125 : memref<80x32xf32, #tpu.memory_space<vmem>>) target(%dma_start3A_122 : memref<80x32xf32, #tpu.memory_space<vmem_shared>>) target_semaphore(%run_scoped3A : memref<!tpu.dma_semaphore, #tpu.memory_space<semaphore_mem>>)
        %dma_wait3A_126 = arith.constant 0 : i32
        %dma_wait3A_127 = arith.constant 0 : i32
        %dma_wait3A_128 = tpu.memref_slice %arg14[%dma_wait3A_126, %dma_wait3A_127] : memref<80x32xf32, #tpu.memory_space<vmem>> -> memref<80x32xf32, #tpu.memory_space<vmem>>
        %dma_wait3A_129 = arith.constant 0 : i32
        %dma_wait3A_130 = tpu.memref_slice %arg39[%multiple_of3A_94, %dma_wait3A_129] : memref<10000x32xf32, #tpu.memory_space<vmem_shared>> -> memref<80x32xf32, #tpu.memory_space<vmem_shared>>
        %dma_wait3A_131 = arith.constant 0 : i32
        %dma_wait3A_132 = tpu.memref_slice %arg39[%multiple_of3A_94, %dma_wait3A_131] : memref<10000x32xf32, #tpu.memory_space<vmem_shared>> -> memref<80x32xf32, #tpu.memory_space<vmem_shared>>
        %dma_wait3A_133 = arith.constant 0 : i32
        %dma_wait3A_134 = arith.constant 0 : i32
        %dma_wait3A_135 = tpu.memref_slice %arg14[%dma_wait3A_133, %dma_wait3A_134] : memref<80x32xf32, #tpu.memory_space<vmem>> -> memref<80x32xf32, #tpu.memory_space<vmem>>
        tpu.wait_dma2 semaphore(%run_scoped3A : memref<!tpu.dma_semaphore, #tpu.memory_space<semaphore_mem>>) src(%dma_wait3A_135 : memref<80x32xf32, #tpu.memory_space<vmem>>) dst(%dma_wait3A_132 : memref<80x32xf32, #tpu.memory_space<vmem_shared>>)
        tpu.yield
      }) : () -> ()
      %add3A_95 = arith.constant 80 : i32
      %add3A_96 = arith.addi %multiple_of3A_91, %add3A_95 : i32
      %multiple_of3A_97 = tpu.assume_multiple %add3A_96, 8 : i32
      "tpu.region"() ({
        %run_scoped3A = tpu.sem_alloc : memref<!tpu.dma_semaphore, #tpu.memory_space<semaphore_mem>>
        %dma_start3A_116 = arith.constant 0 : i32
        %dma_start3A_117 = arith.constant 0 : i32
        %dma_start3A_118 = tpu.memref_slice %arg14[%dma_start3A_116, %dma_start3A_117] : memref<80x32xf32, #tpu.memory_space<vmem>> -> memref<80x32xf32, #tpu.memory_space<vmem>>
        %dma_start3A_119 = arith.constant 0 : i32
        %dma_start3A_120 = tpu.memref_slice %arg39[%multiple_of3A_97, %dma_start3A_119] : memref<10000x32xf32, #tpu.memory_space<vmem_shared>> -> memref<80x32xf32, #tpu.memory_space<vmem_shared>>
        %dma_start3A_121 = arith.constant 0 : i32
        %dma_start3A_122 = tpu.memref_slice %arg39[%multiple_of3A_97, %dma_start3A_121] : memref<10000x32xf32, #tpu.memory_space<vmem_shared>> -> memref<80x32xf32, #tpu.memory_space<vmem_shared>>
        %dma_start3A_123 = arith.constant 0 : i32
        %dma_start3A_124 = arith.constant 0 : i32
        %dma_start3A_125 = tpu.memref_slice %arg14[%dma_start3A_123, %dma_start3A_124] : memref<80x32xf32, #tpu.memory_space<vmem>> -> memref<80x32xf32, #tpu.memory_space<vmem>>
        tpu.enqueue_dma source(%dma_start3A_125 : memref<80x32xf32, #tpu.memory_space<vmem>>) target(%dma_start3A_122 : memref<80x32xf32, #tpu.memory_space<vmem_shared>>) target_semaphore(%run_scoped3A : memref<!tpu.dma_semaphore, #tpu.memory_space<semaphore_mem>>)
        %dma_wait3A_126 = arith.constant 0 : i32
        %dma_wait3A_127 = arith.constant 0 : i32
        %dma_wait3A_128 = tpu.memref_slice %arg14[%dma_wait3A_126, %dma_wait3A_127] : memref<80x32xf32, #tpu.memory_space<vmem>> -> memref<80x32xf32, #tpu.memory_space<vmem>>
        %dma_wait3A_129 = arith.constant 0 : i32
        %dma_wait3A_130 = tpu.memref_slice %arg39[%multiple_of3A_97, %dma_wait3A_129] : memref<10000x32xf32, #tpu.memory_space<vmem_shared>> -> memref<80x32xf32, #tpu.memory_space<vmem_shared>>
        %dma_wait3A_131 = arith.constant 0 : i32
        %dma_wait3A_132 = tpu.memref_slice %arg39[%multiple_of3A_97, %dma_wait3A_131] : memref<10000x32xf32, #tpu.memory_space<vmem_shared>> -> memref<80x32xf32, #tpu.memory_space<vmem_shared>>
        %dma_wait3A_133 = arith.constant 0 : i32
        %dma_wait3A_134 = arith.constant 0 : i32
        %dma_wait3A_135 = tpu.memref_slice %arg14[%dma_wait3A_133, %dma_wait3A_134] : memref<80x32xf32, #tpu.memory_space<vmem>> -> memref<80x32xf32, #tpu.memory_space<vmem>>
        tpu.wait_dma2 semaphore(%run_scoped3A : memref<!tpu.dma_semaphore, #tpu.memory_space<semaphore_mem>>) src(%dma_wait3A_135 : memref<80x32xf32, #tpu.memory_space<vmem>>) dst(%dma_wait3A_132 : memref<80x32xf32, #tpu.memory_space<vmem_shared>>)
        tpu.yield
      }) : () -> ()
      %add3A_98 = arith.constant 160 : i32
      %add3A_99 = arith.addi %multiple_of3A_91, %add3A_98 : i32
      %multiple_of3A_100 = tpu.assume_multiple %add3A_99, 8 : i32
      "tpu.region"() ({
        %run_scoped3A = tpu.sem_alloc : memref<!tpu.dma_semaphore, #tpu.memory_space<semaphore_mem>>
        %dma_start3A_116 = arith.constant 0 : i32
        %dma_start3A_117 = arith.constant 0 : i32
        %dma_start3A_118 = tpu.memref_slice %arg14[%dma_start3A_116, %dma_start3A_117] : memref<80x32xf32, #tpu.memory_space<vmem>> -> memref<80x32xf32, #tpu.memory_space<vmem>>
        %dma_start3A_119 = arith.constant 0 : i32
        %dma_start3A_120 = tpu.memref_slice %arg39[%multiple_of3A_100, %dma_start3A_119] : memref<10000x32xf32, #tpu.memory_space<vmem_shared>> -> memref<80x32xf32, #tpu.memory_space<vmem_shared>>
        %dma_start3A_121 = arith.constant 0 : i32
        %dma_start3A_122 = tpu.memref_slice %arg39[%multiple_of3A_100, %dma_start3A_121] : memref<10000x32xf32, #tpu.memory_space<vmem_shared>> -> memref<80x32xf32, #tpu.memory_space<vmem_shared>>
        %dma_start3A_123 = arith.constant 0 : i32
        %dma_start3A_124 = arith.constant 0 : i32
        %dma_start3A_125 = tpu.memref_slice %arg14[%dma_start3A_123, %dma_start3A_124] : memref<80x32xf32, #tpu.memory_space<vmem>> -> memref<80x32xf32, #tpu.memory_space<vmem>>
        tpu.enqueue_dma source(%dma_start3A_125 : memref<80x32xf32, #tpu.memory_space<vmem>>) target(%dma_start3A_122 : memref<80x32xf32, #tpu.memory_space<vmem_shared>>) target_semaphore(%run_scoped3A : memref<!tpu.dma_semaphore, #tpu.memory_space<semaphore_mem>>)
        %dma_wait3A_126 = arith.constant 0 : i32
        %dma_wait3A_127 = arith.constant 0 : i32
        %dma_wait3A_128 = tpu.memref_slice %arg14[%dma_wait3A_126, %dma_wait3A_127] : memref<80x32xf32, #tpu.memory_space<vmem>> -> memref<80x32xf32, #tpu.memory_space<vmem>>
        %dma_wait3A_129 = arith.constant 0 : i32
        %dma_wait3A_130 = tpu.memref_slice %arg39[%multiple_of3A_100, %dma_wait3A_129] : memref<10000x32xf32, #tpu.memory_space<vmem_shared>> -> memref<80x32xf32, #tpu.memory_space<vmem_shared>>
        %dma_wait3A_131 = arith.constant 0 : i32
        %dma_wait3A_132 = tpu.memref_slice %arg39[%multiple_of3A_100, %dma_wait3A_131] : memref<10000x32xf32, #tpu.memory_space<vmem_shared>> -> memref<80x32xf32, #tpu.memory_space<vmem_shared>>
        %dma_wait3A_133 = arith.constant 0 : i32
        %dma_wait3A_134 = arith.constant 0 : i32
        %dma_wait3A_135 = tpu.memref_slice %arg14[%dma_wait3A_133, %dma_wait3A_134] : memref<80x32xf32, #tpu.memory_space<vmem>> -> memref<80x32xf32, #tpu.memory_space<vmem>>
        tpu.wait_dma2 semaphore(%run_scoped3A : memref<!tpu.dma_semaphore, #tpu.memory_space<semaphore_mem>>) src(%dma_wait3A_135 : memref<80x32xf32, #tpu.memory_space<vmem>>) dst(%dma_wait3A_132 : memref<80x32xf32, #tpu.memory_space<vmem_shared>>)
        tpu.yield
      }) : () -> ()
      %add3A_101 = arith.constant 240 : i32
      %add3A_102 = arith.addi %multiple_of3A_91, %add3A_101 : i32
      %multiple_of3A_103 = tpu.assume_multiple %add3A_102, 8 : i32
      "tpu.region"() ({
        %run_scoped3A = tpu.sem_alloc : memref<!tpu.dma_semaphore, #tpu.memory_space<semaphore_mem>>
        %dma_start3A_116 = arith.constant 0 : i32
        %dma_start3A_117 = arith.constant 0 : i32
        %dma_start3A_118 = tpu.memref_slice %arg14[%dma_start3A_116, %dma_start3A_117] : memref<80x32xf32, #tpu.memory_space<vmem>> -> memref<80x32xf32, #tpu.memory_space<vmem>>
        %dma_start3A_119 = arith.constant 0 : i32
        %dma_start3A_120 = tpu.memref_slice %arg39[%multiple_of3A_103, %dma_start3A_119] : memref<10000x32xf32, #tpu.memory_space<vmem_shared>> -> memref<80x32xf32, #tpu.memory_space<vmem_shared>>
        %dma_start3A_121 = arith.constant 0 : i32
        %dma_start3A_122 = tpu.memref_slice %arg39[%multiple_of3A_103, %dma_start3A_121] : memref<10000x32xf32, #tpu.memory_space<vmem_shared>> -> memref<80x32xf32, #tpu.memory_space<vmem_shared>>
        %dma_start3A_123 = arith.constant 0 : i32
        %dma_start3A_124 = arith.constant 0 : i32
        %dma_start3A_125 = tpu.memref_slice %arg14[%dma_start3A_123, %dma_start3A_124] : memref<80x32xf32, #tpu.memory_space<vmem>> -> memref<80x32xf32, #tpu.memory_space<vmem>>
        tpu.enqueue_dma source(%dma_start3A_125 : memref<80x32xf32, #tpu.memory_space<vmem>>) target(%dma_start3A_122 : memref<80x32xf32, #tpu.memory_space<vmem_shared>>) target_semaphore(%run_scoped3A : memref<!tpu.dma_semaphore, #tpu.memory_space<semaphore_mem>>)
        %dma_wait3A_126 = arith.constant 0 : i32
        %dma_wait3A_127 = arith.constant 0 : i32
        %dma_wait3A_128 = tpu.memref_slice %arg14[%dma_wait3A_126, %dma_wait3A_127] : memref<80x32xf32, #tpu.memory_space<vmem>> -> memref<80x32xf32, #tpu.memory_space<vmem>>
        %dma_wait3A_129 = arith.constant 0 : i32
        %dma_wait3A_130 = tpu.memref_slice %arg39[%multiple_of3A_103, %dma_wait3A_129] : memref<10000x32xf32, #tpu.memory_space<vmem_shared>> -> memref<80x32xf32, #tpu.memory_space<vmem_shared>>
        %dma_wait3A_131 = arith.constant 0 : i32
        %dma_wait3A_132 = tpu.memref_slice %arg39[%multiple_of3A_103, %dma_wait3A_131] : memref<10000x32xf32, #tpu.memory_space<vmem_shared>> -> memref<80x32xf32, #tpu.memory_space<vmem_shared>>
        %dma_wait3A_133 = arith.constant 0 : i32
        %dma_wait3A_134 = arith.constant 0 : i32
        %dma_wait3A_135 = tpu.memref_slice %arg14[%dma_wait3A_133, %dma_wait3A_134] : memref<80x32xf32, #tpu.memory_space<vmem>> -> memref<80x32xf32, #tpu.memory_space<vmem>>
        tpu.wait_dma2 semaphore(%run_scoped3A : memref<!tpu.dma_semaphore, #tpu.memory_space<semaphore_mem>>) src(%dma_wait3A_135 : memref<80x32xf32, #tpu.memory_space<vmem>>) dst(%dma_wait3A_132 : memref<80x32xf32, #tpu.memory_space<vmem_shared>>)
        tpu.yield
      }) : () -> ()
      %add3A_104 = arith.constant 320 : i32
      %add3A_105 = arith.addi %multiple_of3A_91, %add3A_104 : i32
      %multiple_of3A_106 = tpu.assume_multiple %add3A_105, 8 : i32
      "tpu.region"() ({
        %run_scoped3A = tpu.sem_alloc : memref<!tpu.dma_semaphore, #tpu.memory_space<semaphore_mem>>
        %dma_start3A_116 = arith.constant 0 : i32
        %dma_start3A_117 = arith.constant 0 : i32
        %dma_start3A_118 = tpu.memref_slice %arg14[%dma_start3A_116, %dma_start3A_117] : memref<80x32xf32, #tpu.memory_space<vmem>> -> memref<80x32xf32, #tpu.memory_space<vmem>>
        %dma_start3A_119 = arith.constant 0 : i32
        %dma_start3A_120 = tpu.memref_slice %arg39[%multiple_of3A_106, %dma_start3A_119] : memref<10000x32xf32, #tpu.memory_space<vmem_shared>> -> memref<80x32xf32, #tpu.memory_space<vmem_shared>>
        %dma_start3A_121 = arith.constant 0 : i32
        %dma_start3A_122 = tpu.memref_slice %arg39[%multiple_of3A_106, %dma_start3A_121] : memref<10000x32xf32, #tpu.memory_space<vmem_shared>> -> memref<80x32xf32, #tpu.memory_space<vmem_shared>>
        %dma_start3A_123 = arith.constant 0 : i32
        %dma_start3A_124 = arith.constant 0 : i32
        %dma_start3A_125 = tpu.memref_slice %arg14[%dma_start3A_123, %dma_start3A_124] : memref<80x32xf32, #tpu.memory_space<vmem>> -> memref<80x32xf32, #tpu.memory_space<vmem>>
        tpu.enqueue_dma source(%dma_start3A_125 : memref<80x32xf32, #tpu.memory_space<vmem>>) target(%dma_start3A_122 : memref<80x32xf32, #tpu.memory_space<vmem_shared>>) target_semaphore(%run_scoped3A : memref<!tpu.dma_semaphore, #tpu.memory_space<semaphore_mem>>)
        %dma_wait3A_126 = arith.constant 0 : i32
        %dma_wait3A_127 = arith.constant 0 : i32
        %dma_wait3A_128 = tpu.memref_slice %arg14[%dma_wait3A_126, %dma_wait3A_127] : memref<80x32xf32, #tpu.memory_space<vmem>> -> memref<80x32xf32, #tpu.memory_space<vmem>>
        %dma_wait3A_129 = arith.constant 0 : i32
        %dma_wait3A_130 = tpu.memref_slice %arg39[%multiple_of3A_106, %dma_wait3A_129] : memref<10000x32xf32, #tpu.memory_space<vmem_shared>> -> memref<80x32xf32, #tpu.memory_space<vmem_shared>>
        %dma_wait3A_131 = arith.constant 0 : i32
        %dma_wait3A_132 = tpu.memref_slice %arg39[%multiple_of3A_106, %dma_wait3A_131] : memref<10000x32xf32, #tpu.memory_space<vmem_shared>> -> memref<80x32xf32, #tpu.memory_space<vmem_shared>>
        %dma_wait3A_133 = arith.constant 0 : i32
        %dma_wait3A_134 = arith.constant 0 : i32
        %dma_wait3A_135 = tpu.memref_slice %arg14[%dma_wait3A_133, %dma_wait3A_134] : memref<80x32xf32, #tpu.memory_space<vmem>> -> memref<80x32xf32, #tpu.memory_space<vmem>>
        tpu.wait_dma2 semaphore(%run_scoped3A : memref<!tpu.dma_semaphore, #tpu.memory_space<semaphore_mem>>) src(%dma_wait3A_135 : memref<80x32xf32, #tpu.memory_space<vmem>>) dst(%dma_wait3A_132 : memref<80x32xf32, #tpu.memory_space<vmem_shared>>)
        tpu.yield
      }) : () -> ()
      %add3A_107 = arith.constant 400 : i32
      %add3A_108 = arith.addi %multiple_of3A_91, %add3A_107 : i32
      %multiple_of3A_109 = tpu.assume_multiple %add3A_108, 8 : i32
      "tpu.region"() ({
        %run_scoped3A = tpu.sem_alloc : memref<!tpu.dma_semaphore, #tpu.memory_space<semaphore_mem>>
        %dma_start3A_116 = arith.constant 0 : i32
        %dma_start3A_117 = arith.constant 0 : i32
        %dma_start3A_118 = tpu.memref_slice %arg14[%dma_start3A_116, %dma_start3A_117] : memref<80x32xf32, #tpu.memory_space<vmem>> -> memref<80x32xf32, #tpu.memory_space<vmem>>
        %dma_start3A_119 = arith.constant 0 : i32
        %dma_start3A_120 = tpu.memref_slice %arg39[%multiple_of3A_109, %dma_start3A_119] : memref<10000x32xf32, #tpu.memory_space<vmem_shared>> -> memref<80x32xf32, #tpu.memory_space<vmem_shared>>
        %dma_start3A_121 = arith.constant 0 : i32
        %dma_start3A_122 = tpu.memref_slice %arg39[%multiple_of3A_109, %dma_start3A_121] : memref<10000x32xf32, #tpu.memory_space<vmem_shared>> -> memref<80x32xf32, #tpu.memory_space<vmem_shared>>
        %dma_start3A_123 = arith.constant 0 : i32
        %dma_start3A_124 = arith.constant 0 : i32
        %dma_start3A_125 = tpu.memref_slice %arg14[%dma_start3A_123, %dma_start3A_124] : memref<80x32xf32, #tpu.memory_space<vmem>> -> memref<80x32xf32, #tpu.memory_space<vmem>>
        tpu.enqueue_dma source(%dma_start3A_125 : memref<80x32xf32, #tpu.memory_space<vmem>>) target(%dma_start3A_122 : memref<80x32xf32, #tpu.memory_space<vmem_shared>>) target_semaphore(%run_scoped3A : memref<!tpu.dma_semaphore, #tpu.memory_space<semaphore_mem>>)
        %dma_wait3A_126 = arith.constant 0 : i32
        %dma_wait3A_127 = arith.constant 0 : i32
        %dma_wait3A_128 = tpu.memref_slice %arg14[%dma_wait3A_126, %dma_wait3A_127] : memref<80x32xf32, #tpu.memory_space<vmem>> -> memref<80x32xf32, #tpu.memory_space<vmem>>
        %dma_wait3A_129 = arith.constant 0 : i32
        %dma_wait3A_130 = tpu.memref_slice %arg39[%multiple_of3A_109, %dma_wait3A_129] : memref<10000x32xf32, #tpu.memory_space<vmem_shared>> -> memref<80x32xf32, #tpu.memory_space<vmem_shared>>
        %dma_wait3A_131 = arith.constant 0 : i32
        %dma_wait3A_132 = tpu.memref_slice %arg39[%multiple_of3A_109, %dma_wait3A_131] : memref<10000x32xf32, #tpu.memory_space<vmem_shared>> -> memref<80x32xf32, #tpu.memory_space<vmem_shared>>
        %dma_wait3A_133 = arith.constant 0 : i32
        %dma_wait3A_134 = arith.constant 0 : i32
        %dma_wait3A_135 = tpu.memref_slice %arg14[%dma_wait3A_133, %dma_wait3A_134] : memref<80x32xf32, #tpu.memory_space<vmem>> -> memref<80x32xf32, #tpu.memory_space<vmem>>
        tpu.wait_dma2 semaphore(%run_scoped3A : memref<!tpu.dma_semaphore, #tpu.memory_space<semaphore_mem>>) src(%dma_wait3A_135 : memref<80x32xf32, #tpu.memory_space<vmem>>) dst(%dma_wait3A_132 : memref<80x32xf32, #tpu.memory_space<vmem_shared>>)
        tpu.yield
      }) : () -> ()
      %add3A_110 = arith.constant 480 : i32
      %add3A_111 = arith.addi %multiple_of3A_91, %add3A_110 : i32
      %multiple_of3A_112 = tpu.assume_multiple %add3A_111, 8 : i32
      "tpu.region"() ({
        %run_scoped3A = tpu.sem_alloc : memref<!tpu.dma_semaphore, #tpu.memory_space<semaphore_mem>>
        %dma_start3A_116 = arith.constant 0 : i32
        %dma_start3A_117 = arith.constant 0 : i32
        %dma_start3A_118 = tpu.memref_slice %arg14[%dma_start3A_116, %dma_start3A_117] : memref<80x32xf32, #tpu.memory_space<vmem>> -> memref<80x32xf32, #tpu.memory_space<vmem>>
        %dma_start3A_119 = arith.constant 0 : i32
        %dma_start3A_120 = tpu.memref_slice %arg39[%multiple_of3A_112, %dma_start3A_119] : memref<10000x32xf32, #tpu.memory_space<vmem_shared>> -> memref<80x32xf32, #tpu.memory_space<vmem_shared>>
        %dma_start3A_121 = arith.constant 0 : i32
        %dma_start3A_122 = tpu.memref_slice %arg39[%multiple_of3A_112, %dma_start3A_121] : memref<10000x32xf32, #tpu.memory_space<vmem_shared>> -> memref<80x32xf32, #tpu.memory_space<vmem_shared>>
        %dma_start3A_123 = arith.constant 0 : i32
        %dma_start3A_124 = arith.constant 0 : i32
        %dma_start3A_125 = tpu.memref_slice %arg14[%dma_start3A_123, %dma_start3A_124] : memref<80x32xf32, #tpu.memory_space<vmem>> -> memref<80x32xf32, #tpu.memory_space<vmem>>
        tpu.enqueue_dma source(%dma_start3A_125 : memref<80x32xf32, #tpu.memory_space<vmem>>) target(%dma_start3A_122 : memref<80x32xf32, #tpu.memory_space<vmem_shared>>) target_semaphore(%run_scoped3A : memref<!tpu.dma_semaphore, #tpu.memory_space<semaphore_mem>>)
        %dma_wait3A_126 = arith.constant 0 : i32
        %dma_wait3A_127 = arith.constant 0 : i32
        %dma_wait3A_128 = tpu.memref_slice %arg14[%dma_wait3A_126, %dma_wait3A_127] : memref<80x32xf32, #tpu.memory_space<vmem>> -> memref<80x32xf32, #tpu.memory_space<vmem>>
        %dma_wait3A_129 = arith.constant 0 : i32
        %dma_wait3A_130 = tpu.memref_slice %arg39[%multiple_of3A_112, %dma_wait3A_129] : memref<10000x32xf32, #tpu.memory_space<vmem_shared>> -> memref<80x32xf32, #tpu.memory_space<vmem_shared>>
        %dma_wait3A_131 = arith.constant 0 : i32
        %dma_wait3A_132 = tpu.memref_slice %arg39[%multiple_of3A_112, %dma_wait3A_131] : memref<10000x32xf32, #tpu.memory_space<vmem_shared>> -> memref<80x32xf32, #tpu.memory_space<vmem_shared>>
        %dma_wait3A_133 = arith.constant 0 : i32
        %dma_wait3A_134 = arith.constant 0 : i32
        %dma_wait3A_135 = tpu.memref_slice %arg14[%dma_wait3A_133, %dma_wait3A_134] : memref<80x32xf32, #tpu.memory_space<vmem>> -> memref<80x32xf32, #tpu.memory_space<vmem>>
        tpu.wait_dma2 semaphore(%run_scoped3A : memref<!tpu.dma_semaphore, #tpu.memory_space<semaphore_mem>>) src(%dma_wait3A_135 : memref<80x32xf32, #tpu.memory_space<vmem>>) dst(%dma_wait3A_132 : memref<80x32xf32, #tpu.memory_space<vmem_shared>>)
        tpu.yield
      }) : () -> ()
      %add3A_113 = arith.constant 560 : i32
      %add3A_114 = arith.addi %multiple_of3A_91, %add3A_113 : i32
      %multiple_of3A_115 = tpu.assume_multiple %add3A_114, 8 : i32
      "tpu.region"() ({
        %run_scoped3A = tpu.sem_alloc : memref<!tpu.dma_semaphore, #tpu.memory_space<semaphore_mem>>
        %dma_start3A_116 = arith.constant 0 : i32
        %dma_start3A_117 = arith.constant 0 : i32
        %dma_start3A_118 = tpu.memref_slice %arg14[%dma_start3A_116, %dma_start3A_117] : memref<80x32xf32, #tpu.memory_space<vmem>> -> memref<64x32xf32, #tpu.memory_space<vmem>>
        %dma_start3A_119 = arith.constant 0 : i32
        %dma_start3A_120 = tpu.memref_slice %arg39[%multiple_of3A_115, %dma_start3A_119] : memref<10000x32xf32, #tpu.memory_space<vmem_shared>> -> memref<64x32xf32, #tpu.memory_space<vmem_shared>>
        %dma_start3A_121 = arith.constant 0 : i32
        %dma_start3A_122 = tpu.memref_slice %arg39[%multiple_of3A_115, %dma_start3A_121] : memref<10000x32xf32, #tpu.memory_space<vmem_shared>> -> memref<64x32xf32, #tpu.memory_space<vmem_shared>>
        %dma_start3A_123 = arith.constant 0 : i32
        %dma_start3A_124 = arith.constant 0 : i32
        %dma_start3A_125 = tpu.memref_slice %arg14[%dma_start3A_123, %dma_start3A_124] : memref<80x32xf32, #tpu.memory_space<vmem>> -> memref<64x32xf32, #tpu.memory_space<vmem>>
        tpu.enqueue_dma source(%dma_start3A_125 : memref<64x32xf32, #tpu.memory_space<vmem>>) target(%dma_start3A_122 : memref<64x32xf32, #tpu.memory_space<vmem_shared>>) target_semaphore(%run_scoped3A : memref<!tpu.dma_semaphore, #tpu.memory_space<semaphore_mem>>)
        %dma_wait3A_126 = arith.constant 0 : i32
        %dma_wait3A_127 = arith.constant 0 : i32
        %dma_wait3A_128 = tpu.memref_slice %arg14[%dma_wait3A_126, %dma_wait3A_127] : memref<80x32xf32, #tpu.memory_space<vmem>> -> memref<64x32xf32, #tpu.memory_space<vmem>>
        %dma_wait3A_129 = arith.constant 0 : i32
        %dma_wait3A_130 = tpu.memref_slice %arg39[%multiple_of3A_115, %dma_wait3A_129] : memref<10000x32xf32, #tpu.memory_space<vmem_shared>> -> memref<64x32xf32, #tpu.memory_space<vmem_shared>>
        %dma_wait3A_131 = arith.constant 0 : i32
        %dma_wait3A_132 = tpu.memref_slice %arg39[%multiple_of3A_115, %dma_wait3A_131] : memref<10000x32xf32, #tpu.memory_space<vmem_shared>> -> memref<64x32xf32, #tpu.memory_space<vmem_shared>>
        %dma_wait3A_133 = arith.constant 0 : i32
        %dma_wait3A_134 = arith.constant 0 : i32
        %dma_wait3A_135 = tpu.memref_slice %arg14[%dma_wait3A_133, %dma_wait3A_134] : memref<80x32xf32, #tpu.memory_space<vmem>> -> memref<64x32xf32, #tpu.memory_space<vmem>>
        tpu.wait_dma2 semaphore(%run_scoped3A : memref<!tpu.dma_semaphore, #tpu.memory_space<semaphore_mem>>) src(%dma_wait3A_135 : memref<64x32xf32, #tpu.memory_space<vmem>>) dst(%dma_wait3A_132 : memref<64x32xf32, #tpu.memory_space<vmem_shared>>)
        tpu.yield
      }) : () -> ()
    } else {
    }
    %barrier3A = arith.constant 0 : index
    tpu.barrier barrier_id(%barrier3A)
    %iota3A = tpu.iota {dimensions = array<i32: 0>} : vector<16xi32>
    %dma_start3A = arith.constant 0 : i32
    %dma_start3A_19 = arith.constant 0 : i32
    %dma_start3A_20 = tpu.memref_slice %arg12[%dma_start3A, %dma_start3A_19] : memref<125x80xi32, #tpu.memory_space<vmem>> -> memref<1x80xi32, #tpu.memory_space<vmem>>
    %dma_start3A_21 = tpu.memref_squeeze %dma_start3A_20 : memref<1x80xi32, #tpu.memory_space<vmem>> -> memref<80xi32, #tpu.memory_space<vmem>>
    %dma_start3A_22 = arith.constant 0 : i32
    %dma_start3A_23 = arith.constant 0 : i32
    %dma_start3A_24 = tpu.memref_slice %arg4[%dma_start3A_22, %dma_start3A_23] : memref<10000x32xf32, #tpu.memory_space<hbm>> -> memref<10000x32xf32, #tpu.memory_space<hbm>>
    tpu.enqueue_indirect_dma source(%dma_start3A_24 : memref<10000x32xf32, #tpu.memory_space<hbm>>) target(%arg14 : memref<80x32xf32, #tpu.memory_space<vmem>>) offsets(%dma_start3A_21 : memref<80xi32, #tpu.memory_space<vmem>>) semaphore(%arg29 : memref<!tpu.dma_semaphore, #tpu.memory_space<semaphore_mem>>)
    %dma_start3A_25 = arith.constant 1 : i32
    %dma_start3A_26 = arith.constant 0 : i32
    %dma_start3A_27 = tpu.memref_slice %arg12[%dma_start3A_25, %dma_start3A_26] : memref<125x80xi32, #tpu.memory_space<vmem>> -> memref<1x80xi32, #tpu.memory_space<vmem>>
    %dma_start3A_28 = tpu.memref_squeeze %dma_start3A_27 : memref<1x80xi32, #tpu.memory_space<vmem>> -> memref<80xi32, #tpu.memory_space<vmem>>
    %dma_start3A_29 = arith.constant 0 : i32
    %dma_start3A_30 = arith.constant 0 : i32
    %dma_start3A_31 = tpu.memref_slice %arg4[%dma_start3A_29, %dma_start3A_30] : memref<10000x32xf32, #tpu.memory_space<hbm>> -> memref<10000x32xf32, #tpu.memory_space<hbm>>
    tpu.enqueue_indirect_dma source(%dma_start3A_31 : memref<10000x32xf32, #tpu.memory_space<hbm>>) target(%arg15 : memref<80x32xf32, #tpu.memory_space<vmem>>) offsets(%dma_start3A_28 : memref<80xi32, #tpu.memory_space<vmem>>) semaphore(%arg30 : memref<!tpu.dma_semaphore, #tpu.memory_space<semaphore_mem>>)
    %dma_start3A_32 = arith.constant 2 : i32
    %dma_start3A_33 = arith.constant 0 : i32
    %dma_start3A_34 = tpu.memref_slice %arg12[%dma_start3A_32, %dma_start3A_33] : memref<125x80xi32, #tpu.memory_space<vmem>> -> memref<1x80xi32, #tpu.memory_space<vmem>>
    %dma_start3A_35 = tpu.memref_squeeze %dma_start3A_34 : memref<1x80xi32, #tpu.memory_space<vmem>> -> memref<80xi32, #tpu.memory_space<vmem>>
    %dma_start3A_36 = arith.constant 0 : i32
    %dma_start3A_37 = arith.constant 0 : i32
    %dma_start3A_38 = tpu.memref_slice %arg4[%dma_start3A_36, %dma_start3A_37] : memref<10000x32xf32, #tpu.memory_space<hbm>> -> memref<10000x32xf32, #tpu.memory_space<hbm>>
    tpu.enqueue_indirect_dma source(%dma_start3A_38 : memref<10000x32xf32, #tpu.memory_space<hbm>>) target(%arg16 : memref<80x32xf32, #tpu.memory_space<vmem>>) offsets(%dma_start3A_35 : memref<80xi32, #tpu.memory_space<vmem>>) semaphore(%arg31 : memref<!tpu.dma_semaphore, #tpu.memory_space<semaphore_mem>>)
    %scan3A_39 = arith.constant 0 : i32
    %scan3A_40 = arith.constant 0 : i32
    %scan3A_41 = arith.constant 25 : i32
    %scan3A_42 = arith.addi %scan3A_40, %scan3A_41 : i32
    %scan3A_43 = arith.constant 1 : i32
    scf.for %scan3A_87 = %scan3A_40 to %scan3A_42 step %scan3A_43  : i32 {
      %mul3A_88 = arith.constant 5 : i32
      %mul3A_89 = arith.muli %scan3A_87, %mul3A_88 : i32
      %add3A_90 = arith.constant 0 : i32
      %add3A_91 = arith.addi %mul3A_89, %add3A_90 : i32
      %dma_wait3A_92 = arith.constant 0 : i32
      %dma_wait3A_93 = arith.constant 0 : i32
      %dma_wait3A_94 = tpu.memref_slice %arg4[%dma_wait3A_92, %dma_wait3A_93] : memref<10000x32xf32, #tpu.memory_space<hbm>> -> memref<80x32xf32, #tpu.memory_space<hbm>>
      %dma_wait3A_95 = arith.constant 0 : i32
      %dma_wait3A_96 = arith.constant 0 : i32
      %dma_wait3A_97 = tpu.memref_slice %arg4[%dma_wait3A_95, %dma_wait3A_96] : memref<10000x32xf32, #tpu.memory_space<hbm>> -> memref<80x32xf32, #tpu.memory_space<hbm>>
      tpu.wait_dma2 semaphore(%arg29 : memref<!tpu.dma_semaphore, #tpu.memory_space<semaphore_mem>>) src(%dma_wait3A_97 : memref<80x32xf32, #tpu.memory_space<hbm>>) dst(%arg14 : memref<80x32xf32, #tpu.memory_space<vmem>>)
      %add3A_98 = arith.constant 3 : i32
      %add3A_99 = arith.addi %add3A_91, %add3A_98 : i32
      %ge3A = arith.constant 5 : i32
      %ge3A_100 = arith.cmpi sge, %add3A_99, %ge3A : i32
      %lt3A = arith.constant 125 : i32
      %lt3A_101 = arith.cmpi slt, %add3A_99, %lt3A : i32
      %and3A = arith.andi %ge3A_100, %lt3A_101 : i1
      %convert_element_type3A_102 = arith.extui %and3A : i1 to i32
      %cond3A_103 = arith.constant 0 : i32
      %cond3A_104 = arith.cmpi ne, %convert_element_type3A_102, %cond3A_103 : i32
      scf.if %cond3A_104 {
        %dma_wait3A_933 = arith.constant 0 : i32
        %dma_wait3A_934 = arith.constant 0 : i32
        %dma_wait3A_935 = tpu.memref_slice %arg39[%dma_wait3A_933, %dma_wait3A_934] : memref<10000x32xf32, #tpu.memory_space<vmem_shared>> -> memref<80x32xf32, #tpu.memory_space<vmem_shared>>
        %dma_wait3A_936 = arith.constant 0 : i32
        %dma_wait3A_937 = arith.constant 0 : i32
        %dma_wait3A_938 = tpu.memref_slice %arg39[%dma_wait3A_936, %dma_wait3A_937] : memref<10000x32xf32, #tpu.memory_space<vmem_shared>> -> memref<80x32xf32, #tpu.memory_space<vmem_shared>>
        tpu.wait_dma2 semaphore(%arg37 : memref<!tpu.dma_semaphore, #tpu.memory_space<semaphore_mem>>) src(%arg22 : memref<80x32xf32, #tpu.memory_space<vmem>>) dst(%dma_wait3A_938 : memref<80x32xf32, #tpu.memory_space<vmem_shared>>)
        %dma_start3A_939 = arith.constant 0 : i32
        %dma_start3A_940 = tpu.memref_slice %arg12[%add3A_99, %dma_start3A_939] : memref<125x80xi32, #tpu.memory_space<vmem>> -> memref<1x80xi32, #tpu.memory_space<vmem>>
        %dma_start3A_941 = tpu.memref_squeeze %dma_start3A_940 : memref<1x80xi32, #tpu.memory_space<vmem>> -> memref<80xi32, #tpu.memory_space<vmem>>
        %dma_start3A_942 = arith.constant 0 : i32
        %dma_start3A_943 = arith.constant 0 : i32
        %dma_start3A_944 = tpu.memref_slice %arg4[%dma_start3A_942, %dma_start3A_943] : memref<10000x32xf32, #tpu.memory_space<hbm>> -> memref<10000x32xf32, #tpu.memory_space<hbm>>
        tpu.enqueue_indirect_dma source(%dma_start3A_944 : memref<10000x32xf32, #tpu.memory_space<hbm>>) target(%arg17 : memref<80x32xf32, #tpu.memory_space<vmem>>) offsets(%dma_start3A_941 : memref<80xi32, #tpu.memory_space<vmem>>) semaphore(%arg32 : memref<!tpu.dma_semaphore, #tpu.memory_space<semaphore_mem>>)
      } else {
      }
      %lt3A_105 = arith.constant 5 : i32
      %lt3A_106 = arith.cmpi slt, %add3A_99, %lt3A_105 : i32
      %convert_element_type3A_107 = arith.extui %lt3A_106 : i1 to i32
      %cond3A_108 = arith.constant 0 : i32
      %cond3A_109 = arith.cmpi ne, %convert_element_type3A_107, %cond3A_108 : i32
      scf.if %cond3A_109 {
        %dma_start3A_933 = arith.constant 0 : i32
        %dma_start3A_934 = tpu.memref_slice %arg12[%add3A_99, %dma_start3A_933] : memref<125x80xi32, #tpu.memory_space<vmem>> -> memref<1x80xi32, #tpu.memory_space<vmem>>
        %dma_start3A_935 = tpu.memref_squeeze %dma_start3A_934 : memref<1x80xi32, #tpu.memory_space<vmem>> -> memref<80xi32, #tpu.memory_space<vmem>>
        %dma_start3A_936 = arith.constant 0 : i32
        %dma_start3A_937 = arith.constant 0 : i32
        %dma_start3A_938 = tpu.memref_slice %arg4[%dma_start3A_936, %dma_start3A_937] : memref<10000x32xf32, #tpu.memory_space<hbm>> -> memref<10000x32xf32, #tpu.memory_space<hbm>>
        tpu.enqueue_indirect_dma source(%dma_start3A_938 : memref<10000x32xf32, #tpu.memory_space<hbm>>) target(%arg17 : memref<80x32xf32, #tpu.memory_space<vmem>>) offsets(%dma_start3A_935 : memref<80xi32, #tpu.memory_space<vmem>>) semaphore(%arg32 : memref<!tpu.dma_semaphore, #tpu.memory_space<semaphore_mem>>)
      } else {
      }
      %get3A = arith.index_cast %add3A_91 : i32 to index
      %get3A_110 = arith.constant 0 : index
      %get3A_111 = tpu.vector_load %arg12[%get3A, %get3A_110] {strides = array<i32>} : memref<125x80xi32, #tpu.memory_space<vmem>>, vector<16xi32>,
      %get3A_112 = arith.index_cast %add3A_91 : i32 to index
      %get3A_113 = arith.constant 0 : index
      %get3A_114 = tpu.vector_load %arg13[%get3A_112, %get3A_113] {strides = array<i32>} : memref<125x80xi32, #tpu.memory_space<vmem>>, vector<16xi32>,
      %swap3A = arith.constant 0 : index
      %swap3A_115 = tpu.vector_load %arg24[%swap3A] {strides = array<i32>} : memref<80xi32, #tpu.memory_space<vmem>>, vector<16xi32>,
      tpu.vector_store %arg24[%swap3A], %get3A_114 {strides = array<i32>} : memref<80xi32, #tpu.memory_space<vmem>>, vector<16xi32>,
      %gather3A = tpu.vector_load_idx %arg10[%get3A_114] : memref<10000xf32, #tpu.memory_space<vmem>>[vector<16xi32>], vector<16xf32>,
      %gather3A_116 = tpu.vector_load_idx %arg9[%get3A_111] : memref<10000xf32, #tpu.memory_space<vmem>>[vector<16xi32>], vector<16xf32>,
      %sub3A = arith.subf %gather3A, %gather3A_116 : vector<16xf32>
      %mul3A_117 = arith.constant 2.000000e+00 : f32
      %mul3A_118 = vector.broadcast %mul3A_117 : f32 to vector<16xf32>
      %mul3A_119 = arith.mulf %mul3A_118, %sub3A : vector<16xf32>
      %exp3A = math.exp %mul3A_119 : vector<16xf32>
      %add3A_120 = arith.constant 1.000000e+00 : f32
      %add3A_121 = vector.broadcast %add3A_120 : f32 to vector<16xf32>
      %add3A_122 = arith.addf %exp3A, %add3A_121 : vector<16xf32>
      %div3A = arith.constant 2.000000e+00 : f32
      %div3A_123 = vector.broadcast %div3A : f32 to vector<16xf32>
      %div3A_124 = arith.divf %div3A_123, %add3A_122 : vector<16xf32>
      %sub3A_125 = arith.constant 1.000000e+00 : f32
      %sub3A_126 = vector.broadcast %sub3A_125 : f32 to vector<16xf32>
      %sub3A_127 = arith.subf %sub3A_126, %div3A_124 : vector<16xf32>
      %exp3A_128 = math.exp %sub3A_127 : vector<16xf32>
      tpu.vector_store_idx %arg11[%get3A_114], %exp3A_128 {add = true} : memref<10000xf32, #tpu.memory_space<vmem>>[vector<16xi32>], vector<16xf32>,
      %get3A_129 = arith.index_cast %add3A_91 : i32 to index
      %get3A_130 = arith.constant 16 : index
      %get3A_131 = tpu.vector_load %arg12[%get3A_129, %get3A_130] {strides = array<i32>} : memref<125x80xi32, #tpu.memory_space<vmem>>, vector<16xi32>,
      %get3A_132 = arith.index_cast %add3A_91 : i32 to index
      %get3A_133 = arith.constant 16 : index
      %get3A_134 = tpu.vector_load %arg13[%get3A_132, %get3A_133] {strides = array<i32>} : memref<125x80xi32, #tpu.memory_space<vmem>>, vector<16xi32>,
      %swap3A_135 = arith.constant 16 : index
      %swap3A_136 = tpu.vector_load %arg24[%swap3A_135] {strides = array<i32>} : memref<80xi32, #tpu.memory_space<vmem>>, vector<16xi32>,
      tpu.vector_store %arg24[%swap3A_135], %get3A_134 {strides = array<i32>} : memref<80xi32, #tpu.memory_space<vmem>>, vector<16xi32>,
      %gather3A_137 = tpu.vector_load_idx %arg10[%get3A_134] : memref<10000xf32, #tpu.memory_space<vmem>>[vector<16xi32>], vector<16xf32>,
      %gather3A_138 = tpu.vector_load_idx %arg9[%get3A_131] : memref<10000xf32, #tpu.memory_space<vmem>>[vector<16xi32>], vector<16xf32>,
      %sub3A_139 = arith.subf %gather3A_137, %gather3A_138 : vector<16xf32>
      %mul3A_140 = arith.constant 2.000000e+00 : f32
      %mul3A_141 = vector.broadcast %mul3A_140 : f32 to vector<16xf32>
      %mul3A_142 = arith.mulf %mul3A_141, %sub3A_139 : vector<16xf32>
      %exp3A_143 = math.exp %mul3A_142 : vector<16xf32>
      %add3A_144 = arith.constant 1.000000e+00 : f32
      %add3A_145 = vector.broadcast %add3A_144 : f32 to vector<16xf32>
      %add3A_146 = arith.addf %exp3A_143, %add3A_145 : vector<16xf32>
      %div3A_147 = arith.constant 2.000000e+00 : f32
      %div3A_148 = vector.broadcast %div3A_147 : f32 to vector<16xf32>
      %div3A_149 = arith.divf %div3A_148, %add3A_146 : vector<16xf32>
      %sub3A_150 = arith.constant 1.000000e+00 : f32
      %sub3A_151 = vector.broadcast %sub3A_150 : f32 to vector<16xf32>
      %sub3A_152 = arith.subf %sub3A_151, %div3A_149 : vector<16xf32>
      %exp3A_153 = math.exp %sub3A_152 : vector<16xf32>
      tpu.vector_store_idx %arg11[%get3A_134], %exp3A_153 {add = true} : memref<10000xf32, #tpu.memory_space<vmem>>[vector<16xi32>], vector<16xf32>,
      %get3A_154 = arith.index_cast %add3A_91 : i32 to index
      %get3A_155 = arith.constant 32 : index
      %get3A_156 = tpu.vector_load %arg12[%get3A_154, %get3A_155] {strides = array<i32>} : memref<125x80xi32, #tpu.memory_space<vmem>>, vector<16xi32>,
      %get3A_157 = arith.index_cast %add3A_91 : i32 to index
      %get3A_158 = arith.constant 32 : index
      %get3A_159 = tpu.vector_load %arg13[%get3A_157, %get3A_158] {strides = array<i32>} : memref<125x80xi32, #tpu.memory_space<vmem>>, vector<16xi32>,
      %swap3A_160 = arith.constant 32 : index
      %swap3A_161 = tpu.vector_load %arg24[%swap3A_160] {strides = array<i32>} : memref<80xi32, #tpu.memory_space<vmem>>, vector<16xi32>,
      tpu.vector_store %arg24[%swap3A_160], %get3A_159 {strides = array<i32>} : memref<80xi32, #tpu.memory_space<vmem>>, vector<16xi32>,
      %gather3A_162 = tpu.vector_load_idx %arg10[%get3A_159] : memref<10000xf32, #tpu.memory_space<vmem>>[vector<16xi32>], vector<16xf32>,
      %gather3A_163 = tpu.vector_load_idx %arg9[%get3A_156] : memref<10000xf32, #tpu.memory_space<vmem>>[vector<16xi32>], vector<16xf32>,
      %sub3A_164 = arith.subf %gather3A_162, %gather3A_163 : vector<16xf32>
      %mul3A_165 = arith.constant 2.000000e+00 : f32
      %mul3A_166 = vector.broadcast %mul3A_165 : f32 to vector<16xf32>
      %mul3A_167 = arith.mulf %mul3A_166, %sub3A_164 : vector<16xf32>
      %exp3A_168 = math.exp %mul3A_167 : vector<16xf32>
      %add3A_169 = arith.constant 1.000000e+00 : f32
      %add3A_170 = vector.broadcast %add3A_169 : f32 to vector<16xf32>
      %add3A_171 = arith.addf %exp3A_168, %add3A_170 : vector<16xf32>
      %div3A_172 = arith.constant 2.000000e+00 : f32
      %div3A_173 = vector.broadcast %div3A_172 : f32 to vector<16xf32>
      %div3A_174 = arith.divf %div3A_173, %add3A_171 : vector<16xf32>
      %sub3A_175 = arith.constant 1.000000e+00 : f32
      %sub3A_176 = vector.broadcast %sub3A_175 : f32 to vector<16xf32>
      %sub3A_177 = arith.subf %sub3A_176, %div3A_174 : vector<16xf32>
      %exp3A_178 = math.exp %sub3A_177 : vector<16xf32>
      tpu.vector_store_idx %arg11[%get3A_159], %exp3A_178 {add = true} : memref<10000xf32, #tpu.memory_space<vmem>>[vector<16xi32>], vector<16xf32>,
      %get3A_179 = arith.index_cast %add3A_91 : i32 to index
      %get3A_180 = arith.constant 48 : index
      %get3A_181 = tpu.vector_load %arg12[%get3A_179, %get3A_180] {strides = array<i32>} : memref<125x80xi32, #tpu.memory_space<vmem>>, vector<16xi32>,
      %get3A_182 = arith.index_cast %add3A_91 : i32 to index
      %get3A_183 = arith.constant 48 : index
      %get3A_184 = tpu.vector_load %arg13[%get3A_182, %get3A_183] {strides = array<i32>} : memref<125x80xi32, #tpu.memory_space<vmem>>, vector<16xi32>,
      %swap3A_185 = arith.constant 48 : index
      %swap3A_186 = tpu.vector_load %arg24[%swap3A_185] {strides = array<i32>} : memref<80xi32, #tpu.memory_space<vmem>>, vector<16xi32>,
      tpu.vector_store %arg24[%swap3A_185], %get3A_184 {strides = array<i32>} : memref<80xi32, #tpu.memory_space<vmem>>, vector<16xi32>,
      %gather3A_187 = tpu.vector_load_idx %arg10[%get3A_184] : memref<10000xf32, #tpu.memory_space<vmem>>[vector<16xi32>], vector<16xf32>,
      %gather3A_188 = tpu.vector_load_idx %arg9[%get3A_181] : memref<10000xf32, #tpu.memory_space<vmem>>[vector<16xi32>], vector<16xf32>,
      %sub3A_189 = arith.subf %gather3A_187, %gather3A_188 : vector<16xf32>
      %mul3A_190 = arith.constant 2.000000e+00 : f32
      %mul3A_191 = vector.broadcast %mul3A_190 : f32 to vector<16xf32>
      %mul3A_192 = arith.mulf %mul3A_191, %sub3A_189 : vector<16xf32>
      %exp3A_193 = math.exp %mul3A_192 : vector<16xf32>
      %add3A_194 = arith.constant 1.000000e+00 : f32
      %add3A_195 = vector.broadcast %add3A_194 : f32 to vector<16xf32>
      %add3A_196 = arith.addf %exp3A_193, %add3A_195 : vector<16xf32>
      %div3A_197 = arith.constant 2.000000e+00 : f32
      %div3A_198 = vector.broadcast %div3A_197 : f32 to vector<16xf32>
      %div3A_199 = arith.divf %div3A_198, %add3A_196 : vector<16xf32>
      %sub3A_200 = arith.constant 1.000000e+00 : f32
      %sub3A_201 = vector.broadcast %sub3A_200 : f32 to vector<16xf32>
      %sub3A_202 = arith.subf %sub3A_201, %div3A_199 : vector<16xf32>
      %exp3A_203 = math.exp %sub3A_202 : vector<16xf32>
      tpu.vector_store_idx %arg11[%get3A_184], %exp3A_203 {add = true} : memref<10000xf32, #tpu.memory_space<vmem>>[vector<16xi32>], vector<16xf32>,
      %get3A_204 = arith.index_cast %add3A_91 : i32 to index
      %get3A_205 = arith.constant 64 : index
      %get3A_206 = tpu.vector_load %arg12[%get3A_204, %get3A_205] {strides = array<i32>} : memref<125x80xi32, #tpu.memory_space<vmem>>, vector<16xi32>,
      %get3A_207 = arith.index_cast %add3A_91 : i32 to index
      %get3A_208 = arith.constant 64 : index
      %get3A_209 = tpu.vector_load %arg13[%get3A_207, %get3A_208] {strides = array<i32>} : memref<125x80xi32, #tpu.memory_space<vmem>>, vector<16xi32>,
      %swap3A_210 = arith.constant 64 : index
      %swap3A_211 = tpu.vector_load %arg24[%swap3A_210] {strides = array<i32>} : memref<80xi32, #tpu.memory_space<vmem>>, vector<16xi32>,
      tpu.vector_store %arg24[%swap3A_210], %get3A_209 {strides = array<i32>} : memref<80xi32, #tpu.memory_space<vmem>>, vector<16xi32>,
      %gather3A_212 = tpu.vector_load_idx %arg10[%get3A_209] : memref<10000xf32, #tpu.memory_space<vmem>>[vector<16xi32>], vector<16xf32>,
      %gather3A_213 = tpu.vector_load_idx %arg9[%get3A_206] : memref<10000xf32, #tpu.memory_space<vmem>>[vector<16xi32>], vector<16xf32>,
      %sub3A_214 = arith.subf %gather3A_212, %gather3A_213 : vector<16xf32>
      %mul3A_215 = arith.constant 2.000000e+00 : f32
      %mul3A_216 = vector.broadcast %mul3A_215 : f32 to vector<16xf32>
      %mul3A_217 = arith.mulf %mul3A_216, %sub3A_214 : vector<16xf32>
      %exp3A_218 = math.exp %mul3A_217 : vector<16xf32>
      %add3A_219 = arith.constant 1.000000e+00 : f32
      %add3A_220 = vector.broadcast %add3A_219 : f32 to vector<16xf32>
      %add3A_221 = arith.addf %exp3A_218, %add3A_220 : vector<16xf32>
      %div3A_222 = arith.constant 2.000000e+00 : f32
      %div3A_223 = vector.broadcast %div3A_222 : f32 to vector<16xf32>
      %div3A_224 = arith.divf %div3A_223, %add3A_221 : vector<16xf32>
      %sub3A_225 = arith.constant 1.000000e+00 : f32
      %sub3A_226 = vector.broadcast %sub3A_225 : f32 to vector<16xf32>
      %sub3A_227 = arith.subf %sub3A_226, %div3A_224 : vector<16xf32>
      %exp3A_228 = math.exp %sub3A_227 : vector<16xf32>
      tpu.vector_store_idx %arg11[%get3A_209], %exp3A_228 {add = true} : memref<10000xf32, #tpu.memory_space<vmem>>[vector<16xi32>], vector<16xf32>,
      %add3A_229 = arith.constant 0 : i32
      %add3A_230 = vector.broadcast %add3A_229 : i32 to vector<16xi32>
      %add3A_231 = arith.addi %iota3A, %add3A_230 : vector<16xi32>
      %add3A_232 = arith.constant 16 : i32
      %add3A_233 = vector.broadcast %add3A_232 : i32 to vector<16xi32>
      %add3A_234 = arith.addi %iota3A, %add3A_233 : vector<16xi32>
      %add3A_235 = arith.constant 32 : i32
      %add3A_236 = vector.broadcast %add3A_235 : i32 to vector<16xi32>
      %add3A_237 = arith.addi %iota3A, %add3A_236 : vector<16xi32>
      %add3A_238 = arith.constant 48 : i32
      %add3A_239 = vector.broadcast %add3A_238 : i32 to vector<16xi32>
      %add3A_240 = arith.addi %iota3A, %add3A_239 : vector<16xi32>
      %add3A_241 = arith.constant 64 : i32
      %add3A_242 = vector.broadcast %add3A_241 : i32 to vector<16xi32>
      %add3A_243 = arith.addi %iota3A, %add3A_242 : vector<16xi32>
      %parallel_loop3A = arith.constant 0 : i32
      %parallel_loop3A_244 = arith.constant 32 : i32
      %parallel_loop3A_245 = arith.constant 1 : i32
      scf.for %parallel_loop3A_933 = %parallel_loop3A to %parallel_loop3A_244 step %parallel_loop3A_245  : i32 {
        %parallel_loop3A_934 = vector.broadcast %parallel_loop3A_933 : i32 to vector<16xi32>
        %parallel_loop3A_935 = tpu.vector_load_idx %arg14[%add3A_231, %parallel_loop3A_934] : memref<80x32xf32, #tpu.memory_space<vmem>>[vector<16xi32>, vector<16xi32>], vector<16xf32>,
        %parallel_loop3A_936 = arith.mulf %parallel_loop3A_935, %exp3A_128 : vector<16xf32>
        tpu.vector_store_idx %arg19[%add3A_231, %parallel_loop3A_934], %parallel_loop3A_936 : memref<80x32xf32, #tpu.memory_space<vmem>>[vector<16xi32>, vector<16xi32>], vector<16xf32>,
        %parallel_loop3A_937 = tpu.vector_load_idx %arg14[%add3A_234, %parallel_loop3A_934] : memref<80x32xf32, #tpu.memory_space<vmem>>[vector<16xi32>, vector<16xi32>], vector<16xf32>,
        %parallel_loop3A_938 = arith.mulf %parallel_loop3A_937, %exp3A_153 : vector<16xf32>
        tpu.vector_store_idx %arg19[%add3A_234, %parallel_loop3A_934], %parallel_loop3A_938 : memref<80x32xf32, #tpu.memory_space<vmem>>[vector<16xi32>, vector<16xi32>], vector<16xf32>,
        %parallel_loop3A_939 = tpu.vector_load_idx %arg14[%add3A_237, %parallel_loop3A_934] : memref<80x32xf32, #tpu.memory_space<vmem>>[vector<16xi32>, vector<16xi32>], vector<16xf32>,
        %parallel_loop3A_940 = arith.mulf %parallel_loop3A_939, %exp3A_178 : vector<16xf32>
        tpu.vector_store_idx %arg19[%add3A_237, %parallel_loop3A_934], %parallel_loop3A_940 : memref<80x32xf32, #tpu.memory_space<vmem>>[vector<16xi32>, vector<16xi32>], vector<16xf32>,
        %parallel_loop3A_941 = tpu.vector_load_idx %arg14[%add3A_240, %parallel_loop3A_934] : memref<80x32xf32, #tpu.memory_space<vmem>>[vector<16xi32>, vector<16xi32>], vector<16xf32>,
        %parallel_loop3A_942 = arith.mulf %parallel_loop3A_941, %exp3A_203 : vector<16xf32>
        tpu.vector_store_idx %arg19[%add3A_240, %parallel_loop3A_934], %parallel_loop3A_942 : memref<80x32xf32, #tpu.memory_space<vmem>>[vector<16xi32>, vector<16xi32>], vector<16xf32>,
        %parallel_loop3A_943 = tpu.vector_load_idx %arg14[%add3A_243, %parallel_loop3A_934] : memref<80x32xf32, #tpu.memory_space<vmem>>[vector<16xi32>, vector<16xi32>], vector<16xf32>,
        %parallel_loop3A_944 = arith.mulf %parallel_loop3A_943, %exp3A_228 : vector<16xf32>
        tpu.vector_store_idx %arg19[%add3A_243, %parallel_loop3A_934], %parallel_loop3A_944 : memref<80x32xf32, #tpu.memory_space<vmem>>[vector<16xi32>, vector<16xi32>], vector<16xf32>,
      } {sc.loop_unroll_factor = 4 : i64, sc.parallel_access}
      %dma_start3A_246 = arith.constant 0 : i32
      %dma_start3A_247 = arith.constant 0 : i32
      %dma_start3A_248 = tpu.memref_slice %arg39[%dma_start3A_246, %dma_start3A_247] : memref<10000x32xf32, #tpu.memory_space<vmem_shared>> -> memref<10000x32xf32, #tpu.memory_space<vmem_shared>>
      tpu.enqueue_indirect_dma source(%arg19 : memref<80x32xf32, #tpu.memory_space<vmem>>) target(%dma_start3A_248 : memref<10000x32xf32, #tpu.memory_space<vmem_shared>>) offsets(%arg24 : memref<80xi32, #tpu.memory_space<vmem>>) semaphore(%arg34 : memref<!tpu.dma_semaphore, #tpu.memory_space<semaphore_mem>>) {add = true}
      %mul3A_249 = arith.constant 5 : i32
      %mul3A_250 = arith.muli %scan3A_87, %mul3A_249 : i32
      %add3A_251 = arith.constant 1 : i32
      %add3A_252 = arith.addi %mul3A_250, %add3A_251 : i32
      %dma_wait3A_253 = arith.constant 0 : i32
      %dma_wait3A_254 = arith.constant 0 : i32
      %dma_wait3A_255 = tpu.memref_slice %arg4[%dma_wait3A_253, %dma_wait3A_254] : memref<10000x32xf32, #tpu.memory_space<hbm>> -> memref<80x32xf32, #tpu.memory_space<hbm>>
      %dma_wait3A_256 = arith.constant 0 : i32
      %dma_wait3A_257 = arith.constant 0 : i32
      %dma_wait3A_258 = tpu.memref_slice %arg4[%dma_wait3A_256, %dma_wait3A_257] : memref<10000x32xf32, #tpu.memory_space<hbm>> -> memref<80x32xf32, #tpu.memory_space<hbm>>
      tpu.wait_dma2 semaphore(%arg30 : memref<!tpu.dma_semaphore, #tpu.memory_space<semaphore_mem>>) src(%dma_wait3A_258 : memref<80x32xf32, #tpu.memory_space<hbm>>) dst(%arg15 : memref<80x32xf32, #tpu.memory_space<vmem>>)
      %add3A_259 = arith.constant 3 : i32
      %add3A_260 = arith.addi %add3A_252, %add3A_259 : i32
      %ge3A_261 = arith.constant 5 : i32
      %ge3A_262 = arith.cmpi sge, %add3A_260, %ge3A_261 : i32
      %lt3A_263 = arith.constant 125 : i32
      %lt3A_264 = arith.cmpi slt, %add3A_260, %lt3A_263 : i32
      %and3A_265 = arith.andi %ge3A_262, %lt3A_264 : i1
      %convert_element_type3A_266 = arith.extui %and3A_265 : i1 to i32
      %cond3A_267 = arith.constant 0 : i32
      %cond3A_268 = arith.cmpi ne, %convert_element_type3A_266, %cond3A_267 : i32
      scf.if %cond3A_268 {
        %dma_wait3A_933 = arith.constant 0 : i32
        %dma_wait3A_934 = arith.constant 0 : i32
        %dma_wait3A_935 = tpu.memref_slice %arg39[%dma_wait3A_933, %dma_wait3A_934] : memref<10000x32xf32, #tpu.memory_space<vmem_shared>> -> memref<80x32xf32, #tpu.memory_space<vmem_shared>>
        %dma_wait3A_936 = arith.constant 0 : i32
        %dma_wait3A_937 = arith.constant 0 : i32
        %dma_wait3A_938 = tpu.memref_slice %arg39[%dma_wait3A_936, %dma_wait3A_937] : memref<10000x32xf32, #tpu.memory_space<vmem_shared>> -> memref<80x32xf32, #tpu.memory_space<vmem_shared>>
        tpu.wait_dma2 semaphore(%arg38 : memref<!tpu.dma_semaphore, #tpu.memory_space<semaphore_mem>>) src(%arg23 : memref<80x32xf32, #tpu.memory_space<vmem>>) dst(%dma_wait3A_938 : memref<80x32xf32, #tpu.memory_space<vmem_shared>>)
        %dma_start3A_939 = arith.constant 0 : i32
        %dma_start3A_940 = tpu.memref_slice %arg12[%add3A_260, %dma_start3A_939] : memref<125x80xi32, #tpu.memory_space<vmem>> -> memref<1x80xi32, #tpu.memory_space<vmem>>
        %dma_start3A_941 = tpu.memref_squeeze %dma_start3A_940 : memref<1x80xi32, #tpu.memory_space<vmem>> -> memref<80xi32, #tpu.memory_space<vmem>>
        %dma_start3A_942 = arith.constant 0 : i32
        %dma_start3A_943 = arith.constant 0 : i32
        %dma_start3A_944 = tpu.memref_slice %arg4[%dma_start3A_942, %dma_start3A_943] : memref<10000x32xf32, #tpu.memory_space<hbm>> -> memref<10000x32xf32, #tpu.memory_space<hbm>>
        tpu.enqueue_indirect_dma source(%dma_start3A_944 : memref<10000x32xf32, #tpu.memory_space<hbm>>) target(%arg18 : memref<80x32xf32, #tpu.memory_space<vmem>>) offsets(%dma_start3A_941 : memref<80xi32, #tpu.memory_space<vmem>>) semaphore(%arg33 : memref<!tpu.dma_semaphore, #tpu.memory_space<semaphore_mem>>)
      } else {
      }
      %lt3A_269 = arith.constant 5 : i32
      %lt3A_270 = arith.cmpi slt, %add3A_260, %lt3A_269 : i32
      %convert_element_type3A_271 = arith.extui %lt3A_270 : i1 to i32
      %cond3A_272 = arith.constant 0 : i32
      %cond3A_273 = arith.cmpi ne, %convert_element_type3A_271, %cond3A_272 : i32
      scf.if %cond3A_273 {
        %dma_start3A_933 = arith.constant 0 : i32
        %dma_start3A_934 = tpu.memref_slice %arg12[%add3A_260, %dma_start3A_933] : memref<125x80xi32, #tpu.memory_space<vmem>> -> memref<1x80xi32, #tpu.memory_space<vmem>>
        %dma_start3A_935 = tpu.memref_squeeze %dma_start3A_934 : memref<1x80xi32, #tpu.memory_space<vmem>> -> memref<80xi32, #tpu.memory_space<vmem>>
        %dma_start3A_936 = arith.constant 0 : i32
        %dma_start3A_937 = arith.constant 0 : i32
        %dma_start3A_938 = tpu.memref_slice %arg4[%dma_start3A_936, %dma_start3A_937] : memref<10000x32xf32, #tpu.memory_space<hbm>> -> memref<10000x32xf32, #tpu.memory_space<hbm>>
        tpu.enqueue_indirect_dma source(%dma_start3A_938 : memref<10000x32xf32, #tpu.memory_space<hbm>>) target(%arg18 : memref<80x32xf32, #tpu.memory_space<vmem>>) offsets(%dma_start3A_935 : memref<80xi32, #tpu.memory_space<vmem>>) semaphore(%arg33 : memref<!tpu.dma_semaphore, #tpu.memory_space<semaphore_mem>>)
      } else {
      }
      %get3A_274 = arith.index_cast %add3A_252 : i32 to index
      %get3A_275 = arith.constant 0 : index
      %get3A_276 = tpu.vector_load %arg12[%get3A_274, %get3A_275] {strides = array<i32>} : memref<125x80xi32, #tpu.memory_space<vmem>>, vector<16xi32>,
      %get3A_277 = arith.index_cast %add3A_252 : i32 to index
      %get3A_278 = arith.constant 0 : index
      %get3A_279 = tpu.vector_load %arg13[%get3A_277, %get3A_278] {strides = array<i32>} : memref<125x80xi32, #tpu.memory_space<vmem>>, vector<16xi32>,
      %swap3A_280 = arith.constant 0 : index
      %swap3A_281 = tpu.vector_load %arg25[%swap3A_280] {strides = array<i32>} : memref<80xi32, #tpu.memory_space<vmem>>, vector<16xi32>,
      tpu.vector_store %arg25[%swap3A_280], %get3A_279 {strides = array<i32>} : memref<80xi32, #tpu.memory_space<vmem>>, vector<16xi32>,
      %gather3A_282 = tpu.vector_load_idx %arg10[%get3A_279] : memref<10000xf32, #tpu.memory_space<vmem>>[vector<16xi32>], vector<16xf32>,
      %gather3A_283 = tpu.vector_load_idx %arg9[%get3A_276] : memref<10000xf32, #tpu.memory_space<vmem>>[vector<16xi32>], vector<16xf32>,
      %sub3A_284 = arith.subf %gather3A_282, %gather3A_283 : vector<16xf32>
      %mul3A_285 = arith.constant 2.000000e+00 : f32
      %mul3A_286 = vector.broadcast %mul3A_285 : f32 to vector<16xf32>
      %mul3A_287 = arith.mulf %mul3A_286, %sub3A_284 : vector<16xf32>
      %exp3A_288 = math.exp %mul3A_287 : vector<16xf32>
      %add3A_289 = arith.constant 1.000000e+00 : f32
      %add3A_290 = vector.broadcast %add3A_289 : f32 to vector<16xf32>
      %add3A_291 = arith.addf %exp3A_288, %add3A_290 : vector<16xf32>
      %div3A_292 = arith.constant 2.000000e+00 : f32
      %div3A_293 = vector.broadcast %div3A_292 : f32 to vector<16xf32>
      %div3A_294 = arith.divf %div3A_293, %add3A_291 : vector<16xf32>
      %sub3A_295 = arith.constant 1.000000e+00 : f32
      %sub3A_296 = vector.broadcast %sub3A_295 : f32 to vector<16xf32>
      %sub3A_297 = arith.subf %sub3A_296, %div3A_294 : vector<16xf32>
      %exp3A_298 = math.exp %sub3A_297 : vector<16xf32>
      tpu.vector_store_idx %arg11[%get3A_279], %exp3A_298 {add = true} : memref<10000xf32, #tpu.memory_space<vmem>>[vector<16xi32>], vector<16xf32>,
      %get3A_299 = arith.index_cast %add3A_252 : i32 to index
      %get3A_300 = arith.constant 16 : index
      %get3A_301 = tpu.vector_load %arg12[%get3A_299, %get3A_300] {strides = array<i32>} : memref<125x80xi32, #tpu.memory_space<vmem>>, vector<16xi32>,
      %get3A_302 = arith.index_cast %add3A_252 : i32 to index
      %get3A_303 = arith.constant 16 : index
      %get3A_304 = tpu.vector_load %arg13[%get3A_302, %get3A_303] {strides = array<i32>} : memref<125x80xi32, #tpu.memory_space<vmem>>, vector<16xi32>,
      %swap3A_305 = arith.constant 16 : index
      %swap3A_306 = tpu.vector_load %arg25[%swap3A_305] {strides = array<i32>} : memref<80xi32, #tpu.memory_space<vmem>>, vector<16xi32>,
      tpu.vector_store %arg25[%swap3A_305], %get3A_304 {strides = array<i32>} : memref<80xi32, #tpu.memory_space<vmem>>, vector<16xi32>,
      %gather3A_307 = tpu.vector_load_idx %arg10[%get3A_304] : memref<10000xf32, #tpu.memory_space<vmem>>[vector<16xi32>], vector<16xf32>,
      %gather3A_308 = tpu.vector_load_idx %arg9[%get3A_301] : memref<10000xf32, #tpu.memory_space<vmem>>[vector<16xi32>], vector<16xf32>,
      %sub3A_309 = arith.subf %gather3A_307, %gather3A_308 : vector<16xf32>
      %mul3A_310 = arith.constant 2.000000e+00 : f32
      %mul3A_311 = vector.broadcast %mul3A_310 : f32 to vector<16xf32>
      %mul3A_312 = arith.mulf %mul3A_311, %sub3A_309 : vector<16xf32>
      %exp3A_313 = math.exp %mul3A_312 : vector<16xf32>
      %add3A_314 = arith.constant 1.000000e+00 : f32
      %add3A_315 = vector.broadcast %add3A_314 : f32 to vector<16xf32>
      %add3A_316 = arith.addf %exp3A_313, %add3A_315 : vector<16xf32>
      %div3A_317 = arith.constant 2.000000e+00 : f32
      %div3A_318 = vector.broadcast %div3A_317 : f32 to vector<16xf32>
      %div3A_319 = arith.divf %div3A_318, %add3A_316 : vector<16xf32>
      %sub3A_320 = arith.constant 1.000000e+00 : f32
      %sub3A_321 = vector.broadcast %sub3A_320 : f32 to vector<16xf32>
      %sub3A_322 = arith.subf %sub3A_321, %div3A_319 : vector<16xf32>
      %exp3A_323 = math.exp %sub3A_322 : vector<16xf32>
      tpu.vector_store_idx %arg11[%get3A_304], %exp3A_323 {add = true} : memref<10000xf32, #tpu.memory_space<vmem>>[vector<16xi32>], vector<16xf32>,
      %get3A_324 = arith.index_cast %add3A_252 : i32 to index
      %get3A_325 = arith.constant 32 : index
      %get3A_326 = tpu.vector_load %arg12[%get3A_324, %get3A_325] {strides = array<i32>} : memref<125x80xi32, #tpu.memory_space<vmem>>, vector<16xi32>,
      %get3A_327 = arith.index_cast %add3A_252 : i32 to index
      %get3A_328 = arith.constant 32 : index
      %get3A_329 = tpu.vector_load %arg13[%get3A_327, %get3A_328] {strides = array<i32>} : memref<125x80xi32, #tpu.memory_space<vmem>>, vector<16xi32>,
      %swap3A_330 = arith.constant 32 : index
      %swap3A_331 = tpu.vector_load %arg25[%swap3A_330] {strides = array<i32>} : memref<80xi32, #tpu.memory_space<vmem>>, vector<16xi32>,
      tpu.vector_store %arg25[%swap3A_330], %get3A_329 {strides = array<i32>} : memref<80xi32, #tpu.memory_space<vmem>>, vector<16xi32>,
      %gather3A_332 = tpu.vector_load_idx %arg10[%get3A_329] : memref<10000xf32, #tpu.memory_space<vmem>>[vector<16xi32>], vector<16xf32>,
      %gather3A_333 = tpu.vector_load_idx %arg9[%get3A_326] : memref<10000xf32, #tpu.memory_space<vmem>>[vector<16xi32>], vector<16xf32>,
      %sub3A_334 = arith.subf %gather3A_332, %gather3A_333 : vector<16xf32>
      %mul3A_335 = arith.constant 2.000000e+00 : f32
      %mul3A_336 = vector.broadcast %mul3A_335 : f32 to vector<16xf32>
      %mul3A_337 = arith.mulf %mul3A_336, %sub3A_334 : vector<16xf32>
      %exp3A_338 = math.exp %mul3A_337 : vector<16xf32>
      %add3A_339 = arith.constant 1.000000e+00 : f32
      %add3A_340 = vector.broadcast %add3A_339 : f32 to vector<16xf32>
      %add3A_341 = arith.addf %exp3A_338, %add3A_340 : vector<16xf32>
      %div3A_342 = arith.constant 2.000000e+00 : f32
      %div3A_343 = vector.broadcast %div3A_342 : f32 to vector<16xf32>
      %div3A_344 = arith.divf %div3A_343, %add3A_341 : vector<16xf32>
      %sub3A_345 = arith.constant 1.000000e+00 : f32
      %sub3A_346 = vector.broadcast %sub3A_345 : f32 to vector<16xf32>
      %sub3A_347 = arith.subf %sub3A_346, %div3A_344 : vector<16xf32>
      %exp3A_348 = math.exp %sub3A_347 : vector<16xf32>
      tpu.vector_store_idx %arg11[%get3A_329], %exp3A_348 {add = true} : memref<10000xf32, #tpu.memory_space<vmem>>[vector<16xi32>], vector<16xf32>,
      %get3A_349 = arith.index_cast %add3A_252 : i32 to index
      %get3A_350 = arith.constant 48 : index
      %get3A_351 = tpu.vector_load %arg12[%get3A_349, %get3A_350] {strides = array<i32>} : memref<125x80xi32, #tpu.memory_space<vmem>>, vector<16xi32>,
      %get3A_352 = arith.index_cast %add3A_252 : i32 to index
      %get3A_353 = arith.constant 48 : index
      %get3A_354 = tpu.vector_load %arg13[%get3A_352, %get3A_353] {strides = array<i32>} : memref<125x80xi32, #tpu.memory_space<vmem>>, vector<16xi32>,
      %swap3A_355 = arith.constant 48 : index
      %swap3A_356 = tpu.vector_load %arg25[%swap3A_355] {strides = array<i32>} : memref<80xi32, #tpu.memory_space<vmem>>, vector<16xi32>,
      tpu.vector_store %arg25[%swap3A_355], %get3A_354 {strides = array<i32>} : memref<80xi32, #tpu.memory_space<vmem>>, vector<16xi32>,
      %gather3A_357 = tpu.vector_load_idx %arg10[%get3A_354] : memref<10000xf32, #tpu.memory_space<vmem>>[vector<16xi32>], vector<16xf32>,
      %gather3A_358 = tpu.vector_load_idx %arg9[%get3A_351] : memref<10000xf32, #tpu.memory_space<vmem>>[vector<16xi32>], vector<16xf32>,
      %sub3A_359 = arith.subf %gather3A_357, %gather3A_358 : vector<16xf32>
      %mul3A_360 = arith.constant 2.000000e+00 : f32
      %mul3A_361 = vector.broadcast %mul3A_360 : f32 to vector<16xf32>
      %mul3A_362 = arith.mulf %mul3A_361, %sub3A_359 : vector<16xf32>
      %exp3A_363 = math.exp %mul3A_362 : vector<16xf32>
      %add3A_364 = arith.constant 1.000000e+00 : f32
      %add3A_365 = vector.broadcast %add3A_364 : f32 to vector<16xf32>
      %add3A_366 = arith.addf %exp3A_363, %add3A_365 : vector<16xf32>
      %div3A_367 = arith.constant 2.000000e+00 : f32
      %div3A_368 = vector.broadcast %div3A_367 : f32 to vector<16xf32>
      %div3A_369 = arith.divf %div3A_368, %add3A_366 : vector<16xf32>
      %sub3A_370 = arith.constant 1.000000e+00 : f32
      %sub3A_371 = vector.broadcast %sub3A_370 : f32 to vector<16xf32>
      %sub3A_372 = arith.subf %sub3A_371, %div3A_369 : vector<16xf32>
      %exp3A_373 = math.exp %sub3A_372 : vector<16xf32>
      tpu.vector_store_idx %arg11[%get3A_354], %exp3A_373 {add = true} : memref<10000xf32, #tpu.memory_space<vmem>>[vector<16xi32>], vector<16xf32>,
      %get3A_374 = arith.index_cast %add3A_252 : i32 to index
      %get3A_375 = arith.constant 64 : index
      %get3A_376 = tpu.vector_load %arg12[%get3A_374, %get3A_375] {strides = array<i32>} : memref<125x80xi32, #tpu.memory_space<vmem>>, vector<16xi32>,
      %get3A_377 = arith.index_cast %add3A_252 : i32 to index
      %get3A_378 = arith.constant 64 : index
      %get3A_379 = tpu.vector_load %arg13[%get3A_377, %get3A_378] {strides = array<i32>} : memref<125x80xi32, #tpu.memory_space<vmem>>, vector<16xi32>,
      %swap3A_380 = arith.constant 64 : index
      %swap3A_381 = tpu.vector_load %arg25[%swap3A_380] {strides = array<i32>} : memref<80xi32, #tpu.memory_space<vmem>>, vector<16xi32>,
      tpu.vector_store %arg25[%swap3A_380], %get3A_379 {strides = array<i32>} : memref<80xi32, #tpu.memory_space<vmem>>, vector<16xi32>,
      %gather3A_382 = tpu.vector_load_idx %arg10[%get3A_379] : memref<10000xf32, #tpu.memory_space<vmem>>[vector<16xi32>], vector<16xf32>,
      %gather3A_383 = tpu.vector_load_idx %arg9[%get3A_376] : memref<10000xf32, #tpu.memory_space<vmem>>[vector<16xi32>], vector<16xf32>,
      %sub3A_384 = arith.subf %gather3A_382, %gather3A_383 : vector<16xf32>
      %mul3A_385 = arith.constant 2.000000e+00 : f32
      %mul3A_386 = vector.broadcast %mul3A_385 : f32 to vector<16xf32>
      %mul3A_387 = arith.mulf %mul3A_386, %sub3A_384 : vector<16xf32>
      %exp3A_388 = math.exp %mul3A_387 : vector<16xf32>
      %add3A_389 = arith.constant 1.000000e+00 : f32
      %add3A_390 = vector.broadcast %add3A_389 : f32 to vector<16xf32>
      %add3A_391 = arith.addf %exp3A_388, %add3A_390 : vector<16xf32>
      %div3A_392 = arith.constant 2.000000e+00 : f32
      %div3A_393 = vector.broadcast %div3A_392 : f32 to vector<16xf32>
      %div3A_394 = arith.divf %div3A_393, %add3A_391 : vector<16xf32>
      %sub3A_395 = arith.constant 1.000000e+00 : f32
      %sub3A_396 = vector.broadcast %sub3A_395 : f32 to vector<16xf32>
      %sub3A_397 = arith.subf %sub3A_396, %div3A_394 : vector<16xf32>
      %exp3A_398 = math.exp %sub3A_397 : vector<16xf32>
      tpu.vector_store_idx %arg11[%get3A_379], %exp3A_398 {add = true} : memref<10000xf32, #tpu.memory_space<vmem>>[vector<16xi32>], vector<16xf32>,
      %add3A_399 = arith.constant 0 : i32
      %add3A_400 = vector.broadcast %add3A_399 : i32 to vector<16xi32>
      %add3A_401 = arith.addi %iota3A, %add3A_400 : vector<16xi32>
      %add3A_402 = arith.constant 16 : i32
      %add3A_403 = vector.broadcast %add3A_402 : i32 to vector<16xi32>
      %add3A_404 = arith.addi %iota3A, %add3A_403 : vector<16xi32>
      %add3A_405 = arith.constant 32 : i32
      %add3A_406 = vector.broadcast %add3A_405 : i32 to vector<16xi32>
      %add3A_407 = arith.addi %iota3A, %add3A_406 : vector<16xi32>
      %add3A_408 = arith.constant 48 : i32
      %add3A_409 = vector.broadcast %add3A_408 : i32 to vector<16xi32>
      %add3A_410 = arith.addi %iota3A, %add3A_409 : vector<16xi32>
      %add3A_411 = arith.constant 64 : i32
      %add3A_412 = vector.broadcast %add3A_411 : i32 to vector<16xi32>
      %add3A_413 = arith.addi %iota3A, %add3A_412 : vector<16xi32>
      %parallel_loop3A_414 = arith.constant 0 : i32
      %parallel_loop3A_415 = arith.constant 32 : i32
      %parallel_loop3A_416 = arith.constant 1 : i32
      scf.for %parallel_loop3A_933 = %parallel_loop3A_414 to %parallel_loop3A_415 step %parallel_loop3A_416  : i32 {
        %parallel_loop3A_934 = vector.broadcast %parallel_loop3A_933 : i32 to vector<16xi32>
        %parallel_loop3A_935 = tpu.vector_load_idx %arg15[%add3A_401, %parallel_loop3A_934] : memref<80x32xf32, #tpu.memory_space<vmem>>[vector<16xi32>, vector<16xi32>], vector<16xf32>,
        %parallel_loop3A_936 = arith.mulf %parallel_loop3A_935, %exp3A_298 : vector<16xf32>
        tpu.vector_store_idx %arg20[%add3A_401, %parallel_loop3A_934], %parallel_loop3A_936 : memref<80x32xf32, #tpu.memory_space<vmem>>[vector<16xi32>, vector<16xi32>], vector<16xf32>,
        %parallel_loop3A_937 = tpu.vector_load_idx %arg15[%add3A_404, %parallel_loop3A_934] : memref<80x32xf32, #tpu.memory_space<vmem>>[vector<16xi32>, vector<16xi32>], vector<16xf32>,
        %parallel_loop3A_938 = arith.mulf %parallel_loop3A_937, %exp3A_323 : vector<16xf32>
        tpu.vector_store_idx %arg20[%add3A_404, %parallel_loop3A_934], %parallel_loop3A_938 : memref<80x32xf32, #tpu.memory_space<vmem>>[vector<16xi32>, vector<16xi32>], vector<16xf32>,
        %parallel_loop3A_939 = tpu.vector_load_idx %arg15[%add3A_407, %parallel_loop3A_934] : memref<80x32xf32, #tpu.memory_space<vmem>>[vector<16xi32>, vector<16xi32>], vector<16xf32>,
        %parallel_loop3A_940 = arith.mulf %parallel_loop3A_939, %exp3A_348 : vector<16xf32>
        tpu.vector_store_idx %arg20[%add3A_407, %parallel_loop3A_934], %parallel_loop3A_940 : memref<80x32xf32, #tpu.memory_space<vmem>>[vector<16xi32>, vector<16xi32>], vector<16xf32>,
        %parallel_loop3A_941 = tpu.vector_load_idx %arg15[%add3A_410, %parallel_loop3A_934] : memref<80x32xf32, #tpu.memory_space<vmem>>[vector<16xi32>, vector<16xi32>], vector<16xf32>,
        %parallel_loop3A_942 = arith.mulf %parallel_loop3A_941, %exp3A_373 : vector<16xf32>
        tpu.vector_store_idx %arg20[%add3A_410, %parallel_loop3A_934], %parallel_loop3A_942 : memref<80x32xf32, #tpu.memory_space<vmem>>[vector<16xi32>, vector<16xi32>], vector<16xf32>,
        %parallel_loop3A_943 = tpu.vector_load_idx %arg15[%add3A_413, %parallel_loop3A_934] : memref<80x32xf32, #tpu.memory_space<vmem>>[vector<16xi32>, vector<16xi32>], vector<16xf32>,
        %parallel_loop3A_944 = arith.mulf %parallel_loop3A_943, %exp3A_398 : vector<16xf32>
        tpu.vector_store_idx %arg20[%add3A_413, %parallel_loop3A_934], %parallel_loop3A_944 : memref<80x32xf32, #tpu.memory_space<vmem>>[vector<16xi32>, vector<16xi32>], vector<16xf32>,
      } {sc.loop_unroll_factor = 4 : i64, sc.parallel_access}
      %dma_start3A_417 = arith.constant 0 : i32
      %dma_start3A_418 = arith.constant 0 : i32
      %dma_start3A_419 = tpu.memref_slice %arg39[%dma_start3A_417, %dma_start3A_418] : memref<10000x32xf32, #tpu.memory_space<vmem_shared>> -> memref<10000x32xf32, #tpu.memory_space<vmem_shared>>
      tpu.enqueue_indirect_dma source(%arg20 : memref<80x32xf32, #tpu.memory_space<vmem>>) target(%dma_start3A_419 : memref<10000x32xf32, #tpu.memory_space<vmem_shared>>) offsets(%arg25 : memref<80xi32, #tpu.memory_space<vmem>>) semaphore(%arg35 : memref<!tpu.dma_semaphore, #tpu.memory_space<semaphore_mem>>) {add = true}
      %mul3A_420 = arith.constant 5 : i32
      %mul3A_421 = arith.muli %scan3A_87, %mul3A_420 : i32
      %add3A_422 = arith.constant 2 : i32
      %add3A_423 = arith.addi %mul3A_421, %add3A_422 : i32
      %dma_wait3A_424 = arith.constant 0 : i32
      %dma_wait3A_425 = arith.constant 0 : i32
      %dma_wait3A_426 = tpu.memref_slice %arg4[%dma_wait3A_424, %dma_wait3A_425] : memref<10000x32xf32, #tpu.memory_space<hbm>> -> memref<80x32xf32, #tpu.memory_space<hbm>>
      %dma_wait3A_427 = arith.constant 0 : i32
      %dma_wait3A_428 = arith.constant 0 : i32
      %dma_wait3A_429 = tpu.memref_slice %arg4[%dma_wait3A_427, %dma_wait3A_428] : memref<10000x32xf32, #tpu.memory_space<hbm>> -> memref<80x32xf32, #tpu.memory_space<hbm>>
      tpu.wait_dma2 semaphore(%arg31 : memref<!tpu.dma_semaphore, #tpu.memory_space<semaphore_mem>>) src(%dma_wait3A_429 : memref<80x32xf32, #tpu.memory_space<hbm>>) dst(%arg16 : memref<80x32xf32, #tpu.memory_space<vmem>>)
      %add3A_430 = arith.constant 3 : i32
      %add3A_431 = arith.addi %add3A_423, %add3A_430 : i32
      %ge3A_432 = arith.constant 5 : i32
      %ge3A_433 = arith.cmpi sge, %add3A_431, %ge3A_432 : i32
      %lt3A_434 = arith.constant 125 : i32
      %lt3A_435 = arith.cmpi slt, %add3A_431, %lt3A_434 : i32
      %and3A_436 = arith.andi %ge3A_433, %lt3A_435 : i1
      %convert_element_type3A_437 = arith.extui %and3A_436 : i1 to i32
      %cond3A_438 = arith.constant 0 : i32
      %cond3A_439 = arith.cmpi ne, %convert_element_type3A_437, %cond3A_438 : i32
      scf.if %cond3A_439 {
        %dma_wait3A_933 = arith.constant 0 : i32
        %dma_wait3A_934 = arith.constant 0 : i32
        %dma_wait3A_935 = tpu.memref_slice %arg39[%dma_wait3A_933, %dma_wait3A_934] : memref<10000x32xf32, #tpu.memory_space<vmem_shared>> -> memref<80x32xf32, #tpu.memory_space<vmem_shared>>
        %dma_wait3A_936 = arith.constant 0 : i32
        %dma_wait3A_937 = arith.constant 0 : i32
        %dma_wait3A_938 = tpu.memref_slice %arg39[%dma_wait3A_936, %dma_wait3A_937] : memref<10000x32xf32, #tpu.memory_space<vmem_shared>> -> memref<80x32xf32, #tpu.memory_space<vmem_shared>>
        tpu.wait_dma2 semaphore(%arg34 : memref<!tpu.dma_semaphore, #tpu.memory_space<semaphore_mem>>) src(%arg19 : memref<80x32xf32, #tpu.memory_space<vmem>>) dst(%dma_wait3A_938 : memref<80x32xf32, #tpu.memory_space<vmem_shared>>)
        %dma_start3A_939 = arith.constant 0 : i32
        %dma_start3A_940 = tpu.memref_slice %arg12[%add3A_431, %dma_start3A_939] : memref<125x80xi32, #tpu.memory_space<vmem>> -> memref<1x80xi32, #tpu.memory_space<vmem>>
        %dma_start3A_941 = tpu.memref_squeeze %dma_start3A_940 : memref<1x80xi32, #tpu.memory_space<vmem>> -> memref<80xi32, #tpu.memory_space<vmem>>
        %dma_start3A_942 = arith.constant 0 : i32
        %dma_start3A_943 = arith.constant 0 : i32
        %dma_start3A_944 = tpu.memref_slice %arg4[%dma_start3A_942, %dma_start3A_943] : memref<10000x32xf32, #tpu.memory_space<hbm>> -> memref<10000x32xf32, #tpu.memory_space<hbm>>
        tpu.enqueue_indirect_dma source(%dma_start3A_944 : memref<10000x32xf32, #tpu.memory_space<hbm>>) target(%arg14 : memref<80x32xf32, #tpu.memory_space<vmem>>) offsets(%dma_start3A_941 : memref<80xi32, #tpu.memory_space<vmem>>) semaphore(%arg29 : memref<!tpu.dma_semaphore, #tpu.memory_space<semaphore_mem>>)
      } else {
      }
      %lt3A_440 = arith.constant 5 : i32
      %lt3A_441 = arith.cmpi slt, %add3A_431, %lt3A_440 : i32
      %convert_element_type3A_442 = arith.extui %lt3A_441 : i1 to i32
      %cond3A_443 = arith.constant 0 : i32
      %cond3A_444 = arith.cmpi ne, %convert_element_type3A_442, %cond3A_443 : i32
      scf.if %cond3A_444 {
        %dma_start3A_933 = arith.constant 0 : i32
        %dma_start3A_934 = tpu.memref_slice %arg12[%add3A_431, %dma_start3A_933] : memref<125x80xi32, #tpu.memory_space<vmem>> -> memref<1x80xi32, #tpu.memory_space<vmem>>
        %dma_start3A_935 = tpu.memref_squeeze %dma_start3A_934 : memref<1x80xi32, #tpu.memory_space<vmem>> -> memref<80xi32, #tpu.memory_space<vmem>>
        %dma_start3A_936 = arith.constant 0 : i32
        %dma_start3A_937 = arith.constant 0 : i32
        %dma_start3A_938 = tpu.memref_slice %arg4[%dma_start3A_936, %dma_start3A_937] : memref<10000x32xf32, #tpu.memory_space<hbm>> -> memref<10000x32xf32, #tpu.memory_space<hbm>>
        tpu.enqueue_indirect_dma source(%dma_start3A_938 : memref<10000x32xf32, #tpu.memory_space<hbm>>) target(%arg14 : memref<80x32xf32, #tpu.memory_space<vmem>>) offsets(%dma_start3A_935 : memref<80xi32, #tpu.memory_space<vmem>>) semaphore(%arg29 : memref<!tpu.dma_semaphore, #tpu.memory_space<semaphore_mem>>)
      } else {
      }
      %get3A_445 = arith.index_cast %add3A_423 : i32 to index
      %get3A_446 = arith.constant 0 : index
      %get3A_447 = tpu.vector_load %arg12[%get3A_445, %get3A_446] {strides = array<i32>} : memref<125x80xi32, #tpu.memory_space<vmem>>, vector<16xi32>,
      %get3A_448 = arith.index_cast %add3A_423 : i32 to index
      %get3A_449 = arith.constant 0 : index
      %get3A_450 = tpu.vector_load %arg13[%get3A_448, %get3A_449] {strides = array<i32>} : memref<125x80xi32, #tpu.memory_space<vmem>>, vector<16xi32>,
      %swap3A_451 = arith.constant 0 : index
      %swap3A_452 = tpu.vector_load %arg26[%swap3A_451] {strides = array<i32>} : memref<80xi32, #tpu.memory_space<vmem>>, vector<16xi32>,
      tpu.vector_store %arg26[%swap3A_451], %get3A_450 {strides = array<i32>} : memref<80xi32, #tpu.memory_space<vmem>>, vector<16xi32>,
      %gather3A_453 = tpu.vector_load_idx %arg10[%get3A_450] : memref<10000xf32, #tpu.memory_space<vmem>>[vector<16xi32>], vector<16xf32>,
      %gather3A_454 = tpu.vector_load_idx %arg9[%get3A_447] : memref<10000xf32, #tpu.memory_space<vmem>>[vector<16xi32>], vector<16xf32>,
      %sub3A_455 = arith.subf %gather3A_453, %gather3A_454 : vector<16xf32>
      %mul3A_456 = arith.constant 2.000000e+00 : f32
      %mul3A_457 = vector.broadcast %mul3A_456 : f32 to vector<16xf32>
      %mul3A_458 = arith.mulf %mul3A_457, %sub3A_455 : vector<16xf32>
      %exp3A_459 = math.exp %mul3A_458 : vector<16xf32>
      %add3A_460 = arith.constant 1.000000e+00 : f32
      %add3A_461 = vector.broadcast %add3A_460 : f32 to vector<16xf32>
      %add3A_462 = arith.addf %exp3A_459, %add3A_461 : vector<16xf32>
      %div3A_463 = arith.constant 2.000000e+00 : f32
      %div3A_464 = vector.broadcast %div3A_463 : f32 to vector<16xf32>
      %div3A_465 = arith.divf %div3A_464, %add3A_462 : vector<16xf32>
      %sub3A_466 = arith.constant 1.000000e+00 : f32
      %sub3A_467 = vector.broadcast %sub3A_466 : f32 to vector<16xf32>
      %sub3A_468 = arith.subf %sub3A_467, %div3A_465 : vector<16xf32>
      %exp3A_469 = math.exp %sub3A_468 : vector<16xf32>
      tpu.vector_store_idx %arg11[%get3A_450], %exp3A_469 {add = true} : memref<10000xf32, #tpu.memory_space<vmem>>[vector<16xi32>], vector<16xf32>,
      %get3A_470 = arith.index_cast %add3A_423 : i32 to index
      %get3A_471 = arith.constant 16 : index
      %get3A_472 = tpu.vector_load %arg12[%get3A_470, %get3A_471] {strides = array<i32>} : memref<125x80xi32, #tpu.memory_space<vmem>>, vector<16xi32>,
      %get3A_473 = arith.index_cast %add3A_423 : i32 to index
      %get3A_474 = arith.constant 16 : index
      %get3A_475 = tpu.vector_load %arg13[%get3A_473, %get3A_474] {strides = array<i32>} : memref<125x80xi32, #tpu.memory_space<vmem>>, vector<16xi32>,
      %swap3A_476 = arith.constant 16 : index
      %swap3A_477 = tpu.vector_load %arg26[%swap3A_476] {strides = array<i32>} : memref<80xi32, #tpu.memory_space<vmem>>, vector<16xi32>,
      tpu.vector_store %arg26[%swap3A_476], %get3A_475 {strides = array<i32>} : memref<80xi32, #tpu.memory_space<vmem>>, vector<16xi32>,
      %gather3A_478 = tpu.vector_load_idx %arg10[%get3A_475] : memref<10000xf32, #tpu.memory_space<vmem>>[vector<16xi32>], vector<16xf32>,
      %gather3A_479 = tpu.vector_load_idx %arg9[%get3A_472] : memref<10000xf32, #tpu.memory_space<vmem>>[vector<16xi32>], vector<16xf32>,
      %sub3A_480 = arith.subf %gather3A_478, %gather3A_479 : vector<16xf32>
      %mul3A_481 = arith.constant 2.000000e+00 : f32
      %mul3A_482 = vector.broadcast %mul3A_481 : f32 to vector<16xf32>
      %mul3A_483 = arith.mulf %mul3A_482, %sub3A_480 : vector<16xf32>
      %exp3A_484 = math.exp %mul3A_483 : vector<16xf32>
      %add3A_485 = arith.constant 1.000000e+00 : f32
      %add3A_486 = vector.broadcast %add3A_485 : f32 to vector<16xf32>
      %add3A_487 = arith.addf %exp3A_484, %add3A_486 : vector<16xf32>
      %div3A_488 = arith.constant 2.000000e+00 : f32
      %div3A_489 = vector.broadcast %div3A_488 : f32 to vector<16xf32>
      %div3A_490 = arith.divf %div3A_489, %add3A_487 : vector<16xf32>
      %sub3A_491 = arith.constant 1.000000e+00 : f32
      %sub3A_492 = vector.broadcast %sub3A_491 : f32 to vector<16xf32>
      %sub3A_493 = arith.subf %sub3A_492, %div3A_490 : vector<16xf32>
      %exp3A_494 = math.exp %sub3A_493 : vector<16xf32>
      tpu.vector_store_idx %arg11[%get3A_475], %exp3A_494 {add = true} : memref<10000xf32, #tpu.memory_space<vmem>>[vector<16xi32>], vector<16xf32>,
      %get3A_495 = arith.index_cast %add3A_423 : i32 to index
      %get3A_496 = arith.constant 32 : index
      %get3A_497 = tpu.vector_load %arg12[%get3A_495, %get3A_496] {strides = array<i32>} : memref<125x80xi32, #tpu.memory_space<vmem>>, vector<16xi32>,
      %get3A_498 = arith.index_cast %add3A_423 : i32 to index
      %get3A_499 = arith.constant 32 : index
      %get3A_500 = tpu.vector_load %arg13[%get3A_498, %get3A_499] {strides = array<i32>} : memref<125x80xi32, #tpu.memory_space<vmem>>, vector<16xi32>,
      %swap3A_501 = arith.constant 32 : index
      %swap3A_502 = tpu.vector_load %arg26[%swap3A_501] {strides = array<i32>} : memref<80xi32, #tpu.memory_space<vmem>>, vector<16xi32>,
      tpu.vector_store %arg26[%swap3A_501], %get3A_500 {strides = array<i32>} : memref<80xi32, #tpu.memory_space<vmem>>, vector<16xi32>,
      %gather3A_503 = tpu.vector_load_idx %arg10[%get3A_500] : memref<10000xf32, #tpu.memory_space<vmem>>[vector<16xi32>], vector<16xf32>,
      %gather3A_504 = tpu.vector_load_idx %arg9[%get3A_497] : memref<10000xf32, #tpu.memory_space<vmem>>[vector<16xi32>], vector<16xf32>,
      %sub3A_505 = arith.subf %gather3A_503, %gather3A_504 : vector<16xf32>
      %mul3A_506 = arith.constant 2.000000e+00 : f32
      %mul3A_507 = vector.broadcast %mul3A_506 : f32 to vector<16xf32>
      %mul3A_508 = arith.mulf %mul3A_507, %sub3A_505 : vector<16xf32>
      %exp3A_509 = math.exp %mul3A_508 : vector<16xf32>
      %add3A_510 = arith.constant 1.000000e+00 : f32
      %add3A_511 = vector.broadcast %add3A_510 : f32 to vector<16xf32>
      %add3A_512 = arith.addf %exp3A_509, %add3A_511 : vector<16xf32>
      %div3A_513 = arith.constant 2.000000e+00 : f32
      %div3A_514 = vector.broadcast %div3A_513 : f32 to vector<16xf32>
      %div3A_515 = arith.divf %div3A_514, %add3A_512 : vector<16xf32>
      %sub3A_516 = arith.constant 1.000000e+00 : f32
      %sub3A_517 = vector.broadcast %sub3A_516 : f32 to vector<16xf32>
      %sub3A_518 = arith.subf %sub3A_517, %div3A_515 : vector<16xf32>
      %exp3A_519 = math.exp %sub3A_518 : vector<16xf32>
      tpu.vector_store_idx %arg11[%get3A_500], %exp3A_519 {add = true} : memref<10000xf32, #tpu.memory_space<vmem>>[vector<16xi32>], vector<16xf32>,
      %get3A_520 = arith.index_cast %add3A_423 : i32 to index
      %get3A_521 = arith.constant 48 : index
      %get3A_522 = tpu.vector_load %arg12[%get3A_520, %get3A_521] {strides = array<i32>} : memref<125x80xi32, #tpu.memory_space<vmem>>, vector<16xi32>,
      %get3A_523 = arith.index_cast %add3A_423 : i32 to index
      %get3A_524 = arith.constant 48 : index
      %get3A_525 = tpu.vector_load %arg13[%get3A_523, %get3A_524] {strides = array<i32>} : memref<125x80xi32, #tpu.memory_space<vmem>>, vector<16xi32>,
      %swap3A_526 = arith.constant 48 : index
      %swap3A_527 = tpu.vector_load %arg26[%swap3A_526] {strides = array<i32>} : memref<80xi32, #tpu.memory_space<vmem>>, vector<16xi32>,
      tpu.vector_store %arg26[%swap3A_526], %get3A_525 {strides = array<i32>} : memref<80xi32, #tpu.memory_space<vmem>>, vector<16xi32>,
      %gather3A_528 = tpu.vector_load_idx %arg10[%get3A_525] : memref<10000xf32, #tpu.memory_space<vmem>>[vector<16xi32>], vector<16xf32>,
      %gather3A_529 = tpu.vector_load_idx %arg9[%get3A_522] : memref<10000xf32, #tpu.memory_space<vmem>>[vector<16xi32>], vector<16xf32>,
      %sub3A_530 = arith.subf %gather3A_528, %gather3A_529 : vector<16xf32>
      %mul3A_531 = arith.constant 2.000000e+00 : f32
      %mul3A_532 = vector.broadcast %mul3A_531 : f32 to vector<16xf32>
      %mul3A_533 = arith.mulf %mul3A_532, %sub3A_530 : vector<16xf32>
      %exp3A_534 = math.exp %mul3A_533 : vector<16xf32>
      %add3A_535 = arith.constant 1.000000e+00 : f32
      %add3A_536 = vector.broadcast %add3A_535 : f32 to vector<16xf32>
      %add3A_537 = arith.addf %exp3A_534, %add3A_536 : vector<16xf32>
      %div3A_538 = arith.constant 2.000000e+00 : f32
      %div3A_539 = vector.broadcast %div3A_538 : f32 to vector<16xf32>
      %div3A_540 = arith.divf %div3A_539, %add3A_537 : vector<16xf32>
      %sub3A_541 = arith.constant 1.000000e+00 : f32
      %sub3A_542 = vector.broadcast %sub3A_541 : f32 to vector<16xf32>
      %sub3A_543 = arith.subf %sub3A_542, %div3A_540 : vector<16xf32>
      %exp3A_544 = math.exp %sub3A_543 : vector<16xf32>
      tpu.vector_store_idx %arg11[%get3A_525], %exp3A_544 {add = true} : memref<10000xf32, #tpu.memory_space<vmem>>[vector<16xi32>], vector<16xf32>,
      %get3A_545 = arith.index_cast %add3A_423 : i32 to index
      %get3A_546 = arith.constant 64 : index
      %get3A_547 = tpu.vector_load %arg12[%get3A_545, %get3A_546] {strides = array<i32>} : memref<125x80xi32, #tpu.memory_space<vmem>>, vector<16xi32>,
      %get3A_548 = arith.index_cast %add3A_423 : i32 to index
      %get3A_549 = arith.constant 64 : index
      %get3A_550 = tpu.vector_load %arg13[%get3A_548, %get3A_549] {strides = array<i32>} : memref<125x80xi32, #tpu.memory_space<vmem>>, vector<16xi32>,
      %swap3A_551 = arith.constant 64 : index
      %swap3A_552 = tpu.vector_load %arg26[%swap3A_551] {strides = array<i32>} : memref<80xi32, #tpu.memory_space<vmem>>, vector<16xi32>,
      tpu.vector_store %arg26[%swap3A_551], %get3A_550 {strides = array<i32>} : memref<80xi32, #tpu.memory_space<vmem>>, vector<16xi32>,
      %gather3A_553 = tpu.vector_load_idx %arg10[%get3A_550] : memref<10000xf32, #tpu.memory_space<vmem>>[vector<16xi32>], vector<16xf32>,
      %gather3A_554 = tpu.vector_load_idx %arg9[%get3A_547] : memref<10000xf32, #tpu.memory_space<vmem>>[vector<16xi32>], vector<16xf32>,
      %sub3A_555 = arith.subf %gather3A_553, %gather3A_554 : vector<16xf32>
      %mul3A_556 = arith.constant 2.000000e+00 : f32
      %mul3A_557 = vector.broadcast %mul3A_556 : f32 to vector<16xf32>
      %mul3A_558 = arith.mulf %mul3A_557, %sub3A_555 : vector<16xf32>
      %exp3A_559 = math.exp %mul3A_558 : vector<16xf32>
      %add3A_560 = arith.constant 1.000000e+00 : f32
      %add3A_561 = vector.broadcast %add3A_560 : f32 to vector<16xf32>
      %add3A_562 = arith.addf %exp3A_559, %add3A_561 : vector<16xf32>
      %div3A_563 = arith.constant 2.000000e+00 : f32
      %div3A_564 = vector.broadcast %div3A_563 : f32 to vector<16xf32>
      %div3A_565 = arith.divf %div3A_564, %add3A_562 : vector<16xf32>
      %sub3A_566 = arith.constant 1.000000e+00 : f32
      %sub3A_567 = vector.broadcast %sub3A_566 : f32 to vector<16xf32>
      %sub3A_568 = arith.subf %sub3A_567, %div3A_565 : vector<16xf32>
      %exp3A_569 = math.exp %sub3A_568 : vector<16xf32>
      tpu.vector_store_idx %arg11[%get3A_550], %exp3A_569 {add = true} : memref<10000xf32, #tpu.memory_space<vmem>>[vector<16xi32>], vector<16xf32>,
      %add3A_570 = arith.constant 0 : i32
      %add3A_571 = vector.broadcast %add3A_570 : i32 to vector<16xi32>
      %add3A_572 = arith.addi %iota3A, %add3A_571 : vector<16xi32>
      %add3A_573 = arith.constant 16 : i32
      %add3A_574 = vector.broadcast %add3A_573 : i32 to vector<16xi32>
      %add3A_575 = arith.addi %iota3A, %add3A_574 : vector<16xi32>
      %add3A_576 = arith.constant 32 : i32
      %add3A_577 = vector.broadcast %add3A_576 : i32 to vector<16xi32>
      %add3A_578 = arith.addi %iota3A, %add3A_577 : vector<16xi32>
      %add3A_579 = arith.constant 48 : i32
      %add3A_580 = vector.broadcast %add3A_579 : i32 to vector<16xi32>
      %add3A_581 = arith.addi %iota3A, %add3A_580 : vector<16xi32>
      %add3A_582 = arith.constant 64 : i32
      %add3A_583 = vector.broadcast %add3A_582 : i32 to vector<16xi32>
      %add3A_584 = arith.addi %iota3A, %add3A_583 : vector<16xi32>
      %parallel_loop3A_585 = arith.constant 0 : i32
      %parallel_loop3A_586 = arith.constant 32 : i32
      %parallel_loop3A_587 = arith.constant 1 : i32
      scf.for %parallel_loop3A_933 = %parallel_loop3A_585 to %parallel_loop3A_586 step %parallel_loop3A_587  : i32 {
        %parallel_loop3A_934 = vector.broadcast %parallel_loop3A_933 : i32 to vector<16xi32>
        %parallel_loop3A_935 = tpu.vector_load_idx %arg16[%add3A_572, %parallel_loop3A_934] : memref<80x32xf32, #tpu.memory_space<vmem>>[vector<16xi32>, vector<16xi32>], vector<16xf32>,
        %parallel_loop3A_936 = arith.mulf %parallel_loop3A_935, %exp3A_469 : vector<16xf32>
        tpu.vector_store_idx %arg21[%add3A_572, %parallel_loop3A_934], %parallel_loop3A_936 : memref<80x32xf32, #tpu.memory_space<vmem>>[vector<16xi32>, vector<16xi32>], vector<16xf32>,
        %parallel_loop3A_937 = tpu.vector_load_idx %arg16[%add3A_575, %parallel_loop3A_934] : memref<80x32xf32, #tpu.memory_space<vmem>>[vector<16xi32>, vector<16xi32>], vector<16xf32>,
        %parallel_loop3A_938 = arith.mulf %parallel_loop3A_937, %exp3A_494 : vector<16xf32>
        tpu.vector_store_idx %arg21[%add3A_575, %parallel_loop3A_934], %parallel_loop3A_938 : memref<80x32xf32, #tpu.memory_space<vmem>>[vector<16xi32>, vector<16xi32>], vector<16xf32>,
        %parallel_loop3A_939 = tpu.vector_load_idx %arg16[%add3A_578, %parallel_loop3A_934] : memref<80x32xf32, #tpu.memory_space<vmem>>[vector<16xi32>, vector<16xi32>], vector<16xf32>,
        %parallel_loop3A_940 = arith.mulf %parallel_loop3A_939, %exp3A_519 : vector<16xf32>
        tpu.vector_store_idx %arg21[%add3A_578, %parallel_loop3A_934], %parallel_loop3A_940 : memref<80x32xf32, #tpu.memory_space<vmem>>[vector<16xi32>, vector<16xi32>], vector<16xf32>,
        %parallel_loop3A_941 = tpu.vector_load_idx %arg16[%add3A_581, %parallel_loop3A_934] : memref<80x32xf32, #tpu.memory_space<vmem>>[vector<16xi32>, vector<16xi32>], vector<16xf32>,
        %parallel_loop3A_942 = arith.mulf %parallel_loop3A_941, %exp3A_544 : vector<16xf32>
        tpu.vector_store_idx %arg21[%add3A_581, %parallel_loop3A_934], %parallel_loop3A_942 : memref<80x32xf32, #tpu.memory_space<vmem>>[vector<16xi32>, vector<16xi32>], vector<16xf32>,
        %parallel_loop3A_943 = tpu.vector_load_idx %arg16[%add3A_584, %parallel_loop3A_934] : memref<80x32xf32, #tpu.memory_space<vmem>>[vector<16xi32>, vector<16xi32>], vector<16xf32>,
        %parallel_loop3A_944 = arith.mulf %parallel_loop3A_943, %exp3A_569 : vector<16xf32>
        tpu.vector_store_idx %arg21[%add3A_584, %parallel_loop3A_934], %parallel_loop3A_944 : memref<80x32xf32, #tpu.memory_space<vmem>>[vector<16xi32>, vector<16xi32>], vector<16xf32>,
      } {sc.loop_unroll_factor = 4 : i64, sc.parallel_access}
      %dma_start3A_588 = arith.constant 0 : i32
      %dma_start3A_589 = arith.constant 0 : i32
      %dma_start3A_590 = tpu.memref_slice %arg39[%dma_start3A_588, %dma_start3A_589] : memref<10000x32xf32, #tpu.memory_space<vmem_shared>> -> memref<10000x32xf32, #tpu.memory_space<vmem_shared>>
      tpu.enqueue_indirect_dma source(%arg21 : memref<80x32xf32, #tpu.memory_space<vmem>>) target(%dma_start3A_590 : memref<10000x32xf32, #tpu.memory_space<vmem_shared>>) offsets(%arg26 : memref<80xi32, #tpu.memory_space<vmem>>) semaphore(%arg36 : memref<!tpu.dma_semaphore, #tpu.memory_space<semaphore_mem>>) {add = true}
      %mul3A_591 = arith.constant 5 : i32
      %mul3A_592 = arith.muli %scan3A_87, %mul3A_591 : i32
      %add3A_593 = arith.constant 3 : i32
      %add3A_594 = arith.addi %mul3A_592, %add3A_593 : i32
      %dma_wait3A_595 = arith.constant 0 : i32
      %dma_wait3A_596 = arith.constant 0 : i32
      %dma_wait3A_597 = tpu.memref_slice %arg4[%dma_wait3A_595, %dma_wait3A_596] : memref<10000x32xf32, #tpu.memory_space<hbm>> -> memref<80x32xf32, #tpu.memory_space<hbm>>
      %dma_wait3A_598 = arith.constant 0 : i32
      %dma_wait3A_599 = arith.constant 0 : i32
      %dma_wait3A_600 = tpu.memref_slice %arg4[%dma_wait3A_598, %dma_wait3A_599] : memref<10000x32xf32, #tpu.memory_space<hbm>> -> memref<80x32xf32, #tpu.memory_space<hbm>>
      tpu.wait_dma2 semaphore(%arg32 : memref<!tpu.dma_semaphore, #tpu.memory_space<semaphore_mem>>) src(%dma_wait3A_600 : memref<80x32xf32, #tpu.memory_space<hbm>>) dst(%arg17 : memref<80x32xf32, #tpu.memory_space<vmem>>)
      %add3A_601 = arith.constant 3 : i32
      %add3A_602 = arith.addi %add3A_594, %add3A_601 : i32
      %ge3A_603 = arith.constant 5 : i32
      %ge3A_604 = arith.cmpi sge, %add3A_602, %ge3A_603 : i32
      %lt3A_605 = arith.constant 125 : i32
      %lt3A_606 = arith.cmpi slt, %add3A_602, %lt3A_605 : i32
      %and3A_607 = arith.andi %ge3A_604, %lt3A_606 : i1
      %convert_element_type3A_608 = arith.extui %and3A_607 : i1 to i32
      %cond3A_609 = arith.constant 0 : i32
      %cond3A_610 = arith.cmpi ne, %convert_element_type3A_608, %cond3A_609 : i32
      scf.if %cond3A_610 {
        %dma_wait3A_933 = arith.constant 0 : i32
        %dma_wait3A_934 = arith.constant 0 : i32
        %dma_wait3A_935 = tpu.memref_slice %arg39[%dma_wait3A_933, %dma_wait3A_934] : memref<10000x32xf32, #tpu.memory_space<vmem_shared>> -> memref<80x32xf32, #tpu.memory_space<vmem_shared>>
        %dma_wait3A_936 = arith.constant 0 : i32
        %dma_wait3A_937 = arith.constant 0 : i32
        %dma_wait3A_938 = tpu.memref_slice %arg39[%dma_wait3A_936, %dma_wait3A_937] : memref<10000x32xf32, #tpu.memory_space<vmem_shared>> -> memref<80x32xf32, #tpu.memory_space<vmem_shared>>
        tpu.wait_dma2 semaphore(%arg35 : memref<!tpu.dma_semaphore, #tpu.memory_space<semaphore_mem>>) src(%arg20 : memref<80x32xf32, #tpu.memory_space<vmem>>) dst(%dma_wait3A_938 : memref<80x32xf32, #tpu.memory_space<vmem_shared>>)
        %dma_start3A_939 = arith.constant 0 : i32
        %dma_start3A_940 = tpu.memref_slice %arg12[%add3A_602, %dma_start3A_939] : memref<125x80xi32, #tpu.memory_space<vmem>> -> memref<1x80xi32, #tpu.memory_space<vmem>>
        %dma_start3A_941 = tpu.memref_squeeze %dma_start3A_940 : memref<1x80xi32, #tpu.memory_space<vmem>> -> memref<80xi32, #tpu.memory_space<vmem>>
        %dma_start3A_942 = arith.constant 0 : i32
        %dma_start3A_943 = arith.constant 0 : i32
        %dma_start3A_944 = tpu.memref_slice %arg4[%dma_start3A_942, %dma_start3A_943] : memref<10000x32xf32, #tpu.memory_space<hbm>> -> memref<10000x32xf32, #tpu.memory_space<hbm>>
        tpu.enqueue_indirect_dma source(%dma_start3A_944 : memref<10000x32xf32, #tpu.memory_space<hbm>>) target(%arg15 : memref<80x32xf32, #tpu.memory_space<vmem>>) offsets(%dma_start3A_941 : memref<80xi32, #tpu.memory_space<vmem>>) semaphore(%arg30 : memref<!tpu.dma_semaphore, #tpu.memory_space<semaphore_mem>>)
      } else {
      }
      %lt3A_611 = arith.constant 5 : i32
      %lt3A_612 = arith.cmpi slt, %add3A_602, %lt3A_611 : i32
      %convert_element_type3A_613 = arith.extui %lt3A_612 : i1 to i32
      %cond3A_614 = arith.constant 0 : i32
      %cond3A_615 = arith.cmpi ne, %convert_element_type3A_613, %cond3A_614 : i32
      scf.if %cond3A_615 {
        %dma_start3A_933 = arith.constant 0 : i32
        %dma_start3A_934 = tpu.memref_slice %arg12[%add3A_602, %dma_start3A_933] : memref<125x80xi32, #tpu.memory_space<vmem>> -> memref<1x80xi32, #tpu.memory_space<vmem>>
        %dma_start3A_935 = tpu.memref_squeeze %dma_start3A_934 : memref<1x80xi32, #tpu.memory_space<vmem>> -> memref<80xi32, #tpu.memory_space<vmem>>
        %dma_start3A_936 = arith.constant 0 : i32
        %dma_start3A_937 = arith.constant 0 : i32
        %dma_start3A_938 = tpu.memref_slice %arg4[%dma_start3A_936, %dma_start3A_937] : memref<10000x32xf32, #tpu.memory_space<hbm>> -> memref<10000x32xf32, #tpu.memory_space<hbm>>
        tpu.enqueue_indirect_dma source(%dma_start3A_938 : memref<10000x32xf32, #tpu.memory_space<hbm>>) target(%arg15 : memref<80x32xf32, #tpu.memory_space<vmem>>) offsets(%dma_start3A_935 : memref<80xi32, #tpu.memory_space<vmem>>) semaphore(%arg30 : memref<!tpu.dma_semaphore, #tpu.memory_space<semaphore_mem>>)
      } else {
      }
      %get3A_616 = arith.index_cast %add3A_594 : i32 to index
      %get3A_617 = arith.constant 0 : index
      %get3A_618 = tpu.vector_load %arg12[%get3A_616, %get3A_617] {strides = array<i32>} : memref<125x80xi32, #tpu.memory_space<vmem>>, vector<16xi32>,
      %get3A_619 = arith.index_cast %add3A_594 : i32 to index
      %get3A_620 = arith.constant 0 : index
      %get3A_621 = tpu.vector_load %arg13[%get3A_619, %get3A_620] {strides = array<i32>} : memref<125x80xi32, #tpu.memory_space<vmem>>, vector<16xi32>,
      %swap3A_622 = arith.constant 0 : index
      %swap3A_623 = tpu.vector_load %arg27[%swap3A_622] {strides = array<i32>} : memref<80xi32, #tpu.memory_space<vmem>>, vector<16xi32>,
      tpu.vector_store %arg27[%swap3A_622], %get3A_621 {strides = array<i32>} : memref<80xi32, #tpu.memory_space<vmem>>, vector<16xi32>,
      %gather3A_624 = tpu.vector_load_idx %arg10[%get3A_621] : memref<10000xf32, #tpu.memory_space<vmem>>[vector<16xi32>], vector<16xf32>,
      %gather3A_625 = tpu.vector_load_idx %arg9[%get3A_618] : memref<10000xf32, #tpu.memory_space<vmem>>[vector<16xi32>], vector<16xf32>,
      %sub3A_626 = arith.subf %gather3A_624, %gather3A_625 : vector<16xf32>
      %mul3A_627 = arith.constant 2.000000e+00 : f32
      %mul3A_628 = vector.broadcast %mul3A_627 : f32 to vector<16xf32>
      %mul3A_629 = arith.mulf %mul3A_628, %sub3A_626 : vector<16xf32>
      %exp3A_630 = math.exp %mul3A_629 : vector<16xf32>
      %add3A_631 = arith.constant 1.000000e+00 : f32
      %add3A_632 = vector.broadcast %add3A_631 : f32 to vector<16xf32>
      %add3A_633 = arith.addf %exp3A_630, %add3A_632 : vector<16xf32>
      %div3A_634 = arith.constant 2.000000e+00 : f32
      %div3A_635 = vector.broadcast %div3A_634 : f32 to vector<16xf32>
      %div3A_636 = arith.divf %div3A_635, %add3A_633 : vector<16xf32>
      %sub3A_637 = arith.constant 1.000000e+00 : f32
      %sub3A_638 = vector.broadcast %sub3A_637 : f32 to vector<16xf32>
      %sub3A_639 = arith.subf %sub3A_638, %div3A_636 : vector<16xf32>
      %exp3A_640 = math.exp %sub3A_639 : vector<16xf32>
      tpu.vector_store_idx %arg11[%get3A_621], %exp3A_640 {add = true} : memref<10000xf32, #tpu.memory_space<vmem>>[vector<16xi32>], vector<16xf32>,
      %get3A_641 = arith.index_cast %add3A_594 : i32 to index
      %get3A_642 = arith.constant 16 : index
      %get3A_643 = tpu.vector_load %arg12[%get3A_641, %get3A_642] {strides = array<i32>} : memref<125x80xi32, #tpu.memory_space<vmem>>, vector<16xi32>,
      %get3A_644 = arith.index_cast %add3A_594 : i32 to index
      %get3A_645 = arith.constant 16 : index
      %get3A_646 = tpu.vector_load %arg13[%get3A_644, %get3A_645] {strides = array<i32>} : memref<125x80xi32, #tpu.memory_space<vmem>>, vector<16xi32>,
      %swap3A_647 = arith.constant 16 : index
      %swap3A_648 = tpu.vector_load %arg27[%swap3A_647] {strides = array<i32>} : memref<80xi32, #tpu.memory_space<vmem>>, vector<16xi32>,
      tpu.vector_store %arg27[%swap3A_647], %get3A_646 {strides = array<i32>} : memref<80xi32, #tpu.memory_space<vmem>>, vector<16xi32>,
      %gather3A_649 = tpu.vector_load_idx %arg10[%get3A_646] : memref<10000xf32, #tpu.memory_space<vmem>>[vector<16xi32>], vector<16xf32>,
      %gather3A_650 = tpu.vector_load_idx %arg9[%get3A_643] : memref<10000xf32, #tpu.memory_space<vmem>>[vector<16xi32>], vector<16xf32>,
      %sub3A_651 = arith.subf %gather3A_649, %gather3A_650 : vector<16xf32>
      %mul3A_652 = arith.constant 2.000000e+00 : f32
      %mul3A_653 = vector.broadcast %mul3A_652 : f32 to vector<16xf32>
      %mul3A_654 = arith.mulf %mul3A_653, %sub3A_651 : vector<16xf32>
      %exp3A_655 = math.exp %mul3A_654 : vector<16xf32>
      %add3A_656 = arith.constant 1.000000e+00 : f32
      %add3A_657 = vector.broadcast %add3A_656 : f32 to vector<16xf32>
      %add3A_658 = arith.addf %exp3A_655, %add3A_657 : vector<16xf32>
      %div3A_659 = arith.constant 2.000000e+00 : f32
      %div3A_660 = vector.broadcast %div3A_659 : f32 to vector<16xf32>
      %div3A_661 = arith.divf %div3A_660, %add3A_658 : vector<16xf32>
      %sub3A_662 = arith.constant 1.000000e+00 : f32
      %sub3A_663 = vector.broadcast %sub3A_662 : f32 to vector<16xf32>
      %sub3A_664 = arith.subf %sub3A_663, %div3A_661 : vector<16xf32>
      %exp3A_665 = math.exp %sub3A_664 : vector<16xf32>
      tpu.vector_store_idx %arg11[%get3A_646], %exp3A_665 {add = true} : memref<10000xf32, #tpu.memory_space<vmem>>[vector<16xi32>], vector<16xf32>,
      %get3A_666 = arith.index_cast %add3A_594 : i32 to index
      %get3A_667 = arith.constant 32 : index
      %get3A_668 = tpu.vector_load %arg12[%get3A_666, %get3A_667] {strides = array<i32>} : memref<125x80xi32, #tpu.memory_space<vmem>>, vector<16xi32>,
      %get3A_669 = arith.index_cast %add3A_594 : i32 to index
      %get3A_670 = arith.constant 32 : index
      %get3A_671 = tpu.vector_load %arg13[%get3A_669, %get3A_670] {strides = array<i32>} : memref<125x80xi32, #tpu.memory_space<vmem>>, vector<16xi32>,
      %swap3A_672 = arith.constant 32 : index
      %swap3A_673 = tpu.vector_load %arg27[%swap3A_672] {strides = array<i32>} : memref<80xi32, #tpu.memory_space<vmem>>, vector<16xi32>,
      tpu.vector_store %arg27[%swap3A_672], %get3A_671 {strides = array<i32>} : memref<80xi32, #tpu.memory_space<vmem>>, vector<16xi32>,
      %gather3A_674 = tpu.vector_load_idx %arg10[%get3A_671] : memref<10000xf32, #tpu.memory_space<vmem>>[vector<16xi32>], vector<16xf32>,
      %gather3A_675 = tpu.vector_load_idx %arg9[%get3A_668] : memref<10000xf32, #tpu.memory_space<vmem>>[vector<16xi32>], vector<16xf32>,
      %sub3A_676 = arith.subf %gather3A_674, %gather3A_675 : vector<16xf32>
      %mul3A_677 = arith.constant 2.000000e+00 : f32
      %mul3A_678 = vector.broadcast %mul3A_677 : f32 to vector<16xf32>
      %mul3A_679 = arith.mulf %mul3A_678, %sub3A_676 : vector<16xf32>
      %exp3A_680 = math.exp %mul3A_679 : vector<16xf32>
      %add3A_681 = arith.constant 1.000000e+00 : f32
      %add3A_682 = vector.broadcast %add3A_681 : f32 to vector<16xf32>
      %add3A_683 = arith.addf %exp3A_680, %add3A_682 : vector<16xf32>
      %div3A_684 = arith.constant 2.000000e+00 : f32
      %div3A_685 = vector.broadcast %div3A_684 : f32 to vector<16xf32>
      %div3A_686 = arith.divf %div3A_685, %add3A_683 : vector<16xf32>
      %sub3A_687 = arith.constant 1.000000e+00 : f32
      %sub3A_688 = vector.broadcast %sub3A_687 : f32 to vector<16xf32>
      %sub3A_689 = arith.subf %sub3A_688, %div3A_686 : vector<16xf32>
      %exp3A_690 = math.exp %sub3A_689 : vector<16xf32>
      tpu.vector_store_idx %arg11[%get3A_671], %exp3A_690 {add = true} : memref<10000xf32, #tpu.memory_space<vmem>>[vector<16xi32>], vector<16xf32>,
      %get3A_691 = arith.index_cast %add3A_594 : i32 to index
      %get3A_692 = arith.constant 48 : index
      %get3A_693 = tpu.vector_load %arg12[%get3A_691, %get3A_692] {strides = array<i32>} : memref<125x80xi32, #tpu.memory_space<vmem>>, vector<16xi32>,
      %get3A_694 = arith.index_cast %add3A_594 : i32 to index
      %get3A_695 = arith.constant 48 : index
      %get3A_696 = tpu.vector_load %arg13[%get3A_694, %get3A_695] {strides = array<i32>} : memref<125x80xi32, #tpu.memory_space<vmem>>, vector<16xi32>,
      %swap3A_697 = arith.constant 48 : index
      %swap3A_698 = tpu.vector_load %arg27[%swap3A_697] {strides = array<i32>} : memref<80xi32, #tpu.memory_space<vmem>>, vector<16xi32>,
      tpu.vector_store %arg27[%swap3A_697], %get3A_696 {strides = array<i32>} : memref<80xi32, #tpu.memory_space<vmem>>, vector<16xi32>,
      %gather3A_699 = tpu.vector_load_idx %arg10[%get3A_696] : memref<10000xf32, #tpu.memory_space<vmem>>[vector<16xi32>], vector<16xf32>,
      %gather3A_700 = tpu.vector_load_idx %arg9[%get3A_693] : memref<10000xf32, #tpu.memory_space<vmem>>[vector<16xi32>], vector<16xf32>,
      %sub3A_701 = arith.subf %gather3A_699, %gather3A_700 : vector<16xf32>
      %mul3A_702 = arith.constant 2.000000e+00 : f32
      %mul3A_703 = vector.broadcast %mul3A_702 : f32 to vector<16xf32>
      %mul3A_704 = arith.mulf %mul3A_703, %sub3A_701 : vector<16xf32>
      %exp3A_705 = math.exp %mul3A_704 : vector<16xf32>
      %add3A_706 = arith.constant 1.000000e+00 : f32
      %add3A_707 = vector.broadcast %add3A_706 : f32 to vector<16xf32>
      %add3A_708 = arith.addf %exp3A_705, %add3A_707 : vector<16xf32>
      %div3A_709 = arith.constant 2.000000e+00 : f32
      %div3A_710 = vector.broadcast %div3A_709 : f32 to vector<16xf32>
      %div3A_711 = arith.divf %div3A_710, %add3A_708 : vector<16xf32>
      %sub3A_712 = arith.constant 1.000000e+00 : f32
      %sub3A_713 = vector.broadcast %sub3A_712 : f32 to vector<16xf32>
      %sub3A_714 = arith.subf %sub3A_713, %div3A_711 : vector<16xf32>
      %exp3A_715 = math.exp %sub3A_714 : vector<16xf32>
      tpu.vector_store_idx %arg11[%get3A_696], %exp3A_715 {add = true} : memref<10000xf32, #tpu.memory_space<vmem>>[vector<16xi32>], vector<16xf32>,
      %get3A_716 = arith.index_cast %add3A_594 : i32 to index
      %get3A_717 = arith.constant 64 : index
      %get3A_718 = tpu.vector_load %arg12[%get3A_716, %get3A_717] {strides = array<i32>} : memref<125x80xi32, #tpu.memory_space<vmem>>, vector<16xi32>,
      %get3A_719 = arith.index_cast %add3A_594 : i32 to index
      %get3A_720 = arith.constant 64 : index
      %get3A_721 = tpu.vector_load %arg13[%get3A_719, %get3A_720] {strides = array<i32>} : memref<125x80xi32, #tpu.memory_space<vmem>>, vector<16xi32>,
      %swap3A_722 = arith.constant 64 : index
      %swap3A_723 = tpu.vector_load %arg27[%swap3A_722] {strides = array<i32>} : memref<80xi32, #tpu.memory_space<vmem>>, vector<16xi32>,
      tpu.vector_store %arg27[%swap3A_722], %get3A_721 {strides = array<i32>} : memref<80xi32, #tpu.memory_space<vmem>>, vector<16xi32>,
      %gather3A_724 = tpu.vector_load_idx %arg10[%get3A_721] : memref<10000xf32, #tpu.memory_space<vmem>>[vector<16xi32>], vector<16xf32>,
      %gather3A_725 = tpu.vector_load_idx %arg9[%get3A_718] : memref<10000xf32, #tpu.memory_space<vmem>>[vector<16xi32>], vector<16xf32>,
      %sub3A_726 = arith.subf %gather3A_724, %gather3A_725 : vector<16xf32>
      %mul3A_727 = arith.constant 2.000000e+00 : f32
      %mul3A_728 = vector.broadcast %mul3A_727 : f32 to vector<16xf32>
      %mul3A_729 = arith.mulf %mul3A_728, %sub3A_726 : vector<16xf32>
      %exp3A_730 = math.exp %mul3A_729 : vector<16xf32>
      %add3A_731 = arith.constant 1.000000e+00 : f32
      %add3A_732 = vector.broadcast %add3A_731 : f32 to vector<16xf32>
      %add3A_733 = arith.addf %exp3A_730, %add3A_732 : vector<16xf32>
      %div3A_734 = arith.constant 2.000000e+00 : f32
      %div3A_735 = vector.broadcast %div3A_734 : f32 to vector<16xf32>
      %div3A_736 = arith.divf %div3A_735, %add3A_733 : vector<16xf32>
      %sub3A_737 = arith.constant 1.000000e+00 : f32
      %sub3A_738 = vector.broadcast %sub3A_737 : f32 to vector<16xf32>
      %sub3A_739 = arith.subf %sub3A_738, %div3A_736 : vector<16xf32>
      %exp3A_740 = math.exp %sub3A_739 : vector<16xf32>
      tpu.vector_store_idx %arg11[%get3A_721], %exp3A_740 {add = true} : memref<10000xf32, #tpu.memory_space<vmem>>[vector<16xi32>], vector<16xf32>,
      %add3A_741 = arith.constant 0 : i32
      %add3A_742 = vector.broadcast %add3A_741 : i32 to vector<16xi32>
      %add3A_743 = arith.addi %iota3A, %add3A_742 : vector<16xi32>
      %add3A_744 = arith.constant 16 : i32
      %add3A_745 = vector.broadcast %add3A_744 : i32 to vector<16xi32>
      %add3A_746 = arith.addi %iota3A, %add3A_745 : vector<16xi32>
      %add3A_747 = arith.constant 32 : i32
      %add3A_748 = vector.broadcast %add3A_747 : i32 to vector<16xi32>
      %add3A_749 = arith.addi %iota3A, %add3A_748 : vector<16xi32>
      %add3A_750 = arith.constant 48 : i32
      %add3A_751 = vector.broadcast %add3A_750 : i32 to vector<16xi32>
      %add3A_752 = arith.addi %iota3A, %add3A_751 : vector<16xi32>
      %add3A_753 = arith.constant 64 : i32
      %add3A_754 = vector.broadcast %add3A_753 : i32 to vector<16xi32>
      %add3A_755 = arith.addi %iota3A, %add3A_754 : vector<16xi32>
      %parallel_loop3A_756 = arith.constant 0 : i32
      %parallel_loop3A_757 = arith.constant 32 : i32
      %parallel_loop3A_758 = arith.constant 1 : i32
      scf.for %parallel_loop3A_933 = %parallel_loop3A_756 to %parallel_loop3A_757 step %parallel_loop3A_758  : i32 {
        %parallel_loop3A_934 = vector.broadcast %parallel_loop3A_933 : i32 to vector<16xi32>
        %parallel_loop3A_935 = tpu.vector_load_idx %arg17[%add3A_743, %parallel_loop3A_934] : memref<80x32xf32, #tpu.memory_space<vmem>>[vector<16xi32>, vector<16xi32>], vector<16xf32>,
        %parallel_loop3A_936 = arith.mulf %parallel_loop3A_935, %exp3A_640 : vector<16xf32>
        tpu.vector_store_idx %arg22[%add3A_743, %parallel_loop3A_934], %parallel_loop3A_936 : memref<80x32xf32, #tpu.memory_space<vmem>>[vector<16xi32>, vector<16xi32>], vector<16xf32>,
        %parallel_loop3A_937 = tpu.vector_load_idx %arg17[%add3A_746, %parallel_loop3A_934] : memref<80x32xf32, #tpu.memory_space<vmem>>[vector<16xi32>, vector<16xi32>], vector<16xf32>,
        %parallel_loop3A_938 = arith.mulf %parallel_loop3A_937, %exp3A_665 : vector<16xf32>
        tpu.vector_store_idx %arg22[%add3A_746, %parallel_loop3A_934], %parallel_loop3A_938 : memref<80x32xf32, #tpu.memory_space<vmem>>[vector<16xi32>, vector<16xi32>], vector<16xf32>,
        %parallel_loop3A_939 = tpu.vector_load_idx %arg17[%add3A_749, %parallel_loop3A_934] : memref<80x32xf32, #tpu.memory_space<vmem>>[vector<16xi32>, vector<16xi32>], vector<16xf32>,
        %parallel_loop3A_940 = arith.mulf %parallel_loop3A_939, %exp3A_690 : vector<16xf32>
        tpu.vector_store_idx %arg22[%add3A_749, %parallel_loop3A_934], %parallel_loop3A_940 : memref<80x32xf32, #tpu.memory_space<vmem>>[vector<16xi32>, vector<16xi32>], vector<16xf32>,
        %parallel_loop3A_941 = tpu.vector_load_idx %arg17[%add3A_752, %parallel_loop3A_934] : memref<80x32xf32, #tpu.memory_space<vmem>>[vector<16xi32>, vector<16xi32>], vector<16xf32>,
        %parallel_loop3A_942 = arith.mulf %parallel_loop3A_941, %exp3A_715 : vector<16xf32>
        tpu.vector_store_idx %arg22[%add3A_752, %parallel_loop3A_934], %parallel_loop3A_942 : memref<80x32xf32, #tpu.memory_space<vmem>>[vector<16xi32>, vector<16xi32>], vector<16xf32>,
        %parallel_loop3A_943 = tpu.vector_load_idx %arg17[%add3A_755, %parallel_loop3A_934] : memref<80x32xf32, #tpu.memory_space<vmem>>[vector<16xi32>, vector<16xi32>], vector<16xf32>,
        %parallel_loop3A_944 = arith.mulf %parallel_loop3A_943, %exp3A_740 : vector<16xf32>
        tpu.vector_store_idx %arg22[%add3A_755, %parallel_loop3A_934], %parallel_loop3A_944 : memref<80x32xf32, #tpu.memory_space<vmem>>[vector<16xi32>, vector<16xi32>], vector<16xf32>,
      } {sc.loop_unroll_factor = 4 : i64, sc.parallel_access}
      %dma_start3A_759 = arith.constant 0 : i32
      %dma_start3A_760 = arith.constant 0 : i32
      %dma_start3A_761 = tpu.memref_slice %arg39[%dma_start3A_759, %dma_start3A_760] : memref<10000x32xf32, #tpu.memory_space<vmem_shared>> -> memref<10000x32xf32, #tpu.memory_space<vmem_shared>>
      tpu.enqueue_indirect_dma source(%arg22 : memref<80x32xf32, #tpu.memory_space<vmem>>) target(%dma_start3A_761 : memref<10000x32xf32, #tpu.memory_space<vmem_shared>>) offsets(%arg27 : memref<80xi32, #tpu.memory_space<vmem>>) semaphore(%arg37 : memref<!tpu.dma_semaphore, #tpu.memory_space<semaphore_mem>>) {add = true}
      %mul3A_762 = arith.constant 5 : i32
      %mul3A_763 = arith.muli %scan3A_87, %mul3A_762 : i32
      %add3A_764 = arith.constant 4 : i32
      %add3A_765 = arith.addi %mul3A_763, %add3A_764 : i32
      %dma_wait3A_766 = arith.constant 0 : i32
      %dma_wait3A_767 = arith.constant 0 : i32
      %dma_wait3A_768 = tpu.memref_slice %arg4[%dma_wait3A_766, %dma_wait3A_767] : memref<10000x32xf32, #tpu.memory_space<hbm>> -> memref<80x32xf32, #tpu.memory_space<hbm>>
      %dma_wait3A_769 = arith.constant 0 : i32
      %dma_wait3A_770 = arith.constant 0 : i32
      %dma_wait3A_771 = tpu.memref_slice %arg4[%dma_wait3A_769, %dma_wait3A_770] : memref<10000x32xf32, #tpu.memory_space<hbm>> -> memref<80x32xf32, #tpu.memory_space<hbm>>
      tpu.wait_dma2 semaphore(%arg33 : memref<!tpu.dma_semaphore, #tpu.memory_space<semaphore_mem>>) src(%dma_wait3A_771 : memref<80x32xf32, #tpu.memory_space<hbm>>) dst(%arg18 : memref<80x32xf32, #tpu.memory_space<vmem>>)
      %add3A_772 = arith.constant 3 : i32
      %add3A_773 = arith.addi %add3A_765, %add3A_772 : i32
      %ge3A_774 = arith.constant 5 : i32
      %ge3A_775 = arith.cmpi sge, %add3A_773, %ge3A_774 : i32
      %lt3A_776 = arith.constant 125 : i32
      %lt3A_777 = arith.cmpi slt, %add3A_773, %lt3A_776 : i32
      %and3A_778 = arith.andi %ge3A_775, %lt3A_777 : i1
      %convert_element_type3A_779 = arith.extui %and3A_778 : i1 to i32
      %cond3A_780 = arith.constant 0 : i32
      %cond3A_781 = arith.cmpi ne, %convert_element_type3A_779, %cond3A_780 : i32
      scf.if %cond3A_781 {
        %dma_wait3A_933 = arith.constant 0 : i32
        %dma_wait3A_934 = arith.constant 0 : i32
        %dma_wait3A_935 = tpu.memref_slice %arg39[%dma_wait3A_933, %dma_wait3A_934] : memref<10000x32xf32, #tpu.memory_space<vmem_shared>> -> memref<80x32xf32, #tpu.memory_space<vmem_shared>>
        %dma_wait3A_936 = arith.constant 0 : i32
        %dma_wait3A_937 = arith.constant 0 : i32
        %dma_wait3A_938 = tpu.memref_slice %arg39[%dma_wait3A_936, %dma_wait3A_937] : memref<10000x32xf32, #tpu.memory_space<vmem_shared>> -> memref<80x32xf32, #tpu.memory_space<vmem_shared>>
        tpu.wait_dma2 semaphore(%arg36 : memref<!tpu.dma_semaphore, #tpu.memory_space<semaphore_mem>>) src(%arg21 : memref<80x32xf32, #tpu.memory_space<vmem>>) dst(%dma_wait3A_938 : memref<80x32xf32, #tpu.memory_space<vmem_shared>>)
        %dma_start3A_939 = arith.constant 0 : i32
        %dma_start3A_940 = tpu.memref_slice %arg12[%add3A_773, %dma_start3A_939] : memref<125x80xi32, #tpu.memory_space<vmem>> -> memref<1x80xi32, #tpu.memory_space<vmem>>
        %dma_start3A_941 = tpu.memref_squeeze %dma_start3A_940 : memref<1x80xi32, #tpu.memory_space<vmem>> -> memref<80xi32, #tpu.memory_space<vmem>>
        %dma_start3A_942 = arith.constant 0 : i32
        %dma_start3A_943 = arith.constant 0 : i32
        %dma_start3A_944 = tpu.memref_slice %arg4[%dma_start3A_942, %dma_start3A_943] : memref<10000x32xf32, #tpu.memory_space<hbm>> -> memref<10000x32xf32, #tpu.memory_space<hbm>>
        tpu.enqueue_indirect_dma source(%dma_start3A_944 : memref<10000x32xf32, #tpu.memory_space<hbm>>) target(%arg16 : memref<80x32xf32, #tpu.memory_space<vmem>>) offsets(%dma_start3A_941 : memref<80xi32, #tpu.memory_space<vmem>>) semaphore(%arg31 : memref<!tpu.dma_semaphore, #tpu.memory_space<semaphore_mem>>)
      } else {
      }
      %lt3A_782 = arith.constant 5 : i32
      %lt3A_783 = arith.cmpi slt, %add3A_773, %lt3A_782 : i32
      %convert_element_type3A_784 = arith.extui %lt3A_783 : i1 to i32
      %cond3A_785 = arith.constant 0 : i32
      %cond3A_786 = arith.cmpi ne, %convert_element_type3A_784, %cond3A_785 : i32
      scf.if %cond3A_786 {
        %dma_start3A_933 = arith.constant 0 : i32
        %dma_start3A_934 = tpu.memref_slice %arg12[%add3A_773, %dma_start3A_933] : memref<125x80xi32, #tpu.memory_space<vmem>> -> memref<1x80xi32, #tpu.memory_space<vmem>>
        %dma_start3A_935 = tpu.memref_squeeze %dma_start3A_934 : memref<1x80xi32, #tpu.memory_space<vmem>> -> memref<80xi32, #tpu.memory_space<vmem>>
        %dma_start3A_936 = arith.constant 0 : i32
        %dma_start3A_937 = arith.constant 0 : i32
        %dma_start3A_938 = tpu.memref_slice %arg4[%dma_start3A_936, %dma_start3A_937] : memref<10000x32xf32, #tpu.memory_space<hbm>> -> memref<10000x32xf32, #tpu.memory_space<hbm>>
        tpu.enqueue_indirect_dma source(%dma_start3A_938 : memref<10000x32xf32, #tpu.memory_space<hbm>>) target(%arg16 : memref<80x32xf32, #tpu.memory_space<vmem>>) offsets(%dma_start3A_935 : memref<80xi32, #tpu.memory_space<vmem>>) semaphore(%arg31 : memref<!tpu.dma_semaphore, #tpu.memory_space<semaphore_mem>>)
      } else {
      }
      %get3A_787 = arith.index_cast %add3A_765 : i32 to index
      %get3A_788 = arith.constant 0 : index
      %get3A_789 = tpu.vector_load %arg12[%get3A_787, %get3A_788] {strides = array<i32>} : memref<125x80xi32, #tpu.memory_space<vmem>>, vector<16xi32>,
      %get3A_790 = arith.index_cast %add3A_765 : i32 to index
      %get3A_791 = arith.constant 0 : index
      %get3A_792 = tpu.vector_load %arg13[%get3A_790, %get3A_791] {strides = array<i32>} : memref<125x80xi32, #tpu.memory_space<vmem>>, vector<16xi32>,
      %swap3A_793 = arith.constant 0 : index
      %swap3A_794 = tpu.vector_load %arg28[%swap3A_793] {strides = array<i32>} : memref<80xi32, #tpu.memory_space<vmem>>, vector<16xi32>,
      tpu.vector_store %arg28[%swap3A_793], %get3A_792 {strides = array<i32>} : memref<80xi32, #tpu.memory_space<vmem>>, vector<16xi32>,
      %gather3A_795 = tpu.vector_load_idx %arg10[%get3A_792] : memref<10000xf32, #tpu.memory_space<vmem>>[vector<16xi32>], vector<16xf32>,
      %gather3A_796 = tpu.vector_load_idx %arg9[%get3A_789] : memref<10000xf32, #tpu.memory_space<vmem>>[vector<16xi32>], vector<16xf32>,
      %sub3A_797 = arith.subf %gather3A_795, %gather3A_796 : vector<16xf32>
      %mul3A_798 = arith.constant 2.000000e+00 : f32
      %mul3A_799 = vector.broadcast %mul3A_798 : f32 to vector<16xf32>
      %mul3A_800 = arith.mulf %mul3A_799, %sub3A_797 : vector<16xf32>
      %exp3A_801 = math.exp %mul3A_800 : vector<16xf32>
      %add3A_802 = arith.constant 1.000000e+00 : f32
      %add3A_803 = vector.broadcast %add3A_802 : f32 to vector<16xf32>
      %add3A_804 = arith.addf %exp3A_801, %add3A_803 : vector<16xf32>
      %div3A_805 = arith.constant 2.000000e+00 : f32
      %div3A_806 = vector.broadcast %div3A_805 : f32 to vector<16xf32>
      %div3A_807 = arith.divf %div3A_806, %add3A_804 : vector<16xf32>
      %sub3A_808 = arith.constant 1.000000e+00 : f32
      %sub3A_809 = vector.broadcast %sub3A_808 : f32 to vector<16xf32>
      %sub3A_810 = arith.subf %sub3A_809, %div3A_807 : vector<16xf32>
      %exp3A_811 = math.exp %sub3A_810 : vector<16xf32>
      tpu.vector_store_idx %arg11[%get3A_792], %exp3A_811 {add = true} : memref<10000xf32, #tpu.memory_space<vmem>>[vector<16xi32>], vector<16xf32>,
      %get3A_812 = arith.index_cast %add3A_765 : i32 to index
      %get3A_813 = arith.constant 16 : index
      %get3A_814 = tpu.vector_load %arg12[%get3A_812, %get3A_813] {strides = array<i32>} : memref<125x80xi32, #tpu.memory_space<vmem>>, vector<16xi32>,
      %get3A_815 = arith.index_cast %add3A_765 : i32 to index
      %get3A_816 = arith.constant 16 : index
      %get3A_817 = tpu.vector_load %arg13[%get3A_815, %get3A_816] {strides = array<i32>} : memref<125x80xi32, #tpu.memory_space<vmem>>, vector<16xi32>,
      %swap3A_818 = arith.constant 16 : index
      %swap3A_819 = tpu.vector_load %arg28[%swap3A_818] {strides = array<i32>} : memref<80xi32, #tpu.memory_space<vmem>>, vector<16xi32>,
      tpu.vector_store %arg28[%swap3A_818], %get3A_817 {strides = array<i32>} : memref<80xi32, #tpu.memory_space<vmem>>, vector<16xi32>,
      %gather3A_820 = tpu.vector_load_idx %arg10[%get3A_817] : memref<10000xf32, #tpu.memory_space<vmem>>[vector<16xi32>], vector<16xf32>,
      %gather3A_821 = tpu.vector_load_idx %arg9[%get3A_814] : memref<10000xf32, #tpu.memory_space<vmem>>[vector<16xi32>], vector<16xf32>,
      %sub3A_822 = arith.subf %gather3A_820, %gather3A_821 : vector<16xf32>
      %mul3A_823 = arith.constant 2.000000e+00 : f32
      %mul3A_824 = vector.broadcast %mul3A_823 : f32 to vector<16xf32>
      %mul3A_825 = arith.mulf %mul3A_824, %sub3A_822 : vector<16xf32>
      %exp3A_826 = math.exp %mul3A_825 : vector<16xf32>
      %add3A_827 = arith.constant 1.000000e+00 : f32
      %add3A_828 = vector.broadcast %add3A_827 : f32 to vector<16xf32>
      %add3A_829 = arith.addf %exp3A_826, %add3A_828 : vector<16xf32>
      %div3A_830 = arith.constant 2.000000e+00 : f32
      %div3A_831 = vector.broadcast %div3A_830 : f32 to vector<16xf32>
      %div3A_832 = arith.divf %div3A_831, %add3A_829 : vector<16xf32>
      %sub3A_833 = arith.constant 1.000000e+00 : f32
      %sub3A_834 = vector.broadcast %sub3A_833 : f32 to vector<16xf32>
      %sub3A_835 = arith.subf %sub3A_834, %div3A_832 : vector<16xf32>
      %exp3A_836 = math.exp %sub3A_835 : vector<16xf32>
      tpu.vector_store_idx %arg11[%get3A_817], %exp3A_836 {add = true} : memref<10000xf32, #tpu.memory_space<vmem>>[vector<16xi32>], vector<16xf32>,
      %get3A_837 = arith.index_cast %add3A_765 : i32 to index
      %get3A_838 = arith.constant 32 : index
      %get3A_839 = tpu.vector_load %arg12[%get3A_837, %get3A_838] {strides = array<i32>} : memref<125x80xi32, #tpu.memory_space<vmem>>, vector<16xi32>,
      %get3A_840 = arith.index_cast %add3A_765 : i32 to index
      %get3A_841 = arith.constant 32 : index
      %get3A_842 = tpu.vector_load %arg13[%get3A_840, %get3A_841] {strides = array<i32>} : memref<125x80xi32, #tpu.memory_space<vmem>>, vector<16xi32>,
      %swap3A_843 = arith.constant 32 : index
      %swap3A_844 = tpu.vector_load %arg28[%swap3A_843] {strides = array<i32>} : memref<80xi32, #tpu.memory_space<vmem>>, vector<16xi32>,
      tpu.vector_store %arg28[%swap3A_843], %get3A_842 {strides = array<i32>} : memref<80xi32, #tpu.memory_space<vmem>>, vector<16xi32>,
      %gather3A_845 = tpu.vector_load_idx %arg10[%get3A_842] : memref<10000xf32, #tpu.memory_space<vmem>>[vector<16xi32>], vector<16xf32>,
      %gather3A_846 = tpu.vector_load_idx %arg9[%get3A_839] : memref<10000xf32, #tpu.memory_space<vmem>>[vector<16xi32>], vector<16xf32>,
      %sub3A_847 = arith.subf %gather3A_845, %gather3A_846 : vector<16xf32>
      %mul3A_848 = arith.constant 2.000000e+00 : f32
      %mul3A_849 = vector.broadcast %mul3A_848 : f32 to vector<16xf32>
      %mul3A_850 = arith.mulf %mul3A_849, %sub3A_847 : vector<16xf32>
      %exp3A_851 = math.exp %mul3A_850 : vector<16xf32>
      %add3A_852 = arith.constant 1.000000e+00 : f32
      %add3A_853 = vector.broadcast %add3A_852 : f32 to vector<16xf32>
      %add3A_854 = arith.addf %exp3A_851, %add3A_853 : vector<16xf32>
      %div3A_855 = arith.constant 2.000000e+00 : f32
      %div3A_856 = vector.broadcast %div3A_855 : f32 to vector<16xf32>
      %div3A_857 = arith.divf %div3A_856, %add3A_854 : vector<16xf32>
      %sub3A_858 = arith.constant 1.000000e+00 : f32
      %sub3A_859 = vector.broadcast %sub3A_858 : f32 to vector<16xf32>
      %sub3A_860 = arith.subf %sub3A_859, %div3A_857 : vector<16xf32>
      %exp3A_861 = math.exp %sub3A_860 : vector<16xf32>
      tpu.vector_store_idx %arg11[%get3A_842], %exp3A_861 {add = true} : memref<10000xf32, #tpu.memory_space<vmem>>[vector<16xi32>], vector<16xf32>,
      %get3A_862 = arith.index_cast %add3A_765 : i32 to index
      %get3A_863 = arith.constant 48 : index
      %get3A_864 = tpu.vector_load %arg12[%get3A_862, %get3A_863] {strides = array<i32>} : memref<125x80xi32, #tpu.memory_space<vmem>>, vector<16xi32>,
      %get3A_865 = arith.index_cast %add3A_765 : i32 to index
      %get3A_866 = arith.constant 48 : index
      %get3A_867 = tpu.vector_load %arg13[%get3A_865, %get3A_866] {strides = array<i32>} : memref<125x80xi32, #tpu.memory_space<vmem>>, vector<16xi32>,
      %swap3A_868 = arith.constant 48 : index
      %swap3A_869 = tpu.vector_load %arg28[%swap3A_868] {strides = array<i32>} : memref<80xi32, #tpu.memory_space<vmem>>, vector<16xi32>,
      tpu.vector_store %arg28[%swap3A_868], %get3A_867 {strides = array<i32>} : memref<80xi32, #tpu.memory_space<vmem>>, vector<16xi32>,
      %gather3A_870 = tpu.vector_load_idx %arg10[%get3A_867] : memref<10000xf32, #tpu.memory_space<vmem>>[vector<16xi32>], vector<16xf32>,
      %gather3A_871 = tpu.vector_load_idx %arg9[%get3A_864] : memref<10000xf32, #tpu.memory_space<vmem>>[vector<16xi32>], vector<16xf32>,
      %sub3A_872 = arith.subf %gather3A_870, %gather3A_871 : vector<16xf32>
      %mul3A_873 = arith.constant 2.000000e+00 : f32
      %mul3A_874 = vector.broadcast %mul3A_873 : f32 to vector<16xf32>
      %mul3A_875 = arith.mulf %mul3A_874, %sub3A_872 : vector<16xf32>
      %exp3A_876 = math.exp %mul3A_875 : vector<16xf32>
      %add3A_877 = arith.constant 1.000000e+00 : f32
      %add3A_878 = vector.broadcast %add3A_877 : f32 to vector<16xf32>
      %add3A_879 = arith.addf %exp3A_876, %add3A_878 : vector<16xf32>
      %div3A_880 = arith.constant 2.000000e+00 : f32
      %div3A_881 = vector.broadcast %div3A_880 : f32 to vector<16xf32>
      %div3A_882 = arith.divf %div3A_881, %add3A_879 : vector<16xf32>
      %sub3A_883 = arith.constant 1.000000e+00 : f32
      %sub3A_884 = vector.broadcast %sub3A_883 : f32 to vector<16xf32>
      %sub3A_885 = arith.subf %sub3A_884, %div3A_882 : vector<16xf32>
      %exp3A_886 = math.exp %sub3A_885 : vector<16xf32>
      tpu.vector_store_idx %arg11[%get3A_867], %exp3A_886 {add = true} : memref<10000xf32, #tpu.memory_space<vmem>>[vector<16xi32>], vector<16xf32>,
      %get3A_887 = arith.index_cast %add3A_765 : i32 to index
      %get3A_888 = arith.constant 64 : index
      %get3A_889 = tpu.vector_load %arg12[%get3A_887, %get3A_888] {strides = array<i32>} : memref<125x80xi32, #tpu.memory_space<vmem>>, vector<16xi32>,
      %get3A_890 = arith.index_cast %add3A_765 : i32 to index
      %get3A_891 = arith.constant 64 : index
      %get3A_892 = tpu.vector_load %arg13[%get3A_890, %get3A_891] {strides = array<i32>} : memref<125x80xi32, #tpu.memory_space<vmem>>, vector<16xi32>,
      %swap3A_893 = arith.constant 64 : index
      %swap3A_894 = tpu.vector_load %arg28[%swap3A_893] {strides = array<i32>} : memref<80xi32, #tpu.memory_space<vmem>>, vector<16xi32>,
      tpu.vector_store %arg28[%swap3A_893], %get3A_892 {strides = array<i32>} : memref<80xi32, #tpu.memory_space<vmem>>, vector<16xi32>,
      %gather3A_895 = tpu.vector_load_idx %arg10[%get3A_892] : memref<10000xf32, #tpu.memory_space<vmem>>[vector<16xi32>], vector<16xf32>,
      %gather3A_896 = tpu.vector_load_idx %arg9[%get3A_889] : memref<10000xf32, #tpu.memory_space<vmem>>[vector<16xi32>], vector<16xf32>,
      %sub3A_897 = arith.subf %gather3A_895, %gather3A_896 : vector<16xf32>
      %mul3A_898 = arith.constant 2.000000e+00 : f32
      %mul3A_899 = vector.broadcast %mul3A_898 : f32 to vector<16xf32>
      %mul3A_900 = arith.mulf %mul3A_899, %sub3A_897 : vector<16xf32>
      %exp3A_901 = math.exp %mul3A_900 : vector<16xf32>
      %add3A_902 = arith.constant 1.000000e+00 : f32
      %add3A_903 = vector.broadcast %add3A_902 : f32 to vector<16xf32>
      %add3A_904 = arith.addf %exp3A_901, %add3A_903 : vector<16xf32>
      %div3A_905 = arith.constant 2.000000e+00 : f32
      %div3A_906 = vector.broadcast %div3A_905 : f32 to vector<16xf32>
      %div3A_907 = arith.divf %div3A_906, %add3A_904 : vector<16xf32>
      %sub3A_908 = arith.constant 1.000000e+00 : f32
      %sub3A_909 = vector.broadcast %sub3A_908 : f32 to vector<16xf32>
      %sub3A_910 = arith.subf %sub3A_909, %div3A_907 : vector<16xf32>
      %exp3A_911 = math.exp %sub3A_910 : vector<16xf32>
      tpu.vector_store_idx %arg11[%get3A_892], %exp3A_911 {add = true} : memref<10000xf32, #tpu.memory_space<vmem>>[vector<16xi32>], vector<16xf32>,
      %add3A_912 = arith.constant 0 : i32
      %add3A_913 = vector.broadcast %add3A_912 : i32 to vector<16xi32>
      %add3A_914 = arith.addi %iota3A, %add3A_913 : vector<16xi32>
      %add3A_915 = arith.constant 16 : i32
      %add3A_916 = vector.broadcast %add3A_915 : i32 to vector<16xi32>
      %add3A_917 = arith.addi %iota3A, %add3A_916 : vector<16xi32>
      %add3A_918 = arith.constant 32 : i32
      %add3A_919 = vector.broadcast %add3A_918 : i32 to vector<16xi32>
      %add3A_920 = arith.addi %iota3A, %add3A_919 : vector<16xi32>
      %add3A_921 = arith.constant 48 : i32
      %add3A_922 = vector.broadcast %add3A_921 : i32 to vector<16xi32>
      %add3A_923 = arith.addi %iota3A, %add3A_922 : vector<16xi32>
      %add3A_924 = arith.constant 64 : i32
      %add3A_925 = vector.broadcast %add3A_924 : i32 to vector<16xi32>
      %add3A_926 = arith.addi %iota3A, %add3A_925 : vector<16xi32>
      %parallel_loop3A_927 = arith.constant 0 : i32
      %parallel_loop3A_928 = arith.constant 32 : i32
      %parallel_loop3A_929 = arith.constant 1 : i32
      scf.for %parallel_loop3A_933 = %parallel_loop3A_927 to %parallel_loop3A_928 step %parallel_loop3A_929  : i32 {
        %parallel_loop3A_934 = vector.broadcast %parallel_loop3A_933 : i32 to vector<16xi32>
        %parallel_loop3A_935 = tpu.vector_load_idx %arg18[%add3A_914, %parallel_loop3A_934] : memref<80x32xf32, #tpu.memory_space<vmem>>[vector<16xi32>, vector<16xi32>], vector<16xf32>,
        %parallel_loop3A_936 = arith.mulf %parallel_loop3A_935, %exp3A_811 : vector<16xf32>
        tpu.vector_store_idx %arg23[%add3A_914, %parallel_loop3A_934], %parallel_loop3A_936 : memref<80x32xf32, #tpu.memory_space<vmem>>[vector<16xi32>, vector<16xi32>], vector<16xf32>,
        %parallel_loop3A_937 = tpu.vector_load_idx %arg18[%add3A_917, %parallel_loop3A_934] : memref<80x32xf32, #tpu.memory_space<vmem>>[vector<16xi32>, vector<16xi32>], vector<16xf32>,
        %parallel_loop3A_938 = arith.mulf %parallel_loop3A_937, %exp3A_836 : vector<16xf32>
        tpu.vector_store_idx %arg23[%add3A_917, %parallel_loop3A_934], %parallel_loop3A_938 : memref<80x32xf32, #tpu.memory_space<vmem>>[vector<16xi32>, vector<16xi32>], vector<16xf32>,
        %parallel_loop3A_939 = tpu.vector_load_idx %arg18[%add3A_920, %parallel_loop3A_934] : memref<80x32xf32, #tpu.memory_space<vmem>>[vector<16xi32>, vector<16xi32>], vector<16xf32>,
        %parallel_loop3A_940 = arith.mulf %parallel_loop3A_939, %exp3A_861 : vector<16xf32>
        tpu.vector_store_idx %arg23[%add3A_920, %parallel_loop3A_934], %parallel_loop3A_940 : memref<80x32xf32, #tpu.memory_space<vmem>>[vector<16xi32>, vector<16xi32>], vector<16xf32>,
        %parallel_loop3A_941 = tpu.vector_load_idx %arg18[%add3A_923, %parallel_loop3A_934] : memref<80x32xf32, #tpu.memory_space<vmem>>[vector<16xi32>, vector<16xi32>], vector<16xf32>,
        %parallel_loop3A_942 = arith.mulf %parallel_loop3A_941, %exp3A_886 : vector<16xf32>
        tpu.vector_store_idx %arg23[%add3A_923, %parallel_loop3A_934], %parallel_loop3A_942 : memref<80x32xf32, #tpu.memory_space<vmem>>[vector<16xi32>, vector<16xi32>], vector<16xf32>,
        %parallel_loop3A_943 = tpu.vector_load_idx %arg18[%add3A_926, %parallel_loop3A_934] : memref<80x32xf32, #tpu.memory_space<vmem>>[vector<16xi32>, vector<16xi32>], vector<16xf32>,
        %parallel_loop3A_944 = arith.mulf %parallel_loop3A_943, %exp3A_911 : vector<16xf32>
        tpu.vector_store_idx %arg23[%add3A_926, %parallel_loop3A_934], %parallel_loop3A_944 : memref<80x32xf32, #tpu.memory_space<vmem>>[vector<16xi32>, vector<16xi32>], vector<16xf32>,
      } {sc.loop_unroll_factor = 4 : i64, sc.parallel_access}
      %dma_start3A_930 = arith.constant 0 : i32
      %dma_start3A_931 = arith.constant 0 : i32
      %dma_start3A_932 = tpu.memref_slice %arg39[%dma_start3A_930, %dma_start3A_931] : memref<10000x32xf32, #tpu.memory_space<vmem_shared>> -> memref<10000x32xf32, #tpu.memory_space<vmem_shared>>
      tpu.enqueue_indirect_dma source(%arg23 : memref<80x32xf32, #tpu.memory_space<vmem>>) target(%dma_start3A_932 : memref<10000x32xf32, #tpu.memory_space<vmem_shared>>) offsets(%arg28 : memref<80xi32, #tpu.memory_space<vmem>>) semaphore(%arg38 : memref<!tpu.dma_semaphore, #tpu.memory_space<semaphore_mem>>) {add = true}
    }
    %scan3A_44 = arith.constant 25 : i32
    %dma_wait3A = arith.constant 0 : i32
    %dma_wait3A_45 = arith.constant 0 : i32
    %dma_wait3A_46 = tpu.memref_slice %arg39[%dma_wait3A, %dma_wait3A_45] : memref<10000x32xf32, #tpu.memory_space<vmem_shared>> -> memref<80x32xf32, #tpu.memory_space<vmem_shared>>
    %dma_wait3A_47 = arith.constant 0 : i32
    %dma_wait3A_48 = arith.constant 0 : i32
    %dma_wait3A_49 = tpu.memref_slice %arg39[%dma_wait3A_47, %dma_wait3A_48] : memref<10000x32xf32, #tpu.memory_space<vmem_shared>> -> memref<80x32xf32, #tpu.memory_space<vmem_shared>>
    tpu.wait_dma2 semaphore(%arg34 : memref<!tpu.dma_semaphore, #tpu.memory_space<semaphore_mem>>) src(%arg19 : memref<80x32xf32, #tpu.memory_space<vmem>>) dst(%dma_wait3A_49 : memref<80x32xf32, #tpu.memory_space<vmem_shared>>)
    %dma_wait3A_50 = arith.constant 0 : i32
    %dma_wait3A_51 = arith.constant 0 : i32
    %dma_wait3A_52 = tpu.memref_slice %arg39[%dma_wait3A_50, %dma_wait3A_51] : memref<10000x32xf32, #tpu.memory_space<vmem_shared>> -> memref<80x32xf32, #tpu.memory_space<vmem_shared>>
    %dma_wait3A_53 = arith.constant 0 : i32
    %dma_wait3A_54 = arith.constant 0 : i32
    %dma_wait3A_55 = tpu.memref_slice %arg39[%dma_wait3A_53, %dma_wait3A_54] : memref<10000x32xf32, #tpu.memory_space<vmem_shared>> -> memref<80x32xf32, #tpu.memory_space<vmem_shared>>
    tpu.wait_dma2 semaphore(%arg35 : memref<!tpu.dma_semaphore, #tpu.memory_space<semaphore_mem>>) src(%arg20 : memref<80x32xf32, #tpu.memory_space<vmem>>) dst(%dma_wait3A_55 : memref<80x32xf32, #tpu.memory_space<vmem_shared>>)
    %dma_wait3A_56 = arith.constant 0 : i32
    %dma_wait3A_57 = arith.constant 0 : i32
    %dma_wait3A_58 = tpu.memref_slice %arg39[%dma_wait3A_56, %dma_wait3A_57] : memref<10000x32xf32, #tpu.memory_space<vmem_shared>> -> memref<80x32xf32, #tpu.memory_space<vmem_shared>>
    %dma_wait3A_59 = arith.constant 0 : i32
    %dma_wait3A_60 = arith.constant 0 : i32
    %dma_wait3A_61 = tpu.memref_slice %arg39[%dma_wait3A_59, %dma_wait3A_60] : memref<10000x32xf32, #tpu.memory_space<vmem_shared>> -> memref<80x32xf32, #tpu.memory_space<vmem_shared>>
    tpu.wait_dma2 semaphore(%arg36 : memref<!tpu.dma_semaphore, #tpu.memory_space<semaphore_mem>>) src(%arg21 : memref<80x32xf32, #tpu.memory_space<vmem>>) dst(%dma_wait3A_61 : memref<80x32xf32, #tpu.memory_space<vmem_shared>>)
    %dma_wait3A_62 = arith.constant 0 : i32
    %dma_wait3A_63 = arith.constant 0 : i32
    %dma_wait3A_64 = tpu.memref_slice %arg39[%dma_wait3A_62, %dma_wait3A_63] : memref<10000x32xf32, #tpu.memory_space<vmem_shared>> -> memref<80x32xf32, #tpu.memory_space<vmem_shared>>
    %dma_wait3A_65 = arith.constant 0 : i32
    %dma_wait3A_66 = arith.constant 0 : i32
    %dma_wait3A_67 = tpu.memref_slice %arg39[%dma_wait3A_65, %dma_wait3A_66] : memref<10000x32xf32, #tpu.memory_space<vmem_shared>> -> memref<80x32xf32, #tpu.memory_space<vmem_shared>>
    tpu.wait_dma2 semaphore(%arg37 : memref<!tpu.dma_semaphore, #tpu.memory_space<semaphore_mem>>) src(%arg22 : memref<80x32xf32, #tpu.memory_space<vmem>>) dst(%dma_wait3A_67 : memref<80x32xf32, #tpu.memory_space<vmem_shared>>)
    %dma_wait3A_68 = arith.constant 0 : i32
    %dma_wait3A_69 = arith.constant 0 : i32
    %dma_wait3A_70 = tpu.memref_slice %arg39[%dma_wait3A_68, %dma_wait3A_69] : memref<10000x32xf32, #tpu.memory_space<vmem_shared>> -> memref<80x32xf32, #tpu.memory_space<vmem_shared>>
    %dma_wait3A_71 = arith.constant 0 : i32
    %dma_wait3A_72 = arith.constant 0 : i32
    %dma_wait3A_73 = tpu.memref_slice %arg39[%dma_wait3A_71, %dma_wait3A_72] : memref<10000x32xf32, #tpu.memory_space<vmem_shared>> -> memref<80x32xf32, #tpu.memory_space<vmem_shared>>
    tpu.wait_dma2 semaphore(%arg38 : memref<!tpu.dma_semaphore, #tpu.memory_space<semaphore_mem>>) src(%arg23 : memref<80x32xf32, #tpu.memory_space<vmem>>) dst(%dma_wait3A_73 : memref<80x32xf32, #tpu.memory_space<vmem_shared>>)
    %barrier3A_74 = arith.constant 0 : index
    tpu.barrier barrier_id(%barrier3A_74)
    %mul3A_75 = arith.constant 10240 : i32
    %mul3A_76 = arith.muli %add3A, %mul3A_75 : i32
    %multiple_of3A = tpu.assume_multiple %mul3A_76, 8 : i32
    "tpu.region"() ({
      %run_scoped3A = tpu.sem_alloc : memref<!tpu.dma_semaphore, #tpu.memory_space<semaphore_mem>>
      %dma_start3A_87 = tpu.memref_slice %arg8[%multiple_of3A] : memref<327680xf32, #tpu.memory_space<hbm>> -> memref<10000xf32, #tpu.memory_space<hbm>>
      %dma_start3A_88 = tpu.memref_slice %arg8[%multiple_of3A] : memref<327680xf32, #tpu.memory_space<hbm>> -> memref<10000xf32, #tpu.memory_space<hbm>>
      tpu.enqueue_dma source(%arg11 : memref<10000xf32, #tpu.memory_space<vmem>>) target(%dma_start3A_88 : memref<10000xf32, #tpu.memory_space<hbm>>) target_semaphore(%run_scoped3A : memref<!tpu.dma_semaphore, #tpu.memory_space<semaphore_mem>>)
      %dma_wait3A_89 = tpu.memref_slice %arg8[%multiple_of3A] : memref<327680xf32, #tpu.memory_space<hbm>> -> memref<10000xf32, #tpu.memory_space<hbm>>
      %dma_wait3A_90 = tpu.memref_slice %arg8[%multiple_of3A] : memref<327680xf32, #tpu.memory_space<hbm>> -> memref<10000xf32, #tpu.memory_space<hbm>>
      tpu.wait_dma2 semaphore(%run_scoped3A : memref<!tpu.dma_semaphore, #tpu.memory_space<semaphore_mem>>) src(%arg11 : memref<10000xf32, #tpu.memory_space<vmem>>) dst(%dma_wait3A_90 : memref<10000xf32, #tpu.memory_space<hbm>>)
      tpu.yield
    }) : () -> ()
    %eq3A_77 = arith.constant 0 : i32
    %eq3A_78 = arith.cmpi eq, %arg1, %eq3A_77 : i32
    %convert_element_type3A_79 = arith.extui %eq3A_78 : i1 to i32
    %cond3A_80 = arith.constant 0 : i32
    %cond3A_81 = arith.cmpi ne, %convert_element_type3A_79, %cond3A_80 : i32
    scf.if %cond3A_81 {
      "tpu.region"() ({
        %run_scoped3A = tpu.sem_alloc : memref<!tpu.dma_semaphore, #tpu.memory_space<semaphore_mem>>
        %dma_start3A_87 = arith.constant 0 : i32
        %dma_start3A_88 = arith.constant 0 : i32
        %dma_start3A_89 = tpu.memref_slice %arg7[%arg0, %dma_start3A_87, %dma_start3A_88] : memref<2x10000x32xf32, #tpu.memory_space<hbm>> -> memref<1x640x32xf32, #tpu.memory_space<hbm>>
        %dma_start3A_90 = tpu.memref_squeeze %dma_start3A_89 : memref<1x640x32xf32, #tpu.memory_space<hbm>> -> memref<640x32xf32, #tpu.memory_space<hbm>>
        %dma_start3A_91 = arith.constant 0 : i32
        %dma_start3A_92 = arith.constant 0 : i32
        %dma_start3A_93 = tpu.memref_slice %arg39[%dma_start3A_91, %dma_start3A_92] : memref<10000x32xf32, #tpu.memory_space<vmem_shared>> -> memref<640x32xf32, #tpu.memory_space<vmem_shared>>
        tpu.enqueue_dma source(%dma_start3A_93 : memref<640x32xf32, #tpu.memory_space<vmem_shared>>) target(%dma_start3A_90 : memref<640x32xf32, #tpu.memory_space<hbm>>) target_semaphore(%run_scoped3A : memref<!tpu.dma_semaphore, #tpu.memory_space<semaphore_mem>>)
        %dma_wait3A_94 = arith.constant 0 : i32
        %dma_wait3A_95 = arith.constant 0 : i32
        %dma_wait3A_96 = tpu.memref_slice %arg7[%arg0, %dma_wait3A_94, %dma_wait3A_95] : memref<2x10000x32xf32, #tpu.memory_space<hbm>> -> memref<1x640x32xf32, #tpu.memory_space<hbm>>
        %dma_wait3A_97 = tpu.memref_squeeze %dma_wait3A_96 : memref<1x640x32xf32, #tpu.memory_space<hbm>> -> memref<640x32xf32, #tpu.memory_space<hbm>>
        %dma_wait3A_98 = arith.constant 0 : i32
        %dma_wait3A_99 = arith.constant 0 : i32
        %dma_wait3A_100 = tpu.memref_slice %arg39[%dma_wait3A_98, %dma_wait3A_99] : memref<10000x32xf32, #tpu.memory_space<vmem_shared>> -> memref<640x32xf32, #tpu.memory_space<vmem_shared>>
        tpu.wait_dma2 semaphore(%run_scoped3A : memref<!tpu.dma_semaphore, #tpu.memory_space<semaphore_mem>>) src(%dma_wait3A_100 : memref<640x32xf32, #tpu.memory_space<vmem_shared>>) dst(%dma_wait3A_97 : memref<640x32xf32, #tpu.memory_space<hbm>>)
        tpu.yield
      }) : () -> ()
    } else {
    }
    %ne3A_82 = arith.constant 0 : i32
    %ne3A_83 = arith.cmpi ne, %arg1, %ne3A_82 : i32
    %convert_element_type3A_84 = arith.extui %ne3A_83 : i1 to i32
    %cond3A_85 = arith.constant 0 : i32
    %cond3A_86 = arith.cmpi ne, %convert_element_type3A_84, %cond3A_85 : i32
    scf.if %cond3A_86 {
      %mul3A_87 = arith.constant 624 : i32
      %mul3A_88 = arith.muli %mul3A_87, %arg1 : i32
      %add3A_89 = arith.constant 16 : i32
      %add3A_90 = arith.addi %add3A_89, %mul3A_88 : i32
      %multiple_of3A_91 = tpu.assume_multiple %add3A_90, 8 : i32
      "tpu.region"() ({
        %run_scoped3A = tpu.sem_alloc : memref<!tpu.dma_semaphore, #tpu.memory_space<semaphore_mem>>
        %dma_start3A_92 = arith.constant 0 : i32
        %dma_start3A_93 = tpu.memref_slice %arg7[%arg0, %multiple_of3A_91, %dma_start3A_92] : memref<2x10000x32xf32, #tpu.memory_space<hbm>> -> memref<1x624x32xf32, #tpu.memory_space<hbm>>
        %dma_start3A_94 = tpu.memref_squeeze %dma_start3A_93 : memref<1x624x32xf32, #tpu.memory_space<hbm>> -> memref<624x32xf32, #tpu.memory_space<hbm>>
        %dma_start3A_95 = arith.constant 0 : i32
        %dma_start3A_96 = tpu.memref_slice %arg39[%multiple_of3A_91, %dma_start3A_95] : memref<10000x32xf32, #tpu.memory_space<vmem_shared>> -> memref<624x32xf32, #tpu.memory_space<vmem_shared>>
        tpu.enqueue_dma source(%dma_start3A_96 : memref<624x32xf32, #tpu.memory_space<vmem_shared>>) target(%dma_start3A_94 : memref<624x32xf32, #tpu.memory_space<hbm>>) target_semaphore(%run_scoped3A : memref<!tpu.dma_semaphore, #tpu.memory_space<semaphore_mem>>)
        %dma_wait3A_97 = arith.constant 0 : i32
        %dma_wait3A_98 = tpu.memref_slice %arg7[%arg0, %multiple_of3A_91, %dma_wait3A_97] : memref<2x10000x32xf32, #tpu.memory_space<hbm>> -> memref<1x624x32xf32, #tpu.memory_space<hbm>>
        %dma_wait3A_99 = tpu.memref_squeeze %dma_wait3A_98 : memref<1x624x32xf32, #tpu.memory_space<hbm>> -> memref<624x32xf32, #tpu.memory_space<hbm>>
        %dma_wait3A_100 = arith.constant 0 : i32
        %dma_wait3A_101 = tpu.memref_slice %arg39[%multiple_of3A_91, %dma_wait3A_100] : memref<10000x32xf32, #tpu.memory_space<vmem_shared>> -> memref<624x32xf32, #tpu.memory_space<vmem_shared>>
        tpu.wait_dma2 semaphore(%run_scoped3A : memref<!tpu.dma_semaphore, #tpu.memory_space<semaphore_mem>>) src(%dma_wait3A_101 : memref<624x32xf32, #tpu.memory_space<vmem_shared>>) dst(%dma_wait3A_99 : memref<624x32xf32, #tpu.memory_space<hbm>>)
        tpu.yield
      }) : () -> ()
    } else {
    }
    return
  }
}

module attributes {stable_mosaic.version = 14 : i64} {
  func.func @_proj_body(%arg0: memref<10000x128xf32, #tpu.memory_space<vmem>>, %arg1: memref<10000x128xf32, #tpu.memory_space<vmem>>, %arg2: memref<32x128xf32, #tpu.memory_space<vmem>>, %arg3: memref<1x32xf32, #tpu.memory_space<vmem>>, %arg4: memref<10000x32xf32, #tpu.memory_space<vmem>>, %arg5: memref<10000x32xf32, #tpu.memory_space<vmem>>, %arg6: memref<10000x1xf32, #tpu.memory_space<vmem>>, %arg7: memref<10000x1xf32, #tpu.memory_space<vmem>>) attributes {dimension_semantics = [], scalar_prefetch = 0 : i64, scratch_operands = 0 : i64, tpu.core_type = #tpu.core_type<tc>} {
    %get3A = arith.constant 0 : index
    %get3A_0 = arith.constant 0 : index
    %get3A_1 = vector.load %arg2[%get3A, %get3A_0] : memref<32x128xf32, #tpu.memory_space<vmem>>, vector<32x128xf32>
    %transpose3A = tpu.transpose %get3A_1, [1, 0] : vector<32x128xf32> -> vector<128x32xf32>
    %get3A_2 = arith.constant 0 : index
    %get3A_3 = arith.constant 0 : index
    %get3A_4 = vector.load %arg0[%get3A_2, %get3A_3] : memref<10000x128xf32, #tpu.memory_space<vmem>>, vector<10000x128xf32>
    %dot_general3A = arith.constant dense<0.000000e+00> : vector<10000x32xf32>
    %dot_general3A_5 = tpu.matmul %get3A_4, %transpose3A, %dot_general3A {dimension_numbers = #tpu.dot_dimension_numbers<[1], [0], [0], [1], [0, 0, 1, 1], [], []>, transpose_lhs_hint = false} : vector<10000x128xf32>, vector<128x32xf32>, vector<10000x32xf32> -> vector<10000x32xf32>
    %get3A_6 = arith.constant 0 : index
    %get3A_7 = arith.constant 0 : index
    %get3A_8 = vector.load %arg1[%get3A_6, %get3A_7] : memref<10000x128xf32, #tpu.memory_space<vmem>>, vector<10000x128xf32>
    %dot_general3A_9 = arith.constant dense<0.000000e+00> : vector<10000x32xf32>
    %dot_general3A_10 = tpu.matmul %get3A_8, %transpose3A, %dot_general3A_9 {dimension_numbers = #tpu.dot_dimension_numbers<[1], [0], [0], [1], [0, 0, 1, 1], [], []>, transpose_lhs_hint = false} : vector<10000x128xf32>, vector<128x32xf32>, vector<10000x32xf32> -> vector<10000x32xf32>
    %swap3A = arith.constant 0 : index
    %swap3A_11 = arith.constant 0 : index
    %swap3A_12 = vector.load %arg4[%swap3A, %swap3A_11] : memref<10000x32xf32, #tpu.memory_space<vmem>>, vector<10000x32xf32>
    tpu.vector_store %arg4[%swap3A, %swap3A_11], %dot_general3A_5 {strides = array<i32>} : memref<10000x32xf32, #tpu.memory_space<vmem>>, vector<10000x32xf32>,
    %swap3A_13 = arith.constant 0 : index
    %swap3A_14 = arith.constant 0 : index
    %swap3A_15 = vector.load %arg5[%swap3A_13, %swap3A_14] : memref<10000x32xf32, #tpu.memory_space<vmem>>, vector<10000x32xf32>
    tpu.vector_store %arg5[%swap3A_13, %swap3A_14], %dot_general3A_10 {strides = array<i32>} : memref<10000x32xf32, #tpu.memory_space<vmem>>, vector<10000x32xf32>,
    %get3A_16 = arith.constant 0 : index
    %get3A_17 = arith.constant 0 : index
    %get3A_18 = vector.load %arg3[%get3A_16, %get3A_17] : memref<1x32xf32, #tpu.memory_space<vmem>>, vector<1x32xf32>
    %transpose3A_19 = tpu.transpose %get3A_18, [1, 0] : vector<1x32xf32> -> vector<32x1xf32>
    %dot_general3A_20 = arith.constant dense<0.000000e+00> : vector<10000x1xf32>
    %dot_general3A_21 = tpu.matmul %dot_general3A_5, %transpose3A_19, %dot_general3A_20 {dimension_numbers = #tpu.dot_dimension_numbers<[1], [0], [0], [1], [0, 0, 1, 1], [], []>, transpose_lhs_hint = false} : vector<10000x32xf32>, vector<32x1xf32>, vector<10000x1xf32> -> vector<10000x1xf32>
    %swap3A_22 = arith.constant 0 : index
    %swap3A_23 = arith.constant 0 : index
    %swap3A_24 = vector.load %arg6[%swap3A_22, %swap3A_23] : memref<10000x1xf32, #tpu.memory_space<vmem>>, vector<10000x1xf32>
    tpu.vector_store %arg6[%swap3A_22, %swap3A_23], %dot_general3A_21 {strides = array<i32>} : memref<10000x1xf32, #tpu.memory_space<vmem>>, vector<10000x1xf32>,
    %dot_general3A_25 = arith.constant dense<0.000000e+00> : vector<10000x1xf32>
    %dot_general3A_26 = tpu.matmul %dot_general3A_10, %transpose3A_19, %dot_general3A_25 {dimension_numbers = #tpu.dot_dimension_numbers<[1], [0], [0], [1], [0, 0, 1, 1], [], []>, transpose_lhs_hint = false} : vector<10000x32xf32>, vector<32x1xf32>, vector<10000x1xf32> -> vector<10000x1xf32>
    %swap3A_27 = arith.constant 0 : index
    %swap3A_28 = arith.constant 0 : index
    %swap3A_29 = vector.load %arg7[%swap3A_27, %swap3A_28] : memref<10000x1xf32, #tpu.memory_space<vmem>>, vector<10000x1xf32>
    tpu.vector_store %arg7[%swap3A_27, %swap3A_28], %dot_general3A_26 {strides = array<i32>} : memref<10000x1xf32, #tpu.memory_space<vmem>>, vector<10000x1xf32>,
    return
  }
}

module attributes {stable_mosaic.version = 14 : i64} {
  func.func @_combine_body(%arg0: memref<2x10000x32xf32, #tpu.memory_space<vmem>>, %arg1: memref<32x10240xf32, #tpu.memory_space<vmem>>, %arg2: memref<10000x32xf32, #tpu.memory_space<vmem>>, %arg3: memref<10000x32xf32, #tpu.memory_space<vmem>>) attributes {dimension_semantics = [], scalar_prefetch = 0 : i64, scratch_operands = 0 : i64, tpu.core_type = #tpu.core_type<tc>} {
    %get3A = arith.constant 0 : index
    %get3A_0 = arith.constant 0 : index
    %get3A_1 = arith.constant 0 : index
    %get3A_2 = vector.load %arg0[%get3A, %get3A_0, %get3A_1] : memref<2x10000x32xf32, #tpu.memory_space<vmem>>, vector<1x10000x32xf32>
    %get3A_3 = vector.shape_cast %get3A_2 : vector<1x10000x32xf32> to vector<10000x32xf32>
    %get3A_4 = arith.constant 1 : index
    %get3A_5 = arith.constant 0 : index
    %get3A_6 = arith.constant 0 : index
    %get3A_7 = vector.load %arg0[%get3A_4, %get3A_5, %get3A_6] : memref<2x10000x32xf32, #tpu.memory_space<vmem>>, vector<1x10000x32xf32>
    %get3A_8 = vector.shape_cast %get3A_7 : vector<1x10000x32xf32> to vector<10000x32xf32>
    %add3A = arith.addf %get3A_3, %get3A_8 : vector<10000x32xf32>
    %get3A_9 = arith.constant 0 : index
    %get3A_10 = arith.constant 0 : index
    %get3A_11 = vector.load %arg1[%get3A_9, %get3A_10] : memref<32x10240xf32, #tpu.memory_space<vmem>>, vector<32x10240xf32>
    %slice3A = vector.extract_strided_slice %get3A_11 {offsets = [0, 0], sizes = [32, 10000], strides = [1, 1]} : vector<32x10240xf32> to vector<32x10000xf32>
    %reduce_sum3A = arith.constant dense<0.000000e+00> : vector<10000xf32>
    %reduce_sum3A_12 = vector.multi_reduction <add>, %slice3A, %reduce_sum3A [0] : vector<32x10000xf32> to vector<10000xf32>
    %broadcast_in_dim3A = vector.shape_cast %reduce_sum3A_12 : vector<10000xf32> to vector<10000x1xf32>
    %get3A_13 = arith.constant 0 : index
    %get3A_14 = arith.constant 0 : index
    %get3A_15 = vector.load %arg2[%get3A_13, %get3A_14] : memref<10000x32xf32, #tpu.memory_space<vmem>>, vector<10000x32xf32>
    %div3A = vector.broadcast %broadcast_in_dim3A : vector<10000x1xf32> to vector<10000x32xf32>
    %div3A_16 = arith.divf %add3A, %div3A : vector<10000x32xf32>
    %sub3A = arith.subf %get3A_15, %div3A_16 : vector<10000x32xf32>
    %gt3A = arith.constant 0.000000e+00 : f32
    %gt3A_17 = vector.broadcast %gt3A : f32 to vector<10000x1xf32>
    %gt3A_18 = arith.cmpf ogt, %broadcast_in_dim3A, %gt3A_17 : vector<10000x1xf32>
    %jit3A = arith.constant 0.000000e+00 : f32
    %broadcast_in_dim3A_19 = vector.shape_cast %gt3A_18 : vector<10000x1xi1> to vector<10000x1xi1>
    %broadcast_in_dim3A_20 = vector.broadcast %broadcast_in_dim3A_19 : vector<10000x1xi1> to vector<10000x32xi1>
    %broadcast_in_dim3A_21 = vector.broadcast %jit3A : f32 to vector<10000x32xf32>
    %select_n3A = arith.select %broadcast_in_dim3A_20, %sub3A, %broadcast_in_dim3A_21 : vector<10000x32xi1>, vector<10000x32xf32>
    %gt3A_22 = arith.constant 0.000000e+00 : f32
    %gt3A_23 = vector.broadcast %gt3A_22 : f32 to vector<10000x32xf32>
    %gt3A_24 = arith.cmpf ogt, %select_n3A, %gt3A_23 : vector<10000x32xf32>
    %min3A = arith.constant 0.000000e+00 : f32
    %min3A_25 = vector.broadcast %min3A : f32 to vector<10000x32xf32>
    %min3A_26 = arith.minimumf %select_n3A, %min3A_25 : vector<10000x32xf32>
    %exp3A = math.exp %min3A_26 : vector<10000x32xf32>
    %sub3A_27 = arith.constant 1.000000e+00 : f32
    %sub3A_28 = vector.broadcast %sub3A_27 : f32 to vector<10000x32xf32>
    %sub3A_29 = arith.subf %exp3A, %sub3A_28 : vector<10000x32xf32>
    %select_n3A_30 = arith.select %gt3A_24, %select_n3A, %sub3A_29 : vector<10000x32xi1>, vector<10000x32xf32>
    %swap3A = arith.constant 0 : index
    %swap3A_31 = arith.constant 0 : index
    %swap3A_32 = vector.load %arg3[%swap3A, %swap3A_31] : memref<10000x32xf32, #tpu.memory_space<vmem>>, vector<10000x32xf32>
    tpu.vector_store %arg3[%swap3A, %swap3A_31], %select_n3A_30 {strides = array<i32>} : memref<10000x32xf32, #tpu.memory_space<vmem>>, vector<10000x32xf32>,
    return
  }
}

</mosaic_0001>

<sc_bundles>
// kernel: kernel.5.cloned.1.call-start
scs
__scs_entry_jumppad:
0x0: {  	(pc) =	sbr.rel $0x88, $3  }
0x1: {  	(tag) =	ssettag $0x0;
	lr =	simm.s32 $0x1  }
0x2: {  	[smem:$0x3F9C] =	sst lr;
	_ =	strace $0xD0000000  }
0x3: {  	_ = 	snop  }
0x4: {  	_ = 	snop  }
0x5: {  	_ = 	snop  }
0x6: {  	_ = 	snop  }
0x7: {  	_ = 	snop  }
__scs_overlays_trampoline_lowered:
0x8: {  	[smem:$0x3FAB] =	sst s0  }
0x9: {  	[smem:$0x3FAC] =	sst s1  }
0xa: {  	[smem:$0x3FAD] =	sst s2  }
0xb: {  	[smem:$0x3FAE] =	sst s3  }
0xc: {  	[smem:$0x3FAF] =	sst s4  }
0xd: {  	[smem:$0x3FB0] =	sst s5  }
0xe: {  	[smem:$0x3FB1] =	sst s6  }
0xf: {  	[smem:$0x3FB2] =	sst s7  }
0x10: {  	[smem:$0x3FB3] =	sst s8  }
0x11: {  	[smem:$0x3FB4] =	sst s9;
	s0 =	simm.s32 @!p0 $0x0  }
0x12: {  	s1 =	sld [smem:$0x3F9A];
	s0 =	simm.s32 @p0 $0x1  }
0x13: {  	[smem:$0x3FB5] =	sst s0;
	s0 =	simm.s32 @!p1 $0x0  }
0x14: {  	s2 =	sld [smem:$0x3F99];
	s0 =	simm.s32 @p1 $0x1  }
0x15: {  	[smem:$0x3FB6] =	sst s0;
	s0 =	simm.s32 @!p2 $0x0  }
0x16: {  	s3 =	sld [smem:$0x3FDB];
	s0 =	simm.s32 @p2 $0x1  }
0x17: {  	s4 =	simm.s32 $0x1BF5;
	[smem:$0x3FB8] =	sst s0  }
0x18: {  	s0 =	sld [smem:$0x3F9B];
	_ =	swait.ge [sflag:s4], $0x0  }
0x19: {  	s7 =	sld [smem:$0x3F9C]  }
0x1a: {  	s8 =	sadd.s32 $0xFFFFE003, lr  }
0x1b: {  	s9 =	sadd.s32 $0xFFFFFEF7, lr;
	s5 =	simm.s32 $0xFFFFFFFF;
	p2 =	slt.u32 s8, $0xFFFFF086  }
0x1c: {  	p1 =	slt.u32 s9, $0xF7A;
	s5 =	simm.s32 @!p2 $0x0  }
0x1d: {  	s5 =	simm.s32 @p1 $0x1;
	p0 =	seq.s32 s7, s2  }
0x1e: {  	s7 =	smul.u32 @!p0 $0xF7A, s2;
	p2 =	seq.s32 @!p0 s5, $0x0  }
0x1f: {  	s9 =	smul.u32 $0xF7A, s1;
	s8 =	simm.s32 @!p0 $0x1BF5;
	p2 =	por !p2, p0  }
0x20: {  	[sflag:s8] =	ssyncset.s32 @!p0 $0xFFFFF086;
	s6 =	sadd.s32 @!p0 s3, s7;
	s7 =	simm.s32 @!p0 $0x108  }
0x21: {  	s3 =	sadd.s32 s3, s9;
	s6 =	sadd.s32 @!p0 $0x88, s6;
	s7 =	simm.s32 @p2 $0x1082  }
0x22: {  	[simem:s7], [sflag:s8] =	dma.local @!p0 [hbm:s6], $0xF7A  }
0x23: {  	s9 =	sor.u32 $0xD0000000, s2;
	s6 =	simm.s32 $0x108;
	_ =	swait.ge @!p0 [sflag:s8], $0x0  }
0x24: {  	s3 =	sadd.s32 $0x88, s3;
	s6 =	simm.s32 @!p1 $0x1082;
	[sflag:s4] =	ssyncset.s32 $0xFFFFF086  }
0x25: {  	[simem:s6], [sflag:s4] =	dma.local [hbm:s3], $0xF7A  }
0x26: {  	[smem:$0x3F9C] =	sst s1;
	(tag) =	ssettag s2;
	_ =	strace s9  }
0x27: {  	s1 =	sld [smem:$0x3FAC]  }
0x28: {  	s2 =	sld [smem:$0x3FAD]  }
0x29: {  	s4 =	sld [smem:$0x3FAF]  }
0x2a: {  	p0 =	seq.s32 s5, $0x0;
	s5 =	sld [smem:$0x3FB0]  }
0x2b: {  	s6 =	sld [smem:$0x3FB1]  }
0x2c: {  	s7 =	sld [smem:$0x3FB2]  }
0x2d: {  	s3 =	simm.s32 $0x108;
	s8 =	sld [smem:$0x3FB3]  }
0x2e: {  	s3 =	simm.s32 @!p0 $0x1082;
	s9 =	sld [smem:$0x3FB4]  }
0x2f: {  	lr =	sadd.s32 s0, s3;
	s0 =	sld [smem:$0x3FAB]  }
0x30: {  	s3 =	sld [smem:$0x3FAE]  }
0x31: {  	[smem:$0x3FB7] =	sst s10  }
0x32: {  	s10 =	sld [smem:$0x3FB5];
	_ =	sdelay $0x3  }
0x33: {  	p0 =	seq.s32 s10, $0x1;
	s10 =	sld [smem:$0x3FB7];
	_ =	sdelay $0x3  }
0x34: {  	[smem:$0x3FB7] =	sst s10  }
0x35: {  	s10 =	sld [smem:$0x3FB6];
	_ =	sdelay $0x3  }
0x36: {  	p1 =	seq.s32 s10, $0x1;
	s10 =	sld [smem:$0x3FB7];
	_ =	sdelay $0x3  }
0x37: {  	[smem:$0x3FB7] =	sst s10  }
0x38: {  	s10 =	sld [smem:$0x3FB8]  }
0x39: {  	_ = 	snop;
	(pc) =	sbr.ind lr, $3  }
0x3a: {  	_ = 	snop  }
0x3b: {  	_ = 	snop  }
0x3c: {  	p2 =	seq.s32 s10, $0x1;
	s10 =	sld [smem:$0x3FB7]  }
0x3d: {  	_ =	shalt  }
0x3e: {  	_ =	shalt  }
0x3f: {  	_ =	shalt  }
0x40: {  	_ =	shalt  }
0x41: {  	_ =	shalt  }
0x42: {  	_ =	shalt  }
0x43: {  	_ =	shalt  }
0x44: {  	_ =	shalt  }
0x45: {  	_ =	shalt  }
0x46: {  	_ =	shalt  }
0x47: {  	_ =	shalt  }
0x48: {  	_ =	shalt  }
0x49: {  	_ =	shalt  }
0x4a: {  	_ =	shalt  }
0x4b: {  	_ =	shalt  }
0x4c: {  	_ =	shalt  }
0x4d: {  	_ =	shalt  }
0x4e: {  	_ =	shalt  }
0x4f: {  	_ =	shalt  }
0x50: {  	_ =	shalt  }
0x51: {  	_ =	shalt  }
0x52: {  	_ =	shalt  }
0x53: {  	_ =	shalt  }
0x54: {  	_ =	shalt  }
0x55: {  	_ =	shalt  }
0x56: {  	_ =	shalt  }
0x57: {  	_ =	shalt  }
0x58: {  	_ =	shalt  }
0x59: {  	_ =	shalt  }
0x5a: {  	_ =	shalt  }
0x5b: {  	_ =	shalt  }
0x5c: {  	_ =	shalt  }
0x5d: {  	_ =	shalt  }
0x5e: {  	_ =	shalt  }
0x5f: {  	_ =	shalt  }
0x60: {  	_ =	shalt  }
0x61: {  	_ =	shalt  }
0x62: {  	_ =	shalt  }
0x63: {  	_ =	shalt  }
0x64: {  	_ =	shalt  }
0x65: {  	_ =	shalt  }
0x66: {  	_ =	shalt  }
0x67: {  	_ =	shalt  }
0x68: {  	_ =	shalt  }
0x69: {  	_ =	shalt  }
0x6a: {  	_ =	shalt  }
0x6b: {  	_ =	shalt  }
0x6c: {  	_ =	shalt  }
0x6d: {  	_ =	shalt  }
0x6e: {  	_ =	shalt  }
0x6f: {  	_ =	shalt  }
0x70: {  	_ =	shalt  }
0x71: {  	_ =	shalt  }
0x72: {  	_ =	shalt  }
0x73: {  	_ =	shalt  }
0x74: {  	_ =	shalt  }
0x75: {  	_ =	shalt  }
0x76: {  	_ =	shalt  }
0x77: {  	_ =	shalt  }
0x78: {  	_ =	shalt  }
0x79: {  	_ =	shalt  }
0x7a: {  	_ =	shalt  }
0x7b: {  	_ =	shalt  }
0x7c: {  	_ =	shalt  }
0x7d: {  	_ =	shalt  }
0x7e: {  	_ =	shalt  }
0x7f: {  	_ =	shalt  }
0x80: {  	_ =	shalt  }
0x81: {  	_ =	shalt  }
0x82: {  	_ =	shalt  }
0x83: {  	_ =	shalt  }
0x84: {  	_ =	shalt  }
0x85: {  	_ =	shalt  }
0x86: {  	_ =	shalt  }
0x87: {  	_ =	shalt  }
.Lfunc_end0:
.L_simem_size_0:
called_computation_lowered:
.L_overlay_start_0:
0x88: {  	s2 =	sld [smem:$0x3FD9]  }
0x89: {  	s3 =	sld [smem:$0x3FFE];
	_ =	sdelay $0x1  }
0x8a: {  	s1 =	srdreg.scid  }
0x8b: {  	s0 =	sand.u32 $0x1, s1  }
0x8c: {  	s17 =	sshll.u32 s0, $0xA;
	s2 =	sadd.s32 s3, s2  }
0x8d: {  	s2 =	sadd.s32 s2, s17  }
0x8e: {  	[smem:$0x3FC3] =	sst s2  }
0x8f: {  	_ = 	snop  }
0x90: {  	s2 =	sld [smem:$0x3FD0];
	(tm) =	ssettm $0x1  }
0x91: {  	s18 =	sld [smem:$0x3FFB];
	_ =	sdelay $0x3  }
0x92: {  	_ =	strace s18  }
0x93: {  	s3 =	sld [smem:$0x3FFC];
	_ =	sdelay $0x3  }
0x94: {  	_ =	strace s3  }
0x95: {  	s3 =	sld [smem:$0x3FFD];
	_ =	sdelay $0x3  }
0x96: {  	_ =	strace s3  }
0x97: {  	_ =	strace $0x8FFFFFFF  }
0x98: {  	s19 =	sld [smem:$0x3FDB];
	_ =	sdelay $0x1  }
0x99: {  	s4 =	simm.s32 $_scs_section_size  }
0x9a: {  	s5 =	simm.s32 $_size__tile_overlayer_lowered;
	s6 =	simm.s32 $_tile_overlayer_lowered  }
0x9b: {  	s22 =	simm.s32 $0x1BFF;
	s21 =	sshll.u32 s6, $0x1;
	s3 =	sadd.s32 s4, s19  }
0x9c: {  	s7 =	simm.s32 $0x0;
	s20 =	sshll.u32 s5, $0x1;
	s5 =	sadd.s32 s21, s3  }
0x9d: {  	[timem:s7], [sflag:s22] =	dma.local [hbm:s5], s20  }
0x9e: {  	_ =	swait.ge [sflag:s22], s20  }
0x9f: {  	s4 =	ssub.s32 $0x0, s20;
	[sflag:s22] =	ssyncset.done $0x0  }
0xa0: {  	[sflag:s22] =	ssyncadd.s32 s4;
	_ =	sdelay $0x1  }
0xa1: {  	s23 =	simm.s32 $0x1B8B  }
0xa2: {  	_ =	swait.ge [sflag:s23], $0x1  }
0xa3: {  	[sflag:s23] =	ssyncset.done $0x0  }
0xa4: {  	s25 =	simm.s32 $0x1B8E;
	s24 =	sld [smem:$0x3FFE];
	[sflag:s23] =	ssyncadd.s32 $0xFFFFFFFF  }
0xa5: {  	s26 =	simm.s32 $execute0_lowered;
	[smem:$0x3FD2] =	sst s25  }
0xa6: {  	s5 =	sshll.u32 s26, $0x1;
	_ =	strace $0x80000046;
	[dreg:$0x1] =	wrdreg $0xFFFFFFFF  }
0xa7: {  	s28 =	simm.s32 $_size_execute0_lowered;
	s3 =	sadd.s32 s3, s5;
	[dreg:$0x0] =	wrdreg $0x0  }
0xa8: {  	s5 =	sshll.u32 s28, $0x1;
	[dreg:$0x2] =	wrdreg s3  }
0xa9: {  	[dreg:$0x3] =	wrdreg s5  }
0xaa: {  	[dreg:$0x4] =	wrdreg $0xC0  }
0xab: {  	_ =	task [dreg:s7], $0x5FFFF  }
0xac: {  	[dreg:$0x1] =	wrdreg $0xFFFFFFFF  }
0xad: {  	[dreg:$0x0] =	wrdreg $0x60  }
0xae: {  	[dreg:$0x2] =	wrdreg s24  }
0xaf: {  	[dreg:$0x3] =	wrdreg s2  }
0xb0: {  	[dreg:$0x4] =	wrdreg $0x128E00  }
0xb1: {  	[dreg:$0x5] =	wrdreg $0x9  }
0xb2: {  	_ =	task.clear_ibuf [dreg:s7], $0x6FFFF;
	_ =	strace $0x90000046  }
0xb3: {  	s29 =	simm.s32 $0x9;
	_ =	strace $0x80000048  }
0xb4: {  	_ =	swait.ge [sflag:s29], $0x1  }
0xb5: {  	[sflag:s29] =	ssyncadd.s32 $0xFFFFFFFF  }
0xb6: {  	_ =	strace $0x90000048  }
0xb7: {  	_ =	sfence  }
0xb8: {  	s30 =	sld [smem:$0x0];
	_ =	sdelay $0x2  }
0xb9: {  	s31 =	sshll.u32 s1, $0xD;
	s1 =	sshrl.u32 s1, $0x2  }
0xba: {  	s3 =	sand.u32 $0x4000, s31;
	s1 =	sadd.s32 s1, s30  }
0xbb: {  	s0 =	sor.u32 s3, s0;
	s1 =	sshll.u32 s1, $0x11  }
0xbc: {  	s0 =	sor.u32 s1, s0  }
0xbd: {  	s0 =	sadd.s32 $0x8F2B, s0  }
0xbe: {  	[sflag:s0] =	ssyncadd.remote.s32 $0x1  }
0xbf: {  	_ =	sfence.sel $0xFFFF  }
0xc0: {  	[dreg:$0x0] =	wrdreg $0xFFFFFFFF;
	(pc) =	sbr.abs _section_cstart, $3  }
0xc1: {  	[dreg:$0x1] =	wrdreg $0xFFFFFFFF  }
0xc2: {  	_ =	task.clear_ibuf [dreg:s7], $0x2FFFF;
	_ =	strace $0x9FFFFFFF  }
0xc3: {  	(tm) =	ssettm $0x7FFFFFFF  }
tec
execute0_lowered:
.L_overlay_start_1:
0x0: {  	(tag) =	ssettag $0x1  }
0x1: {  	s0 =	rddreg [dreg:$0x0]  }
0x2: {  	s1 =	rddreg [dreg:$0x1];
	s2 =	srdreg.scid  }
0x3: {  	s11 =	stileid.u32;
	s3 =	rddreg [dreg:$0x2];
	s13 =	simm.s32 $0x0  }
0x4: {  	s31 =	simm.s32 $0x2710;
	s28 =	simm.s32 $0x0;
	s2 =	sand.u32 $0x1, s2  }
0x5: {  	s4 =	sshll.u32 s11, $0x1;
	[smem:$0x7FF] =	sst s13;
	s7 =	sadd.s32 $0xA400, s0  }
0x6: {  	s26 =	smul.u32 $0x13800, s11;
	s8 =	sadd.s32 $0x9E00, s0;
	s29 =	sadd.s32 $0x14800, s0  }
0x7: {  	s16 =	smul.u32 $0x4E00, s11;
	_ =	strace $0x80000047;
	[dreg:$0x4] =	wrdreg s7  }
0x8: {  	s20 =	sadd.s32 $0xA00, s3;
	s21 =	sadd.s32 $0x1400, s3;
	[dreg:$0x5] =	wrdreg s8  }
0x9: {  	s22 =	sadd.s32 $0x1E00, s3;
	s23 =	sadd.s32 $0x2800, s3;
	[dreg:$0x10] =	wrdreg s20  }
0xa: {  	p0 =	sne.s32 s11, $0x0;
	s11 =	simm.s32 $0x2;
	[dreg:$0x11] =	wrdreg s21  }
0xb: {  	s4 =	sor.u32 s2, s4;
	s19 =	smul.u32 $0x4E200, s2;
	[dreg:$0x12] =	wrdreg s22  }
0xc: {  	s9 =	ssub.s32 $0x2, s2;
	s2 =	smul.u32 $0x9C40, s2;
	[dreg:$0x15] =	wrdreg s23  }
0xd: {  	s8 =	simm.s32 $0x4E20;
	s20 =	simm.s32 $0x12840;
	s21 =	simm.s32 $0x5  }
0xe: {  	s22 =	simm.s32 $0xEB50;
	s23 =	simm.s32 $0x11D50;
	s5 =	smul.u32 $0x4E2, s4  }
0xf: {  	s4 =	smul.u32 $0x500, s4;
	s7 =	sshrl.u32 s26, $0x2;
	s26 =	sadd.s32 $0x3200, s3  }
0x10: {  	s10 =	sshrl.u32 s9, $0x1;
	s2 =	sadd.s32 s29, s2;
	[dreg:$0x19] =	wrdreg s26  }
0x11: {  	s30 =	sadd.s32 s7, s3;
	s1 =	sadd.s32 s1, s5;
	[dreg:$0x14] =	wrdreg s2  }
0x12: {  	s9 =	ssub.s32 s9, s10;
	s10 =	sadd.s32 $0x200, s30;
	[dreg:$0x7] =	wrdreg s1  }
0x13: {  	s26 =	simm.s32 $0x0;
	s12 =	sadd.s32 $0xC00, s30;
	[dreg:$0x8] =	wrdreg s10  }
0x14: {  	s6 =	sadd.s32 s5, s0;
	s14 =	sadd.s32 $0x1600, s30;
	[dreg:$0x9] =	wrdreg s12  }
0x15: {  	s4 =	sadd.s32 s4, s0;
	s15 =	sadd.s32 $0x2000, s30;
	[dreg:$0xa] =	wrdreg s14  }
0x16: {  	s17 =	sadd.s32 $0x2A00, s30;
	s18 =	sadd.s32 $0x3400, s30;
	[dreg:$0xb] =	wrdreg s15  }
0x17: {  	s7 =	sadd.s32 $0x3E00, s30;
	s25 =	smax.u32 s9, $0x1;
	[dreg:$0xc] =	wrdreg s17  }
0x18: {  	s2 =	simm.s32 $0x50;
	s9 =	simm.s32 $0xF550;
	[dreg:$0xd] =	wrdreg s18  }
0x19: {  	s6 =	sadd.s32 $0xAA00, s6;
	[dreg:$0xe] =	wrdreg s7;
	s1 =	sadd.s32 $0x200, s16  }
0x1a: {  	s24 =	sadd.s32 $0x28200, s4;
	[dreg:$0x17] =	wrdreg s25;
	s25 =	simm.s32 $0xB  }
0x1b: {  	s16 =	simm.s32 $0x7530;
	s7 =	simm.s32 $0x1;
	s12 =	simm.s32 $0xFF50  }
0x1c: {  	s14 =	simm.s32 $0x3;
	s15 =	simm.s32 $0x10950;
	s17 =	simm.s32 $0x4  }
0x1d: {  	s18 =	simm.s32 $0xE150;
	[dreg:$0x6] =	wrdreg s6;
	s6 =	sadd.s32 $0x4800, s30  }
0x1e: {  	s5 =	sadd.s32 s19, s1;
	[dreg:$0x16] =	wrdreg s24;
	s1 =	sadd.s32 s1, s3  }
0x1f: {  	v0 =	vlaneseq.u32;
	s30 =	sadd.s32 $0x4600, s3;
	s19 =	simm.s32 $0x11350;
	[dreg:$0xf] =	wrdreg s6  }
0x20: {  	v0 =	vmul.u32 $0x20, v0;
	s5 =	sshrl.u32 s5, $0x3;
	s1 =	sshrl.u32 @p0 s1, $0x3;
	[dreg:$0x1b] =	wrdreg s30  }
0x21: {  	s24 =	simm.s32 $0x12890;
	s5 =	sadd.s32 s29, s5;
	[dreg:$0x18] =	wrdreg s1  }
0x22: {  	v1 =	vimm.f32 $0.0e+00;
	v2 =	vor.u32 $0x200, v0;
	s6 =	simm.s32 $0xD750;
	s29 =	sadd.s32 $0x3C00, s3;
	[dreg:$0x13] =	wrdreg s5  }
0x23: {  	v3 =	vor.u32 $0x400, v0;
	v4 =	vor.u32 $0x600, v0;
	v5 =	vor.u32 $0x800, v0;
	s1 =	simm.s32 $0xC350;
	[dreg:$0x1a] =	wrdreg s29;
	s5 =	simm.s32 $0xCD50  }
.LBB2_1:
0x24: {  	s4 =	rddreg [dreg:$0x4]  }
0x25: {  	[tilespmem:s13], [sflag:$0xB] =	stream.linear.gather [hbm4b:s4+s13], $0x2710, $0x38;
	[tilespmem:$0x17700] =	vst v63  }
0x26: {  	_ =	swait.ge [sflag:s25], $0x2710  }
0x27: {  	[sflag:s25] =	ssyncset.done $0x0  }
0x28: {  	s10 =	rddreg [dreg:$0x5];
	[sflag:s25] =	ssyncadd.s32 $0xFFFFD8F0  }
0x29: {  	[tilespmem:s31], [sflag:$0xB] =	stream.linear.gather [hbm4b:s10+s13], $0x2710, $0x38;
	[tilespmem:$0x17700] =	vst v63  }
0x2a: {  	_ =	swait.ge [sflag:s25], $0x2710  }
0x2b: {  	[sflag:s25] =	ssyncset.done $0x0  }
0x2c: {  	s29 =	rddreg [dreg:$0x6];
	[sflag:s25] =	ssyncadd.s32 $0xFFFFD8F0  }
0x2d: {  	[tilespmem:s16], [sflag:$0xB] =	stream.linear.gather [hbm4b:s29+s13], $0x2710, $0x38;
	[tilespmem:$0x17700] =	vst v63  }
0x2e: {  	_ =	swait.ge [sflag:s25], $0x2710  }
0x2f: {  	[sflag:s25] =	ssyncset.done $0x0  }
0x30: {  	s10 =	simm.s32 $0x9C40;
	s30 =	rddreg [dreg:$0x7];
	[sflag:s25] =	ssyncadd.s32 $0xFFFFD8F0  }
0x31: {  	[tilespmem:s10], [sflag:$0xB] =	stream.linear.gather [hbm4b:s30+s13], $0x2710, $0x38;
	[tilespmem:$0x17700] =	vst v63  }
0x32: {  	_ =	swait.ge [sflag:s25], $0x2710  }
0x33: {  	[sflag:s25] =	ssyncset.done $0x0  }
0x34: {  	s4 =	simm.s32 $0x0;
	[sflag:s25] =	ssyncadd.s32 $0xFFFFD8F0  }
.LBB2_2:
0x35: {  	p1 =	sne.s32 s4, $0x9C00  }
.Ltmp0:
0x36: {  	_ = 	snop;
	(pc) =	sbr.rel @p1 .LBB2_2-.Ltmp0, $3  }
0x37: {  	_ =	sdelay $0x1  }
0x38: {  	s10 =	sshra.s32 s4, $0x2  }
0x39: {  	s4 =	sadd.s32 $0x40, s4;
	[tilespmem:s10+$0x4E20] =	vst v1  }
0x3a: {  	[dreg:$0x1c] =	wrdreg s26;
	s4 =	simm.s32 $0x80;
	s10 =	simm.s32 $0x0  }
.LBB2_4:
0x3b: {  	p1 =	sne.s32 s4, $0x2780;
	[tilespmem:s10+$0xC350] =	vst v1;
	s25 =	smov.u32 s4;
	s4 =	sadd.s32 $0x80, s4  }
.Ltmp1:
0x3c: {  	[tilespmem:s10+$0xC360] =	vst v1;
	(pc) =	sbr.rel @p1 .LBB2_4-.Ltmp1, $2  }
0x3d: {  	_ =	sdelay $0x2  }
0x3e: {  	s10 =	sshra.s32 s25, $0x2  }
0x3f: {  	[tilespmem:s10+$0xC350] =	vst v1  }
0x40: {  	[tilespmem:s10+$0xC360] =	vst v1;
	s4 =	simm.s32 @p0 $0xC350;
	s10 =	rddreg [dreg:$0x8]  }
0x41: {  	[spmem:s10] =	stream.linear.scatter @p0 [tilespmem:s4], [sflag:$0xB], $0xA00, $0x38;
	[tilespmem:$0x17700] =	vst v63  }
0x42: {  	s10 =	simm.s32 @p0 $0xB  }
0x43: {  	_ =	swait.ge @p0 [sflag:s10], $0xA00  }
0x44: {  	[sflag:s10] =	ssyncset.done @p0 $0x0  }
0x45: {  	s13 =	rddreg [dreg:$0x9];
	[sflag:s10] =	ssyncadd.s32 @p0 $0xFFFFF600  }
0x46: {  	[spmem:s13] =	stream.linear.scatter @p0 [tilespmem:s4], [sflag:$0xB], $0xA00, $0x38;
	[tilespmem:$0x17700] =	vst v63  }
0x47: {  	_ =	swait.ge @p0 [sflag:s10], $0xA00  }
0x48: {  	[sflag:s10] =	ssyncset.done @p0 $0x0  }
0x49: {  	s13 =	rddreg [dreg:$0xa];
	[sflag:s10] =	ssyncadd.s32 @p0 $0xFFFFF600  }
0x4a: {  	[spmem:s13] =	stream.linear.scatter @p0 [tilespmem:s4], [sflag:$0xB], $0xA00, $0x38;
	[tilespmem:$0x17700] =	vst v63  }
0x4b: {  	_ =	swait.ge @p0 [sflag:s10], $0xA00  }
0x4c: {  	[sflag:s10] =	ssyncset.done @p0 $0x0  }
0x4d: {  	s13 =	rddreg [dreg:$0xb];
	[sflag:s10] =	ssyncadd.s32 @p0 $0xFFFFF600  }
0x4e: {  	[spmem:s13] =	stream.linear.scatter @p0 [tilespmem:s4], [sflag:$0xB], $0xA00, $0x38;
	[tilespmem:$0x17700] =	vst v63  }
0x4f: {  	_ =	swait.ge @p0 [sflag:s10], $0xA00  }
0x50: {  	[sflag:s10] =	ssyncset.done @p0 $0x0  }
0x51: {  	s13 =	rddreg [dreg:$0xc];
	[sflag:s10] =	ssyncadd.s32 @p0 $0xFFFFF600  }
0x52: {  	[spmem:s13] =	stream.linear.scatter @p0 [tilespmem:s4], [sflag:$0xB], $0xA00, $0x38;
	[tilespmem:$0x17700] =	vst v63  }
0x53: {  	_ =	swait.ge @p0 [sflag:s10], $0xA00  }
0x54: {  	[sflag:s10] =	ssyncset.done @p0 $0x0  }
0x55: {  	s13 =	rddreg [dreg:$0xd];
	[sflag:s10] =	ssyncadd.s32 @p0 $0xFFFFF600  }
0x56: {  	[spmem:s13] =	stream.linear.scatter @p0 [tilespmem:s4], [sflag:$0xB], $0xA00, $0x38;
	[tilespmem:$0x17700] =	vst v63  }
0x57: {  	_ =	swait.ge @p0 [sflag:s10], $0xA00  }
0x58: {  	[sflag:s10] =	ssyncset.done @p0 $0x0  }
0x59: {  	s13 =	rddreg [dreg:$0xe];
	[sflag:s10] =	ssyncadd.s32 @p0 $0xFFFFF600  }
0x5a: {  	[spmem:s13] =	stream.linear.scatter @p0 [tilespmem:s4], [sflag:$0xB], $0xA00, $0x38;
	[tilespmem:$0x17700] =	vst v63  }
0x5b: {  	_ =	swait.ge @p0 [sflag:s10], $0xA00  }
0x5c: {  	[sflag:s10] =	ssyncset.done @p0 $0x0  }
0x5d: {  	s13 =	rddreg [dreg:$0xf];
	[sflag:s10] =	ssyncadd.s32 @p0 $0xFFFFF600  }
0x5e: {  	[spmem:s13] =	stream.linear.scatter @p0 [tilespmem:s4], [sflag:$0xB], $0x800, $0x38;
	[tilespmem:$0x17700] =	vst v63  }
0x5f: {  	_ =	swait.ge @p0 [sflag:s10], $0x800  }
0x60: {  	[sflag:s10] =	ssyncset.done @p0 $0x0  }
0x61: {  	s4 =	simm.s32 @!p0 $0xC350;
	[sflag:s10] =	ssyncadd.s32 @p0 $0xFFFFF800;
	s10 =	simm.s32 @!p0 $0xB  }
0x62: {  	[spmem:s3] =	stream.linear.scatter @!p0 [tilespmem:s4], [sflag:$0xB], $0xA00, $0x38;
	[tilespmem:$0x17700] =	vst v63  }
0x63: {  	_ =	swait.ge @!p0 [sflag:s10], $0xA00  }
0x64: {  	[sflag:s10] =	ssyncset.done @!p0 $0x0  }
0x65: {  	s13 =	rddreg [dreg:$0x10];
	[sflag:s10] =	ssyncadd.s32 @!p0 $0xFFFFF600  }
0x66: {  	[spmem:s13] =	stream.linear.scatter @!p0 [tilespmem:s4], [sflag:$0xB], $0xA00, $0x38;
	[tilespmem:$0x17700] =	vst v63  }
0x67: {  	_ =	swait.ge @!p0 [sflag:s10], $0xA00  }
0x68: {  	[sflag:s10] =	ssyncset.done @!p0 $0x0  }
0x69: {  	s13 =	rddreg [dreg:$0x11];
	[sflag:s10] =	ssyncadd.s32 @!p0 $0xFFFFF600  }
0x6a: {  	[spmem:s13] =	stream.linear.scatter @!p0 [tilespmem:s4], [sflag:$0xB], $0xA00, $0x38;
	[tilespmem:$0x17700] =	vst v63  }
0x6b: {  	_ =	swait.ge @!p0 [sflag:s10], $0xA00  }
0x6c: {  	[sflag:s10] =	ssyncset.done @!p0 $0x0  }
0x6d: {  	s13 =	rddreg [dreg:$0x12];
	[sflag:s10] =	ssyncadd.s32 @!p0 $0xFFFFF600  }
0x6e: {  	[spmem:s13] =	stream.linear.scatter @!p0 [tilespmem:s4], [sflag:$0xB], $0xA00, $0x38;
	[tilespmem:$0x17700] =	vst v63  }
0x6f: {  	_ =	swait.ge @!p0 [sflag:s10], $0xA00  }
0x70: {  	[sflag:s10] =	ssyncset.done @!p0 $0x0  }
0x71: {  	s13 =	rddreg [dreg:$0x15];
	[sflag:s10] =	ssyncadd.s32 @!p0 $0xFFFFF600  }
0x72: {  	[spmem:s13] =	stream.linear.scatter @!p0 [tilespmem:s4], [sflag:$0xB], $0xA00, $0x38;
	[tilespmem:$0x17700] =	vst v63  }
0x73: {  	_ =	swait.ge @!p0 [sflag:s10], $0xA00  }
0x74: {  	[sflag:s10] =	ssyncset.done @!p0 $0x0  }
0x75: {  	s13 =	rddreg [dreg:$0x19];
	[sflag:s10] =	ssyncadd.s32 @!p0 $0xFFFFF600  }
0x76: {  	[spmem:s13] =	stream.linear.scatter @!p0 [tilespmem:s4], [sflag:$0xB], $0xA00, $0x38;
	[tilespmem:$0x17700] =	vst v63  }
0x77: {  	_ =	swait.ge @!p0 [sflag:s10], $0xA00  }
0x78: {  	[sflag:s10] =	ssyncset.done @!p0 $0x0  }
0x79: {  	s13 =	rddreg [dreg:$0x1a];
	[sflag:s10] =	ssyncadd.s32 @!p0 $0xFFFFF600  }
0x7a: {  	[spmem:s13] =	stream.linear.scatter @!p0 [tilespmem:s4], [sflag:$0xB], $0xA00, $0x38;
	[tilespmem:$0x17700] =	vst v63  }
0x7b: {  	_ =	swait.ge @!p0 [sflag:s10], $0xA00  }
0x7c: {  	[sflag:s10] =	ssyncset.done @!p0 $0x0  }
0x7d: {  	s13 =	rddreg [dreg:$0x1b];
	[sflag:s10] =	ssyncadd.s32 @!p0 $0xFFFFF600  }
0x7e: {  	[spmem:s13] =	stream.linear.scatter @!p0 [tilespmem:s4], [sflag:$0xB], $0xA00, $0x38;
	[tilespmem:$0x17700] =	vst v63  }
0x7f: {  	_ =	swait.ge @!p0 [sflag:s10], $0xA00  }
0x80: {  	[sflag:s10] =	ssyncset.done @!p0 $0x0  }
0x81: {  	[sflag:s10] =	ssyncadd.s32 @!p0 $0xFFFFF600  }
0x82: {  	[bflag:$0x0] =	sbarrier.arrive $0xFFFF  }
0x83: {  	[tilespmem:s1], [sflag:$0x1] =	stream.indirect.gather [hbm4b:s0+s2], $0x20, s16, s2, $0xb8;
	[tilespmem:$0x17700] =	vst v63  }
0x84: {  	s26 =	simm.s32 $0x7580  }
0x85: {  	[tilespmem:s5], [sflag:$0x2] =	stream.indirect.gather [hbm4b:s0+s2], $0x20, s26, s2, $0xb8;
	[tilespmem:$0x17700] =	vst v63  }
0x86: {  	s30 =	simm.s32 $0x75D0;
	s29 =	simm.s32 $0x0  }
0x87: {  	[tilespmem:s6], [sflag:$0x3] =	stream.indirect.gather [hbm4b:s0+s2], $0x20, s30, s2, $0xb8;
	[tilespmem:$0x17700] =	vst v63  }
.LBB2_6:
0x88: {  	s4 =	smul.u32 $0x5, s29;
	_ =	sdelay $0x1  }
0x89: {  	_ =	swait.ge [sflag:s7], $0xA00;
	p1 =	sne.s32 s29, $0x0;
	s10 =	sadd.s32 $0xFFFFFFFE, s4  }
0x8a: {  	[sflag:s7] =	ssyncset.done $0x0;
	s25 =	sadd.s32 $0x3, s4;
	p2 =	sgt.u32 s10, $0x77  }
0x8b: {  	[sflag:s7] =	ssyncadd.s32 $0xFFFFF600;
	s10 =	simm.s32 @!p2 $0x9;
	s26 =	smul.u32 @!p2 $0x140, s25  }
0x8c: {  	s13 =	smul.u32 @!p1 $0x140, s25;
	_ =	swait.ge @!p2 [sflag:s10], $0xA00  }
0x8d: {  	s30 =	simm.s32 @!p2 $0xE150;
	[sflag:s10] =	ssyncset.done @!p2 $0x0;
	s26 =	sshra.s32 @!p2 s26, $0x2  }
0x8e: {  	[sflag:s10] =	ssyncadd.s32 @!p2 $0xFFFFF600;
	s10 =	sadd.s32 @!p2 $0x7530, s26;
	s26 =	simm.s32 @!p2 $0x50  }
0x8f: {  	[tilespmem:s30], [sflag:$0x4] =	stream.indirect.gather @!p2 [hbm4b:s0+s26], $0x20, s10, s26, $0xb8;
	[tilespmem:$0x17700] =	vst v63  }
0x90: {  	s10 =	sshra.s32 @!p1 s13, $0x2;
	s13 =	simm.s32 @!p1 $0x50  }
0x91: {  	s30 =	simm.s32 @!p1 $0xE150;
	s26 =	smul.u32 $0x190, s29;
	s10 =	sadd.s32 @!p1 $0x7530, s10  }
0x92: {  	[tilespmem:s30], [sflag:$0x4] =	stream.indirect.gather @!p1 [hbm4b:s0+s13], $0x20, s10, s13, $0xb8;
	[tilespmem:$0x17700] =	vst v63  }
0x93: {  	v6 =	vld [tilespmem:s26+$0x9C40]  }
0x94: {  	v7 =	vld [tilespmem:s26+$0x7530];
	_ =	sdelay $0x5  }
0x95: {  	[tilespmem:$0x12750] =	vst v6  }
0x96: {  	v8 =	vld.idx.msk [tilespmem:v6+s31+$0x0], $0xffff  }
0x97: {  	v7 =	vld.idx.msk [tilespmem:v7+s28+$0x0], $0xffff;
	_ =	sdelay $0x4  }
0x98: {  	v7 =	vsub.f32 v8, v7;
	_ =	sdelay $0x1  }
0x99: {  	v7 =	vadd.f32 v7, v7;
	_ =	sdelay $0x1  }
0x9a: {  	v7 =	vmul.f32 $1.442695020e+00, v7;
	_ =	sdelay $0x1  }
0x9b: {  	(erf) = vpow2.f32 v7;
	_ =	sdelay $0x8  }
0x9c: {  	v7 =	vpop (erf)  }
0x9d: {  	v7 =	vadd.f32 $1.000000000e+00, v7;
	_ =	sdelay $0x1  }
0x9e: {  	(erf) = vrcp.f32 v7;
	_ =	sdelay $0x8  }
0x9f: {  	v7 =	vpop (erf)  }
0xa0: {  	v7 =	vadd.f32 v7, v7;
	_ =	sdelay $0x1  }
0xa1: {  	v7 =	vsub.f32 $1.000000000e+00, v7;
	_ =	sdelay $0x1  }
0xa2: {  	v7 =	vmul.f32 $1.442695020e+00, v7;
	_ =	sdelay $0x1  }
0xa3: {  	(erf) = vpow2.f32 v7;
	_ =	sdelay $0x8  }
0xa4: {  	v10 =	vpop (erf)  }
0xa5: {  	[tilespmem:v6+s8+$0x0] =	vst.idx.add.f32.msk $0xffff, v10  }
0xa6: {  	v6 =	vld [tilespmem:s26+$0x9C50]  }
0xa7: {  	v7 =	vld [tilespmem:s26+$0x7540];
	_ =	sdelay $0x5  }
0xa8: {  	[tilespmem:$0x12760] =	vst v6  }
0xa9: {  	v8 =	vld.idx.msk [tilespmem:v6+s31+$0x0], $0xffff  }
0xaa: {  	v7 =	vld.idx.msk [tilespmem:v7+s28+$0x0], $0xffff;
	_ =	sdelay $0x4  }
0xab: {  	v7 =	vsub.f32 v8, v7;
	_ =	sdelay $0x1  }
0xac: {  	v7 =	vadd.f32 v7, v7;
	_ =	sdelay $0x1  }
0xad: {  	v7 =	vmul.f32 $1.442695020e+00, v7;
	_ =	sdelay $0x1  }
0xae: {  	(erf) = vpow2.f32 v7;
	_ =	sdelay $0x8  }
0xaf: {  	v7 =	vpop (erf)  }
0xb0: {  	v7 =	vadd.f32 $1.000000000e+00, v7;
	_ =	sdelay $0x1  }
0xb1: {  	(erf) = vrcp.f32 v7;
	_ =	sdelay $0x8  }
0xb2: {  	v7 =	vpop (erf)  }
0xb3: {  	v7 =	vadd.f32 v7, v7;
	_ =	sdelay $0x1  }
0xb4: {  	v7 =	vsub.f32 $1.000000000e+00, v7;
	_ =	sdelay $0x1  }
0xb5: {  	v7 =	vmul.f32 $1.442695020e+00, v7;
	_ =	sdelay $0x1  }
0xb6: {  	(erf) = vpow2.f32 v7;
	_ =	sdelay $0x8  }
0xb7: {  	v9 =	vpop (erf)  }
0xb8: {  	[tilespmem:v6+s8+$0x0] =	vst.idx.add.f32.msk $0xffff, v9  }
0xb9: {  	v6 =	vld [tilespmem:s26+$0x9C60]  }
0xba: {  	v7 =	vld [tilespmem:s26+$0x7550];
	_ =	sdelay $0x5  }
0xbb: {  	[tilespmem:$0x12770] =	vst v6  }
0xbc: {  	v8 =	vld.idx.msk [tilespmem:v6+s31+$0x0], $0xffff  }
0xbd: {  	v7 =	vld.idx.msk [tilespmem:v7+s28+$0x0], $0xffff;
	_ =	sdelay $0x4  }
0xbe: {  	v7 =	vsub.f32 v8, v7;
	_ =	sdelay $0x1  }
0xbf: {  	v7 =	vadd.f32 v7, v7;
	_ =	sdelay $0x1  }
0xc0: {  	v7 =	vmul.f32 $1.442695020e+00, v7;
	_ =	sdelay $0x1  }
0xc1: {  	(erf) = vpow2.f32 v7;
	_ =	sdelay $0x8  }
0xc2: {  	v7 =	vpop (erf)  }
0xc3: {  	v7 =	vadd.f32 $1.000000000e+00, v7;
	_ =	sdelay $0x1  }
0xc4: {  	(erf) = vrcp.f32 v7;
	_ =	sdelay $0x8  }
0xc5: {  	v7 =	vpop (erf)  }
0xc6: {  	v7 =	vadd.f32 v7, v7;
	_ =	sdelay $0x1  }
0xc7: {  	v7 =	vsub.f32 $1.000000000e+00, v7;
	_ =	sdelay $0x1  }
0xc8: {  	v7 =	vmul.f32 $1.442695020e+00, v7;
	_ =	sdelay $0x1  }
0xc9: {  	(erf) = vpow2.f32 v7;
	_ =	sdelay $0x8  }
0xca: {  	v7 =	vpop (erf)  }
0xcb: {  	[tilespmem:v6+s8+$0x0] =	vst.idx.add.f32.msk $0xffff, v7  }
0xcc: {  	v8 =	vld [tilespmem:s26+$0x9C70]  }
0xcd: {  	v6 =	vld [tilespmem:s26+$0x7560];
	_ =	sdelay $0x5  }
0xce: {  	[tilespmem:$0x12780] =	vst v8  }
0xcf: {  	v11 =	vld.idx.msk [tilespmem:v8+s31+$0x0], $0xffff  }
0xd0: {  	v6 =	vld.idx.msk [tilespmem:v6+s28+$0x0], $0xffff;
	_ =	sdelay $0x4  }
0xd1: {  	v6 =	vsub.f32 v11, v6;
	_ =	sdelay $0x1  }
0xd2: {  	v6 =	vadd.f32 v6, v6;
	_ =	sdelay $0x1  }
0xd3: {  	v6 =	vmul.f32 $1.442695020e+00, v6;
	_ =	sdelay $0x1  }
0xd4: {  	(erf) = vpow2.f32 v6;
	_ =	sdelay $0x8  }
0xd5: {  	v6 =	vpop (erf)  }
0xd6: {  	v6 =	vadd.f32 $1.000000000e+00, v6;
	_ =	sdelay $0x1  }
0xd7: {  	(erf) = vrcp.f32 v6;
	_ =	sdelay $0x8  }
0xd8: {  	v6 =	vpop (erf)  }
0xd9: {  	v6 =	vadd.f32 v6, v6;
	_ =	sdelay $0x1  }
0xda: {  	v6 =	vsub.f32 $1.000000000e+00, v6;
	_ =	sdelay $0x1  }
0xdb: {  	v6 =	vmul.f32 $1.442695020e+00, v6;
	_ =	sdelay $0x1  }
0xdc: {  	(erf) = vpow2.f32 v6;
	_ =	sdelay $0x8  }
0xdd: {  	v6 =	vpop (erf)  }
0xde: {  	[tilespmem:v8+s8+$0x0] =	vst.idx.add.f32.msk $0xffff, v6  }
0xdf: {  	v11 =	vld [tilespmem:s26+$0x9C80]  }
0xe0: {  	v8 =	vld [tilespmem:s26+$0x7570];
	_ =	sdelay $0x5  }
0xe1: {  	[tilespmem:$0x12790] =	vst v11  }
0xe2: {  	v12 =	vld.idx.msk [tilespmem:v11+s31+$0x0], $0xffff  }
0xe3: {  	v8 =	vld.idx.msk [tilespmem:v8+s28+$0x0], $0xffff;
	_ =	sdelay $0x4  }
0xe4: {  	v8 =	vsub.f32 v12, v8;
	_ =	sdelay $0x1  }
0xe5: {  	v8 =	vadd.f32 v8, v8;
	_ =	sdelay $0x1  }
0xe6: {  	v8 =	vmul.f32 $1.442695020e+00, v8;
	_ =	sdelay $0x1  }
0xe7: {  	(erf) = vpow2.f32 v8;
	_ =	sdelay $0x8  }
0xe8: {  	v8 =	vpop (erf)  }
0xe9: {  	v8 =	vadd.f32 $1.000000000e+00, v8;
	_ =	sdelay $0x1  }
0xea: {  	(erf) = vrcp.f32 v8;
	_ =	sdelay $0x8  }
0xeb: {  	v8 =	vpop (erf)  }
0xec: {  	v8 =	vadd.f32 v8, v8;
	_ =	sdelay $0x1  }
0xed: {  	v8 =	vsub.f32 $1.000000000e+00, v8;
	_ =	sdelay $0x1  }
0xee: {  	v8 =	vmul.f32 $1.442695020e+00, v8;
	_ =	sdelay $0x1  }
0xef: {  	(erf) = vpow2.f32 v8  }
0xf0: {  	s13 =	simm.s32 $0x2  }
0xf1: {  	s16 =	simm.s32 $0x1;
	v8 =	vmov s13  }
0xf2: {  	v12 =	vmov s16;
	v8 =	vand.u32 $0x1E, v8  }
0xf3: {  	s16 =	simm.s32 $0x3;
	v12 =	vand.u32 $0x1D, v12;
	v15 =	vbroadcast v8, $0x0  }
0xf4: {  	v17 =	vbroadcast v12, $0x0;
	v8 =	vmov s16  }
0xf5: {  	v8 =	vand.u32 $0x1F, v8;
	v12 =	vor.u32 v0, v15  }
0xf6: {  	v13 =	vor.u32 v0, v17  }
0xf7: {  	v24 =	vbroadcast v8, $0x0  }
0xf8: {  	v14 =	vmov s28;
	v8 =	vpop (erf)  }
0xf9: {  	[tilespmem:v11+s8+$0x0] =	vst.idx.add.f32.msk $0xffff, v8;
	v11 =	vand.u32 $0x1C, v14;
	v14 =	vor.u32 v0, v24  }
0xfa: {  	v16 =	vbroadcast v11, $0x0;
	v11 =	vld.idx.msk [tilespmem:v12+s1+$0x0], $0xffff  }
0xfb: {  	v18 =	vld.idx.msk [tilespmem:v13+s1+$0x0], $0xffff  }
0xfc: {  	v19 =	vor.u32 v0, v16  }
0xfd: {  	s13 =	simm.s32 $0x5;
	v20 =	vor.u32 v2, v15  }
0xfe: {  	v21 =	vor.u32 v2, v17;
	v22 =	vmov s13;
	s16 =	simm.s32 $0x6;
	v23 =	vld.idx.msk [tilespmem:v14+s1+$0x0], $0xffff  }
0xff: {  	v22 =	vand.u32 $0x1D, v22;
	v25 =	vmul.f32 v11, v10;
	v11 =	vmov s16  }
0x100: {  	v18 =	vmul.f32 v18, v10;
	v26 =	vand.u32 $0x1E, v11;
	v11 =	vbroadcast v22, $0x0  }
0x101: {  	v27 =	vor.u32 v2, v24;
	[tilespmem:v12+s9+$0x0] =	vst.idx.msk $0xffff, v25;
	v12 =	vbroadcast v26, $0x0;
	v22 =	vld.idx.msk [tilespmem:v19+s1+$0x0], $0xffff  }
0x102: {  	[tilespmem:v13+s9+$0x0] =	vst.idx.msk $0xffff, v18;
	v18 =	vor.u32 v0, v11;
	v13 =	vld.idx.msk [tilespmem:v20+s1+$0x0], $0xffff  }
0x103: {  	v25 =	vld.idx.msk [tilespmem:v21+s1+$0x0], $0xffff;
	v30 =	vor.u32 v0, v12;
	v23 =	vmul.f32 v23, v10  }
0x104: {  	s13 =	simm.s32 $0x4;
	v28 =	vor.u32 v2, v16  }
0x105: {  	v29 =	vor.u32 v3, v17;
	v33 =	vor.u32 v3, v15;
	s16 =	simm.s32 $0x7;
	[tilespmem:v14+s9+$0x0] =	vst.idx.msk $0xffff, v23;
	v14 =	vmov s13  }
0x106: {  	v23 =	vmov s16;
	v31 =	vld.idx.msk [tilespmem:v27+s1+$0x0], $0xffff;
	v22 =	vmul.f32 v22, v10;
	v14 =	vand.u32 $0x1C, v14  }
0x107: {  	v32 =	vld.idx.msk [tilespmem:v18+s1+$0x0], $0xffff;
	v26 =	vmul.f32 v13, v9;
	v13 =	vbroadcast v14, $0x0;
	v14 =	vand.u32 $0x1F, v23  }
0x108: {  	v23 =	vmul.f32 v25, v9;
	v25 =	vld.idx.msk [tilespmem:v30+s1+$0x0], $0xffff;
	[tilespmem:v19+s9+$0x0] =	vst.idx.msk $0xffff, v22;
	v14 =	vbroadcast v14, $0x0  }
0x109: {  	v44 =	vor.u32 v3, v24;
	v19 =	vld.idx.msk [tilespmem:v28+s1+$0x0], $0xffff;
	[tilespmem:v20+s9+$0x0] =	vst.idx.msk $0xffff, v26  }
0x10a: {  	v34 =	vor.u32 v3, v16;
	v20 =	vld.idx.msk [tilespmem:v33+s1+$0x0], $0xffff;
	v36 =	vor.u32 v0, v14  }
0x10b: {  	s13 =	simm.s32 $0x9;
	[tilespmem:v21+s9+$0x0] =	vst.idx.msk $0xffff, v23;
	v26 =	vor.u32 v2, v11;
	v31 =	vmul.f32 v31, v9  }
0x10c: {  	v40 =	vmov s13;
	v22 =	vor.u32 v2, v12;
	v35 =	vor.u32 v0, v13;
	v38 =	vld.idx.msk [tilespmem:v29+s1+$0x0], $0xffff  }
0x10d: {  	v40 =	vand.u32 $0x1D, v40;
	v37 =	vmul.f32 v32, v10;
	v32 =	vor.u32 v4, v15;
	[tilespmem:v27+s9+$0x0] =	vst.idx.msk $0xffff, v31  }
0x10e: {  	v23 =	vor.u32 v4, v16;
	v21 =	vor.u32 v4, v17;
	v27 =	vld.idx.msk [tilespmem:v44+s1+$0x0], $0xffff;
	v19 =	vmul.f32 v19, v9  }
0x10f: {  	s30 =	simm.s32 $0xA;
	v39 =	vmul.f32 v25, v10;
	[tilespmem:v18+s9+$0x0] =	vst.idx.msk $0xffff, v37;
	v20 =	vmul.f32 v20, v7;
	v43 =	vld.idx.msk [tilespmem:v36+s1+$0x0], $0xffff  }
0x110: {  	v41 =	vmov s30;
	s16 =	simm.s32 $0x8;
	v25 =	vor.u32 v2, v14;
	v31 =	vor.u32 v4, v24;
	v37 =	vld.idx.msk [tilespmem:v26+s1+$0x0], $0xffff;
	[tilespmem:v28+s9+$0x0] =	vst.idx.msk $0xffff, v19  }
0x111: {  	v18 =	vmov s16;
	v38 =	vmul.f32 v38, v7;
	v28 =	vand.u32 $0x1E, v41;
	[tilespmem:v33+s9+$0x0] =	vst.idx.msk $0xffff, v20;
	v41 =	vld.idx.msk [tilespmem:v34+s1+$0x0], $0xffff  }
0x112: {  	s16 =	simm.s32 $0xB;
	v18 =	vand.u32 $0x1C, v18;
	v19 =	vbroadcast v40, $0x0;
	v28 =	vbroadcast v28, $0x0;
	v40 =	vld.idx.msk [tilespmem:v32+s1+$0x0], $0xffff  }
0x113: {  	v42 =	vld.idx.msk [tilespmem:v35+s1+$0x0], $0xffff;
	v63 =	vmov s16;
	[tilespmem:v30+s9+$0x0] =	vst.idx.msk $0xffff, v39;
	v20 =	vbroadcast v18, $0x0;
	v45 =	vmul.f32 v27, v7  }
0x114: {  	v39 =	vld.idx.msk [tilespmem:v22+s1+$0x0], $0xffff;
	v18 =	vand.u32 $0x1F, v63;
	v33 =	vor.u32 v0, v19;
	v30 =	vor.u32 v0, v28  }
0x115: {  	s30 =	simm.s32 $0xC;
	v18 =	vbroadcast v18, $0x0;
	v27 =	vor.u32 v0, v20;
	v43 =	vmul.f32 v43, v10;
	[tilespmem:v44+s9+$0x0] =	vst.idx.msk $0xffff, v45  }
.LBB2_7:
0x116: {  	p2 =	slt.u32 s30, $0x1C;
	v37 =	vmul.f32 v37, v9;
	v41 =	vmul.f32 v41, v7;
	[tilespmem:v29+s9+$0x0] =	vst.idx.msk $0xffff, v38;
	v38 =	vld.idx.msk [tilespmem:v31+s1+$0x0], $0xffff;
	s10 =	smov.u32 s30;
	s30 =	sadd.s32 $0x4, s30  }
0x117: {  	v29 =	vmul.f32 v40, v6;
	[tilespmem:v36+s9+$0x0] =	vst.idx.msk $0xffff, v43;
	v36 =	vld.idx.msk [tilespmem:v21+s1+$0x0], $0xffff;
	v43 =	vor.u32 v5, v15  }
0x118: {  	v40 =	vor.u32 v2, v13;
	v15 =	vmov v12;
	v12 =	vmov v28;
	v44 =	vld.idx.msk [tilespmem:v25+s1+$0x0], $0xffff;
	[tilespmem:v34+s9+$0x0] =	vst.idx.msk $0xffff, v41  }
0x119: {  	v28 =	vmul.f32 v42, v10;
	v41 =	vor.u32 v3, v15;
	v34 =	vld.idx.msk [tilespmem:v23+s1+$0x0], $0xffff;
	[tilespmem:v32+s9+$0x0] =	vst.idx.msk $0xffff, v29  }
0x11a: {  	v45 =	vor.u32 v5, v17;
	v29 =	vor.u32 v3, v11;
	v42 =	vld.idx.msk [tilespmem:v30+s1+$0x0], $0xffff;
	[tilespmem:v26+s9+$0x0] =	vst.idx.msk $0xffff, v37  }
0x11b: {  	v46 =	vor.u32 v5, v16;
	v17 =	vmul.f32 v39, v9;
	v39 =	vor.u32 v5, v24;
	v32 =	vld.idx.msk [tilespmem:v33+s1+$0x0], $0xffff  }
0x11c: {  	v26 =	vor.u32 v2, v19;
	v48 =	vmul.f32 v38, v6;
	[tilespmem:v35+s9+$0x0] =	vst.idx.msk $0xffff, v28;
	v24 =	vld.idx.msk [tilespmem:v43+s1+$0x0], $0xffff  }
0x11d: {  	v47 =	vor.u32 v3, v14;
	v35 =	vmul.f32 v36, v6;
	v28 =	vld.idx.msk [tilespmem:v40+s1+$0x0], $0xffff;
	[tilespmem:v22+s9+$0x0] =	vst.idx.msk $0xffff, v17  }
0x11e: {  	v22 =	vor.u32 v2, v12;
	v37 =	vmul.f32 v44, v9;
	v38 =	vld.idx.msk [tilespmem:v41+s1+$0x0], $0xffff;
	[tilespmem:v31+s9+$0x0] =	vst.idx.msk $0xffff, v48  }
0x11f: {  	v16 =	vmovc v13;
	v13 =	vmovc v20;
	v17 =	vmov v11;
	v11 =	vmov v19;
	v31 =	vmul.f32 v34, v6;
	v44 =	vld.idx.msk [tilespmem:v29+s1+$0x0], $0xffff  }
0x120: {  	v19 =	vor.u32 v4, v16;
	[tilespmem:v21+s9+$0x0] =	vst.idx.msk $0xffff, v35;
	v21 =	vor.u32 v4, v17;
	v20 =	vld.idx.msk [tilespmem:v39+s1+$0x0], $0xffff  }
0x121: {  	v36 =	vor.u32 v0, v18;
	v35 =	vmul.f32 v32, v10;
	[tilespmem:v25+s9+$0x0] =	vst.idx.msk $0xffff, v37;
	v48 =	vld.idx.msk [tilespmem:v45+s1+$0x0], $0xffff  }
0x122: {  	v34 =	vor.u32 v3, v16;
	v32 =	vor.u32 v4, v15;
	v49 =	vld.idx.msk [tilespmem:v47+s1+$0x0], $0xffff;
	[tilespmem:v23+s9+$0x0] =	vst.idx.msk $0xffff, v31  }
0x123: {  	[tilespmem:v33+s9+$0x0] =	vst.idx.msk $0xffff, v35;
	v33 =	vmul.f32 v42, v10;
	v35 =	vmul.f32 v28, v9;
	v42 =	vld.idx.msk [tilespmem:v46+s1+$0x0], $0xffff  }
0x124: {  	v25 =	vor.u32 v2, v18;
	v31 =	vor.u32 v4, v14;
	v28 =	vmul.f32 v38, v7;
	v37 =	vld.idx.msk [tilespmem:v26+s1+$0x0], $0xffff  }
0x125: {  	v50 =	vmov s10;
	s13 =	sadd.s32 $0x1, s10;
	s16 =	sadd.s32 $0x2, s10;
	s10 =	sadd.s32 $0x3, s10;
	v23 =	vmovc v19;
	v38 =	vmul.f32 v44, v7;
	v44 =	vmul.f32 v24, v8;
	[tilespmem:v40+s9+$0x0] =	vst.idx.msk $0xffff, v35  }
0x126: {  	v52 =	vmov s16;
	v19 =	vmov s13;
	v24 =	vmovc v14;
	v14 =	vmovc v18;
	v20 =	vmul.f32 v20, v8;
	v51 =	vld.idx.msk [tilespmem:v36+s1+$0x0], $0xffff;
	[tilespmem:v41+s9+$0x0] =	vst.idx.msk $0xffff, v28  }
0x127: {  	v18 =	vand.u32 $0x1D, v19;
	v28 =	vand.u32 $0x1E, v52;
	[tilespmem:v30+s9+$0x0] =	vst.idx.msk $0xffff, v33;
	v41 =	vld.idx.msk [tilespmem:v34+s1+$0x0], $0xffff;
	v30 =	vmul.f32 v48, v8  }
.Ltmp2:
0x128: {  	v19 =	vbroadcast v18, $0x0;
	v18 =	vmov s10;
	v48 =	vmul.f32 v49, v7;
	v35 =	vmovc v27;
	v40 =	vld.idx.msk [tilespmem:v32+s1+$0x0], $0xffff;
	[tilespmem:v39+s9+$0x0] =	vst.idx.msk $0xffff, v20;
	(pc) =	sbr.rel @p2 .LBB2_7-.Ltmp2, $4  }
0x129: {  	v28 =	vbroadcast v28, $0x0;
	v20 =	vand.u32 $0x1C, v50;
	v49 =	vmul.f32 v42, v8;
	[tilespmem:v43+s9+$0x0] =	vst.idx.msk $0xffff, v44  }
0x12a: {  	v18 =	vand.u32 $0x1F, v18;
	v33 =	vor.u32 v0, v19;
	v20 =	vbroadcast v20, $0x0;
	v42 =	vld.idx.msk [tilespmem:v27+s1+$0x0], $0xffff;
	[tilespmem:v45+s9+$0x0] =	vst.idx.msk $0xffff, v30  }
0x12b: {  	v18 =	vbroadcast v18, $0x0;
	v30 =	vor.u32 v0, v28;
	v39 =	vld.idx.msk [tilespmem:v22+s1+$0x0], $0xffff;
	[tilespmem:v46+s9+$0x0] =	vst.idx.msk $0xffff, v49  }
0x12c: {  	v27 =	vor.u32 v0, v20;
	v43 =	vmul.f32 v51, v10;
	[tilespmem:v47+s9+$0x0] =	vst.idx.msk $0xffff, v48  }
0x12d: {  	_ =	sdelay $0x3  }
0x12e: {  	v41 =	vmul.f32 v41, v7;
	[tilespmem:v29+s9+$0x0] =	vst.idx.msk $0xffff, v38;
	v29 =	vld.idx.msk [tilespmem:v31+s1+$0x0], $0xffff;
	v53 =	vor.u32 v0, v18  }
0x12f: {  	v40 =	vmul.f32 v40, v6;
	[tilespmem:v36+s9+$0x0] =	vst.idx.msk $0xffff, v43;
	v54 =	vld.idx.msk [tilespmem:v21+s1+$0x0], $0xffff  }
0x130: {  	v37 =	vmul.f32 v37, v9;
	v55 =	vor.u32 v2, v13;
	v44 =	vld.idx.msk [tilespmem:v25+s1+$0x0], $0xffff;
	[tilespmem:v34+s9+$0x0] =	vst.idx.msk $0xffff, v41  }
0x131: {  	v56 =	vmul.f32 v42, v10;
	[tilespmem:v32+s9+$0x0] =	vst.idx.msk $0xffff, v40;
	v41 =	vld.idx.msk [tilespmem:v23+s1+$0x0], $0xffff  }
0x132: {  	v57 =	vor.u32 v3, v12;
	[tilespmem:v26+s9+$0x0] =	vst.idx.msk $0xffff, v37;
	v26 =	vld.idx.msk [tilespmem:v33+s1+$0x0], $0xffff;
	v58 =	vmul.f32 v39, v9  }
0x133: {  	v24 =	vor.u32 v5, v24;
	[tilespmem:v35+s9+$0x0] =	vst.idx.msk $0xffff, v56;
	v29 =	vmul.f32 v29, v6;
	v59 =	vld.idx.msk [tilespmem:v53+s1+$0x0], $0xffff  }
0x134: {  	v15 =	vor.u32 v5, v15;
	v60 =	vld.idx.msk [tilespmem:v30+s1+$0x0], $0xffff;
	[tilespmem:v22+s9+$0x0] =	vst.idx.msk $0xffff, v58;
	v22 =	vmul.f32 v54, v6  }
0x135: {  	v17 =	vor.u32 v5, v17;
	v61 =	vld.idx.msk [tilespmem:v55+s1+$0x0], $0xffff;
	v62 =	vmul.f32 v44, v9;
	[tilespmem:v31+s9+$0x0] =	vst.idx.msk $0xffff, v29  }
0x136: {  	v29 =	vmul.f32 v41, v6;
	[tilespmem:v21+s9+$0x0] =	vst.idx.msk $0xffff, v22;
	v21 =	vor.u32 v2, v18;
	v22 =	vld.idx.msk [tilespmem:v27+s1+$0x0], $0xffff  }
0x137: {  	v63 =	vld.idx.msk [tilespmem:v57+s1+$0x0], $0xffff;
	v31 =	vor.u32 v2, v28;
	v26 =	vmul.f32 v26, v10;
	[tilespmem:v25+s9+$0x0] =	vst.idx.msk $0xffff, v62  }
0x138: {  	v40 =	vld.idx.msk [tilespmem:v24+s1+$0x0], $0xffff;
	v25 =	vor.u32 v2, v19;
	[tilespmem:v23+s9+$0x0] =	vst.idx.msk $0xffff, v29;
	v23 =	vmul.f32 v59, v10  }
0x139: {  	v41 =	vor.u32 v2, v20;
	[tilespmem:v33+s9+$0x0] =	vst.idx.msk $0xffff, v26;
	v26 =	vmul.f32 v60, v10;
	v29 =	vld.idx.msk [tilespmem:v15+s1+$0x0], $0xffff  }
0x13a: {  	v42 =	vor.u32 v3, v14;
	v44 =	vld.idx.msk [tilespmem:v17+s1+$0x0], $0xffff;
	v36 =	vmul.f32 v61, v9;
	[tilespmem:v53+s9+$0x0] =	vst.idx.msk $0xffff, v23  }
0x13b: {  	v16 =	vor.u32 v5, v16;
	[tilespmem:v30+s9+$0x0] =	vst.idx.msk $0xffff, v26;
	v23 =	vld.idx.msk [tilespmem:v21+s1+$0x0], $0xffff;
	v10 =	vmul.f32 v22, v10  }
0x13c: {  	v26 =	vmul.f32 v63, v7;
	[tilespmem:v55+s9+$0x0] =	vst.idx.msk $0xffff, v36;
	v30 =	vld.idx.msk [tilespmem:v31+s1+$0x0], $0xffff;
	v22 =	vor.u32 v3, v11  }
0x13d: {  	v45 =	vor.u32 v3, v13;
	v37 =	vmul.f32 v40, v8;
	v46 =	vld.idx.msk [tilespmem:v25+s1+$0x0], $0xffff;
	[tilespmem:v27+s9+$0x0] =	vst.idx.msk $0xffff, v10  }
0x13e: {  	[tilespmem:v57+s9+$0x0] =	vst.idx.msk $0xffff, v26;
	v10 =	vmul.f32 v29, v8;
	v27 =	vor.u32 v3, v18;
	v26 =	vld.idx.msk [tilespmem:v41+s1+$0x0], $0xffff  }
0x13f: {  	v47 =	vmul.f32 v44, v8;
	v29 =	vld.idx.msk [tilespmem:v42+s1+$0x0], $0xffff;
	[tilespmem:v24+s9+$0x0] =	vst.idx.msk $0xffff, v37;
	v24 =	vor.u32 v3, v28  }
0x140: {  	v48 =	vld.idx.msk [tilespmem:v16+s1+$0x0], $0xffff;
	[tilespmem:v15+s9+$0x0] =	vst.idx.msk $0xffff, v10;
	v10 =	vor.u32 v3, v19;
	v15 =	vmul.f32 v23, v9  }
0x141: {  	[tilespmem:v17+s9+$0x0] =	vst.idx.msk $0xffff, v47;
	v17 =	vmul.f32 v30, v9;
	v30 =	vor.u32 v3, v20;
	v23 =	vld.idx.msk [tilespmem:v22+s1+$0x0], $0xffff  }
0x142: {  	v49 =	vor.u32 v4, v14;
	v50 =	vld.idx.msk [tilespmem:v45+s1+$0x0], $0xffff;
	v38 =	vmul.f32 v46, v9;
	[tilespmem:v21+s9+$0x0] =	vst.idx.msk $0xffff, v15  }
0x143: {  	[tilespmem:v31+s9+$0x0] =	vst.idx.msk $0xffff, v17;
	v15 =	vor.u32 v4, v12;
	v17 =	vld.idx.msk [tilespmem:v27+s1+$0x0], $0xffff;
	v9 =	vmul.f32 v26, v9  }
0x144: {  	v21 =	vor.u32 v4, v11;
	v26 =	vmul.f32 v29, v7;
	[tilespmem:v25+s9+$0x0] =	vst.idx.msk $0xffff, v38;
	v25 =	vld.idx.msk [tilespmem:v24+s1+$0x0], $0xffff  }
0x145: {  	v31 =	vmul.f32 v48, v8;
	v29 =	vor.u32 v4, v13;
	v51 =	vld.idx.msk [tilespmem:v10+s1+$0x0], $0xffff;
	[tilespmem:v41+s9+$0x0] =	vst.idx.msk $0xffff, v9  }
0x146: {  	v9 =	vmul.f32 v23, v7;
	[tilespmem:v42+s9+$0x0] =	vst.idx.msk $0xffff, v26;
	v23 =	vor.u32 v4, v18;
	v26 =	vld.idx.msk [tilespmem:v30+s1+$0x0], $0xffff  }
0x147: {  	v52 =	vor.u32 v4, v28;
	[tilespmem:v16+s9+$0x0] =	vst.idx.msk $0xffff, v31;
	v16 =	vmul.f32 v50, v7;
	v31 =	vld.idx.msk [tilespmem:v49+s1+$0x0], $0xffff  }
0x148: {  	v53 =	vld.idx.msk [tilespmem:v15+s1+$0x0], $0xffff;
	[tilespmem:v22+s9+$0x0] =	vst.idx.msk $0xffff, v9;
	v9 =	vor.u32 v4, v19;
	v17 =	vmul.f32 v17, v7  }
0x149: {  	[tilespmem:v45+s9+$0x0] =	vst.idx.msk $0xffff, v16;
	v16 =	vor.u32 v4, v20;
	v22 =	vld.idx.msk [tilespmem:v21+s1+$0x0], $0xffff;
	v25 =	vmul.f32 v25, v7  }
0x14a: {  	v14 =	vor.u32 v5, v14;
	v36 =	vld.idx.msk [tilespmem:v29+s1+$0x0], $0xffff;
	v35 =	vmul.f32 v51, v7;
	[tilespmem:v27+s9+$0x0] =	vst.idx.msk $0xffff, v17  }
0x14b: {  	v12 =	vor.u32 v5, v12;
	[tilespmem:v24+s9+$0x0] =	vst.idx.msk $0xffff, v25;
	v7 =	vmul.f32 v26, v7;
	v17 =	vld.idx.msk [tilespmem:v23+s1+$0x0], $0xffff  }
0x14c: {  	v11 =	vor.u32 v5, v11;
	v24 =	vmul.f32 v31, v6;
	v25 =	vld.idx.msk [tilespmem:v52+s1+$0x0], $0xffff;
	[tilespmem:v10+s9+$0x0] =	vst.idx.msk $0xffff, v35  }
0x14d: {  	v13 =	vor.u32 v5, v13;
	v10 =	vmul.f32 v53, v6;
	v26 =	vld.idx.msk [tilespmem:v9+s1+$0x0], $0xffff;
	[tilespmem:v30+s9+$0x0] =	vst.idx.msk $0xffff, v7  }
0x14e: {  	v18 =	vor.u32 v5, v18;
	v7 =	vmul.f32 v22, v6;
	[tilespmem:v49+s9+$0x0] =	vst.idx.msk $0xffff, v24;
	v22 =	vld.idx.msk [tilespmem:v16+s1+$0x0], $0xffff  }
0x14f: {  	v24 =	vor.u32 v5, v28;
	[tilespmem:v15+s9+$0x0] =	vst.idx.msk $0xffff, v10;
	v10 =	vmul.f32 v36, v6;
	v15 =	vld.idx.msk [tilespmem:v14+s1+$0x0], $0xffff  }
0x150: {  	v27 =	vld.idx.msk [tilespmem:v12+s1+$0x0], $0xffff;
	[tilespmem:v21+s9+$0x0] =	vst.idx.msk $0xffff, v7;
	v7 =	vor.u32 v5, v19;
	v17 =	vmul.f32 v17, v6  }
0x151: {  	v20 =	vor.u32 v5, v20;
	v19 =	vld.idx.msk [tilespmem:v11+s1+$0x0], $0xffff;
	[tilespmem:v29+s9+$0x0] =	vst.idx.msk $0xffff, v10;
	v10 =	vmul.f32 v25, v6  }
0x152: {  	v21 =	vld.idx.msk [tilespmem:v13+s1+$0x0], $0xffff;
	v25 =	vmul.f32 v26, v6;
	[tilespmem:v23+s9+$0x0] =	vst.idx.msk $0xffff, v17  }
0x153: {  	[tilespmem:v52+s9+$0x0] =	vst.idx.msk $0xffff, v10;
	v6 =	vmul.f32 v22, v6;
	v10 =	vld.idx.msk [tilespmem:v18+s1+$0x0], $0xffff  }
0x154: {  	v15 =	vmul.f32 v15, v8;
	v17 =	vld.idx.msk [tilespmem:v24+s1+$0x0], $0xffff;
	[tilespmem:v9+s9+$0x0] =	vst.idx.msk $0xffff, v25  }
0x155: {  	v9 =	vmul.f32 v27, v8;
	v22 =	vld.idx.msk [tilespmem:v7+s1+$0x0], $0xffff;
	[tilespmem:v16+s9+$0x0] =	vst.idx.msk $0xffff, v6  }
0x156: {  	v6 =	vmul.f32 v19, v8;
	[tilespmem:v14+s9+$0x0] =	vst.idx.msk $0xffff, v15;
	v14 =	vld.idx.msk [tilespmem:v20+s1+$0x0], $0xffff  }
0x157: {  	v15 =	vmul.f32 v21, v8;
	[tilespmem:v12+s9+$0x0] =	vst.idx.msk $0xffff, v9  }
0x158: {  	[tilespmem:v11+s9+$0x0] =	vst.idx.msk $0xffff, v6;
	v6 =	vmul.f32 v10, v8  }
0x159: {  	[tilespmem:v13+s9+$0x0] =	vst.idx.msk $0xffff, v15;
	v9 =	vmul.f32 v17, v8  }
0x15a: {  	v10 =	vmul.f32 v22, v8;
	[tilespmem:v18+s9+$0x0] =	vst.idx.msk $0xffff, v6  }
0x15b: {  	[tilespmem:v24+s9+$0x0] =	vst.idx.msk $0xffff, v9;
	v6 =	vmul.f32 v14, v8  }
0x15c: {  	[tilespmem:v7+s9+$0x0] =	vst.idx.msk $0xffff, v10  }
0x15d: {  	s10 =	simm.s32 $0x12750;
	[tilespmem:v20+s9+$0x0] =	vst.idx.msk $0xffff, v6  }
0x15e: {  	[spmem:s3] =	stream.indirect.scatter.add.f32 [tilespmem:s9], [sflag:$0x6], $0x20, s10, s2, $0xb8;
	[tilespmem:$0x17700] =	vst v63  }
0x15f: {  	s16 =	sadd.s32 $0xFFFFFFFF, s4;
	_ =	swait.ge [sflag:s11], $0xA00  }
0x160: {  	s4 =	sadd.s32 $0x4, s4;
	p2 =	sgt.u32 s16, $0x77;
	[sflag:s11] =	ssyncset.done $0x0  }
0x161: {  	s13 =	smul.u32 @!p2 $0x140, s4;
	s10 =	simm.s32 @!p2 $0xA;
	[sflag:s11] =	ssyncadd.s32 $0xFFFFF600  }
0x162: {  	s30 =	smul.u32 @!p1 $0x140, s4;
	_ =	swait.ge @!p2 [sflag:s10], $0xA00  }
0x163: {  	s16 =	simm.s32 @!p2 $0xEB50;
	s13 =	sshra.s32 @!p2 s13, $0x2;
	[sflag:s10] =	ssyncset.done @!p2 $0x0  }
0x164: {  	[sflag:s10] =	ssyncadd.s32 @!p2 $0xFFFFF600;
	s10 =	sadd.s32 @!p2 $0x7530, s13;
	s13 =	simm.s32 @!p2 $0x50  }
0x165: {  	[tilespmem:s16], [sflag:$0x5] =	stream.indirect.gather @!p2 [hbm4b:s0+s13], $0x20, s10, s13, $0xb8;
	[tilespmem:$0x17700] =	vst v63  }
0x166: {  	s10 =	sshra.s32 @!p1 s30, $0x2  }
0x167: {  	s13 =	simm.s32 @!p1 $0x50;
	s16 =	simm.s32 @!p1 $0xEB50;
	s10 =	sadd.s32 @!p1 $0x7530, s10  }
0x168: {  	[tilespmem:s16], [sflag:$0x5] =	stream.indirect.gather @!p1 [hbm4b:s0+s13], $0x20, s10, s13, $0xb8;
	[tilespmem:$0x17700] =	vst v63  }
0x169: {  	v6 =	vld [tilespmem:s26+$0x9C90]  }
0x16a: {  	v7 =	vld [tilespmem:s26+$0x7580];
	_ =	sdelay $0x5  }
0x16b: {  	[tilespmem:$0x127A0] =	vst v6  }
0x16c: {  	s30 =	simm.s32 $0x0;
	v8 =	vld.idx.msk [tilespmem:v6+s31+$0x0], $0xffff  }
0x16d: {  	v7 =	vld.idx.msk [tilespmem:v7+s30+$0x0], $0xffff;
	_ =	sdelay $0x4  }
0x16e: {  	v7 =	vsub.f32 v8, v7;
	_ =	sdelay $0x1  }
0x16f: {  	v7 =	vadd.f32 v7, v7;
	_ =	sdelay $0x1  }
0x170: {  	v7 =	vmul.f32 $1.442695020e+00, v7;
	_ =	sdelay $0x1  }
0x171: {  	(erf) = vpow2.f32 v7;
	_ =	sdelay $0x8  }
0x172: {  	v7 =	vpop (erf)  }
0x173: {  	v7 =	vadd.f32 $1.000000000e+00, v7;
	_ =	sdelay $0x1  }
0x174: {  	(erf) = vrcp.f32 v7;
	_ =	sdelay $0x8  }
0x175: {  	v7 =	vpop (erf)  }
0x176: {  	v7 =	vadd.f32 v7, v7;
	_ =	sdelay $0x1  }
0x177: {  	v7 =	vsub.f32 $1.000000000e+00, v7;
	_ =	sdelay $0x1  }
0x178: {  	v7 =	vmul.f32 $1.442695020e+00, v7;
	_ =	sdelay $0x1  }
0x179: {  	(erf) = vpow2.f32 v7;
	_ =	sdelay $0x8  }
0x17a: {  	v10 =	vpop (erf)  }
0x17b: {  	[tilespmem:v6+s8+$0x0] =	vst.idx.add.f32.msk $0xffff, v10  }
0x17c: {  	v6 =	vld [tilespmem:s26+$0x9CA0]  }
0x17d: {  	v7 =	vld [tilespmem:s26+$0x7590];
	_ =	sdelay $0x5  }
0x17e: {  	[tilespmem:$0x127B0] =	vst v6  }
0x17f: {  	v8 =	vld.idx.msk [tilespmem:v6+s31+$0x0], $0xffff  }
0x180: {  	v7 =	vld.idx.msk [tilespmem:v7+s30+$0x0], $0xffff;
	_ =	sdelay $0x4  }
0x181: {  	v7 =	vsub.f32 v8, v7;
	_ =	sdelay $0x1  }
0x182: {  	v7 =	vadd.f32 v7, v7;
	_ =	sdelay $0x1  }
0x183: {  	v7 =	vmul.f32 $1.442695020e+00, v7;
	_ =	sdelay $0x1  }
0x184: {  	(erf) = vpow2.f32 v7;
	_ =	sdelay $0x8  }
0x185: {  	v7 =	vpop (erf)  }
0x186: {  	v7 =	vadd.f32 $1.000000000e+00, v7;
	_ =	sdelay $0x1  }
0x187: {  	(erf) = vrcp.f32 v7;
	_ =	sdelay $0x8  }
0x188: {  	v7 =	vpop (erf)  }
0x189: {  	v7 =	vadd.f32 v7, v7;
	_ =	sdelay $0x1  }
0x18a: {  	v7 =	vsub.f32 $1.000000000e+00, v7;
	_ =	sdelay $0x1  }
0x18b: {  	v7 =	vmul.f32 $1.442695020e+00, v7;
	_ =	sdelay $0x1  }
0x18c: {  	(erf) = vpow2.f32 v7;
	_ =	sdelay $0x8  }
0x18d: {  	v9 =	vpop (erf)  }
0x18e: {  	[tilespmem:v6+s8+$0x0] =	vst.idx.add.f32.msk $0xffff, v9  }
0x18f: {  	v6 =	vld [tilespmem:s26+$0x9CB0]  }
0x190: {  	v7 =	vld [tilespmem:s26+$0x75A0];
	_ =	sdelay $0x5  }
0x191: {  	[tilespmem:$0x127C0] =	vst v6  }
0x192: {  	v8 =	vld.idx.msk [tilespmem:v6+s31+$0x0], $0xffff  }
0x193: {  	v7 =	vld.idx.msk [tilespmem:v7+s30+$0x0], $0xffff;
	_ =	sdelay $0x4  }
0x194: {  	v7 =	vsub.f32 v8, v7;
	_ =	sdelay $0x1  }
0x195: {  	v7 =	vadd.f32 v7, v7;
	_ =	sdelay $0x1  }
0x196: {  	v7 =	vmul.f32 $1.442695020e+00, v7;
	_ =	sdelay $0x1  }
0x197: {  	(erf) = vpow2.f32 v7;
	_ =	sdelay $0x8  }
0x198: {  	v7 =	vpop (erf)  }
0x199: {  	v7 =	vadd.f32 $1.000000000e+00, v7;
	_ =	sdelay $0x1  }
0x19a: {  	(erf) = vrcp.f32 v7;
	_ =	sdelay $0x8  }
0x19b: {  	v7 =	vpop (erf)  }
0x19c: {  	v7 =	vadd.f32 v7, v7;
	_ =	sdelay $0x1  }
0x19d: {  	v7 =	vsub.f32 $1.000000000e+00, v7;
	_ =	sdelay $0x1  }
0x19e: {  	v7 =	vmul.f32 $1.442695020e+00, v7;
	_ =	sdelay $0x1  }
0x19f: {  	(erf) = vpow2.f32 v7;
	_ =	sdelay $0x8  }
0x1a0: {  	v7 =	vpop (erf)  }
0x1a1: {  	[tilespmem:v6+s8+$0x0] =	vst.idx.add.f32.msk $0xffff, v7  }
0x1a2: {  	v8 =	vld [tilespmem:s26+$0x9CC0]  }
0x1a3: {  	v6 =	vld [tilespmem:s26+$0x75B0];
	_ =	sdelay $0x5  }
0x1a4: {  	[tilespmem:$0x127D0] =	vst v8  }
0x1a5: {  	v11 =	vld.idx.msk [tilespmem:v8+s31+$0x0], $0xffff  }
0x1a6: {  	v6 =	vld.idx.msk [tilespmem:v6+s30+$0x0], $0xffff;
	_ =	sdelay $0x4  }
0x1a7: {  	v6 =	vsub.f32 v11, v6;
	_ =	sdelay $0x1  }
0x1a8: {  	v6 =	vadd.f32 v6, v6;
	_ =	sdelay $0x1  }
0x1a9: {  	v6 =	vmul.f32 $1.442695020e+00, v6;
	_ =	sdelay $0x1  }
0x1aa: {  	(erf) = vpow2.f32 v6;
	_ =	sdelay $0x8  }
0x1ab: {  	v6 =	vpop (erf)  }
0x1ac: {  	v6 =	vadd.f32 $1.000000000e+00, v6;
	_ =	sdelay $0x1  }
0x1ad: {  	(erf) = vrcp.f32 v6;
	_ =	sdelay $0x8  }
0x1ae: {  	v6 =	vpop (erf)  }
0x1af: {  	v6 =	vadd.f32 v6, v6;
	_ =	sdelay $0x1  }
0x1b0: {  	v6 =	vsub.f32 $1.000000000e+00, v6;
	_ =	sdelay $0x1  }
0x1b1: {  	v6 =	vmul.f32 $1.442695020e+00, v6;
	_ =	sdelay $0x1  }
0x1b2: {  	(erf) = vpow2.f32 v6;
	_ =	sdelay $0x8  }
0x1b3: {  	v6 =	vpop (erf)  }
0x1b4: {  	[tilespmem:v8+s8+$0x0] =	vst.idx.add.f32.msk $0xffff, v6  }
0x1b5: {  	v11 =	vld [tilespmem:s26+$0x9CD0]  }
0x1b6: {  	v8 =	vld [tilespmem:s26+$0x75C0];
	_ =	sdelay $0x5  }
0x1b7: {  	[tilespmem:$0x127E0] =	vst v11  }
0x1b8: {  	v12 =	vld.idx.msk [tilespmem:v11+s31+$0x0], $0xffff  }
0x1b9: {  	v8 =	vld.idx.msk [tilespmem:v8+s30+$0x0], $0xffff;
	_ =	sdelay $0x4  }
0x1ba: {  	v8 =	vsub.f32 v12, v8;
	_ =	sdelay $0x1  }
0x1bb: {  	v8 =	vadd.f32 v8, v8;
	_ =	sdelay $0x1  }
0x1bc: {  	v8 =	vmul.f32 $1.442695020e+00, v8;
	_ =	sdelay $0x1  }
0x1bd: {  	(erf) = vpow2.f32 v8;
	_ =	sdelay $0x8  }
0x1be: {  	v8 =	vpop (erf)  }
0x1bf: {  	v8 =	vadd.f32 $1.000000000e+00, v8;
	_ =	sdelay $0x1  }
0x1c0: {  	(erf) = vrcp.f32 v8;
	_ =	sdelay $0x8  }
0x1c1: {  	v8 =	vpop (erf)  }
0x1c2: {  	v8 =	vadd.f32 v8, v8;
	_ =	sdelay $0x1  }
0x1c3: {  	v8 =	vsub.f32 $1.000000000e+00, v8;
	_ =	sdelay $0x1  }
0x1c4: {  	v8 =	vmul.f32 $1.442695020e+00, v8;
	_ =	sdelay $0x1  }
0x1c5: {  	(erf) = vpow2.f32 v8  }
0x1c6: {  	s13 =	simm.s32 $0x2  }
0x1c7: {  	s16 =	simm.s32 $0x1;
	v8 =	vmov s13  }
0x1c8: {  	v12 =	vmov s16;
	v8 =	vand.u32 $0x1E, v8  }
0x1c9: {  	s16 =	simm.s32 $0x3;
	v12 =	vand.u32 $0x1D, v12;
	v15 =	vbroadcast v8, $0x0  }
0x1ca: {  	v17 =	vbroadcast v12, $0x0;
	v8 =	vmov s16  }
0x1cb: {  	v8 =	vand.u32 $0x1F, v8;
	v12 =	vor.u32 v0, v15  }
0x1cc: {  	v13 =	vor.u32 v0, v17  }
0x1cd: {  	v24 =	vbroadcast v8, $0x0  }
0x1ce: {  	v14 =	vmov s30;
	v8 =	vpop (erf)  }
0x1cf: {  	[tilespmem:v11+s8+$0x0] =	vst.idx.add.f32.msk $0xffff, v8;
	v11 =	vand.u32 $0x1C, v14;
	v14 =	vor.u32 v0, v24  }
0x1d0: {  	v16 =	vbroadcast v11, $0x0;
	v11 =	vld.idx.msk [tilespmem:v12+s5+$0x0], $0xffff  }
0x1d1: {  	v18 =	vld.idx.msk [tilespmem:v13+s5+$0x0], $0xffff  }
0x1d2: {  	v19 =	vor.u32 v0, v16  }
0x1d3: {  	s13 =	simm.s32 $0x5;
	v20 =	vor.u32 v2, v15  }
0x1d4: {  	v21 =	vor.u32 v2, v17;
	v22 =	vmov s13;
	s16 =	simm.s32 $0x6;
	v23 =	vld.idx.msk [tilespmem:v14+s5+$0x0], $0xffff  }
0x1d5: {  	v22 =	vand.u32 $0x1D, v22;
	v25 =	vmul.f32 v11, v10;
	v11 =	vmov s16  }
0x1d6: {  	v18 =	vmul.f32 v18, v10;
	v26 =	vand.u32 $0x1E, v11;
	v11 =	vbroadcast v22, $0x0  }
0x1d7: {  	v27 =	vor.u32 v2, v24;
	[tilespmem:v12+s12+$0x0] =	vst.idx.msk $0xffff, v25;
	v12 =	vbroadcast v26, $0x0;
	v22 =	vld.idx.msk [tilespmem:v19+s5+$0x0], $0xffff  }
0x1d8: {  	[tilespmem:v13+s12+$0x0] =	vst.idx.msk $0xffff, v18;
	v18 =	vor.u32 v0, v11;
	v13 =	vld.idx.msk [tilespmem:v20+s5+$0x0], $0xffff  }
0x1d9: {  	v25 =	vld.idx.msk [tilespmem:v21+s5+$0x0], $0xffff;
	v30 =	vor.u32 v0, v12;
	v23 =	vmul.f32 v23, v10  }
0x1da: {  	s13 =	simm.s32 $0x4;
	v28 =	vor.u32 v2, v16  }
0x1db: {  	v29 =	vor.u32 v3, v17;
	v54 =	vor.u32 v3, v15;
	s16 =	simm.s32 $0x7;
	[tilespmem:v14+s12+$0x0] =	vst.idx.msk $0xffff, v23;
	v14 =	vmov s13  }
0x1dc: {  	v23 =	vmov s16;
	v31 =	vld.idx.msk [tilespmem:v27+s5+$0x0], $0xffff;
	v22 =	vmul.f32 v22, v10;
	v14 =	vand.u32 $0x1C, v14  }
0x1dd: {  	v55 =	vld.idx.msk [tilespmem:v18+s5+$0x0], $0xffff;
	v26 =	vmul.f32 v13, v9;
	v13 =	vbroadcast v14, $0x0;
	v14 =	vand.u32 $0x1F, v23  }
0x1de: {  	v23 =	vmul.f32 v25, v9;
	v25 =	vld.idx.msk [tilespmem:v30+s5+$0x0], $0xffff;
	[tilespmem:v19+s12+$0x0] =	vst.idx.msk $0xffff, v22;
	v14 =	vbroadcast v14, $0x0  }
0x1df: {  	v56 =	vor.u32 v3, v24;
	v19 =	vld.idx.msk [tilespmem:v28+s5+$0x0], $0xffff;
	[tilespmem:v20+s12+$0x0] =	vst.idx.msk $0xffff, v26  }
0x1e0: {  	s10 =	simm.s32 $0x9;
	v20 =	vld.idx.msk [tilespmem:v54+s5+$0x0], $0xffff;
	v36 =	vor.u32 v0, v14  }
0x1e1: {  	v60 =	vmov s10;
	[tilespmem:v21+s12+$0x0] =	vst.idx.msk $0xffff, v23;
	v26 =	vor.u32 v2, v11;
	v31 =	vmul.f32 v31, v9  }
0x1e2: {  	v32 =	vor.u32 v4, v15;
	v34 =	vor.u32 v3, v16;
	v22 =	vor.u32 v2, v12;
	v57 =	vld.idx.msk [tilespmem:v29+s5+$0x0], $0xffff  }
0x1e3: {  	v40 =	vand.u32 $0x1D, v60;
	v35 =	vor.u32 v0, v13;
	v58 =	vmul.f32 v55, v10;
	[tilespmem:v27+s12+$0x0] =	vst.idx.msk $0xffff, v31  }
0x1e4: {  	v23 =	vor.u32 v4, v16;
	v21 =	vor.u32 v4, v17;
	v27 =	vld.idx.msk [tilespmem:v56+s5+$0x0], $0xffff;
	v19 =	vmul.f32 v19, v9  }
0x1e5: {  	s16 =	simm.s32 $0xA;
	v59 =	vmul.f32 v25, v10;
	[tilespmem:v18+s12+$0x0] =	vst.idx.msk $0xffff, v58;
	v20 =	vmul.f32 v20, v7;
	v62 =	vld.idx.msk [tilespmem:v36+s5+$0x0], $0xffff  }
0x1e6: {  	s13 =	simm.s32 $0x8;
	v61 =	vmov s16;
	v25 =	vor.u32 v2, v14;
	v31 =	vor.u32 v4, v24;
	v37 =	vld.idx.msk [tilespmem:v26+s5+$0x0], $0xffff;
	[tilespmem:v28+s12+$0x0] =	vst.idx.msk $0xffff, v19  }
0x1e7: {  	v18 =	vmov s13;
	v38 =	vmul.f32 v57, v7;
	v28 =	vand.u32 $0x1E, v61;
	[tilespmem:v54+s12+$0x0] =	vst.idx.msk $0xffff, v20;
	v41 =	vld.idx.msk [tilespmem:v34+s5+$0x0], $0xffff  }
0x1e8: {  	s16 =	simm.s32 $0xB;
	v18 =	vand.u32 $0x1C, v18;
	v19 =	vbroadcast v40, $0x0;
	v28 =	vbroadcast v28, $0x0;
	v40 =	vld.idx.msk [tilespmem:v32+s5+$0x0], $0xffff  }
0x1e9: {  	v63 =	vmov s16;
	v42 =	vld.idx.msk [tilespmem:v35+s5+$0x0], $0xffff;
	[tilespmem:v30+s12+$0x0] =	vst.idx.msk $0xffff, v59;
	v20 =	vbroadcast v18, $0x0;
	v45 =	vmul.f32 v27, v7  }
0x1ea: {  	v39 =	vld.idx.msk [tilespmem:v22+s5+$0x0], $0xffff;
	v18 =	vand.u32 $0x1F, v63;
	v33 =	vor.u32 v0, v19;
	v30 =	vor.u32 v0, v28  }
0x1eb: {  	s30 =	simm.s32 $0xC;
	v18 =	vbroadcast v18, $0x0;
	v27 =	vor.u32 v0, v20;
	v43 =	vmul.f32 v62, v10;
	[tilespmem:v56+s12+$0x0] =	vst.idx.msk $0xffff, v45  }
.LBB2_9:
0x1ec: {  	p1 =	slt.u32 s30, $0x1C;
	v37 =	vmul.f32 v37, v9;
	v41 =	vmul.f32 v41, v7;
	[tilespmem:v29+s12+$0x0] =	vst.idx.msk $0xffff, v38;
	v38 =	vld.idx.msk [tilespmem:v31+s5+$0x0], $0xffff;
	s10 =	smov.u32 s30;
	s30 =	sadd.s32 $0x4, s30  }
0x1ed: {  	v29 =	vmul.f32 v40, v6;
	[tilespmem:v36+s12+$0x0] =	vst.idx.msk $0xffff, v43;
	v36 =	vld.idx.msk [tilespmem:v21+s5+$0x0], $0xffff;
	v43 =	vor.u32 v5, v15  }
0x1ee: {  	v40 =	vor.u32 v2, v13;
	v15 =	vmov v12;
	v12 =	vmov v28;
	v44 =	vld.idx.msk [tilespmem:v25+s5+$0x0], $0xffff;
	[tilespmem:v34+s12+$0x0] =	vst.idx.msk $0xffff, v41  }
0x1ef: {  	v28 =	vmul.f32 v42, v10;
	v41 =	vor.u32 v3, v15;
	v34 =	vld.idx.msk [tilespmem:v23+s5+$0x0], $0xffff;
	[tilespmem:v32+s12+$0x0] =	vst.idx.msk $0xffff, v29  }
0x1f0: {  	v45 =	vor.u32 v5, v17;
	v29 =	vor.u32 v3, v11;
	v42 =	vld.idx.msk [tilespmem:v30+s5+$0x0], $0xffff;
	[tilespmem:v26+s12+$0x0] =	vst.idx.msk $0xffff, v37  }
0x1f1: {  	v46 =	vor.u32 v5, v16;
	v17 =	vmul.f32 v39, v9;
	v39 =	vor.u32 v5, v24;
	v32 =	vld.idx.msk [tilespmem:v33+s5+$0x0], $0xffff  }
0x1f2: {  	v26 =	vor.u32 v2, v19;
	v48 =	vmul.f32 v38, v6;
	[tilespmem:v35+s12+$0x0] =	vst.idx.msk $0xffff, v28;
	v24 =	vld.idx.msk [tilespmem:v43+s5+$0x0], $0xffff  }
0x1f3: {  	v47 =	vor.u32 v3, v14;
	v35 =	vmul.f32 v36, v6;
	v28 =	vld.idx.msk [tilespmem:v40+s5+$0x0], $0xffff;
	[tilespmem:v22+s12+$0x0] =	vst.idx.msk $0xffff, v17  }
0x1f4: {  	v22 =	vor.u32 v2, v12;
	v37 =	vmul.f32 v44, v9;
	v38 =	vld.idx.msk [tilespmem:v41+s5+$0x0], $0xffff;
	[tilespmem:v31+s12+$0x0] =	vst.idx.msk $0xffff, v48  }
0x1f5: {  	v16 =	vmovc v13;
	v13 =	vmovc v20;
	v17 =	vmov v11;
	v11 =	vmov v19;
	v31 =	vmul.f32 v34, v6;
	v44 =	vld.idx.msk [tilespmem:v29+s5+$0x0], $0xffff  }
0x1f6: {  	v19 =	vor.u32 v4, v16;
	[tilespmem:v21+s12+$0x0] =	vst.idx.msk $0xffff, v35;
	v21 =	vor.u32 v4, v17;
	v20 =	vld.idx.msk [tilespmem:v39+s5+$0x0], $0xffff  }
0x1f7: {  	v36 =	vor.u32 v0, v18;
	v35 =	vmul.f32 v32, v10;
	[tilespmem:v25+s12+$0x0] =	vst.idx.msk $0xffff, v37;
	v48 =	vld.idx.msk [tilespmem:v45+s5+$0x0], $0xffff  }
0x1f8: {  	v34 =	vor.u32 v3, v16;
	v32 =	vor.u32 v4, v15;
	v49 =	vld.idx.msk [tilespmem:v47+s5+$0x0], $0xffff;
	[tilespmem:v23+s12+$0x0] =	vst.idx.msk $0xffff, v31  }
0x1f9: {  	[tilespmem:v33+s12+$0x0] =	vst.idx.msk $0xffff, v35;
	v33 =	vmul.f32 v42, v10;
	v35 =	vmul.f32 v28, v9;
	v42 =	vld.idx.msk [tilespmem:v46+s5+$0x0], $0xffff  }
0x1fa: {  	v25 =	vor.u32 v2, v18;
	v31 =	vor.u32 v4, v14;
	v28 =	vmul.f32 v38, v7;
	v37 =	vld.idx.msk [tilespmem:v26+s5+$0x0], $0xffff  }
0x1fb: {  	v50 =	vmov s10;
	s13 =	sadd.s32 $0x1, s10;
	s16 =	sadd.s32 $0x2, s10;
	s10 =	sadd.s32 $0x3, s10;
	v23 =	vmovc v19;
	v38 =	vmul.f32 v44, v7;
	v44 =	vmul.f32 v24, v8;
	[tilespmem:v40+s12+$0x0] =	vst.idx.msk $0xffff, v35  }
0x1fc: {  	v52 =	vmov s16;
	v19 =	vmov s13;
	v24 =	vmovc v14;
	v14 =	vmovc v18;
	v20 =	vmul.f32 v20, v8;
	v51 =	vld.idx.msk [tilespmem:v36+s5+$0x0], $0xffff;
	[tilespmem:v41+s12+$0x0] =	vst.idx.msk $0xffff, v28  }
0x1fd: {  	v18 =	vand.u32 $0x1D, v19;
	v28 =	vand.u32 $0x1E, v52;
	[tilespmem:v30+s12+$0x0] =	vst.idx.msk $0xffff, v33;
	v41 =	vld.idx.msk [tilespmem:v34+s5+$0x0], $0xffff;
	v30 =	vmul.f32 v48, v8  }
.Ltmp3:
0x1fe: {  	v19 =	vbroadcast v18, $0x0;
	v18 =	vmov s10;
	v48 =	vmul.f32 v49, v7;
	v35 =	vmovc v27;
	v40 =	vld.idx.msk [tilespmem:v32+s5+$0x0], $0xffff;
	[tilespmem:v39+s12+$0x0] =	vst.idx.msk $0xffff, v20;
	(pc) =	sbr.rel @p1 .LBB2_9-.Ltmp3, $4  }
0x1ff: {  	v28 =	vbroadcast v28, $0x0;
	v20 =	vand.u32 $0x1C, v50;
	v49 =	vmul.f32 v42, v8;
	[tilespmem:v43+s12+$0x0] =	vst.idx.msk $0xffff, v44  }
0x200: {  	v18 =	vand.u32 $0x1F, v18;
	v33 =	vor.u32 v0, v19;
	v20 =	vbroadcast v20, $0x0;
	v42 =	vld.idx.msk [tilespmem:v27+s5+$0x0], $0xffff;
	[tilespmem:v45+s12+$0x0] =	vst.idx.msk $0xffff, v30  }
0x201: {  	v18 =	vbroadcast v18, $0x0;
	v30 =	vor.u32 v0, v28;
	v39 =	vld.idx.msk [tilespmem:v22+s5+$0x0], $0xffff;
	[tilespmem:v46+s12+$0x0] =	vst.idx.msk $0xffff, v49  }
0x202: {  	v27 =	vor.u32 v0, v20;
	v43 =	vmul.f32 v51, v10;
	[tilespmem:v47+s12+$0x0] =	vst.idx.msk $0xffff, v48  }
0x203: {  	_ =	sdelay $0x3  }
0x204: {  	v41 =	vmul.f32 v41, v7;
	[tilespmem:v29+s12+$0x0] =	vst.idx.msk $0xffff, v38;
	v29 =	vld.idx.msk [tilespmem:v31+s5+$0x0], $0xffff;
	v53 =	vor.u32 v0, v18  }
0x205: {  	v40 =	vmul.f32 v40, v6;
	[tilespmem:v36+s12+$0x0] =	vst.idx.msk $0xffff, v43;
	v54 =	vld.idx.msk [tilespmem:v21+s5+$0x0], $0xffff  }
0x206: {  	v37 =	vmul.f32 v37, v9;
	v55 =	vor.u32 v2, v13;
	v44 =	vld.idx.msk [tilespmem:v25+s5+$0x0], $0xffff;
	[tilespmem:v34+s12+$0x0] =	vst.idx.msk $0xffff, v41  }
0x207: {  	v56 =	vmul.f32 v42, v10;
	[tilespmem:v32+s12+$0x0] =	vst.idx.msk $0xffff, v40;
	v41 =	vld.idx.msk [tilespmem:v23+s5+$0x0], $0xffff  }
0x208: {  	v57 =	vor.u32 v3, v12;
	[tilespmem:v26+s12+$0x0] =	vst.idx.msk $0xffff, v37;
	v26 =	vld.idx.msk [tilespmem:v33+s5+$0x0], $0xffff;
	v58 =	vmul.f32 v39, v9  }
0x209: {  	v24 =	vor.u32 v5, v24;
	[tilespmem:v35+s12+$0x0] =	vst.idx.msk $0xffff, v56;
	v29 =	vmul.f32 v29, v6;
	v59 =	vld.idx.msk [tilespmem:v53+s5+$0x0], $0xffff  }
0x20a: {  	v15 =	vor.u32 v5, v15;
	v60 =	vld.idx.msk [tilespmem:v30+s5+$0x0], $0xffff;
	[tilespmem:v22+s12+$0x0] =	vst.idx.msk $0xffff, v58;
	v22 =	vmul.f32 v54, v6  }
0x20b: {  	v17 =	vor.u32 v5, v17;
	v61 =	vld.idx.msk [tilespmem:v55+s5+$0x0], $0xffff;
	v62 =	vmul.f32 v44, v9;
	[tilespmem:v31+s12+$0x0] =	vst.idx.msk $0xffff, v29  }
0x20c: {  	v29 =	vmul.f32 v41, v6;
	[tilespmem:v21+s12+$0x0] =	vst.idx.msk $0xffff, v22;
	v21 =	vor.u32 v2, v18;
	v22 =	vld.idx.msk [tilespmem:v27+s5+$0x0], $0xffff  }
0x20d: {  	v63 =	vld.idx.msk [tilespmem:v57+s5+$0x0], $0xffff;
	v31 =	vor.u32 v2, v28;
	v26 =	vmul.f32 v26, v10;
	[tilespmem:v25+s12+$0x0] =	vst.idx.msk $0xffff, v62  }
0x20e: {  	v40 =	vld.idx.msk [tilespmem:v24+s5+$0x0], $0xffff;
	v25 =	vor.u32 v2, v19;
	[tilespmem:v23+s12+$0x0] =	vst.idx.msk $0xffff, v29;
	v23 =	vmul.f32 v59, v10  }
0x20f: {  	v41 =	vor.u32 v2, v20;
	[tilespmem:v33+s12+$0x0] =	vst.idx.msk $0xffff, v26;
	v26 =	vmul.f32 v60, v10;
	v29 =	vld.idx.msk [tilespmem:v15+s5+$0x0], $0xffff  }
0x210: {  	v42 =	vor.u32 v3, v14;
	v44 =	vld.idx.msk [tilespmem:v17+s5+$0x0], $0xffff;
	v36 =	vmul.f32 v61, v9;
	[tilespmem:v53+s12+$0x0] =	vst.idx.msk $0xffff, v23  }
0x211: {  	v16 =	vor.u32 v5, v16;
	[tilespmem:v30+s12+$0x0] =	vst.idx.msk $0xffff, v26;
	v23 =	vld.idx.msk [tilespmem:v21+s5+$0x0], $0xffff;
	v10 =	vmul.f32 v22, v10  }
0x212: {  	v26 =	vmul.f32 v63, v7;
	[tilespmem:v55+s12+$0x0] =	vst.idx.msk $0xffff, v36;
	v30 =	vld.idx.msk [tilespmem:v31+s5+$0x0], $0xffff;
	v22 =	vor.u32 v3, v11  }
0x213: {  	v45 =	vor.u32 v3, v13;
	v37 =	vmul.f32 v40, v8;
	v46 =	vld.idx.msk [tilespmem:v25+s5+$0x0], $0xffff;
	[tilespmem:v27+s12+$0x0] =	vst.idx.msk $0xffff, v10  }
0x214: {  	[tilespmem:v57+s12+$0x0] =	vst.idx.msk $0xffff, v26;
	v10 =	vmul.f32 v29, v8;
	v27 =	vor.u32 v3, v18;
	v26 =	vld.idx.msk [tilespmem:v41+s5+$0x0], $0xffff  }
0x215: {  	v47 =	vmul.f32 v44, v8;
	v29 =	vld.idx.msk [tilespmem:v42+s5+$0x0], $0xffff;
	[tilespmem:v24+s12+$0x0] =	vst.idx.msk $0xffff, v37;
	v24 =	vor.u32 v3, v28  }
0x216: {  	v48 =	vld.idx.msk [tilespmem:v16+s5+$0x0], $0xffff;
	[tilespmem:v15+s12+$0x0] =	vst.idx.msk $0xffff, v10;
	v10 =	vor.u32 v3, v19;
	v15 =	vmul.f32 v23, v9  }
0x217: {  	[tilespmem:v17+s12+$0x0] =	vst.idx.msk $0xffff, v47;
	v17 =	vmul.f32 v30, v9;
	v30 =	vor.u32 v3, v20;
	v23 =	vld.idx.msk [tilespmem:v22+s5+$0x0], $0xffff  }
0x218: {  	v49 =	vor.u32 v4, v14;
	v50 =	vld.idx.msk [tilespmem:v45+s5+$0x0], $0xffff;
	v38 =	vmul.f32 v46, v9;
	[tilespmem:v21+s12+$0x0] =	vst.idx.msk $0xffff, v15  }
0x219: {  	[tilespmem:v31+s12+$0x0] =	vst.idx.msk $0xffff, v17;
	v15 =	vor.u32 v4, v12;
	v17 =	vld.idx.msk [tilespmem:v27+s5+$0x0], $0xffff;
	v9 =	vmul.f32 v26, v9  }
0x21a: {  	v21 =	vor.u32 v4, v11;
	v26 =	vmul.f32 v29, v7;
	[tilespmem:v25+s12+$0x0] =	vst.idx.msk $0xffff, v38;
	v25 =	vld.idx.msk [tilespmem:v24+s5+$0x0], $0xffff  }
0x21b: {  	v31 =	vmul.f32 v48, v8;
	v29 =	vor.u32 v4, v13;
	v51 =	vld.idx.msk [tilespmem:v10+s5+$0x0], $0xffff;
	[tilespmem:v41+s12+$0x0] =	vst.idx.msk $0xffff, v9  }
0x21c: {  	v9 =	vmul.f32 v23, v7;
	[tilespmem:v42+s12+$0x0] =	vst.idx.msk $0xffff, v26;
	v23 =	vor.u32 v4, v18;
	v26 =	vld.idx.msk [tilespmem:v30+s5+$0x0], $0xffff  }
0x21d: {  	v52 =	vor.u32 v4, v28;
	[tilespmem:v16+s12+$0x0] =	vst.idx.msk $0xffff, v31;
	v16 =	vmul.f32 v50, v7;
	v31 =	vld.idx.msk [tilespmem:v49+s5+$0x0], $0xffff  }
0x21e: {  	v53 =	vld.idx.msk [tilespmem:v15+s5+$0x0], $0xffff;
	[tilespmem:v22+s12+$0x0] =	vst.idx.msk $0xffff, v9;
	v9 =	vor.u32 v4, v19;
	v17 =	vmul.f32 v17, v7  }
0x21f: {  	[tilespmem:v45+s12+$0x0] =	vst.idx.msk $0xffff, v16;
	v16 =	vor.u32 v4, v20;
	v22 =	vld.idx.msk [tilespmem:v21+s5+$0x0], $0xffff;
	v25 =	vmul.f32 v25, v7  }
0x220: {  	v14 =	vor.u32 v5, v14;
	v36 =	vld.idx.msk [tilespmem:v29+s5+$0x0], $0xffff;
	v35 =	vmul.f32 v51, v7;
	[tilespmem:v27+s12+$0x0] =	vst.idx.msk $0xffff, v17  }
0x221: {  	v12 =	vor.u32 v5, v12;
	[tilespmem:v24+s12+$0x0] =	vst.idx.msk $0xffff, v25;
	v7 =	vmul.f32 v26, v7;
	v17 =	vld.idx.msk [tilespmem:v23+s5+$0x0], $0xffff  }
0x222: {  	v11 =	vor.u32 v5, v11;
	v24 =	vmul.f32 v31, v6;
	v25 =	vld.idx.msk [tilespmem:v52+s5+$0x0], $0xffff;
	[tilespmem:v10+s12+$0x0] =	vst.idx.msk $0xffff, v35  }
0x223: {  	v13 =	vor.u32 v5, v13;
	v10 =	vmul.f32 v53, v6;
	v26 =	vld.idx.msk [tilespmem:v9+s5+$0x0], $0xffff;
	[tilespmem:v30+s12+$0x0] =	vst.idx.msk $0xffff, v7  }
0x224: {  	v18 =	vor.u32 v5, v18;
	v7 =	vmul.f32 v22, v6;
	[tilespmem:v49+s12+$0x0] =	vst.idx.msk $0xffff, v24;
	v22 =	vld.idx.msk [tilespmem:v16+s5+$0x0], $0xffff  }
0x225: {  	v24 =	vor.u32 v5, v28;
	[tilespmem:v15+s12+$0x0] =	vst.idx.msk $0xffff, v10;
	v10 =	vmul.f32 v36, v6;
	v15 =	vld.idx.msk [tilespmem:v14+s5+$0x0], $0xffff  }
0x226: {  	v27 =	vld.idx.msk [tilespmem:v12+s5+$0x0], $0xffff;
	[tilespmem:v21+s12+$0x0] =	vst.idx.msk $0xffff, v7;
	v7 =	vor.u32 v5, v19;
	v17 =	vmul.f32 v17, v6  }
0x227: {  	v20 =	vor.u32 v5, v20;
	v19 =	vld.idx.msk [tilespmem:v11+s5+$0x0], $0xffff;
	[tilespmem:v29+s12+$0x0] =	vst.idx.msk $0xffff, v10;
	v10 =	vmul.f32 v25, v6  }
0x228: {  	v21 =	vld.idx.msk [tilespmem:v13+s5+$0x0], $0xffff;
	v25 =	vmul.f32 v26, v6;
	[tilespmem:v23+s12+$0x0] =	vst.idx.msk $0xffff, v17  }
0x229: {  	[tilespmem:v52+s12+$0x0] =	vst.idx.msk $0xffff, v10;
	v6 =	vmul.f32 v22, v6;
	v10 =	vld.idx.msk [tilespmem:v18+s5+$0x0], $0xffff  }
0x22a: {  	v15 =	vmul.f32 v15, v8;
	v17 =	vld.idx.msk [tilespmem:v24+s5+$0x0], $0xffff;
	[tilespmem:v9+s12+$0x0] =	vst.idx.msk $0xffff, v25  }
0x22b: {  	v9 =	vmul.f32 v27, v8;
	v22 =	vld.idx.msk [tilespmem:v7+s5+$0x0], $0xffff;
	[tilespmem:v16+s12+$0x0] =	vst.idx.msk $0xffff, v6  }
0x22c: {  	v6 =	vmul.f32 v19, v8;
	[tilespmem:v14+s12+$0x0] =	vst.idx.msk $0xffff, v15;
	v14 =	vld.idx.msk [tilespmem:v20+s5+$0x0], $0xffff  }
0x22d: {  	v15 =	vmul.f32 v21, v8;
	[tilespmem:v12+s12+$0x0] =	vst.idx.msk $0xffff, v9  }
0x22e: {  	[tilespmem:v11+s12+$0x0] =	vst.idx.msk $0xffff, v6;
	v6 =	vmul.f32 v10, v8  }
0x22f: {  	[tilespmem:v13+s12+$0x0] =	vst.idx.msk $0xffff, v15;
	v9 =	vmul.f32 v17, v8  }
0x230: {  	v10 =	vmul.f32 v22, v8;
	[tilespmem:v18+s12+$0x0] =	vst.idx.msk $0xffff, v6  }
0x231: {  	[tilespmem:v24+s12+$0x0] =	vst.idx.msk $0xffff, v9;
	v6 =	vmul.f32 v14, v8  }
0x232: {  	[tilespmem:v7+s12+$0x0] =	vst.idx.msk $0xffff, v10  }
0x233: {  	s10 =	simm.s32 $0x127A0;
	[tilespmem:v20+s12+$0x0] =	vst.idx.msk $0xffff, v6  }
0x234: {  	[spmem:s3] =	stream.indirect.scatter.add.f32 [tilespmem:s12], [sflag:$0x7], $0x20, s10, s2, $0xb8;
	[tilespmem:$0x17700] =	vst v63  }
0x235: {  	_ =	swait.ge [sflag:s14], $0xA00  }
0x236: {  	p1 =	seq.s32 s29, $0x18;
	[sflag:s14] =	ssyncset.done $0x0  }
0x237: {  	s13 =	smul.u32 @!p1 $0x640, s29;
	s10 =	simm.s32 @!p1 $0x6;
	[sflag:s14] =	ssyncadd.s32 $0xFFFFF600  }
0x238: {  	_ =	swait.ge @!p1 [sflag:s10], $0xA00  }
0x239: {  	s16 =	simm.s32 @!p1 $0xC350;
	s30 =	sshra.s32 @!p1 s13, $0x2;
	[sflag:s10] =	ssyncset.done @!p1 $0x0  }
0x23a: {  	s13 =	simm.s32 @!p1 $0x50;
	[sflag:s10] =	ssyncadd.s32 @!p1 $0xFFFFF600;
	s10 =	sadd.s32 @!p1 $0x76C0, s30  }
0x23b: {  	[tilespmem:s16], [sflag:$0x1] =	stream.indirect.gather @!p1 [hbm4b:s0+s13], $0x20, s10, s13, $0xb8;
	[tilespmem:$0x17700] =	vst v63  }
0x23c: {  	v6 =	vld [tilespmem:s26+$0x9CE0]  }
0x23d: {  	v7 =	vld [tilespmem:s26+$0x75D0];
	_ =	sdelay $0x5  }
0x23e: {  	[tilespmem:$0x127F0] =	vst v6  }
0x23f: {  	s10 =	simm.s32 $0x0;
	v8 =	vld.idx.msk [tilespmem:v6+s31+$0x0], $0xffff  }
0x240: {  	v7 =	vld.idx.msk [tilespmem:v7+s10+$0x0], $0xffff;
	_ =	sdelay $0x4  }
0x241: {  	v7 =	vsub.f32 v8, v7;
	_ =	sdelay $0x1  }
0x242: {  	v7 =	vadd.f32 v7, v7;
	_ =	sdelay $0x1  }
0x243: {  	v7 =	vmul.f32 $1.442695020e+00, v7;
	_ =	sdelay $0x1  }
0x244: {  	(erf) = vpow2.f32 v7;
	_ =	sdelay $0x8  }
0x245: {  	v7 =	vpop (erf)  }
0x246: {  	v7 =	vadd.f32 $1.000000000e+00, v7;
	_ =	sdelay $0x1  }
0x247: {  	(erf) = vrcp.f32 v7;
	_ =	sdelay $0x8  }
0x248: {  	v7 =	vpop (erf)  }
0x249: {  	v7 =	vadd.f32 v7, v7;
	_ =	sdelay $0x1  }
0x24a: {  	v7 =	vsub.f32 $1.000000000e+00, v7;
	_ =	sdelay $0x1  }
0x24b: {  	v7 =	vmul.f32 $1.442695020e+00, v7;
	_ =	sdelay $0x1  }
0x24c: {  	(erf) = vpow2.f32 v7;
	_ =	sdelay $0x8  }
0x24d: {  	v10 =	vpop (erf)  }
0x24e: {  	[tilespmem:v6+s8+$0x0] =	vst.idx.add.f32.msk $0xffff, v10  }
0x24f: {  	v6 =	vld [tilespmem:s26+$0x9CF0]  }
0x250: {  	v7 =	vld [tilespmem:s26+$0x75E0];
	_ =	sdelay $0x5  }
0x251: {  	[tilespmem:$0x12800] =	vst v6  }
0x252: {  	v8 =	vld.idx.msk [tilespmem:v6+s31+$0x0], $0xffff  }
0x253: {  	v7 =	vld.idx.msk [tilespmem:v7+s10+$0x0], $0xffff;
	_ =	sdelay $0x4  }
0x254: {  	v7 =	vsub.f32 v8, v7;
	_ =	sdelay $0x1  }
0x255: {  	v7 =	vadd.f32 v7, v7;
	_ =	sdelay $0x1  }
0x256: {  	v7 =	vmul.f32 $1.442695020e+00, v7;
	_ =	sdelay $0x1  }
0x257: {  	(erf) = vpow2.f32 v7;
	_ =	sdelay $0x8  }
0x258: {  	v7 =	vpop (erf)  }
0x259: {  	v7 =	vadd.f32 $1.000000000e+00, v7;
	_ =	sdelay $0x1  }
0x25a: {  	(erf) = vrcp.f32 v7;
	_ =	sdelay $0x8  }
0x25b: {  	v7 =	vpop (erf)  }
0x25c: {  	v7 =	vadd.f32 v7, v7;
	_ =	sdelay $0x1  }
0x25d: {  	v7 =	vsub.f32 $1.000000000e+00, v7;
	_ =	sdelay $0x1  }
0x25e: {  	v7 =	vmul.f32 $1.442695020e+00, v7;
	_ =	sdelay $0x1  }
0x25f: {  	(erf) = vpow2.f32 v7;
	_ =	sdelay $0x8  }
0x260: {  	v9 =	vpop (erf)  }
0x261: {  	[tilespmem:v6+s8+$0x0] =	vst.idx.add.f32.msk $0xffff, v9  }
0x262: {  	v6 =	vld [tilespmem:s26+$0x9D00]  }
0x263: {  	v7 =	vld [tilespmem:s26+$0x75F0];
	_ =	sdelay $0x5  }
0x264: {  	[tilespmem:$0x12810] =	vst v6  }
0x265: {  	v8 =	vld.idx.msk [tilespmem:v6+s31+$0x0], $0xffff  }
0x266: {  	v7 =	vld.idx.msk [tilespmem:v7+s10+$0x0], $0xffff;
	_ =	sdelay $0x4  }
0x267: {  	v7 =	vsub.f32 v8, v7;
	_ =	sdelay $0x1  }
0x268: {  	v7 =	vadd.f32 v7, v7;
	_ =	sdelay $0x1  }
0x269: {  	v7 =	vmul.f32 $1.442695020e+00, v7;
	_ =	sdelay $0x1  }
0x26a: {  	(erf) = vpow2.f32 v7;
	_ =	sdelay $0x8  }
0x26b: {  	v7 =	vpop (erf)  }
0x26c: {  	v7 =	vadd.f32 $1.000000000e+00, v7;
	_ =	sdelay $0x1  }
0x26d: {  	(erf) = vrcp.f32 v7;
	_ =	sdelay $0x8  }
0x26e: {  	v7 =	vpop (erf)  }
0x26f: {  	v7 =	vadd.f32 v7, v7;
	_ =	sdelay $0x1  }
0x270: {  	v7 =	vsub.f32 $1.000000000e+00, v7;
	_ =	sdelay $0x1  }
0x271: {  	v7 =	vmul.f32 $1.442695020e+00, v7;
	_ =	sdelay $0x1  }
0x272: {  	(erf) = vpow2.f32 v7;
	_ =	sdelay $0x8  }
0x273: {  	v7 =	vpop (erf)  }
0x274: {  	[tilespmem:v6+s8+$0x0] =	vst.idx.add.f32.msk $0xffff, v7  }
0x275: {  	v8 =	vld [tilespmem:s26+$0x9D10]  }
0x276: {  	v6 =	vld [tilespmem:s26+$0x7600];
	_ =	sdelay $0x5  }
0x277: {  	[tilespmem:$0x12820] =	vst v8  }
0x278: {  	v11 =	vld.idx.msk [tilespmem:v8+s31+$0x0], $0xffff  }
0x279: {  	v6 =	vld.idx.msk [tilespmem:v6+s10+$0x0], $0xffff;
	_ =	sdelay $0x4  }
0x27a: {  	v6 =	vsub.f32 v11, v6;
	_ =	sdelay $0x1  }
0x27b: {  	v6 =	vadd.f32 v6, v6;
	_ =	sdelay $0x1  }
0x27c: {  	v6 =	vmul.f32 $1.442695020e+00, v6;
	_ =	sdelay $0x1  }
0x27d: {  	(erf) = vpow2.f32 v6;
	_ =	sdelay $0x8  }
0x27e: {  	v6 =	vpop (erf)  }
0x27f: {  	v6 =	vadd.f32 $1.000000000e+00, v6;
	_ =	sdelay $0x1  }
0x280: {  	(erf) = vrcp.f32 v6;
	_ =	sdelay $0x8  }
0x281: {  	v6 =	vpop (erf)  }
0x282: {  	v6 =	vadd.f32 v6, v6;
	_ =	sdelay $0x1  }
0x283: {  	v6 =	vsub.f32 $1.000000000e+00, v6;
	_ =	sdelay $0x1  }
0x284: {  	v6 =	vmul.f32 $1.442695020e+00, v6;
	_ =	sdelay $0x1  }
0x285: {  	(erf) = vpow2.f32 v6;
	_ =	sdelay $0x8  }
0x286: {  	v6 =	vpop (erf)  }
0x287: {  	[tilespmem:v8+s8+$0x0] =	vst.idx.add.f32.msk $0xffff, v6  }
0x288: {  	v11 =	vld [tilespmem:s26+$0x9D20]  }
0x289: {  	v8 =	vld [tilespmem:s26+$0x7610];
	_ =	sdelay $0x5  }
0x28a: {  	[tilespmem:$0x12830] =	vst v11  }
0x28b: {  	v12 =	vld.idx.msk [tilespmem:v11+s31+$0x0], $0xffff  }
0x28c: {  	v8 =	vld.idx.msk [tilespmem:v8+s10+$0x0], $0xffff;
	_ =	sdelay $0x4  }
0x28d: {  	v8 =	vsub.f32 v12, v8;
	_ =	sdelay $0x1  }
0x28e: {  	v8 =	vadd.f32 v8, v8;
	_ =	sdelay $0x1  }
0x28f: {  	v8 =	vmul.f32 $1.442695020e+00, v8;
	_ =	sdelay $0x1  }
0x290: {  	(erf) = vpow2.f32 v8;
	_ =	sdelay $0x8  }
0x291: {  	v8 =	vpop (erf)  }
0x292: {  	v8 =	vadd.f32 $1.000000000e+00, v8;
	_ =	sdelay $0x1  }
0x293: {  	(erf) = vrcp.f32 v8;
	_ =	sdelay $0x8  }
0x294: {  	v8 =	vpop (erf)  }
0x295: {  	v8 =	vadd.f32 v8, v8;
	_ =	sdelay $0x1  }
0x296: {  	v8 =	vsub.f32 $1.000000000e+00, v8;
	_ =	sdelay $0x1  }
0x297: {  	v8 =	vmul.f32 $1.442695020e+00, v8;
	_ =	sdelay $0x1  }
0x298: {  	(erf) = vpow2.f32 v8  }
0x299: {  	s16 =	simm.s32 $0x2  }
0x29a: {  	s26 =	simm.s32 $0x1;
	v8 =	vmov s16  }
0x29b: {  	v12 =	vmov s26;
	v8 =	vand.u32 $0x1E, v8  }
0x29c: {  	s26 =	simm.s32 $0x3;
	v12 =	vand.u32 $0x1D, v12;
	v15 =	vbroadcast v8, $0x0  }
0x29d: {  	v17 =	vbroadcast v12, $0x0;
	v8 =	vmov s26  }
0x29e: {  	v8 =	vand.u32 $0x1F, v8;
	v12 =	vor.u32 v0, v15  }
0x29f: {  	v13 =	vor.u32 v0, v17  }
0x2a0: {  	v24 =	vbroadcast v8, $0x0  }
0x2a1: {  	v14 =	vmov s10;
	v8 =	vpop (erf)  }
0x2a2: {  	[tilespmem:v11+s8+$0x0] =	vst.idx.add.f32.msk $0xffff, v8;
	v11 =	vand.u32 $0x1C, v14;
	v14 =	vor.u32 v0, v24  }
0x2a3: {  	v16 =	vbroadcast v11, $0x0;
	v11 =	vld.idx.msk [tilespmem:v12+s6+$0x0], $0xffff  }
0x2a4: {  	v18 =	vld.idx.msk [tilespmem:v13+s6+$0x0], $0xffff  }
0x2a5: {  	v19 =	vor.u32 v0, v16  }
0x2a6: {  	s16 =	simm.s32 $0x5;
	v20 =	vor.u32 v2, v15  }
0x2a7: {  	v21 =	vor.u32 v2, v17;
	v22 =	vmov s16;
	s26 =	simm.s32 $0x6;
	v23 =	vld.idx.msk [tilespmem:v14+s6+$0x0], $0xffff  }
0x2a8: {  	v22 =	vand.u32 $0x1D, v22;
	v25 =	vmul.f32 v11, v10;
	v11 =	vmov s26  }
0x2a9: {  	v18 =	vmul.f32 v18, v10;
	v26 =	vand.u32 $0x1E, v11;
	v11 =	vbroadcast v22, $0x0  }
0x2aa: {  	v27 =	vor.u32 v2, v24;
	[tilespmem:v12+s15+$0x0] =	vst.idx.msk $0xffff, v25;
	v12 =	vbroadcast v26, $0x0;
	v22 =	vld.idx.msk [tilespmem:v19+s6+$0x0], $0xffff  }
0x2ab: {  	[tilespmem:v13+s15+$0x0] =	vst.idx.msk $0xffff, v18;
	v18 =	vor.u32 v0, v11;
	v13 =	vld.idx.msk [tilespmem:v20+s6+$0x0], $0xffff  }
0x2ac: {  	v25 =	vld.idx.msk [tilespmem:v21+s6+$0x0], $0xffff;
	v30 =	vor.u32 v0, v12;
	v23 =	vmul.f32 v23, v10  }
0x2ad: {  	s16 =	simm.s32 $0x4;
	v28 =	vor.u32 v2, v16  }
0x2ae: {  	v29 =	vor.u32 v3, v17;
	v54 =	vor.u32 v3, v15;
	s26 =	simm.s32 $0x7;
	[tilespmem:v14+s15+$0x0] =	vst.idx.msk $0xffff, v23;
	v14 =	vmov s16  }
0x2af: {  	v23 =	vmov s26;
	v31 =	vld.idx.msk [tilespmem:v27+s6+$0x0], $0xffff;
	v22 =	vmul.f32 v22, v10;
	v14 =	vand.u32 $0x1C, v14  }
0x2b0: {  	v55 =	vld.idx.msk [tilespmem:v18+s6+$0x0], $0xffff;
	v26 =	vmul.f32 v13, v9;
	v13 =	vbroadcast v14, $0x0;
	v14 =	vand.u32 $0x1F, v23  }
0x2b1: {  	v23 =	vmul.f32 v25, v9;
	v25 =	vld.idx.msk [tilespmem:v30+s6+$0x0], $0xffff;
	[tilespmem:v19+s15+$0x0] =	vst.idx.msk $0xffff, v22;
	v14 =	vbroadcast v14, $0x0  }
0x2b2: {  	v56 =	vor.u32 v3, v24;
	v19 =	vld.idx.msk [tilespmem:v28+s6+$0x0], $0xffff;
	[tilespmem:v20+s15+$0x0] =	vst.idx.msk $0xffff, v26  }
0x2b3: {  	s13 =	simm.s32 $0x9;
	v20 =	vld.idx.msk [tilespmem:v54+s6+$0x0], $0xffff;
	v36 =	vor.u32 v0, v14  }
0x2b4: {  	v60 =	vmov s13;
	[tilespmem:v21+s15+$0x0] =	vst.idx.msk $0xffff, v23;
	v26 =	vor.u32 v2, v11;
	v31 =	vmul.f32 v31, v9  }
0x2b5: {  	v32 =	vor.u32 v4, v15;
	v34 =	vor.u32 v3, v16;
	v22 =	vor.u32 v2, v12;
	v57 =	vld.idx.msk [tilespmem:v29+s6+$0x0], $0xffff  }
0x2b6: {  	v40 =	vand.u32 $0x1D, v60;
	v35 =	vor.u32 v0, v13;
	v58 =	vmul.f32 v55, v10;
	[tilespmem:v27+s15+$0x0] =	vst.idx.msk $0xffff, v31  }
0x2b7: {  	v23 =	vor.u32 v4, v16;
	v21 =	vor.u32 v4, v17;
	v27 =	vld.idx.msk [tilespmem:v56+s6+$0x0], $0xffff;
	v19 =	vmul.f32 v19, v9  }
0x2b8: {  	s26 =	simm.s32 $0xA;
	v59 =	vmul.f32 v25, v10;
	[tilespmem:v18+s15+$0x0] =	vst.idx.msk $0xffff, v58;
	v20 =	vmul.f32 v20, v7;
	v62 =	vld.idx.msk [tilespmem:v36+s6+$0x0], $0xffff  }
0x2b9: {  	s16 =	simm.s32 $0x8;
	v61 =	vmov s26;
	v25 =	vor.u32 v2, v14;
	v31 =	vor.u32 v4, v24;
	v37 =	vld.idx.msk [tilespmem:v26+s6+$0x0], $0xffff;
	[tilespmem:v28+s15+$0x0] =	vst.idx.msk $0xffff, v19  }
0x2ba: {  	v18 =	vmov s16;
	v38 =	vmul.f32 v57, v7;
	v28 =	vand.u32 $0x1E, v61;
	[tilespmem:v54+s15+$0x0] =	vst.idx.msk $0xffff, v20;
	v41 =	vld.idx.msk [tilespmem:v34+s6+$0x0], $0xffff  }
0x2bb: {  	s26 =	simm.s32 $0xB;
	v18 =	vand.u32 $0x1C, v18;
	v19 =	vbroadcast v40, $0x0;
	v28 =	vbroadcast v28, $0x0;
	v40 =	vld.idx.msk [tilespmem:v32+s6+$0x0], $0xffff  }
0x2bc: {  	v63 =	vmov s26;
	v42 =	vld.idx.msk [tilespmem:v35+s6+$0x0], $0xffff;
	[tilespmem:v30+s15+$0x0] =	vst.idx.msk $0xffff, v59;
	v20 =	vbroadcast v18, $0x0;
	v45 =	vmul.f32 v27, v7  }
0x2bd: {  	v39 =	vld.idx.msk [tilespmem:v22+s6+$0x0], $0xffff;
	v18 =	vand.u32 $0x1F, v63;
	v33 =	vor.u32 v0, v19;
	v30 =	vor.u32 v0, v28  }
0x2be: {  	s26 =	simm.s32 $0xC;
	v18 =	vbroadcast v18, $0x0;
	v27 =	vor.u32 v0, v20;
	v43 =	vmul.f32 v62, v10;
	[tilespmem:v56+s15+$0x0] =	vst.idx.msk $0xffff, v45  }
.LBB2_11:
0x2bf: {  	p2 =	slt.u32 s26, $0x1C;
	v37 =	vmul.f32 v37, v9;
	v41 =	vmul.f32 v41, v7;
	[tilespmem:v29+s15+$0x0] =	vst.idx.msk $0xffff, v38;
	v38 =	vld.idx.msk [tilespmem:v31+s6+$0x0], $0xffff;
	s10 =	smov.u32 s26;
	s26 =	sadd.s32 $0x4, s26  }
0x2c0: {  	v29 =	vmul.f32 v40, v6;
	[tilespmem:v36+s15+$0x0] =	vst.idx.msk $0xffff, v43;
	v36 =	vld.idx.msk [tilespmem:v21+s6+$0x0], $0xffff;
	v43 =	vor.u32 v5, v15  }
0x2c1: {  	v40 =	vor.u32 v2, v13;
	v15 =	vmov v12;
	v12 =	vmov v28;
	v44 =	vld.idx.msk [tilespmem:v25+s6+$0x0], $0xffff;
	[tilespmem:v34+s15+$0x0] =	vst.idx.msk $0xffff, v41  }
0x2c2: {  	v28 =	vmul.f32 v42, v10;
	v41 =	vor.u32 v3, v15;
	v34 =	vld.idx.msk [tilespmem:v23+s6+$0x0], $0xffff;
	[tilespmem:v32+s15+$0x0] =	vst.idx.msk $0xffff, v29  }
0x2c3: {  	v45 =	vor.u32 v5, v17;
	v29 =	vor.u32 v3, v11;
	v42 =	vld.idx.msk [tilespmem:v30+s6+$0x0], $0xffff;
	[tilespmem:v26+s15+$0x0] =	vst.idx.msk $0xffff, v37  }
0x2c4: {  	v46 =	vor.u32 v5, v16;
	v17 =	vmul.f32 v39, v9;
	v39 =	vor.u32 v5, v24;
	v32 =	vld.idx.msk [tilespmem:v33+s6+$0x0], $0xffff  }
0x2c5: {  	v26 =	vor.u32 v2, v19;
	v48 =	vmul.f32 v38, v6;
	[tilespmem:v35+s15+$0x0] =	vst.idx.msk $0xffff, v28;
	v24 =	vld.idx.msk [tilespmem:v43+s6+$0x0], $0xffff  }
0x2c6: {  	v47 =	vor.u32 v3, v14;
	v35 =	vmul.f32 v36, v6;
	v28 =	vld.idx.msk [tilespmem:v40+s6+$0x0], $0xffff;
	[tilespmem:v22+s15+$0x0] =	vst.idx.msk $0xffff, v17  }
0x2c7: {  	v22 =	vor.u32 v2, v12;
	v37 =	vmul.f32 v44, v9;
	v38 =	vld.idx.msk [tilespmem:v41+s6+$0x0], $0xffff;
	[tilespmem:v31+s15+$0x0] =	vst.idx.msk $0xffff, v48  }
0x2c8: {  	v16 =	vmovc v13;
	v13 =	vmovc v20;
	v17 =	vmov v11;
	v11 =	vmov v19;
	v31 =	vmul.f32 v34, v6;
	v44 =	vld.idx.msk [tilespmem:v29+s6+$0x0], $0xffff  }
0x2c9: {  	v19 =	vor.u32 v4, v16;
	[tilespmem:v21+s15+$0x0] =	vst.idx.msk $0xffff, v35;
	v21 =	vor.u32 v4, v17;
	v20 =	vld.idx.msk [tilespmem:v39+s6+$0x0], $0xffff  }
0x2ca: {  	v36 =	vor.u32 v0, v18;
	v35 =	vmul.f32 v32, v10;
	[tilespmem:v25+s15+$0x0] =	vst.idx.msk $0xffff, v37;
	v48 =	vld.idx.msk [tilespmem:v45+s6+$0x0], $0xffff  }
0x2cb: {  	v34 =	vor.u32 v3, v16;
	v32 =	vor.u32 v4, v15;
	v49 =	vld.idx.msk [tilespmem:v47+s6+$0x0], $0xffff;
	[tilespmem:v23+s15+$0x0] =	vst.idx.msk $0xffff, v31  }
0x2cc: {  	[tilespmem:v33+s15+$0x0] =	vst.idx.msk $0xffff, v35;
	v33 =	vmul.f32 v42, v10;
	v35 =	vmul.f32 v28, v9;
	v42 =	vld.idx.msk [tilespmem:v46+s6+$0x0], $0xffff  }
0x2cd: {  	v25 =	vor.u32 v2, v18;
	v31 =	vor.u32 v4, v14;
	v28 =	vmul.f32 v38, v7;
	v37 =	vld.idx.msk [tilespmem:v26+s6+$0x0], $0xffff  }
0x2ce: {  	v50 =	vmov s10;
	s13 =	sadd.s32 $0x1, s10;
	s16 =	sadd.s32 $0x2, s10;
	s10 =	sadd.s32 $0x3, s10;
	v23 =	vmovc v19;
	v38 =	vmul.f32 v44, v7;
	v44 =	vmul.f32 v24, v8;
	[tilespmem:v40+s15+$0x0] =	vst.idx.msk $0xffff, v35  }
0x2cf: {  	v52 =	vmov s16;
	v19 =	vmov s13;
	v24 =	vmovc v14;
	v14 =	vmovc v18;
	v20 =	vmul.f32 v20, v8;
	v51 =	vld.idx.msk [tilespmem:v36+s6+$0x0], $0xffff;
	[tilespmem:v41+s15+$0x0] =	vst.idx.msk $0xffff, v28  }
0x2d0: {  	v18 =	vand.u32 $0x1D, v19;
	v28 =	vand.u32 $0x1E, v52;
	[tilespmem:v30+s15+$0x0] =	vst.idx.msk $0xffff, v33;
	v41 =	vld.idx.msk [tilespmem:v34+s6+$0x0], $0xffff;
	v30 =	vmul.f32 v48, v8  }
.Ltmp4:
0x2d1: {  	v19 =	vbroadcast v18, $0x0;
	v18 =	vmov s10;
	v48 =	vmul.f32 v49, v7;
	v35 =	vmovc v27;
	v40 =	vld.idx.msk [tilespmem:v32+s6+$0x0], $0xffff;
	[tilespmem:v39+s15+$0x0] =	vst.idx.msk $0xffff, v20;
	(pc) =	sbr.rel @p2 .LBB2_11-.Ltmp4, $4  }
0x2d2: {  	v28 =	vbroadcast v28, $0x0;
	v20 =	vand.u32 $0x1C, v50;
	v49 =	vmul.f32 v42, v8;
	[tilespmem:v43+s15+$0x0] =	vst.idx.msk $0xffff, v44  }
0x2d3: {  	v18 =	vand.u32 $0x1F, v18;
	v33 =	vor.u32 v0, v19;
	v20 =	vbroadcast v20, $0x0;
	v42 =	vld.idx.msk [tilespmem:v27+s6+$0x0], $0xffff;
	[tilespmem:v45+s15+$0x0] =	vst.idx.msk $0xffff, v30  }
0x2d4: {  	v18 =	vbroadcast v18, $0x0;
	v30 =	vor.u32 v0, v28;
	v39 =	vld.idx.msk [tilespmem:v22+s6+$0x0], $0xffff;
	[tilespmem:v46+s15+$0x0] =	vst.idx.msk $0xffff, v49  }
0x2d5: {  	v27 =	vor.u32 v0, v20;
	v43 =	vmul.f32 v51, v10;
	[tilespmem:v47+s15+$0x0] =	vst.idx.msk $0xffff, v48  }
0x2d6: {  	_ =	sdelay $0x3  }
0x2d7: {  	v41 =	vmul.f32 v41, v7;
	[tilespmem:v29+s15+$0x0] =	vst.idx.msk $0xffff, v38;
	v29 =	vld.idx.msk [tilespmem:v31+s6+$0x0], $0xffff;
	v53 =	vor.u32 v0, v18  }
0x2d8: {  	v40 =	vmul.f32 v40, v6;
	[tilespmem:v36+s15+$0x0] =	vst.idx.msk $0xffff, v43;
	v54 =	vld.idx.msk [tilespmem:v21+s6+$0x0], $0xffff  }
0x2d9: {  	v37 =	vmul.f32 v37, v9;
	v55 =	vor.u32 v2, v13;
	v44 =	vld.idx.msk [tilespmem:v25+s6+$0x0], $0xffff;
	[tilespmem:v34+s15+$0x0] =	vst.idx.msk $0xffff, v41  }
0x2da: {  	v56 =	vmul.f32 v42, v10;
	[tilespmem:v32+s15+$0x0] =	vst.idx.msk $0xffff, v40;
	v41 =	vld.idx.msk [tilespmem:v23+s6+$0x0], $0xffff  }
0x2db: {  	v57 =	vor.u32 v3, v12;
	[tilespmem:v26+s15+$0x0] =	vst.idx.msk $0xffff, v37;
	v26 =	vld.idx.msk [tilespmem:v33+s6+$0x0], $0xffff;
	v58 =	vmul.f32 v39, v9  }
0x2dc: {  	v24 =	vor.u32 v5, v24;
	[tilespmem:v35+s15+$0x0] =	vst.idx.msk $0xffff, v56;
	v29 =	vmul.f32 v29, v6;
	v59 =	vld.idx.msk [tilespmem:v53+s6+$0x0], $0xffff  }
0x2dd: {  	v15 =	vor.u32 v5, v15;
	v60 =	vld.idx.msk [tilespmem:v30+s6+$0x0], $0xffff;
	[tilespmem:v22+s15+$0x0] =	vst.idx.msk $0xffff, v58;
	v22 =	vmul.f32 v54, v6  }
0x2de: {  	v17 =	vor.u32 v5, v17;
	v61 =	vld.idx.msk [tilespmem:v55+s6+$0x0], $0xffff;
	v62 =	vmul.f32 v44, v9;
	[tilespmem:v31+s15+$0x0] =	vst.idx.msk $0xffff, v29  }
0x2df: {  	v29 =	vmul.f32 v41, v6;
	[tilespmem:v21+s15+$0x0] =	vst.idx.msk $0xffff, v22;
	v21 =	vor.u32 v2, v18;
	v22 =	vld.idx.msk [tilespmem:v27+s6+$0x0], $0xffff  }
0x2e0: {  	v63 =	vld.idx.msk [tilespmem:v57+s6+$0x0], $0xffff;
	v31 =	vor.u32 v2, v28;
	v26 =	vmul.f32 v26, v10;
	[tilespmem:v25+s15+$0x0] =	vst.idx.msk $0xffff, v62  }
0x2e1: {  	v40 =	vld.idx.msk [tilespmem:v24+s6+$0x0], $0xffff;
	v25 =	vor.u32 v2, v19;
	[tilespmem:v23+s15+$0x0] =	vst.idx.msk $0xffff, v29;
	v23 =	vmul.f32 v59, v10  }
0x2e2: {  	v41 =	vor.u32 v2, v20;
	[tilespmem:v33+s15+$0x0] =	vst.idx.msk $0xffff, v26;
	v26 =	vmul.f32 v60, v10;
	v29 =	vld.idx.msk [tilespmem:v15+s6+$0x0], $0xffff  }
0x2e3: {  	v42 =	vor.u32 v3, v14;
	v44 =	vld.idx.msk [tilespmem:v17+s6+$0x0], $0xffff;
	v36 =	vmul.f32 v61, v9;
	[tilespmem:v53+s15+$0x0] =	vst.idx.msk $0xffff, v23  }
0x2e4: {  	v16 =	vor.u32 v5, v16;
	[tilespmem:v30+s15+$0x0] =	vst.idx.msk $0xffff, v26;
	v23 =	vld.idx.msk [tilespmem:v21+s6+$0x0], $0xffff;
	v10 =	vmul.f32 v22, v10  }
0x2e5: {  	v26 =	vmul.f32 v63, v7;
	[tilespmem:v55+s15+$0x0] =	vst.idx.msk $0xffff, v36;
	v30 =	vld.idx.msk [tilespmem:v31+s6+$0x0], $0xffff;
	v22 =	vor.u32 v3, v11  }
0x2e6: {  	v45 =	vor.u32 v3, v13;
	v37 =	vmul.f32 v40, v8;
	v46 =	vld.idx.msk [tilespmem:v25+s6+$0x0], $0xffff;
	[tilespmem:v27+s15+$0x0] =	vst.idx.msk $0xffff, v10  }
0x2e7: {  	[tilespmem:v57+s15+$0x0] =	vst.idx.msk $0xffff, v26;
	v10 =	vmul.f32 v29, v8;
	v27 =	vor.u32 v3, v18;
	v26 =	vld.idx.msk [tilespmem:v41+s6+$0x0], $0xffff  }
0x2e8: {  	v47 =	vmul.f32 v44, v8;
	v29 =	vld.idx.msk [tilespmem:v42+s6+$0x0], $0xffff;
	[tilespmem:v24+s15+$0x0] =	vst.idx.msk $0xffff, v37;
	v24 =	vor.u32 v3, v28  }
0x2e9: {  	v48 =	vld.idx.msk [tilespmem:v16+s6+$0x0], $0xffff;
	[tilespmem:v15+s15+$0x0] =	vst.idx.msk $0xffff, v10;
	v10 =	vor.u32 v3, v19;
	v15 =	vmul.f32 v23, v9  }
0x2ea: {  	[tilespmem:v17+s15+$0x0] =	vst.idx.msk $0xffff, v47;
	v17 =	vmul.f32 v30, v9;
	v30 =	vor.u32 v3, v20;
	v23 =	vld.idx.msk [tilespmem:v22+s6+$0x0], $0xffff  }
0x2eb: {  	v49 =	vor.u32 v4, v14;
	v50 =	vld.idx.msk [tilespmem:v45+s6+$0x0], $0xffff;
	v38 =	vmul.f32 v46, v9;
	[tilespmem:v21+s15+$0x0] =	vst.idx.msk $0xffff, v15  }
0x2ec: {  	[tilespmem:v31+s15+$0x0] =	vst.idx.msk $0xffff, v17;
	v15 =	vor.u32 v4, v12;
	v17 =	vld.idx.msk [tilespmem:v27+s6+$0x0], $0xffff;
	v9 =	vmul.f32 v26, v9  }
0x2ed: {  	v21 =	vor.u32 v4, v11;
	v26 =	vmul.f32 v29, v7;
	[tilespmem:v25+s15+$0x0] =	vst.idx.msk $0xffff, v38;
	v25 =	vld.idx.msk [tilespmem:v24+s6+$0x0], $0xffff  }
0x2ee: {  	v31 =	vmul.f32 v48, v8;
	v29 =	vor.u32 v4, v13;
	v51 =	vld.idx.msk [tilespmem:v10+s6+$0x0], $0xffff;
	[tilespmem:v41+s15+$0x0] =	vst.idx.msk $0xffff, v9  }
0x2ef: {  	v9 =	vmul.f32 v23, v7;
	[tilespmem:v42+s15+$0x0] =	vst.idx.msk $0xffff, v26;
	v23 =	vor.u32 v4, v18;
	v26 =	vld.idx.msk [tilespmem:v30+s6+$0x0], $0xffff  }
0x2f0: {  	v52 =	vor.u32 v4, v28;
	[tilespmem:v16+s15+$0x0] =	vst.idx.msk $0xffff, v31;
	v16 =	vmul.f32 v50, v7;
	v31 =	vld.idx.msk [tilespmem:v49+s6+$0x0], $0xffff  }
0x2f1: {  	v53 =	vld.idx.msk [tilespmem:v15+s6+$0x0], $0xffff;
	[tilespmem:v22+s15+$0x0] =	vst.idx.msk $0xffff, v9;
	v9 =	vor.u32 v4, v19;
	v17 =	vmul.f32 v17, v7  }
0x2f2: {  	[tilespmem:v45+s15+$0x0] =	vst.idx.msk $0xffff, v16;
	v16 =	vor.u32 v4, v20;
	v22 =	vld.idx.msk [tilespmem:v21+s6+$0x0], $0xffff;
	v25 =	vmul.f32 v25, v7  }
0x2f3: {  	v14 =	vor.u32 v5, v14;
	v36 =	vld.idx.msk [tilespmem:v29+s6+$0x0], $0xffff;
	v35 =	vmul.f32 v51, v7;
	[tilespmem:v27+s15+$0x0] =	vst.idx.msk $0xffff, v17  }
0x2f4: {  	v12 =	vor.u32 v5, v12;
	[tilespmem:v24+s15+$0x0] =	vst.idx.msk $0xffff, v25;
	v7 =	vmul.f32 v26, v7;
	v17 =	vld.idx.msk [tilespmem:v23+s6+$0x0], $0xffff  }
0x2f5: {  	v11 =	vor.u32 v5, v11;
	v24 =	vmul.f32 v31, v6;
	v25 =	vld.idx.msk [tilespmem:v52+s6+$0x0], $0xffff;
	[tilespmem:v10+s15+$0x0] =	vst.idx.msk $0xffff, v35  }
0x2f6: {  	v13 =	vor.u32 v5, v13;
	v10 =	vmul.f32 v53, v6;
	v26 =	vld.idx.msk [tilespmem:v9+s6+$0x0], $0xffff;
	[tilespmem:v30+s15+$0x0] =	vst.idx.msk $0xffff, v7  }
0x2f7: {  	v18 =	vor.u32 v5, v18;
	v7 =	vmul.f32 v22, v6;
	[tilespmem:v49+s15+$0x0] =	vst.idx.msk $0xffff, v24;
	v22 =	vld.idx.msk [tilespmem:v16+s6+$0x0], $0xffff  }
0x2f8: {  	v24 =	vor.u32 v5, v28;
	[tilespmem:v15+s15+$0x0] =	vst.idx.msk $0xffff, v10;
	v10 =	vmul.f32 v36, v6;
	v15 =	vld.idx.msk [tilespmem:v14+s6+$0x0], $0xffff  }
0x2f9: {  	v27 =	vld.idx.msk [tilespmem:v12+s6+$0x0], $0xffff;
	[tilespmem:v21+s15+$0x0] =	vst.idx.msk $0xffff, v7;
	v7 =	vor.u32 v5, v19;
	v17 =	vmul.f32 v17, v6  }
0x2fa: {  	v20 =	vor.u32 v5, v20;
	v19 =	vld.idx.msk [tilespmem:v11+s6+$0x0], $0xffff;
	[tilespmem:v29+s15+$0x0] =	vst.idx.msk $0xffff, v10;
	v10 =	vmul.f32 v25, v6  }
0x2fb: {  	v21 =	vld.idx.msk [tilespmem:v13+s6+$0x0], $0xffff;
	v25 =	vmul.f32 v26, v6;
	[tilespmem:v23+s15+$0x0] =	vst.idx.msk $0xffff, v17  }
0x2fc: {  	[tilespmem:v52+s15+$0x0] =	vst.idx.msk $0xffff, v10;
	v6 =	vmul.f32 v22, v6;
	v10 =	vld.idx.msk [tilespmem:v18+s6+$0x0], $0xffff  }
0x2fd: {  	v15 =	vmul.f32 v15, v8;
	v17 =	vld.idx.msk [tilespmem:v24+s6+$0x0], $0xffff;
	[tilespmem:v9+s15+$0x0] =	vst.idx.msk $0xffff, v25  }
0x2fe: {  	v9 =	vmul.f32 v27, v8;
	v22 =	vld.idx.msk [tilespmem:v7+s6+$0x0], $0xffff;
	[tilespmem:v16+s15+$0x0] =	vst.idx.msk $0xffff, v6  }
0x2ff: {  	v6 =	vmul.f32 v19, v8;
	[tilespmem:v14+s15+$0x0] =	vst.idx.msk $0xffff, v15;
	v14 =	vld.idx.msk [tilespmem:v20+s6+$0x0], $0xffff  }
0x300: {  	v15 =	vmul.f32 v21, v8;
	[tilespmem:v12+s15+$0x0] =	vst.idx.msk $0xffff, v9  }
0x301: {  	[tilespmem:v11+s15+$0x0] =	vst.idx.msk $0xffff, v6;
	v6 =	vmul.f32 v10, v8  }
0x302: {  	[tilespmem:v13+s15+$0x0] =	vst.idx.msk $0xffff, v15;
	v9 =	vmul.f32 v17, v8  }
0x303: {  	v10 =	vmul.f32 v22, v8;
	[tilespmem:v18+s15+$0x0] =	vst.idx.msk $0xffff, v6  }
0x304: {  	[tilespmem:v24+s15+$0x0] =	vst.idx.msk $0xffff, v9;
	v6 =	vmul.f32 v14, v8  }
0x305: {  	[tilespmem:v7+s15+$0x0] =	vst.idx.msk $0xffff, v10  }
0x306: {  	s10 =	simm.s32 $0x127F0;
	[tilespmem:v20+s15+$0x0] =	vst.idx.msk $0xffff, v6  }
0x307: {  	[spmem:s3] =	stream.indirect.scatter.add.f32 [tilespmem:s15], [sflag:$0x8], $0x20, s10, s2, $0xb8;
	[tilespmem:$0x17700] =	vst v63  }
0x308: {  	_ =	swait.ge [sflag:s17], $0xA00  }
0x309: {  	[sflag:s17] =	ssyncset.done $0x0  }
0x30a: {  	s10 =	simm.s32 @!p1 $0x7;
	[sflag:s17] =	ssyncadd.s32 $0xFFFFF600  }
0x30b: {  	_ =	swait.ge @!p1 [sflag:s10], $0xA00  }
0x30c: {  	s13 =	simm.s32 @!p1 $0x50;
	s16 =	simm.s32 @!p1 $0xCD50;
	[sflag:s10] =	ssyncset.done @!p1 $0x0  }
0x30d: {  	s25 =	smul.u32 $0x50, s25;
	[sflag:s10] =	ssyncadd.s32 @!p1 $0xFFFFF600;
	s10 =	sadd.s32 @!p1 $0x7710, s30  }
0x30e: {  	[tilespmem:s16], [sflag:$0x2] =	stream.indirect.gather @!p1 [hbm4b:s0+s13], $0x20, s10, s13, $0xb8;
	[tilespmem:$0x17700] =	vst v63  }
0x30f: {  	v6 =	vld [tilespmem:s25+$0x9C40]  }
0x310: {  	v7 =	vld [tilespmem:s25+$0x7530];
	_ =	sdelay $0x5  }
0x311: {  	[tilespmem:$0x12840] =	vst v6  }
0x312: {  	s10 =	simm.s32 $0x0;
	v8 =	vld.idx.msk [tilespmem:v6+s31+$0x0], $0xffff  }
0x313: {  	v7 =	vld.idx.msk [tilespmem:v7+s10+$0x0], $0xffff;
	_ =	sdelay $0x4  }
0x314: {  	v7 =	vsub.f32 v8, v7;
	_ =	sdelay $0x1  }
0x315: {  	v7 =	vadd.f32 v7, v7;
	_ =	sdelay $0x1  }
0x316: {  	v7 =	vmul.f32 $1.442695020e+00, v7;
	_ =	sdelay $0x1  }
0x317: {  	(erf) = vpow2.f32 v7;
	_ =	sdelay $0x8  }
0x318: {  	v7 =	vpop (erf)  }
0x319: {  	v7 =	vadd.f32 $1.000000000e+00, v7;
	_ =	sdelay $0x1  }
0x31a: {  	(erf) = vrcp.f32 v7;
	_ =	sdelay $0x8  }
0x31b: {  	v7 =	vpop (erf)  }
0x31c: {  	v7 =	vadd.f32 v7, v7;
	_ =	sdelay $0x1  }
0x31d: {  	v7 =	vsub.f32 $1.000000000e+00, v7;
	_ =	sdelay $0x1  }
0x31e: {  	v7 =	vmul.f32 $1.442695020e+00, v7;
	_ =	sdelay $0x1  }
0x31f: {  	(erf) = vpow2.f32 v7;
	_ =	sdelay $0x8  }
0x320: {  	v10 =	vpop (erf)  }
0x321: {  	[tilespmem:v6+s8+$0x0] =	vst.idx.add.f32.msk $0xffff, v10  }
0x322: {  	v6 =	vld [tilespmem:s25+$0x9C50]  }
0x323: {  	v7 =	vld [tilespmem:s25+$0x7540];
	_ =	sdelay $0x5  }
0x324: {  	[tilespmem:$0x12850] =	vst v6  }
0x325: {  	v8 =	vld.idx.msk [tilespmem:v6+s31+$0x0], $0xffff  }
0x326: {  	v7 =	vld.idx.msk [tilespmem:v7+s10+$0x0], $0xffff;
	_ =	sdelay $0x4  }
0x327: {  	v7 =	vsub.f32 v8, v7;
	_ =	sdelay $0x1  }
0x328: {  	v7 =	vadd.f32 v7, v7;
	_ =	sdelay $0x1  }
0x329: {  	v7 =	vmul.f32 $1.442695020e+00, v7;
	_ =	sdelay $0x1  }
0x32a: {  	(erf) = vpow2.f32 v7;
	_ =	sdelay $0x8  }
0x32b: {  	v7 =	vpop (erf)  }
0x32c: {  	v7 =	vadd.f32 $1.000000000e+00, v7;
	_ =	sdelay $0x1  }
0x32d: {  	(erf) = vrcp.f32 v7;
	_ =	sdelay $0x8  }
0x32e: {  	v7 =	vpop (erf)  }
0x32f: {  	v7 =	vadd.f32 v7, v7;
	_ =	sdelay $0x1  }
0x330: {  	v7 =	vsub.f32 $1.000000000e+00, v7;
	_ =	sdelay $0x1  }
0x331: {  	v7 =	vmul.f32 $1.442695020e+00, v7;
	_ =	sdelay $0x1  }
0x332: {  	(erf) = vpow2.f32 v7;
	_ =	sdelay $0x8  }
0x333: {  	v9 =	vpop (erf)  }
0x334: {  	[tilespmem:v6+s8+$0x0] =	vst.idx.add.f32.msk $0xffff, v9  }
0x335: {  	v6 =	vld [tilespmem:s25+$0x9C60]  }
0x336: {  	v7 =	vld [tilespmem:s25+$0x7550];
	_ =	sdelay $0x5  }
0x337: {  	[tilespmem:$0x12860] =	vst v6  }
0x338: {  	v8 =	vld.idx.msk [tilespmem:v6+s31+$0x0], $0xffff  }
0x339: {  	v7 =	vld.idx.msk [tilespmem:v7+s10+$0x0], $0xffff;
	_ =	sdelay $0x4  }
0x33a: {  	v7 =	vsub.f32 v8, v7;
	_ =	sdelay $0x1  }
0x33b: {  	v7 =	vadd.f32 v7, v7;
	_ =	sdelay $0x1  }
0x33c: {  	v7 =	vmul.f32 $1.442695020e+00, v7;
	_ =	sdelay $0x1  }
0x33d: {  	(erf) = vpow2.f32 v7;
	_ =	sdelay $0x8  }
0x33e: {  	v7 =	vpop (erf)  }
0x33f: {  	v7 =	vadd.f32 $1.000000000e+00, v7;
	_ =	sdelay $0x1  }
0x340: {  	(erf) = vrcp.f32 v7;
	_ =	sdelay $0x8  }
0x341: {  	v7 =	vpop (erf)  }
0x342: {  	v7 =	vadd.f32 v7, v7;
	_ =	sdelay $0x1  }
0x343: {  	v7 =	vsub.f32 $1.000000000e+00, v7;
	_ =	sdelay $0x1  }
0x344: {  	v7 =	vmul.f32 $1.442695020e+00, v7;
	_ =	sdelay $0x1  }
0x345: {  	(erf) = vpow2.f32 v7;
	_ =	sdelay $0x8  }
0x346: {  	v7 =	vpop (erf)  }
0x347: {  	[tilespmem:v6+s8+$0x0] =	vst.idx.add.f32.msk $0xffff, v7  }
0x348: {  	v8 =	vld [tilespmem:s25+$0x9C70]  }
0x349: {  	v6 =	vld [tilespmem:s25+$0x7560];
	_ =	sdelay $0x5  }
0x34a: {  	[tilespmem:$0x12870] =	vst v8  }
0x34b: {  	v11 =	vld.idx.msk [tilespmem:v8+s31+$0x0], $0xffff  }
0x34c: {  	v6 =	vld.idx.msk [tilespmem:v6+s10+$0x0], $0xffff;
	_ =	sdelay $0x4  }
0x34d: {  	v6 =	vsub.f32 v11, v6;
	_ =	sdelay $0x1  }
0x34e: {  	v6 =	vadd.f32 v6, v6;
	_ =	sdelay $0x1  }
0x34f: {  	v6 =	vmul.f32 $1.442695020e+00, v6;
	_ =	sdelay $0x1  }
0x350: {  	(erf) = vpow2.f32 v6;
	_ =	sdelay $0x8  }
0x351: {  	v6 =	vpop (erf)  }
0x352: {  	v6 =	vadd.f32 $1.000000000e+00, v6;
	_ =	sdelay $0x1  }
0x353: {  	(erf) = vrcp.f32 v6;
	_ =	sdelay $0x8  }
0x354: {  	v6 =	vpop (erf)  }
0x355: {  	v6 =	vadd.f32 v6, v6;
	_ =	sdelay $0x1  }
0x356: {  	v6 =	vsub.f32 $1.000000000e+00, v6;
	_ =	sdelay $0x1  }
0x357: {  	v6 =	vmul.f32 $1.442695020e+00, v6;
	_ =	sdelay $0x1  }
0x358: {  	(erf) = vpow2.f32 v6;
	_ =	sdelay $0x8  }
0x359: {  	v6 =	vpop (erf)  }
0x35a: {  	[tilespmem:v8+s8+$0x0] =	vst.idx.add.f32.msk $0xffff, v6  }
0x35b: {  	v11 =	vld [tilespmem:s25+$0x9C80]  }
0x35c: {  	v8 =	vld [tilespmem:s25+$0x7570];
	_ =	sdelay $0x5  }
0x35d: {  	[tilespmem:$0x12880] =	vst v11  }
0x35e: {  	v12 =	vld.idx.msk [tilespmem:v11+s31+$0x0], $0xffff  }
0x35f: {  	v8 =	vld.idx.msk [tilespmem:v8+s10+$0x0], $0xffff;
	_ =	sdelay $0x4  }
0x360: {  	v8 =	vsub.f32 v12, v8;
	_ =	sdelay $0x1  }
0x361: {  	v8 =	vadd.f32 v8, v8;
	_ =	sdelay $0x1  }
0x362: {  	v8 =	vmul.f32 $1.442695020e+00, v8;
	_ =	sdelay $0x1  }
0x363: {  	(erf) = vpow2.f32 v8;
	_ =	sdelay $0x8  }
0x364: {  	v8 =	vpop (erf)  }
0x365: {  	v8 =	vadd.f32 $1.000000000e+00, v8;
	_ =	sdelay $0x1  }
0x366: {  	(erf) = vrcp.f32 v8;
	_ =	sdelay $0x8  }
0x367: {  	v8 =	vpop (erf)  }
0x368: {  	v8 =	vadd.f32 v8, v8;
	_ =	sdelay $0x1  }
0x369: {  	v8 =	vsub.f32 $1.000000000e+00, v8;
	_ =	sdelay $0x1  }
0x36a: {  	v8 =	vmul.f32 $1.442695020e+00, v8;
	_ =	sdelay $0x1  }
0x36b: {  	(erf) = vpow2.f32 v8  }
0x36c: {  	s16 =	simm.s32 $0x2  }
0x36d: {  	s25 =	simm.s32 $0x1;
	v8 =	vmov s16  }
0x36e: {  	v12 =	vmov s25;
	v8 =	vand.u32 $0x1E, v8  }
0x36f: {  	s26 =	simm.s32 $0x3;
	v12 =	vand.u32 $0x1D, v12;
	v15 =	vbroadcast v8, $0x0  }
0x370: {  	v17 =	vbroadcast v12, $0x0;
	v8 =	vmov s26  }
0x371: {  	v8 =	vand.u32 $0x1F, v8;
	v12 =	vor.u32 v0, v15  }
0x372: {  	v13 =	vor.u32 v0, v17  }
0x373: {  	v24 =	vbroadcast v8, $0x0  }
0x374: {  	v14 =	vmov s10;
	v8 =	vpop (erf)  }
0x375: {  	[tilespmem:v11+s8+$0x0] =	vst.idx.add.f32.msk $0xffff, v8;
	v11 =	vand.u32 $0x1C, v14;
	v14 =	vor.u32 v0, v24  }
0x376: {  	v16 =	vbroadcast v11, $0x0;
	v11 =	vld.idx.msk [tilespmem:v12+s18+$0x0], $0xffff  }
0x377: {  	v18 =	vld.idx.msk [tilespmem:v13+s18+$0x0], $0xffff  }
0x378: {  	v19 =	vor.u32 v0, v16  }
0x379: {  	s13 =	simm.s32 $0x5;
	v20 =	vor.u32 v2, v15  }
0x37a: {  	v22 =	vmov s13;
	v21 =	vor.u32 v2, v17;
	s16 =	simm.s32 $0x6;
	v23 =	vld.idx.msk [tilespmem:v14+s18+$0x0], $0xffff  }
0x37b: {  	v22 =	vand.u32 $0x1D, v22;
	v25 =	vmul.f32 v11, v10;
	v11 =	vmov s16  }
0x37c: {  	v18 =	vmul.f32 v18, v10;
	v26 =	vand.u32 $0x1E, v11;
	v11 =	vbroadcast v22, $0x0  }
0x37d: {  	v27 =	vor.u32 v2, v24;
	[tilespmem:v12+s19+$0x0] =	vst.idx.msk $0xffff, v25;
	v12 =	vbroadcast v26, $0x0;
	v22 =	vld.idx.msk [tilespmem:v19+s18+$0x0], $0xffff  }
0x37e: {  	[tilespmem:v13+s19+$0x0] =	vst.idx.msk $0xffff, v18;
	v18 =	vor.u32 v0, v11;
	v13 =	vld.idx.msk [tilespmem:v20+s18+$0x0], $0xffff  }
0x37f: {  	v25 =	vld.idx.msk [tilespmem:v21+s18+$0x0], $0xffff;
	v30 =	vor.u32 v0, v12;
	v23 =	vmul.f32 v23, v10  }
0x380: {  	s25 =	simm.s32 $0x4;
	v28 =	vor.u32 v2, v16  }
0x381: {  	v29 =	vor.u32 v3, v17;
	s26 =	simm.s32 $0x7;
	v54 =	vor.u32 v3, v15;
	[tilespmem:v14+s19+$0x0] =	vst.idx.msk $0xffff, v23;
	v14 =	vmov s25  }
0x382: {  	v23 =	vmov s26;
	v31 =	vld.idx.msk [tilespmem:v27+s18+$0x0], $0xffff;
	v22 =	vmul.f32 v22, v10;
	v14 =	vand.u32 $0x1C, v14  }
0x383: {  	v55 =	vld.idx.msk [tilespmem:v18+s18+$0x0], $0xffff;
	v26 =	vmul.f32 v13, v9;
	v13 =	vbroadcast v14, $0x0;
	v14 =	vand.u32 $0x1F, v23  }
0x384: {  	v23 =	vmul.f32 v25, v9;
	v25 =	vld.idx.msk [tilespmem:v30+s18+$0x0], $0xffff;
	[tilespmem:v19+s19+$0x0] =	vst.idx.msk $0xffff, v22;
	v14 =	vbroadcast v14, $0x0  }
0x385: {  	v56 =	vor.u32 v3, v24;
	v19 =	vld.idx.msk [tilespmem:v28+s18+$0x0], $0xffff;
	[tilespmem:v20+s19+$0x0] =	vst.idx.msk $0xffff, v26  }
0x386: {  	s13 =	simm.s32 $0x9;
	v20 =	vld.idx.msk [tilespmem:v54+s18+$0x0], $0xffff;
	v36 =	vor.u32 v0, v14  }
0x387: {  	v60 =	vmov s13;
	[tilespmem:v21+s19+$0x0] =	vst.idx.msk $0xffff, v23;
	v26 =	vor.u32 v2, v11;
	v31 =	vmul.f32 v31, v9  }
0x388: {  	v32 =	vor.u32 v4, v15;
	v34 =	vor.u32 v3, v16;
	v22 =	vor.u32 v2, v12;
	v57 =	vld.idx.msk [tilespmem:v29+s18+$0x0], $0xffff  }
0x389: {  	v40 =	vand.u32 $0x1D, v60;
	v35 =	vor.u32 v0, v13;
	v58 =	vmul.f32 v55, v10;
	[tilespmem:v27+s19+$0x0] =	vst.idx.msk $0xffff, v31  }
0x38a: {  	v23 =	vor.u32 v4, v16;
	v21 =	vor.u32 v4, v17;
	v27 =	vld.idx.msk [tilespmem:v56+s18+$0x0], $0xffff;
	v19 =	vmul.f32 v19, v9  }
0x38b: {  	s25 =	simm.s32 $0xA;
	v59 =	vmul.f32 v25, v10;
	[tilespmem:v18+s19+$0x0] =	vst.idx.msk $0xffff, v58;
	v20 =	vmul.f32 v20, v7;
	v62 =	vld.idx.msk [tilespmem:v36+s18+$0x0], $0xffff  }
0x38c: {  	s16 =	simm.s32 $0x8;
	v61 =	vmov s25;
	v25 =	vor.u32 v2, v14;
	v31 =	vor.u32 v4, v24;
	v37 =	vld.idx.msk [tilespmem:v26+s18+$0x0], $0xffff;
	[tilespmem:v28+s19+$0x0] =	vst.idx.msk $0xffff, v19  }
0x38d: {  	v18 =	vmov s16;
	v38 =	vmul.f32 v57, v7;
	v28 =	vand.u32 $0x1E, v61;
	[tilespmem:v54+s19+$0x0] =	vst.idx.msk $0xffff, v20;
	v41 =	vld.idx.msk [tilespmem:v34+s18+$0x0], $0xffff  }
0x38e: {  	s26 =	simm.s32 $0xB;
	v18 =	vand.u32 $0x1C, v18;
	v19 =	vbroadcast v40, $0x0;
	v28 =	vbroadcast v28, $0x0;
	v40 =	vld.idx.msk [tilespmem:v32+s18+$0x0], $0xffff  }
0x38f: {  	v63 =	vmov s26;
	v42 =	vld.idx.msk [tilespmem:v35+s18+$0x0], $0xffff;
	[tilespmem:v30+s19+$0x0] =	vst.idx.msk $0xffff, v59;
	v20 =	vbroadcast v18, $0x0;
	v45 =	vmul.f32 v27, v7  }
0x390: {  	v39 =	vld.idx.msk [tilespmem:v22+s18+$0x0], $0xffff;
	v18 =	vand.u32 $0x1F, v63;
	v33 =	vor.u32 v0, v19;
	v30 =	vor.u32 v0, v28  }
0x391: {  	s25 =	simm.s32 $0xC;
	v18 =	vbroadcast v18, $0x0;
	v27 =	vor.u32 v0, v20;
	v43 =	vmul.f32 v62, v10;
	[tilespmem:v56+s19+$0x0] =	vst.idx.msk $0xffff, v45  }
.LBB2_13:
0x392: {  	p2 =	slt.u32 s25, $0x1C;
	v37 =	vmul.f32 v37, v9;
	v41 =	vmul.f32 v41, v7;
	[tilespmem:v29+s19+$0x0] =	vst.idx.msk $0xffff, v38;
	v38 =	vld.idx.msk [tilespmem:v31+s18+$0x0], $0xffff;
	s10 =	smov.u32 s25;
	s25 =	sadd.s32 $0x4, s25  }
0x393: {  	v29 =	vmul.f32 v40, v6;
	[tilespmem:v36+s19+$0x0] =	vst.idx.msk $0xffff, v43;
	v36 =	vld.idx.msk [tilespmem:v21+s18+$0x0], $0xffff;
	v43 =	vor.u32 v5, v15  }
0x394: {  	v40 =	vor.u32 v2, v13;
	v15 =	vmov v12;
	v12 =	vmov v28;
	v44 =	vld.idx.msk [tilespmem:v25+s18+$0x0], $0xffff;
	[tilespmem:v34+s19+$0x0] =	vst.idx.msk $0xffff, v41  }
0x395: {  	v28 =	vmul.f32 v42, v10;
	v41 =	vor.u32 v3, v15;
	v34 =	vld.idx.msk [tilespmem:v23+s18+$0x0], $0xffff;
	[tilespmem:v32+s19+$0x0] =	vst.idx.msk $0xffff, v29  }
0x396: {  	v45 =	vor.u32 v5, v17;
	v29 =	vor.u32 v3, v11;
	v42 =	vld.idx.msk [tilespmem:v30+s18+$0x0], $0xffff;
	[tilespmem:v26+s19+$0x0] =	vst.idx.msk $0xffff, v37  }
0x397: {  	v46 =	vor.u32 v5, v16;
	v17 =	vmul.f32 v39, v9;
	v39 =	vor.u32 v5, v24;
	v32 =	vld.idx.msk [tilespmem:v33+s18+$0x0], $0xffff  }
0x398: {  	v26 =	vor.u32 v2, v19;
	v48 =	vmul.f32 v38, v6;
	[tilespmem:v35+s19+$0x0] =	vst.idx.msk $0xffff, v28;
	v24 =	vld.idx.msk [tilespmem:v43+s18+$0x0], $0xffff  }
0x399: {  	v47 =	vor.u32 v3, v14;
	v35 =	vmul.f32 v36, v6;
	v28 =	vld.idx.msk [tilespmem:v40+s18+$0x0], $0xffff;
	[tilespmem:v22+s19+$0x0] =	vst.idx.msk $0xffff, v17  }
0x39a: {  	v22 =	vor.u32 v2, v12;
	v37 =	vmul.f32 v44, v9;
	v38 =	vld.idx.msk [tilespmem:v41+s18+$0x0], $0xffff;
	[tilespmem:v31+s19+$0x0] =	vst.idx.msk $0xffff, v48  }
0x39b: {  	v16 =	vmovc v13;
	v13 =	vmovc v20;
	v17 =	vmov v11;
	v11 =	vmov v19;
	v31 =	vmul.f32 v34, v6;
	v44 =	vld.idx.msk [tilespmem:v29+s18+$0x0], $0xffff  }
0x39c: {  	v19 =	vor.u32 v4, v16;
	[tilespmem:v21+s19+$0x0] =	vst.idx.msk $0xffff, v35;
	v21 =	vor.u32 v4, v17;
	v20 =	vld.idx.msk [tilespmem:v39+s18+$0x0], $0xffff  }
0x39d: {  	v36 =	vor.u32 v0, v18;
	v35 =	vmul.f32 v32, v10;
	[tilespmem:v25+s19+$0x0] =	vst.idx.msk $0xffff, v37;
	v48 =	vld.idx.msk [tilespmem:v45+s18+$0x0], $0xffff  }
0x39e: {  	v34 =	vor.u32 v3, v16;
	v32 =	vor.u32 v4, v15;
	v49 =	vld.idx.msk [tilespmem:v47+s18+$0x0], $0xffff;
	[tilespmem:v23+s19+$0x0] =	vst.idx.msk $0xffff, v31  }
0x39f: {  	[tilespmem:v33+s19+$0x0] =	vst.idx.msk $0xffff, v35;
	v33 =	vmul.f32 v42, v10;
	v35 =	vmul.f32 v28, v9;
	v42 =	vld.idx.msk [tilespmem:v46+s18+$0x0], $0xffff  }
0x3a0: {  	v25 =	vor.u32 v2, v18;
	v31 =	vor.u32 v4, v14;
	v28 =	vmul.f32 v38, v7;
	v37 =	vld.idx.msk [tilespmem:v26+s18+$0x0], $0xffff  }
0x3a1: {  	v50 =	vmov s10;
	s13 =	sadd.s32 $0x1, s10;
	s16 =	sadd.s32 $0x2, s10;
	s10 =	sadd.s32 $0x3, s10;
	v23 =	vmovc v19;
	v38 =	vmul.f32 v44, v7;
	v44 =	vmul.f32 v24, v8;
	[tilespmem:v40+s19+$0x0] =	vst.idx.msk $0xffff, v35  }
0x3a2: {  	v52 =	vmov s16;
	v19 =	vmov s13;
	v24 =	vmovc v14;
	v14 =	vmovc v18;
	v20 =	vmul.f32 v20, v8;
	v51 =	vld.idx.msk [tilespmem:v36+s18+$0x0], $0xffff;
	[tilespmem:v41+s19+$0x0] =	vst.idx.msk $0xffff, v28  }
0x3a3: {  	v18 =	vand.u32 $0x1D, v19;
	v28 =	vand.u32 $0x1E, v52;
	[tilespmem:v30+s19+$0x0] =	vst.idx.msk $0xffff, v33;
	v41 =	vld.idx.msk [tilespmem:v34+s18+$0x0], $0xffff;
	v30 =	vmul.f32 v48, v8  }
.Ltmp5:
0x3a4: {  	v19 =	vbroadcast v18, $0x0;
	v18 =	vmov s10;
	v48 =	vmul.f32 v49, v7;
	v35 =	vmovc v27;
	v40 =	vld.idx.msk [tilespmem:v32+s18+$0x0], $0xffff;
	[tilespmem:v39+s19+$0x0] =	vst.idx.msk $0xffff, v20;
	(pc) =	sbr.rel @p2 .LBB2_13-.Ltmp5, $4  }
0x3a5: {  	v28 =	vbroadcast v28, $0x0;
	v20 =	vand.u32 $0x1C, v50;
	v49 =	vmul.f32 v42, v8;
	[tilespmem:v43+s19+$0x0] =	vst.idx.msk $0xffff, v44  }
0x3a6: {  	v18 =	vand.u32 $0x1F, v18;
	v33 =	vor.u32 v0, v19;
	v20 =	vbroadcast v20, $0x0;
	v42 =	vld.idx.msk [tilespmem:v27+s18+$0x0], $0xffff;
	[tilespmem:v45+s19+$0x0] =	vst.idx.msk $0xffff, v30  }
0x3a7: {  	v18 =	vbroadcast v18, $0x0;
	v30 =	vor.u32 v0, v28;
	v39 =	vld.idx.msk [tilespmem:v22+s18+$0x0], $0xffff;
	[tilespmem:v46+s19+$0x0] =	vst.idx.msk $0xffff, v49  }
0x3a8: {  	v27 =	vor.u32 v0, v20;
	v43 =	vmul.f32 v51, v10;
	[tilespmem:v47+s19+$0x0] =	vst.idx.msk $0xffff, v48  }
0x3a9: {  	_ =	sdelay $0x3  }
0x3aa: {  	v41 =	vmul.f32 v41, v7;
	[tilespmem:v29+s19+$0x0] =	vst.idx.msk $0xffff, v38;
	v29 =	vld.idx.msk [tilespmem:v31+s18+$0x0], $0xffff;
	v53 =	vor.u32 v0, v18  }
0x3ab: {  	v40 =	vmul.f32 v40, v6;
	[tilespmem:v36+s19+$0x0] =	vst.idx.msk $0xffff, v43;
	v54 =	vld.idx.msk [tilespmem:v21+s18+$0x0], $0xffff  }
0x3ac: {  	v37 =	vmul.f32 v37, v9;
	v55 =	vor.u32 v2, v13;
	v44 =	vld.idx.msk [tilespmem:v25+s18+$0x0], $0xffff;
	[tilespmem:v34+s19+$0x0] =	vst.idx.msk $0xffff, v41  }
0x3ad: {  	v56 =	vmul.f32 v42, v10;
	[tilespmem:v32+s19+$0x0] =	vst.idx.msk $0xffff, v40;
	v41 =	vld.idx.msk [tilespmem:v23+s18+$0x0], $0xffff  }
0x3ae: {  	v57 =	vor.u32 v3, v12;
	[tilespmem:v26+s19+$0x0] =	vst.idx.msk $0xffff, v37;
	v26 =	vld.idx.msk [tilespmem:v33+s18+$0x0], $0xffff;
	v58 =	vmul.f32 v39, v9  }
0x3af: {  	v24 =	vor.u32 v5, v24;
	[tilespmem:v35+s19+$0x0] =	vst.idx.msk $0xffff, v56;
	v29 =	vmul.f32 v29, v6;
	v59 =	vld.idx.msk [tilespmem:v53+s18+$0x0], $0xffff  }
0x3b0: {  	v15 =	vor.u32 v5, v15;
	v60 =	vld.idx.msk [tilespmem:v30+s18+$0x0], $0xffff;
	[tilespmem:v22+s19+$0x0] =	vst.idx.msk $0xffff, v58;
	v22 =	vmul.f32 v54, v6  }
0x3b1: {  	v17 =	vor.u32 v5, v17;
	v61 =	vld.idx.msk [tilespmem:v55+s18+$0x0], $0xffff;
	v62 =	vmul.f32 v44, v9;
	[tilespmem:v31+s19+$0x0] =	vst.idx.msk $0xffff, v29  }
0x3b2: {  	v29 =	vmul.f32 v41, v6;
	[tilespmem:v21+s19+$0x0] =	vst.idx.msk $0xffff, v22;
	v21 =	vor.u32 v2, v18;
	v22 =	vld.idx.msk [tilespmem:v27+s18+$0x0], $0xffff  }
0x3b3: {  	v63 =	vld.idx.msk [tilespmem:v57+s18+$0x0], $0xffff;
	v31 =	vor.u32 v2, v28;
	v26 =	vmul.f32 v26, v10;
	[tilespmem:v25+s19+$0x0] =	vst.idx.msk $0xffff, v62  }
0x3b4: {  	v40 =	vld.idx.msk [tilespmem:v24+s18+$0x0], $0xffff;
	v25 =	vor.u32 v2, v19;
	[tilespmem:v23+s19+$0x0] =	vst.idx.msk $0xffff, v29;
	v23 =	vmul.f32 v59, v10  }
0x3b5: {  	v41 =	vor.u32 v2, v20;
	[tilespmem:v33+s19+$0x0] =	vst.idx.msk $0xffff, v26;
	v26 =	vmul.f32 v60, v10;
	v29 =	vld.idx.msk [tilespmem:v15+s18+$0x0], $0xffff  }
0x3b6: {  	v42 =	vor.u32 v3, v14;
	v44 =	vld.idx.msk [tilespmem:v17+s18+$0x0], $0xffff;
	v36 =	vmul.f32 v61, v9;
	[tilespmem:v53+s19+$0x0] =	vst.idx.msk $0xffff, v23  }
0x3b7: {  	v16 =	vor.u32 v5, v16;
	[tilespmem:v30+s19+$0x0] =	vst.idx.msk $0xffff, v26;
	v23 =	vld.idx.msk [tilespmem:v21+s18+$0x0], $0xffff;
	v10 =	vmul.f32 v22, v10  }
0x3b8: {  	v26 =	vmul.f32 v63, v7;
	[tilespmem:v55+s19+$0x0] =	vst.idx.msk $0xffff, v36;
	v30 =	vld.idx.msk [tilespmem:v31+s18+$0x0], $0xffff;
	v22 =	vor.u32 v3, v11  }
0x3b9: {  	v45 =	vor.u32 v3, v13;
	v37 =	vmul.f32 v40, v8;
	v46 =	vld.idx.msk [tilespmem:v25+s18+$0x0], $0xffff;
	[tilespmem:v27+s19+$0x0] =	vst.idx.msk $0xffff, v10  }
0x3ba: {  	[tilespmem:v57+s19+$0x0] =	vst.idx.msk $0xffff, v26;
	v10 =	vmul.f32 v29, v8;
	v27 =	vor.u32 v3, v18;
	v26 =	vld.idx.msk [tilespmem:v41+s18+$0x0], $0xffff  }
0x3bb: {  	v47 =	vmul.f32 v44, v8;
	v29 =	vld.idx.msk [tilespmem:v42+s18+$0x0], $0xffff;
	[tilespmem:v24+s19+$0x0] =	vst.idx.msk $0xffff, v37;
	v24 =	vor.u32 v3, v28  }
0x3bc: {  	v48 =	vld.idx.msk [tilespmem:v16+s18+$0x0], $0xffff;
	[tilespmem:v15+s19+$0x0] =	vst.idx.msk $0xffff, v10;
	v10 =	vor.u32 v3, v19;
	v15 =	vmul.f32 v23, v9  }
0x3bd: {  	[tilespmem:v17+s19+$0x0] =	vst.idx.msk $0xffff, v47;
	v17 =	vmul.f32 v30, v9;
	v30 =	vor.u32 v3, v20;
	v23 =	vld.idx.msk [tilespmem:v22+s18+$0x0], $0xffff  }
0x3be: {  	v49 =	vor.u32 v4, v14;
	v50 =	vld.idx.msk [tilespmem:v45+s18+$0x0], $0xffff;
	v38 =	vmul.f32 v46, v9;
	[tilespmem:v21+s19+$0x0] =	vst.idx.msk $0xffff, v15  }
0x3bf: {  	[tilespmem:v31+s19+$0x0] =	vst.idx.msk $0xffff, v17;
	v15 =	vor.u32 v4, v12;
	v17 =	vld.idx.msk [tilespmem:v27+s18+$0x0], $0xffff;
	v9 =	vmul.f32 v26, v9  }
0x3c0: {  	v21 =	vor.u32 v4, v11;
	v26 =	vmul.f32 v29, v7;
	[tilespmem:v25+s19+$0x0] =	vst.idx.msk $0xffff, v38;
	v25 =	vld.idx.msk [tilespmem:v24+s18+$0x0], $0xffff  }
0x3c1: {  	v31 =	vmul.f32 v48, v8;
	v29 =	vor.u32 v4, v13;
	v51 =	vld.idx.msk [tilespmem:v10+s18+$0x0], $0xffff;
	[tilespmem:v41+s19+$0x0] =	vst.idx.msk $0xffff, v9  }
0x3c2: {  	v9 =	vmul.f32 v23, v7;
	[tilespmem:v42+s19+$0x0] =	vst.idx.msk $0xffff, v26;
	v23 =	vor.u32 v4, v18;
	v26 =	vld.idx.msk [tilespmem:v30+s18+$0x0], $0xffff  }
0x3c3: {  	v52 =	vor.u32 v4, v28;
	[tilespmem:v16+s19+$0x0] =	vst.idx.msk $0xffff, v31;
	v16 =	vmul.f32 v50, v7;
	v31 =	vld.idx.msk [tilespmem:v49+s18+$0x0], $0xffff  }
0x3c4: {  	v53 =	vld.idx.msk [tilespmem:v15+s18+$0x0], $0xffff;
	[tilespmem:v22+s19+$0x0] =	vst.idx.msk $0xffff, v9;
	v9 =	vor.u32 v4, v19;
	v17 =	vmul.f32 v17, v7  }
0x3c5: {  	[tilespmem:v45+s19+$0x0] =	vst.idx.msk $0xffff, v16;
	v16 =	vor.u32 v4, v20;
	v22 =	vld.idx.msk [tilespmem:v21+s18+$0x0], $0xffff;
	v25 =	vmul.f32 v25, v7  }
0x3c6: {  	v14 =	vor.u32 v5, v14;
	v36 =	vld.idx.msk [tilespmem:v29+s18+$0x0], $0xffff;
	v35 =	vmul.f32 v51, v7;
	[tilespmem:v27+s19+$0x0] =	vst.idx.msk $0xffff, v17  }
0x3c7: {  	v12 =	vor.u32 v5, v12;
	[tilespmem:v24+s19+$0x0] =	vst.idx.msk $0xffff, v25;
	v7 =	vmul.f32 v26, v7;
	v17 =	vld.idx.msk [tilespmem:v23+s18+$0x0], $0xffff  }
0x3c8: {  	v11 =	vor.u32 v5, v11;
	v24 =	vmul.f32 v31, v6;
	v25 =	vld.idx.msk [tilespmem:v52+s18+$0x0], $0xffff;
	[tilespmem:v10+s19+$0x0] =	vst.idx.msk $0xffff, v35  }
0x3c9: {  	v13 =	vor.u32 v5, v13;
	v10 =	vmul.f32 v53, v6;
	v26 =	vld.idx.msk [tilespmem:v9+s18+$0x0], $0xffff;
	[tilespmem:v30+s19+$0x0] =	vst.idx.msk $0xffff, v7  }
0x3ca: {  	v18 =	vor.u32 v5, v18;
	v7 =	vmul.f32 v22, v6;
	[tilespmem:v49+s19+$0x0] =	vst.idx.msk $0xffff, v24;
	v22 =	vld.idx.msk [tilespmem:v16+s18+$0x0], $0xffff  }
0x3cb: {  	v24 =	vor.u32 v5, v28;
	[tilespmem:v15+s19+$0x0] =	vst.idx.msk $0xffff, v10;
	v10 =	vmul.f32 v36, v6;
	v15 =	vld.idx.msk [tilespmem:v14+s18+$0x0], $0xffff  }
0x3cc: {  	v27 =	vld.idx.msk [tilespmem:v12+s18+$0x0], $0xffff;
	[tilespmem:v21+s19+$0x0] =	vst.idx.msk $0xffff, v7;
	v7 =	vor.u32 v5, v19;
	v17 =	vmul.f32 v17, v6  }
0x3cd: {  	v20 =	vor.u32 v5, v20;
	v19 =	vld.idx.msk [tilespmem:v11+s18+$0x0], $0xffff;
	[tilespmem:v29+s19+$0x0] =	vst.idx.msk $0xffff, v10;
	v10 =	vmul.f32 v25, v6  }
0x3ce: {  	v21 =	vld.idx.msk [tilespmem:v13+s18+$0x0], $0xffff;
	v25 =	vmul.f32 v26, v6;
	[tilespmem:v23+s19+$0x0] =	vst.idx.msk $0xffff, v17  }
0x3cf: {  	[tilespmem:v52+s19+$0x0] =	vst.idx.msk $0xffff, v10;
	v6 =	vmul.f32 v22, v6;
	v10 =	vld.idx.msk [tilespmem:v18+s18+$0x0], $0xffff  }
0x3d0: {  	v15 =	vmul.f32 v15, v8;
	v17 =	vld.idx.msk [tilespmem:v24+s18+$0x0], $0xffff;
	[tilespmem:v9+s19+$0x0] =	vst.idx.msk $0xffff, v25  }
0x3d1: {  	v9 =	vmul.f32 v27, v8;
	v22 =	vld.idx.msk [tilespmem:v7+s18+$0x0], $0xffff;
	[tilespmem:v16+s19+$0x0] =	vst.idx.msk $0xffff, v6  }
0x3d2: {  	v6 =	vmul.f32 v19, v8;
	[tilespmem:v14+s19+$0x0] =	vst.idx.msk $0xffff, v15;
	v14 =	vld.idx.msk [tilespmem:v20+s18+$0x0], $0xffff  }
0x3d3: {  	v15 =	vmul.f32 v21, v8;
	[tilespmem:v12+s19+$0x0] =	vst.idx.msk $0xffff, v9  }
0x3d4: {  	[tilespmem:v11+s19+$0x0] =	vst.idx.msk $0xffff, v6;
	v6 =	vmul.f32 v10, v8  }
0x3d5: {  	[tilespmem:v13+s19+$0x0] =	vst.idx.msk $0xffff, v15;
	v9 =	vmul.f32 v17, v8  }
0x3d6: {  	v10 =	vmul.f32 v22, v8;
	[tilespmem:v18+s19+$0x0] =	vst.idx.msk $0xffff, v6  }
0x3d7: {  	[tilespmem:v24+s19+$0x0] =	vst.idx.msk $0xffff, v9;
	v6 =	vmul.f32 v14, v8  }
0x3d8: {  	[tilespmem:v7+s19+$0x0] =	vst.idx.msk $0xffff, v10  }
0x3d9: {  	[tilespmem:v20+s19+$0x0] =	vst.idx.msk $0xffff, v6  }
0x3da: {  	[spmem:s3] =	stream.indirect.scatter.add.f32 [tilespmem:s19], [sflag:$0x9], $0x20, s20, s2, $0xb8;
	[tilespmem:$0x17700] =	vst v63  }
0x3db: {  	_ =	swait.ge [sflag:s21], $0xA00  }
0x3dc: {  	[sflag:s21] =	ssyncset.done $0x0  }
0x3dd: {  	s10 =	simm.s32 @!p1 $0x8;
	[sflag:s21] =	ssyncadd.s32 $0xFFFFF600  }
0x3de: {  	_ =	swait.ge @!p1 [sflag:s10], $0xA00  }
0x3df: {  	s13 =	sadd.s32 @!p1 $0x7760, s30;
	s16 =	simm.s32 @!p1 $0x50;
	[sflag:s10] =	ssyncset.done @!p1 $0x0  }
0x3e0: {  	s25 =	simm.s32 @!p1 $0xD750;
	s26 =	smul.u32 $0x50, s4;
	[sflag:s10] =	ssyncadd.s32 @!p1 $0xFFFFF600  }
0x3e1: {  	[tilespmem:s25], [sflag:$0x3] =	stream.indirect.gather @!p1 [hbm4b:s0+s16], $0x20, s13, s16, $0xb8;
	[tilespmem:$0x17700] =	vst v63  }
0x3e2: {  	v6 =	vld [tilespmem:s26+$0x9C40]  }
0x3e3: {  	v7 =	vld [tilespmem:s26+$0x7530];
	_ =	sdelay $0x5  }
0x3e4: {  	[tilespmem:$0x12890] =	vst v6  }
0x3e5: {  	s30 =	simm.s32 $0x0;
	v8 =	vld.idx.msk [tilespmem:v6+s31+$0x0], $0xffff  }
0x3e6: {  	v7 =	vld.idx.msk [tilespmem:v7+s30+$0x0], $0xffff;
	_ =	sdelay $0x4  }
0x3e7: {  	v7 =	vsub.f32 v8, v7;
	_ =	sdelay $0x1  }
0x3e8: {  	v7 =	vadd.f32 v7, v7;
	_ =	sdelay $0x1  }
0x3e9: {  	v7 =	vmul.f32 $1.442695020e+00, v7;
	_ =	sdelay $0x1  }
0x3ea: {  	(erf) = vpow2.f32 v7;
	_ =	sdelay $0x8  }
0x3eb: {  	v7 =	vpop (erf)  }
0x3ec: {  	v7 =	vadd.f32 $1.000000000e+00, v7;
	_ =	sdelay $0x1  }
0x3ed: {  	(erf) = vrcp.f32 v7;
	_ =	sdelay $0x8  }
0x3ee: {  	v7 =	vpop (erf)  }
0x3ef: {  	v7 =	vadd.f32 v7, v7;
	_ =	sdelay $0x1  }
0x3f0: {  	v7 =	vsub.f32 $1.000000000e+00, v7;
	_ =	sdelay $0x1  }
0x3f1: {  	v7 =	vmul.f32 $1.442695020e+00, v7;
	_ =	sdelay $0x1  }
0x3f2: {  	(erf) = vpow2.f32 v7;
	_ =	sdelay $0x8  }
0x3f3: {  	v10 =	vpop (erf)  }
0x3f4: {  	[tilespmem:v6+s8+$0x0] =	vst.idx.add.f32.msk $0xffff, v10  }
0x3f5: {  	v6 =	vld [tilespmem:s26+$0x9C50]  }
0x3f6: {  	v7 =	vld [tilespmem:s26+$0x7540];
	_ =	sdelay $0x5  }
0x3f7: {  	[tilespmem:$0x128A0] =	vst v6  }
0x3f8: {  	v8 =	vld.idx.msk [tilespmem:v6+s31+$0x0], $0xffff  }
0x3f9: {  	v7 =	vld.idx.msk [tilespmem:v7+s30+$0x0], $0xffff;
	_ =	sdelay $0x4  }
0x3fa: {  	v7 =	vsub.f32 v8, v7;
	_ =	sdelay $0x1  }
0x3fb: {  	v7 =	vadd.f32 v7, v7;
	_ =	sdelay $0x1  }
0x3fc: {  	v7 =	vmul.f32 $1.442695020e+00, v7;
	_ =	sdelay $0x1  }
0x3fd: {  	(erf) = vpow2.f32 v7;
	_ =	sdelay $0x8  }
0x3fe: {  	v7 =	vpop (erf)  }
0x3ff: {  	v7 =	vadd.f32 $1.000000000e+00, v7;
	_ =	sdelay $0x1  }
0x400: {  	(erf) = vrcp.f32 v7;
	_ =	sdelay $0x8  }
0x401: {  	v7 =	vpop (erf)  }
0x402: {  	v7 =	vadd.f32 v7, v7;
	_ =	sdelay $0x1  }
0x403: {  	v7 =	vsub.f32 $1.000000000e+00, v7;
	_ =	sdelay $0x1  }
0x404: {  	v7 =	vmul.f32 $1.442695020e+00, v7;
	_ =	sdelay $0x1  }
0x405: {  	(erf) = vpow2.f32 v7;
	_ =	sdelay $0x8  }
0x406: {  	v9 =	vpop (erf)  }
0x407: {  	[tilespmem:v6+s8+$0x0] =	vst.idx.add.f32.msk $0xffff, v9  }
0x408: {  	v6 =	vld [tilespmem:s26+$0x9C60]  }
0x409: {  	v7 =	vld [tilespmem:s26+$0x7550];
	_ =	sdelay $0x5  }
0x40a: {  	[tilespmem:$0x128B0] =	vst v6  }
0x40b: {  	v8 =	vld.idx.msk [tilespmem:v6+s31+$0x0], $0xffff  }
0x40c: {  	v7 =	vld.idx.msk [tilespmem:v7+s30+$0x0], $0xffff;
	_ =	sdelay $0x4  }
0x40d: {  	v7 =	vsub.f32 v8, v7;
	_ =	sdelay $0x1  }
0x40e: {  	v7 =	vadd.f32 v7, v7;
	_ =	sdelay $0x1  }
0x40f: {  	v7 =	vmul.f32 $1.442695020e+00, v7;
	_ =	sdelay $0x1  }
0x410: {  	(erf) = vpow2.f32 v7;
	_ =	sdelay $0x8  }
0x411: {  	v7 =	vpop (erf)  }
0x412: {  	v7 =	vadd.f32 $1.000000000e+00, v7;
	_ =	sdelay $0x1  }
0x413: {  	(erf) = vrcp.f32 v7;
	_ =	sdelay $0x8  }
0x414: {  	v7 =	vpop (erf)  }
0x415: {  	v7 =	vadd.f32 v7, v7;
	_ =	sdelay $0x1  }
0x416: {  	v7 =	vsub.f32 $1.000000000e+00, v7;
	_ =	sdelay $0x1  }
0x417: {  	v7 =	vmul.f32 $1.442695020e+00, v7;
	_ =	sdelay $0x1  }
0x418: {  	(erf) = vpow2.f32 v7;
	_ =	sdelay $0x8  }
0x419: {  	v7 =	vpop (erf)  }
0x41a: {  	[tilespmem:v6+s8+$0x0] =	vst.idx.add.f32.msk $0xffff, v7  }
0x41b: {  	v8 =	vld [tilespmem:s26+$0x9C70]  }
0x41c: {  	v6 =	vld [tilespmem:s26+$0x7560];
	_ =	sdelay $0x5  }
0x41d: {  	[tilespmem:$0x128C0] =	vst v8  }
0x41e: {  	v11 =	vld.idx.msk [tilespmem:v8+s31+$0x0], $0xffff  }
0x41f: {  	v6 =	vld.idx.msk [tilespmem:v6+s30+$0x0], $0xffff;
	_ =	sdelay $0x4  }
0x420: {  	v6 =	vsub.f32 v11, v6;
	_ =	sdelay $0x1  }
0x421: {  	v6 =	vadd.f32 v6, v6;
	_ =	sdelay $0x1  }
0x422: {  	v6 =	vmul.f32 $1.442695020e+00, v6;
	_ =	sdelay $0x1  }
0x423: {  	(erf) = vpow2.f32 v6;
	_ =	sdelay $0x8  }
0x424: {  	v6 =	vpop (erf)  }
0x425: {  	v6 =	vadd.f32 $1.000000000e+00, v6;
	_ =	sdelay $0x1  }
0x426: {  	(erf) = vrcp.f32 v6;
	_ =	sdelay $0x8  }
0x427: {  	v6 =	vpop (erf)  }
0x428: {  	v6 =	vadd.f32 v6, v6;
	_ =	sdelay $0x1  }
0x429: {  	v6 =	vsub.f32 $1.000000000e+00, v6;
	_ =	sdelay $0x1  }
0x42a: {  	v6 =	vmul.f32 $1.442695020e+00, v6;
	_ =	sdelay $0x1  }
0x42b: {  	(erf) = vpow2.f32 v6;
	_ =	sdelay $0x8  }
0x42c: {  	v6 =	vpop (erf)  }
0x42d: {  	[tilespmem:v8+s8+$0x0] =	vst.idx.add.f32.msk $0xffff, v6  }
0x42e: {  	v11 =	vld [tilespmem:s26+$0x9C80]  }
0x42f: {  	v8 =	vld [tilespmem:s26+$0x7570];
	_ =	sdelay $0x5  }
0x430: {  	[tilespmem:$0x128D0] =	vst v11  }
0x431: {  	v12 =	vld.idx.msk [tilespmem:v11+s31+$0x0], $0xffff  }
0x432: {  	v8 =	vld.idx.msk [tilespmem:v8+s30+$0x0], $0xffff;
	_ =	sdelay $0x4  }
0x433: {  	v8 =	vsub.f32 v12, v8;
	_ =	sdelay $0x1  }
0x434: {  	v8 =	vadd.f32 v8, v8;
	_ =	sdelay $0x1  }
0x435: {  	v8 =	vmul.f32 $1.442695020e+00, v8;
	_ =	sdelay $0x1  }
0x436: {  	(erf) = vpow2.f32 v8;
	_ =	sdelay $0x8  }
0x437: {  	v8 =	vpop (erf)  }
0x438: {  	v8 =	vadd.f32 $1.000000000e+00, v8;
	_ =	sdelay $0x1  }
0x439: {  	(erf) = vrcp.f32 v8;
	_ =	sdelay $0x8  }
0x43a: {  	v8 =	vpop (erf)  }
0x43b: {  	v8 =	vadd.f32 v8, v8;
	_ =	sdelay $0x1  }
0x43c: {  	v8 =	vsub.f32 $1.000000000e+00, v8;
	_ =	sdelay $0x1  }
0x43d: {  	v8 =	vmul.f32 $1.442695020e+00, v8;
	_ =	sdelay $0x1  }
0x43e: {  	(erf) = vpow2.f32 v8  }
0x43f: {  	s13 =	simm.s32 $0x2  }
0x440: {  	s16 =	simm.s32 $0x1;
	v8 =	vmov s13  }
0x441: {  	v12 =	vmov s16;
	v8 =	vand.u32 $0x1E, v8  }
0x442: {  	s25 =	simm.s32 $0x3;
	v12 =	vand.u32 $0x1D, v12;
	v15 =	vbroadcast v8, $0x0  }
0x443: {  	v17 =	vbroadcast v12, $0x0;
	v8 =	vmov s25  }
0x444: {  	v8 =	vand.u32 $0x1F, v8;
	v12 =	vor.u32 v0, v15  }
0x445: {  	v13 =	vor.u32 v0, v17  }
0x446: {  	v24 =	vbroadcast v8, $0x0  }
0x447: {  	v14 =	vmov s30;
	v8 =	vpop (erf)  }
0x448: {  	[tilespmem:v11+s8+$0x0] =	vst.idx.add.f32.msk $0xffff, v8;
	v11 =	vand.u32 $0x1C, v14;
	v14 =	vor.u32 v0, v24  }
0x449: {  	v16 =	vbroadcast v11, $0x0;
	v11 =	vld.idx.msk [tilespmem:v12+s22+$0x0], $0xffff  }
0x44a: {  	v18 =	vld.idx.msk [tilespmem:v13+s22+$0x0], $0xffff  }
0x44b: {  	v19 =	vor.u32 v0, v16  }
0x44c: {  	s26 =	simm.s32 $0x5;
	v20 =	vor.u32 v2, v15  }
0x44d: {  	v22 =	vmov s26;
	s30 =	simm.s32 $0x6;
	v21 =	vor.u32 v2, v17;
	v23 =	vld.idx.msk [tilespmem:v14+s22+$0x0], $0xffff  }
0x44e: {  	v22 =	vand.u32 $0x1D, v22;
	v25 =	vmul.f32 v11, v10;
	v11 =	vmov s30  }
0x44f: {  	v18 =	vmul.f32 v18, v10;
	v26 =	vand.u32 $0x1E, v11;
	v11 =	vbroadcast v22, $0x0  }
0x450: {  	v27 =	vor.u32 v2, v24;
	[tilespmem:v12+s23+$0x0] =	vst.idx.msk $0xffff, v25;
	v12 =	vbroadcast v26, $0x0;
	v22 =	vld.idx.msk [tilespmem:v19+s22+$0x0], $0xffff  }
0x451: {  	[tilespmem:v13+s23+$0x0] =	vst.idx.msk $0xffff, v18;
	v18 =	vor.u32 v0, v11;
	v13 =	vld.idx.msk [tilespmem:v20+s22+$0x0], $0xffff  }
0x452: {  	v25 =	vld.idx.msk [tilespmem:v21+s22+$0x0], $0xffff;
	v30 =	vor.u32 v0, v12;
	v23 =	vmul.f32 v23, v10  }
0x453: {  	s10 =	simm.s32 $0x4;
	v28 =	vor.u32 v2, v16  }
0x454: {  	v29 =	vor.u32 v3, v17;
	s13 =	simm.s32 $0x7;
	v54 =	vor.u32 v3, v15;
	[tilespmem:v14+s23+$0x0] =	vst.idx.msk $0xffff, v23;
	v14 =	vmov s10  }
0x455: {  	v23 =	vmov s13;
	v31 =	vld.idx.msk [tilespmem:v27+s22+$0x0], $0xffff;
	v22 =	vmul.f32 v22, v10;
	v14 =	vand.u32 $0x1C, v14  }
0x456: {  	v55 =	vld.idx.msk [tilespmem:v18+s22+$0x0], $0xffff;
	v26 =	vmul.f32 v13, v9;
	v13 =	vbroadcast v14, $0x0;
	v14 =	vand.u32 $0x1F, v23  }
0x457: {  	v23 =	vmul.f32 v25, v9;
	v25 =	vld.idx.msk [tilespmem:v30+s22+$0x0], $0xffff;
	[tilespmem:v19+s23+$0x0] =	vst.idx.msk $0xffff, v22;
	v14 =	vbroadcast v14, $0x0  }
0x458: {  	v56 =	vor.u32 v3, v24;
	v19 =	vld.idx.msk [tilespmem:v28+s22+$0x0], $0xffff;
	[tilespmem:v20+s23+$0x0] =	vst.idx.msk $0xffff, v26  }
0x459: {  	s16 =	simm.s32 $0x9;
	v20 =	vld.idx.msk [tilespmem:v54+s22+$0x0], $0xffff;
	v36 =	vor.u32 v0, v14  }
0x45a: {  	v60 =	vmov s16;
	[tilespmem:v21+s23+$0x0] =	vst.idx.msk $0xffff, v23;
	v26 =	vor.u32 v2, v11;
	v31 =	vmul.f32 v31, v9  }
0x45b: {  	v32 =	vor.u32 v4, v15;
	v34 =	vor.u32 v3, v16;
	v22 =	vor.u32 v2, v12;
	v57 =	vld.idx.msk [tilespmem:v29+s22+$0x0], $0xffff  }
0x45c: {  	v40 =	vand.u32 $0x1D, v60;
	v35 =	vor.u32 v0, v13;
	v58 =	vmul.f32 v55, v10;
	[tilespmem:v27+s23+$0x0] =	vst.idx.msk $0xffff, v31  }
0x45d: {  	v23 =	vor.u32 v4, v16;
	v21 =	vor.u32 v4, v17;
	v27 =	vld.idx.msk [tilespmem:v56+s22+$0x0], $0xffff;
	v19 =	vmul.f32 v19, v9  }
0x45e: {  	s26 =	simm.s32 $0xA;
	v59 =	vmul.f32 v25, v10;
	[tilespmem:v18+s23+$0x0] =	vst.idx.msk $0xffff, v58;
	v20 =	vmul.f32 v20, v7;
	v62 =	vld.idx.msk [tilespmem:v36+s22+$0x0], $0xffff  }
0x45f: {  	v61 =	vmov s26;
	s25 =	simm.s32 $0x8;
	v25 =	vor.u32 v2, v14;
	v31 =	vor.u32 v4, v24;
	v37 =	vld.idx.msk [tilespmem:v26+s22+$0x0], $0xffff;
	[tilespmem:v28+s23+$0x0] =	vst.idx.msk $0xffff, v19  }
0x460: {  	v18 =	vmov s25;
	v38 =	vmul.f32 v57, v7;
	v28 =	vand.u32 $0x1E, v61;
	[tilespmem:v54+s23+$0x0] =	vst.idx.msk $0xffff, v20;
	v41 =	vld.idx.msk [tilespmem:v34+s22+$0x0], $0xffff  }
0x461: {  	s30 =	simm.s32 $0xB;
	v18 =	vand.u32 $0x1C, v18;
	v19 =	vbroadcast v40, $0x0;
	v28 =	vbroadcast v28, $0x0;
	v40 =	vld.idx.msk [tilespmem:v32+s22+$0x0], $0xffff  }
0x462: {  	v63 =	vmov s30;
	v42 =	vld.idx.msk [tilespmem:v35+s22+$0x0], $0xffff;
	[tilespmem:v30+s23+$0x0] =	vst.idx.msk $0xffff, v59;
	v20 =	vbroadcast v18, $0x0;
	v45 =	vmul.f32 v27, v7  }
0x463: {  	v39 =	vld.idx.msk [tilespmem:v22+s22+$0x0], $0xffff;
	v18 =	vand.u32 $0x1F, v63;
	v33 =	vor.u32 v0, v19;
	v30 =	vor.u32 v0, v28  }
0x464: {  	s4 =	simm.s32 $0xC;
	v18 =	vbroadcast v18, $0x0;
	v27 =	vor.u32 v0, v20;
	v43 =	vmul.f32 v62, v10;
	[tilespmem:v56+s23+$0x0] =	vst.idx.msk $0xffff, v45  }
.LBB2_15:
0x465: {  	p1 =	slt.u32 s4, $0x1C;
	v37 =	vmul.f32 v37, v9;
	v41 =	vmul.f32 v41, v7;
	[tilespmem:v29+s23+$0x0] =	vst.idx.msk $0xffff, v38;
	v38 =	vld.idx.msk [tilespmem:v31+s22+$0x0], $0xffff;
	s10 =	smov.u32 s4;
	s4 =	sadd.s32 $0x4, s4  }
0x466: {  	v29 =	vmul.f32 v40, v6;
	[tilespmem:v36+s23+$0x0] =	vst.idx.msk $0xffff, v43;
	v36 =	vld.idx.msk [tilespmem:v21+s22+$0x0], $0xffff;
	v43 =	vor.u32 v5, v15  }
0x467: {  	v40 =	vor.u32 v2, v13;
	v15 =	vmov v12;
	v12 =	vmov v28;
	v44 =	vld.idx.msk [tilespmem:v25+s22+$0x0], $0xffff;
	[tilespmem:v34+s23+$0x0] =	vst.idx.msk $0xffff, v41  }
0x468: {  	v28 =	vmul.f32 v42, v10;
	v41 =	vor.u32 v3, v15;
	v34 =	vld.idx.msk [tilespmem:v23+s22+$0x0], $0xffff;
	[tilespmem:v32+s23+$0x0] =	vst.idx.msk $0xffff, v29  }
0x469: {  	v45 =	vor.u32 v5, v17;
	v29 =	vor.u32 v3, v11;
	v42 =	vld.idx.msk [tilespmem:v30+s22+$0x0], $0xffff;
	[tilespmem:v26+s23+$0x0] =	vst.idx.msk $0xffff, v37  }
0x46a: {  	v46 =	vor.u32 v5, v16;
	v17 =	vmul.f32 v39, v9;
	v39 =	vor.u32 v5, v24;
	v32 =	vld.idx.msk [tilespmem:v33+s22+$0x0], $0xffff  }
0x46b: {  	v26 =	vor.u32 v2, v19;
	v48 =	vmul.f32 v38, v6;
	[tilespmem:v35+s23+$0x0] =	vst.idx.msk $0xffff, v28;
	v24 =	vld.idx.msk [tilespmem:v43+s22+$0x0], $0xffff  }
0x46c: {  	v47 =	vor.u32 v3, v14;
	v35 =	vmul.f32 v36, v6;
	v28 =	vld.idx.msk [tilespmem:v40+s22+$0x0], $0xffff;
	[tilespmem:v22+s23+$0x0] =	vst.idx.msk $0xffff, v17  }
0x46d: {  	v22 =	vor.u32 v2, v12;
	v37 =	vmul.f32 v44, v9;
	v38 =	vld.idx.msk [tilespmem:v41+s22+$0x0], $0xffff;
	[tilespmem:v31+s23+$0x0] =	vst.idx.msk $0xffff, v48  }
0x46e: {  	v16 =	vmovc v13;
	v13 =	vmovc v20;
	v17 =	vmov v11;
	v11 =	vmov v19;
	v31 =	vmul.f32 v34, v6;
	v44 =	vld.idx.msk [tilespmem:v29+s22+$0x0], $0xffff  }
0x46f: {  	v19 =	vor.u32 v4, v16;
	[tilespmem:v21+s23+$0x0] =	vst.idx.msk $0xffff, v35;
	v21 =	vor.u32 v4, v17;
	v20 =	vld.idx.msk [tilespmem:v39+s22+$0x0], $0xffff  }
0x470: {  	v36 =	vor.u32 v0, v18;
	v35 =	vmul.f32 v32, v10;
	[tilespmem:v25+s23+$0x0] =	vst.idx.msk $0xffff, v37;
	v48 =	vld.idx.msk [tilespmem:v45+s22+$0x0], $0xffff  }
0x471: {  	v34 =	vor.u32 v3, v16;
	v32 =	vor.u32 v4, v15;
	v49 =	vld.idx.msk [tilespmem:v47+s22+$0x0], $0xffff;
	[tilespmem:v23+s23+$0x0] =	vst.idx.msk $0xffff, v31  }
0x472: {  	[tilespmem:v33+s23+$0x0] =	vst.idx.msk $0xffff, v35;
	v33 =	vmul.f32 v42, v10;
	v35 =	vmul.f32 v28, v9;
	v42 =	vld.idx.msk [tilespmem:v46+s22+$0x0], $0xffff  }
0x473: {  	v25 =	vor.u32 v2, v18;
	v31 =	vor.u32 v4, v14;
	v28 =	vmul.f32 v38, v7;
	v37 =	vld.idx.msk [tilespmem:v26+s22+$0x0], $0xffff  }
0x474: {  	v50 =	vmov s10;
	s13 =	sadd.s32 $0x1, s10;
	s16 =	sadd.s32 $0x2, s10;
	s10 =	sadd.s32 $0x3, s10;
	v23 =	vmovc v19;
	v38 =	vmul.f32 v44, v7;
	v44 =	vmul.f32 v24, v8;
	[tilespmem:v40+s23+$0x0] =	vst.idx.msk $0xffff, v35  }
0x475: {  	v52 =	vmov s16;
	v19 =	vmov s13;
	v24 =	vmovc v14;
	v14 =	vmovc v18;
	v20 =	vmul.f32 v20, v8;
	v51 =	vld.idx.msk [tilespmem:v36+s22+$0x0], $0xffff;
	[tilespmem:v41+s23+$0x0] =	vst.idx.msk $0xffff, v28  }
0x476: {  	v18 =	vand.u32 $0x1D, v19;
	v28 =	vand.u32 $0x1E, v52;
	[tilespmem:v30+s23+$0x0] =	vst.idx.msk $0xffff, v33;
	v41 =	vld.idx.msk [tilespmem:v34+s22+$0x0], $0xffff;
	v30 =	vmul.f32 v48, v8  }
.Ltmp6:
0x477: {  	v19 =	vbroadcast v18, $0x0;
	v18 =	vmov s10;
	v48 =	vmul.f32 v49, v7;
	v35 =	vmovc v27;
	v40 =	vld.idx.msk [tilespmem:v32+s22+$0x0], $0xffff;
	[tilespmem:v39+s23+$0x0] =	vst.idx.msk $0xffff, v20;
	(pc) =	sbr.rel @p1 .LBB2_15-.Ltmp6, $4  }
0x478: {  	v28 =	vbroadcast v28, $0x0;
	v20 =	vand.u32 $0x1C, v50;
	v49 =	vmul.f32 v42, v8;
	[tilespmem:v43+s23+$0x0] =	vst.idx.msk $0xffff, v44  }
0x479: {  	v18 =	vand.u32 $0x1F, v18;
	v33 =	vor.u32 v0, v19;
	v20 =	vbroadcast v20, $0x0;
	v42 =	vld.idx.msk [tilespmem:v27+s22+$0x0], $0xffff;
	[tilespmem:v45+s23+$0x0] =	vst.idx.msk $0xffff, v30  }
0x47a: {  	v18 =	vbroadcast v18, $0x0;
	v30 =	vor.u32 v0, v28;
	v39 =	vld.idx.msk [tilespmem:v22+s22+$0x0], $0xffff;
	[tilespmem:v46+s23+$0x0] =	vst.idx.msk $0xffff, v49  }
0x47b: {  	v27 =	vor.u32 v0, v20;
	v43 =	vmul.f32 v51, v10;
	[tilespmem:v47+s23+$0x0] =	vst.idx.msk $0xffff, v48  }
0x47c: {  	_ =	sdelay $0x3  }
0x47d: {  	v57 =	vld.idx.msk [tilespmem:v31+s22+$0x0], $0xffff  }
0x47e: {  	v41 =	vmul.f32 v41, v7;
	[tilespmem:v29+s23+$0x0] =	vst.idx.msk $0xffff, v38;
	v38 =	vor.u32 v0, v18;
	v60 =	vld.idx.msk [tilespmem:v33+s22+$0x0], $0xffff  }
0x47f: {  	v40 =	vmul.f32 v40, v6;
	v63 =	vld.idx.msk [tilespmem:v30+s22+$0x0], $0xffff;
	[tilespmem:v36+s23+$0x0] =	vst.idx.msk $0xffff, v43  }
0x480: {  	v37 =	vmul.f32 v37, v9;
	v15 =	vor.u32 v5, v15;
	v44 =	vld.idx.msk [tilespmem:v25+s22+$0x0], $0xffff;
	[tilespmem:v34+s23+$0x0] =	vst.idx.msk $0xffff, v41  }
0x481: {  	v48 =	vld.idx.msk [tilespmem:v27+s22+$0x0], $0xffff;
	v43 =	vor.u32 v2, v13;
	v59 =	vmul.f32 v42, v10;
	[tilespmem:v32+s23+$0x0] =	vst.idx.msk $0xffff, v40  }
0x482: {  	v58 =	vld.idx.msk [tilespmem:v21+s22+$0x0], $0xffff;
	v32 =	vor.u32 v3, v12;
	[tilespmem:v26+s23+$0x0] =	vst.idx.msk $0xffff, v37;
	v61 =	vmul.f32 v39, v9  }
0x483: {  	v24 =	vor.u32 v5, v24;
	[tilespmem:v35+s23+$0x0] =	vst.idx.msk $0xffff, v59;
	v29 =	vmul.f32 v57, v6;
	v62 =	vld.idx.msk [tilespmem:v38+s22+$0x0], $0xffff  }
0x484: {  	v49 =	vor.u32 v2, v28;
	v41 =	vld.idx.msk [tilespmem:v23+s22+$0x0], $0xffff;
	[tilespmem:v22+s23+$0x0] =	vst.idx.msk $0xffff, v61;
	v26 =	vmul.f32 v60, v10  }
0x485: {  	v17 =	vor.u32 v5, v17;
	v53 =	vld.idx.msk [tilespmem:v15+s22+$0x0], $0xffff;
	v45 =	vmul.f32 v44, v9;
	[tilespmem:v31+s23+$0x0] =	vst.idx.msk $0xffff, v29  }
0x486: {  	v47 =	vor.u32 v2, v18;
	v54 =	vmul.f32 v63, v10;
	v42 =	vld.idx.msk [tilespmem:v43+s22+$0x0], $0xffff;
	[tilespmem:v33+s23+$0x0] =	vst.idx.msk $0xffff, v26  }
0x487: {  	v40 =	vmul.f32 v58, v6;
	v50 =	vld.idx.msk [tilespmem:v32+s22+$0x0], $0xffff;
	[tilespmem:v25+s23+$0x0] =	vst.idx.msk $0xffff, v45;
	v25 =	vor.u32 v2, v19  }
0x488: {  	v55 =	vor.u32 v2, v20;
	[tilespmem:v30+s23+$0x0] =	vst.idx.msk $0xffff, v54;
	v51 =	vld.idx.msk [tilespmem:v24+s22+$0x0], $0xffff;
	v52 =	vmul.f32 v62, v10  }
0x489: {  	v56 =	vor.u32 v3, v14;
	v46 =	vmul.f32 v41, v6;
	[tilespmem:v21+s23+$0x0] =	vst.idx.msk $0xffff, v40;
	v30 =	vld.idx.msk [tilespmem:v49+s22+$0x0], $0xffff  }
0x48a: {  	v22 =	vor.u32 v3, v11;
	v58 =	vmul.f32 v48, v10;
	v57 =	vld.idx.msk [tilespmem:v17+s22+$0x0], $0xffff;
	[tilespmem:v38+s23+$0x0] =	vst.idx.msk $0xffff, v52  }
0x48b: {  	v16 =	vor.u32 v5, v16;
	[tilespmem:v23+s23+$0x0] =	vst.idx.msk $0xffff, v46;
	v36 =	vmul.f32 v42, v9;
	v23 =	vld.idx.msk [tilespmem:v47+s22+$0x0], $0xffff  }
0x48c: {  	[tilespmem:v27+s23+$0x0] =	vst.idx.msk $0xffff, v58;
	v40 =	vor.u32 v3, v28;
	v61 =	vmul.f32 v53, v8;
	v60 =	vld.idx.msk [tilespmem:v25+s22+$0x0], $0xffff  }
0x48d: {  	v62 =	vld.idx.msk [tilespmem:v55+s22+$0x0], $0xffff;
	v59 =	vmul.f32 v50, v7;
	[tilespmem:v43+s23+$0x0] =	vst.idx.msk $0xffff, v36;
	v36 =	vor.u32 v3, v13  }
0x48e: {  	v27 =	vor.u32 v3, v18;
	v63 =	vld.idx.msk [tilespmem:v56+s22+$0x0], $0xffff;
	[tilespmem:v15+s23+$0x0] =	vst.idx.msk $0xffff, v61;
	v44 =	vmul.f32 v30, v9  }
0x48f: {  	v10 =	vor.u32 v3, v19;
	v37 =	vmul.f32 v51, v8;
	v43 =	vld.idx.msk [tilespmem:v22+s22+$0x0], $0xffff;
	[tilespmem:v32+s23+$0x0] =	vst.idx.msk $0xffff, v59  }
0x490: {  	v41 =	vld.idx.msk [tilespmem:v16+s22+$0x0], $0xffff;
	v30 =	vor.u32 v3, v20;
	[tilespmem:v49+s23+$0x0] =	vst.idx.msk $0xffff, v44;
	v42 =	vmul.f32 v23, v9  }
0x491: {  	v45 =	vor.u32 v4, v14;
	[tilespmem:v24+s23+$0x0] =	vst.idx.msk $0xffff, v37;
	v51 =	vld.idx.msk [tilespmem:v40+s22+$0x0], $0xffff;
	v38 =	vmul.f32 v60, v9  }
0x492: {  	v21 =	vor.u32 v4, v11;
	v49 =	vmul.f32 v62, v9;
	v46 =	vld.idx.msk [tilespmem:v36+s22+$0x0], $0xffff;
	[tilespmem:v47+s23+$0x0] =	vst.idx.msk $0xffff, v42  }
0x493: {  	v50 =	vmul.f32 v63, v7;
	v47 =	vor.u32 v4, v12;
	v48 =	vld.idx.msk [tilespmem:v27+s22+$0x0], $0xffff;
	[tilespmem:v25+s23+$0x0] =	vst.idx.msk $0xffff, v38  }
0x494: {  	v52 =	vor.u32 v4, v13;
	[tilespmem:v55+s23+$0x0] =	vst.idx.msk $0xffff, v49;
	v55 =	vmul.f32 v43, v7;
	v54 =	vld.idx.msk [tilespmem:v10+s22+$0x0], $0xffff  }
0x495: {  	v39 =	vmul.f32 v57, v8;
	v62 =	vor.u32 v4, v19;
	[tilespmem:v56+s23+$0x0] =	vst.idx.msk $0xffff, v50;
	v57 =	vld.idx.msk [tilespmem:v30+s22+$0x0], $0xffff  }
0x496: {  	v56 =	vor.u32 v4, v18;
	v59 =	vld.idx.msk [tilespmem:v45+s22+$0x0], $0xffff;
	[tilespmem:v22+s23+$0x0] =	vst.idx.msk $0xffff, v55;
	v25 =	vmul.f32 v51, v7  }
0x497: {  	[tilespmem:v17+s23+$0x0] =	vst.idx.msk $0xffff, v39;
	v60 =	vor.u32 v4, v28;
	v22 =	vld.idx.msk [tilespmem:v21+s22+$0x0], $0xffff;
	v58 =	vmul.f32 v46, v7  }
0x498: {  	v63 =	vor.u32 v4, v20;
	[tilespmem:v40+s23+$0x0] =	vst.idx.msk $0xffff, v25;
	v61 =	vld.idx.msk [tilespmem:v47+s22+$0x0], $0xffff;
	v17 =	vmul.f32 v48, v7  }
0x499: {  	v53 =	vmul.f32 v41, v8;
	[tilespmem:v36+s23+$0x0] =	vst.idx.msk $0xffff, v58;
	v35 =	vmul.f32 v54, v7  }
0x49a: {  	v38 =	vor.u32 v5, v14;
	v36 =	vld.idx.msk [tilespmem:v52+s22+$0x0], $0xffff;
	v7 =	vmul.f32 v57, v7;
	[tilespmem:v27+s23+$0x0] =	vst.idx.msk $0xffff, v17  }
0x49b: {  	v40 =	vor.u32 v5, v11;
	v41 =	vmul.f32 v59, v6;
	v17 =	vld.idx.msk [tilespmem:v56+s22+$0x0], $0xffff;
	[tilespmem:v10+s23+$0x0] =	vst.idx.msk $0xffff, v35  }
0x49c: {  	v39 =	vor.u32 v5, v12;
	v25 =	vld.idx.msk [tilespmem:v60+s22+$0x0], $0xffff;
	[tilespmem:v30+s23+$0x0] =	vst.idx.msk $0xffff, v7;
	v7 =	vmul.f32 v22, v6  }
0x49d: {  	v43 =	vor.u32 v5, v13;
	[tilespmem:v45+s23+$0x0] =	vst.idx.msk $0xffff, v41;
	v42 =	vmul.f32 v61, v6;
	v44 =	vld.idx.msk [tilespmem:v62+s22+$0x0], $0xffff  }
0x49e: {  	v46 =	vor.u32 v5, v18;
	v45 =	vld.idx.msk [tilespmem:v63+s22+$0x0], $0xffff;
	[tilespmem:v21+s23+$0x0] =	vst.idx.msk $0xffff, v7  }
0x49f: {  	v49 =	vor.u32 v5, v28;
	v48 =	vld.idx.msk [tilespmem:v38+s22+$0x0], $0xffff;
	[tilespmem:v47+s23+$0x0] =	vst.idx.msk $0xffff, v42;
	v47 =	vmul.f32 v36, v6  }
0x4a0: {  	[tilespmem:v16+s23+$0x0] =	vst.idx.msk $0xffff, v53;
	v7 =	vor.u32 v5, v19;
	v51 =	vld.idx.msk [tilespmem:v40+s22+$0x0], $0xffff;
	v17 =	vmul.f32 v17, v6  }
0x4a1: {  	v53 =	vor.u32 v5, v20;
	v50 =	vld.idx.msk [tilespmem:v39+s22+$0x0], $0xffff;
	[tilespmem:v52+s23+$0x0] =	vst.idx.msk $0xffff, v47;
	v52 =	vmul.f32 v25, v6  }
0x4a2: {  	v54 =	vld.idx.msk [tilespmem:v43+s22+$0x0], $0xffff;
	v55 =	vmul.f32 v44, v6;
	[tilespmem:v56+s23+$0x0] =	vst.idx.msk $0xffff, v17  }
0x4a3: {  	v6 =	vmul.f32 v45, v6;
	[tilespmem:v60+s23+$0x0] =	vst.idx.msk $0xffff, v52;
	v56 =	vld.idx.msk [tilespmem:v46+s22+$0x0], $0xffff  }
0x4a4: {  	v15 =	vmul.f32 v48, v8;
	v57 =	vld.idx.msk [tilespmem:v49+s22+$0x0], $0xffff;
	[tilespmem:v62+s23+$0x0] =	vst.idx.msk $0xffff, v55  }
0x4a5: {  	[tilespmem:v63+s23+$0x0] =	vst.idx.msk $0xffff, v6;
	v6 =	vmul.f32 v51, v8;
	v59 =	vld.idx.msk [tilespmem:v7+s22+$0x0], $0xffff  }
0x4a6: {  	[tilespmem:v38+s23+$0x0] =	vst.idx.msk $0xffff, v15;
	v58 =	vmul.f32 v50, v8;
	v60 =	vld.idx.msk [tilespmem:v53+s22+$0x0], $0xffff  }
0x4a7: {  	[tilespmem:v40+s23+$0x0] =	vst.idx.msk $0xffff, v6;
	v61 =	vmul.f32 v54, v8  }
0x4a8: {  	s29 =	sadd.s32 $0x1, s29;
	[tilespmem:v39+s23+$0x0] =	vst.idx.msk $0xffff, v58;
	v6 =	vmul.f32 v56, v8  }
0x4a9: {  	p1 =	sne.s32 s29, $0x19;
	[tilespmem:v43+s23+$0x0] =	vst.idx.msk $0xffff, v61;
	v62 =	vmul.f32 v57, v8  }
.Ltmp7:
0x4aa: {  	v63 =	vmul.f32 v59, v8;
	[tilespmem:v46+s23+$0x0] =	vst.idx.msk $0xffff, v6;
	(pc) =	sbr.rel @p1 .LBB2_6-.Ltmp7, $4  }
0x4ab: {  	v6 =	vmul.f32 v60, v8;
	[tilespmem:v49+s23+$0x0] =	vst.idx.msk $0xffff, v62  }
0x4ac: {  	[tilespmem:v7+s23+$0x0] =	vst.idx.msk $0xffff, v63  }
0x4ad: {  	[tilespmem:v53+s23+$0x0] =	vst.idx.msk $0xffff, v6  }
0x4ae: {  	[spmem:s3] =	stream.indirect.scatter.add.f32 [tilespmem:s23], [sflag:$0xA], $0x20, s24, s2, $0xb8;
	[tilespmem:$0x17700] =	vst v63  }
0x4af: {  	s4 =	simm.s32 $0x6  }
0x4b0: {  	_ =	swait.ge [sflag:s4], $0xA00  }
0x4b1: {  	[sflag:s4] =	ssyncset.done $0x0  }
0x4b2: {  	s13 =	simm.s32 $0x7;
	[sflag:s4] =	ssyncadd.s32 $0xFFFFF600  }
0x4b3: {  	_ =	swait.ge [sflag:s13], $0xA00  }
0x4b4: {  	[sflag:s13] =	ssyncset.done $0x0  }
0x4b5: {  	s16 =	simm.s32 $0x8;
	[sflag:s13] =	ssyncadd.s32 $0xFFFFF600  }
0x4b6: {  	_ =	swait.ge [sflag:s16], $0xA00  }
0x4b7: {  	[sflag:s16] =	ssyncset.done $0x0  }
0x4b8: {  	s25 =	simm.s32 $0x9;
	[sflag:s16] =	ssyncadd.s32 $0xFFFFF600  }
0x4b9: {  	_ =	swait.ge [sflag:s25], $0xA00  }
0x4ba: {  	[sflag:s25] =	ssyncset.done $0x0  }
0x4bb: {  	s26 =	simm.s32 $0xA;
	[sflag:s25] =	ssyncadd.s32 $0xFFFFF600  }
0x4bc: {  	_ =	swait.ge [sflag:s26], $0xA00  }
0x4bd: {  	[sflag:s26] =	ssyncset.done $0x0  }
0x4be: {  	[sflag:s26] =	ssyncadd.s32 $0xFFFFF600  }
0x4bf: {  	[bflag:$0x0] =	sbarrier.arrive $0xFFFF  }
0x4c0: {  	s13 =	simm.s32 $0x0;
	s25 =	simm.s32 $0xB;
	s29 =	rddreg [dreg:$0x16]  }
0x4c1: {  	[hbm4b:s29+s13] =	stream.linear.scatter [tilespmem:s8], [sflag:$0xB], $0x2710, $0x38;
	[tilespmem:$0x17700] =	vst v63  }
0x4c2: {  	s4 =	stileid.u32;
	_ =	swait.ge [sflag:s25], $0x2710  }
0x4c3: {  	s4 =	sshll.u32 @p0 s4, $0x6;
	[sflag:s25] =	ssyncset.done $0x0;
	s10 =	rddreg [dreg:$0x13]  }
0x4c4: {  	s4 =	sor.u32 @p0 $0x1C0B, s4;
	s16 =	rddreg [dreg:$0x18];
	[sflag:s25] =	ssyncadd.s32 $0xFFFFD8F0  }
0x4c5: {  	[hbm:s10], [sflag:s4] =	dma.local @p0 [spmem:s16], $0x9C0  }
0x4c6: {  	s4 =	simm.s32 @p0 $0xB  }
0x4c7: {  	_ =	swait.ge @p0 [sflag:s4], $0x9C0  }
0x4c8: {  	s10 =	simm.s32 @!p0 $0x1C0B;
	[sflag:s4] =	ssyncset.done @p0 $0x0  }
0x4c9: {  	s16 =	rddreg [dreg:$0x14];
	[sflag:s4] =	ssyncadd.s32 @p0 $0xFFFFF640;
	s4 =	sshrl.u32 @!p0 s3, $0x3  }
0x4ca: {  	[hbm:s16], [sflag:s10] =	dma.local @!p0 [spmem:s4], $0xA00  }
0x4cb: {  	s4 =	simm.s32 @!p0 $0xB  }
0x4cc: {  	_ =	swait.ge @!p0 [sflag:s4], $0xA00  }
0x4cd: {  	s26 =	rddreg [dreg:$0x1c]  }
0x4ce: {  	s30 =	rddreg [dreg:$0x17];
	s26 =	sadd.s32 $0x1, s26  }
0x4cf: {  	p1 =	sne.s32 s26, s30  }
.Ltmp8:
0x4d0: {  	_ = 	snop;
	(pc) =	sbr.rel @p1 .LBB2_1-.Ltmp8, $3  }
0x4d1: {  	_ =	sdelay $0x1  }
0x4d2: {  	[sflag:s4] =	ssyncset.done @!p0 $0x0  }
0x4d3: {  	s16 =	simm.s32 $0x7530;
	[sflag:s4] =	ssyncadd.s32 @!p0 $0xFFFFF600  }
0x4d4: {  	_ =	sfence.sel $0x180000  }
0x4d5: {  	[bflag:$0x0] =	sbarrier.arrive $0xFFFF  }
0x4d6: {  	_ =	strace $0x90000047  }
0x4d7: {  	[bflag:$0x2] =	sbarrier.arrive $0xFFFF  }
0x4d8: {  	s0 =	rddreg [dreg:$0x3]  }
0x4d9: {  	s0 =	sadd.s32 @!p0 $0x100000, s0  }
0x4da: {  	[sflag:s0] =	ssyncadd.tile.s32 @!p0 $0x1;
	_ =	shalt  }
.Lfunc_end2:
_tile_overlayer_lowered:
.L_overlay_start_2:
0x4db: {  	(tag) =	ssettag $0x2  }
0x4dc: {  	s0 =	rddreg [dreg:$0x0];
	s2 =	stileid.u32  }
0x4dd: {  	s1 =	rddreg [dreg:$0x1];
	p0 =	sne.s32 s2, $0x0  }
0x4de: {  	s3 =	rddreg [dreg:$0x2];
	[bflag:$0x3] =	sbarrier.arrive $0xFFFF;
	s2 =	simm.s32 @!p0 $0x1C0B  }
0x4df: {  	[timem:s3], [sflag:s2] =	dma.local @!p0 [hbm:s0], s1  }
0x4e0: {  	s0 =	simm.s32 @!p0 $0xB  }
0x4e1: {  	_ =	swait.ge @!p0 [sflag:s0], s1  }
0x4e2: {  	s1 =	ssub.s32 @!p0 $0x0, s1;
	[sflag:s0] =	ssyncset.done @!p0 $0x0  }
0x4e3: {  	[sflag:s0] =	ssyncadd.s32 @!p0 s1  }
0x4e4: {  	[bflag:$0x3] =	sbarrier.arrive $0xFFFF  }
0x4e5: {  	_ =	shalt  }

</sc_bundles>
